<compile_context>
chip_gen: v7x
topology: tpu7x:2x2x1
jax: 0.10.2.dev20260603
libtpu: 0.0.44.dev20260713+nightly
codegen_flags: <defaults>
</compile_context>

<pallas_src>
import functools

import jax
import jax.numpy as jnp
from jax import lax
from jax.experimental import pallas as pl
from jax.experimental.pallas import tpu as pltpu
from jax.experimental.pallas import tpu_sc as plsc

ROW_W = 144
LOG_W = 16
NC = 2
NS = 16
CH = 80
BN = 400


def _tc1_body(h_ref, w_ref, al_ref, ar_ref, feat_ref, el_ref, er_ref):
    f = jnp.dot(h_ref[...], w_ref[...], precision=lax.Precision.HIGHEST,
                preferred_element_type=jnp.float32)
    feat_ref[...] = f
    el_ref[...] = jnp.dot(f, al_ref[...], precision=lax.Precision.HIGHEST,
                          preferred_element_type=jnp.float32)
    er_ref[...] = jnp.dot(f, ar_ref[...], precision=lax.Precision.HIGHEST,
                          preferred_element_type=jnp.float32)


def _tc1(h, W, AL, AR):
    n, k = h.shape
    m = W.shape[1]
    return pl.pallas_call(
        _tc1_body,
        grid=(n // BN,),
        in_specs=[
            pl.BlockSpec((BN, k), lambda i: (i, 0)),
            pl.BlockSpec((k, m), lambda i: (0, 0)),
            pl.BlockSpec((m, LOG_W), lambda i: (0, 0)),
            pl.BlockSpec((m, LOG_W), lambda i: (0, 0)),
        ],
        out_specs=[
            pl.BlockSpec((BN, m), lambda i: (i, 0)),
            pl.BlockSpec((BN, LOG_W), lambda i: (i, 0)),
            pl.BlockSpec((BN, LOG_W), lambda i: (i, 0)),
        ],
        out_shape=[
            jax.ShapeDtypeStruct((n, m), jnp.float32),
            jax.ShapeDtypeStruct((n, LOG_W), jnp.float32),
            jax.ShapeDtypeStruct((n, LOG_W), jnp.float32),
        ],
    )(h, W, AL, AR)


def _sc_edge(feat, el, er, ei_flat, zeros_acc, nheads, e_total):
    n = feat.shape[0]
    npad = zeros_acc.shape[0]
    nw = NC * NS
    assert e_total % (nw * CH) == 0
    epw = e_total // nw
    nchunk = epw // CH
    npc = npad // NS
    grp = CH // 16

    mesh = plsc.VectorSubcoreMesh(core_axis_name="c", subcore_axis_name="s")

    @functools.partial(
        pl.kernel,
        out_type=jax.ShapeDtypeStruct((NC, npad, ROW_W), jnp.float32),
        mesh=mesh,
        compiler_params=pltpu.CompilerParams(use_tc_tiling_on_sc=False,
                                             needs_layout_passes=False),
        scratch_types=[
            pltpu.VMEM_SHARED((npad, ROW_W), jnp.float32),
            [pltpu.VMEM((CH,), jnp.int32)] * 2,
            [pltpu.VMEM((CH,), jnp.int32)] * 2,
            [pltpu.VMEM((CH, 128), jnp.float32)] * 2,
            [pltpu.VMEM((CH, LOG_W), jnp.float32)] * 2,
            [pltpu.VMEM((CH, LOG_W), jnp.float32)] * 2,
            pltpu.VMEM((CH, 16), jnp.float32),
            pltpu.VMEM((CH, ROW_W), jnp.float32),
            [pltpu.SemaphoreType.DMA] * 3,
            [pltpu.SemaphoreType.DMA] * 3,
        ],
    )
    def sc_kernel(feat_hbm, el_hbm, er_hbm, ei_hbm, zeros_hbm, out_hbm,
                  acc_sh, src_idx, dst_idx, feat_rows, el_rows, er_rows,
                  ex_buf, msg, semsa, semsb):
        cid = lax.axis_index("c")
        sid = lax.axis_index("s")
        wid = sid * NC + cid

        pltpu.sync_copy(zeros_hbm.at[pl.ds(sid * npc, npc)],
                        acc_sh.at[pl.ds(sid * npc, npc)])
        zv = jnp.zeros((16,), jnp.float32)
        for c in range(CH):
            ex_buf[c, :] = zv
        plsc.subcore_barrier()

        lanes = lax.iota(jnp.int32, 16)
        sems = (semsa, semsb)

        def prefetch(i, b):
            base = wid * epw + i * CH
            pltpu.sync_copy(ei_hbm.at[pl.ds(base, CH)], src_idx[b])
            pltpu.sync_copy(ei_hbm.at[pl.ds(e_total + base, CH)], dst_idx[b])
            pltpu.async_copy(feat_hbm.at[src_idx[b]], feat_rows[b],
                             sems[b][0])
            pltpu.async_copy(el_hbm.at[src_idx[b]], el_rows[b], sems[b][1])
            pltpu.async_copy(er_hbm.at[dst_idx[b]], er_rows[b], sems[b][2])

        def wait_bufs(b):
            pltpu.make_async_copy(feat_hbm.at[src_idx[b]], feat_rows[b],
                                  sems[b][0]).wait()
            pltpu.make_async_copy(el_hbm.at[src_idx[b]], el_rows[b],
                                  sems[b][1]).wait()
            pltpu.make_async_copy(er_hbm.at[dst_idx[b]], er_rows[b],
                                  sems[b][2]).wait()

        def compute_scatter(b):
            for g in range(grp):
                rows_g = g * 16 + lanes
                for hh in range(nheads):
                    h_splat = jnp.full((16,), hh, jnp.int32)
                    lv = plsc.load_gather(el_rows[b], [rows_g, h_splat])
                    rv = plsc.load_gather(er_rows[b], [rows_g, h_splat])
                    ev = lv + rv
                    ev = jnp.where(ev >= 0.0, ev, 0.2 * ev)
                    plsc.store_scatter(ex_buf, [rows_g, h_splat],
                                       jnp.exp(ev))

            @plsc.parallel_loop(0, CH, unroll=8)
            def edge_body(c):
                c_splat = jnp.full((16,), c, jnp.int32)
                msg[c, pl.ds(128, 16)] = ex_buf[c, :]
                for hh in range(nheads):
                    h_splat = jnp.full((16,), hh, jnp.int32)
                    a = plsc.load_gather(ex_buf, [c_splat, h_splat])
                    for q in range(2):
                        col = hh * 32 + q * 16
                        msg[c, pl.ds(col, 16)] = (
                            feat_rows[b][c, pl.ds(col, 16)] * a)

            pltpu.sync_copy(msg, acc_sh.at[dst_idx[b]], add=True)

        prefetch(0, 0)

        def pair_body(k, carry):
            wait_bufs(0)
            prefetch(2 * k + 1, 1)
            compute_scatter(0)
            wait_bufs(1)
            prefetch(2 * k + 2, 0)
            compute_scatter(1)
            return carry

        lax.fori_loop(0, (nchunk - 1) // 2, pair_body, 0)
        wait_bufs(0)
        compute_scatter(0)
        plsc.subcore_barrier()

        pltpu.sync_copy(acc_sh.at[pl.ds(sid * npc, npc)],
                        out_hbm.at[cid, pl.ds(sid * npc, npc)])

    return sc_kernel(feat, el, er, ei_flat, zeros_acc)


def _tc2_body(p_ref, sel_ref, bias_ref, out_ref):
    s = p_ref[0] + p_ref[1]
    num = s[:, :128]
    den = jnp.dot(s[:, 128:144], sel_ref[...],
                  precision=lax.Precision.HIGHEST,
                  preferred_element_type=jnp.float32)
    den = jnp.where(den == 0.0, 1.0, den)
    o = num / den + bias_ref[...]
    out_ref[...] = jnp.where(o >= 0.0, o, 0.01 * o)


def _tc2(part, SEL, bias2d, n):
    m = 128
    return pl.pallas_call(
        _tc2_body,
        grid=(n // BN,),
        in_specs=[
            pl.BlockSpec((NC, BN, ROW_W), lambda i: (0, i, 0)),
            pl.BlockSpec((LOG_W, m), lambda i: (0, 0)),
            pl.BlockSpec((1, m), lambda i: (0, 0)),
        ],
        out_specs=pl.BlockSpec((BN, m), lambda i: (i, 0)),
        out_shape=jax.ShapeDtypeStruct((n, m), jnp.float32),
    )(part, SEL, bias2d)


def kernel(h, W, attn_l, attn_r, bias, edge_index):
    n = h.shape[0]
    hd = W.shape[1]
    nheads, d = attn_l.shape

    rows = (jnp.arange(nheads)[:, None] * d + jnp.arange(d)[None, :]).reshape(-1)
    cols = jnp.repeat(jnp.arange(nheads), d)
    AL = jnp.zeros((hd, LOG_W), jnp.float32).at[rows, cols].set(attn_l.reshape(-1))
    AR = jnp.zeros((hd, LOG_W), jnp.float32).at[rows, cols].set(attn_r.reshape(-1))
    SEL = jnp.zeros((LOG_W, hd), jnp.float32).at[cols, rows].set(1.0)
    npad = 8 * NS * ((n + 8 * NS - 1) // (8 * NS))
    zeros_acc = jnp.zeros((npad, ROW_W), jnp.float32)
    e_total = edge_index.shape[1]

    feat, el, er = _tc1(h, W, AL, AR)
    part = _sc_edge(feat, el, er, edge_index.reshape(-1), zeros_acc,
                    nheads, e_total)
    out = _tc2(part, SEL, bias.reshape(1, hd), n)
    return out.reshape(n, nheads, d)

# --- scband reference (transcript-rebuilt; emitter-appended) ---
"""Pipeline reference for scband-gatlayer-37469294691136 (READ-ONLY COPY).

The authoritative reference and input builder live on the scoring server;
editing this copy changes nothing except your own understanding.
"""

import jax, jax.numpy as jnp
import numpy as np

N = 10000
E = 320000
IN_DIM = 128
NHEAD = 4
OUT_DIM = 32


def setup_inputs(seed: int = 0) -> dict:
    key = jax.random.key(seed)
    k1, k2, k3, k4, k5 = jax.random.split(key, 5)
    h = jax.random.normal(k1, (N, IN_DIM), dtype=jnp.float32)
    edge_index = jax.random.randint(k2, (2, E), 0, N, dtype=jnp.int32)
    # GATConv learned parameters (DGL): fc weight, attn_l, attn_r, bias
    W = jax.random.normal(k3, (IN_DIM, NHEAD * OUT_DIM), dtype=jnp.float32) * (1.0 / np.sqrt(IN_DIM))
    attn_l = jax.random.normal(k4, (NHEAD, OUT_DIM), dtype=jnp.float32) * 0.1
    attn_r = jax.random.normal(k5, (NHEAD, OUT_DIM), dtype=jnp.float32) * 0.1
    bias = jnp.zeros((NHEAD * OUT_DIM,), dtype=jnp.float32)
    return {"h": h, "W": W, "attn_l": attn_l, "attn_r": attn_r, "bias": bias, "edge_index": edge_index}


def reference(h, W, attn_l, attn_r, bias, edge_index):
    # Faithful translation of GATLayer.forward: DGL GATConv -> LeakyReLU -> Dropout(eval)
    src = edge_index[0]
    dst = edge_index[1]
    n = h.shape[0]
    feat = (h @ W).reshape(n, NHEAD, OUT_DIM)  # [N, H, D]
    el = jnp.sum(feat * attn_l[None, :, :], axis=-1)  # [N, H]
    er = jnp.sum(feat * attn_r[None, :, :], axis=-1)  # [N, H]
    # edge attention logits e_uv = LeakyReLU(el[u] + er[v]), slope 0.2 (DGL default)
    e = jnp.take(el, src, axis=0) + jnp.take(er, dst, axis=0)  # [E, H]
    e = jax.nn.leaky_relu(e, negative_slope=0.2)
    # edge softmax over incoming edges of each dst node (numerically stable)
    m = jax.ops.segment_max(e, dst, num_segments=n)  # [N, H]
    m = jnp.where(jnp.isfinite(m), m, 0.0)
    m = jax.lax.stop_gradient(m)
    ex = jnp.exp(e - jnp.take(m, dst, axis=0))  # [E, H]
    denom = jax.ops.segment_sum(ex, dst, num_segments=n)  # [N, H]
    denom = jnp.where(denom == 0.0, 1.0, denom)  # allow_zero_in_degree -> zeros out
    alpha = ex / jnp.take(denom, dst, axis=0)  # [E, H]
    # attn dropout skipped (eval mode / deterministic reference)
    msg = jnp.take(feat, src, axis=0) * alpha[:, :, None]  # [E, H, D]
    out = jax.ops.segment_sum(msg, dst, num_segments=n)  # [N, H, D]
    out = out + bias.reshape(1, NHEAD, OUT_DIM)
    # wrapper activation: nn.LeakyReLU default slope 0.01
    out = jax.nn.leaky_relu(out, negative_slope=0.01)
    # wrapper dropout skipped in eval mode
    return out

if __name__ == "__main__":
    import jax
    _d = setup_inputs()
    print(jax.jit(kernel)(*tuple(_d.values())))

</pallas_src>

<mosaic_0001>
#map = affine_map<(d0, d1) -> (0, 0)>
#map1 = affine_map<(d0, d1) -> (0)>
#map2 = affine_map<(d0, d1) -> (0, 0, 0)>
module attributes {stable_mosaic.version = 14 : i64} {
  func.func @sc_kernel(%arg0: i32, %arg1: i32, %arg2: memref<10000x128xf32, #tpu.memory_space<hbm>>, %arg3: memref<10000x16xf32, #tpu.memory_space<hbm>>, %arg4: memref<10000x16xf32, #tpu.memory_space<hbm>>, %arg5: memref<640000xi32, #tpu.memory_space<hbm>>, %arg6: memref<10112x144xf32, #tpu.memory_space<hbm>>, %arg7: memref<2x10112x144xf32, #tpu.memory_space<hbm>>, %arg8: memref<10112x144xf32, #tpu.memory_space<vmem_shared>>, %arg9: memref<80xi32, #tpu.memory_space<vmem>>, %arg10: memref<80xi32, #tpu.memory_space<vmem>>, %arg11: memref<80xi32, #tpu.memory_space<vmem>>, %arg12: memref<80xi32, #tpu.memory_space<vmem>>, %arg13: memref<80x128xf32, #tpu.memory_space<vmem>>, %arg14: memref<80x128xf32, #tpu.memory_space<vmem>>, %arg15: memref<80x16xf32, #tpu.memory_space<vmem>>, %arg16: memref<80x16xf32, #tpu.memory_space<vmem>>, %arg17: memref<80x16xf32, #tpu.memory_space<vmem>>, %arg18: memref<80x16xf32, #tpu.memory_space<vmem>>, %arg19: memref<80x16xf32, #tpu.memory_space<vmem>>, %arg20: memref<80x144xf32, #tpu.memory_space<vmem>>, %arg21: memref<!tpu.dma_semaphore, #tpu.memory_space<semaphore_mem>>, %arg22: memref<!tpu.dma_semaphore, #tpu.memory_space<semaphore_mem>>, %arg23: memref<!tpu.dma_semaphore, #tpu.memory_space<semaphore_mem>>, %arg24: memref<!tpu.dma_semaphore, #tpu.memory_space<semaphore_mem>>, %arg25: memref<!tpu.dma_semaphore, #tpu.memory_space<semaphore_mem>>, %arg26: memref<!tpu.dma_semaphore, #tpu.memory_space<semaphore_mem>>) attributes {dimension_semantics = [#tpu.dimension_semantics<core_parallel>, #tpu.dimension_semantics<subcore_parallel>], iteration_bounds = array<i64: 2, 16>, scalar_prefetch = 0 : i64, scratch_operands = 19 : i64, tpu.core_type = #tpu.core_type<sc_vector_subcore>, window_params = [{transform_indices = #map}, {transform_indices = #map}, {transform_indices = #map}, {transform_indices = #map1}, {transform_indices = #map}, {transform_indices = #map2}]} {
    %mul3A = arith.constant 2 : i32
    %mul3A_0 = arith.muli %arg1, %mul3A : i32
    %add3A = arith.addi %mul3A_0, %arg0 : i32
    %mul3A_1 = arith.constant 632 : i32
    %mul3A_2 = arith.muli %arg1, %mul3A_1 : i32
    %mul3A_3 = arith.constant 632 : i32
    %mul3A_4 = arith.muli %arg1, %mul3A_3 : i32
    "tpu.region"() ({
      %run_scoped3A = tpu.sem_alloc : memref<!tpu.dma_semaphore, #tpu.memory_space<semaphore_mem>>
      %dma_start3A_630 = arith.constant 0 : i32
      %dma_start3A_631 = tpu.memref_slice %arg8[%mul3A_4, %dma_start3A_630] : memref<10112x144xf32, #tpu.memory_space<vmem_shared>> -> memref<632x144xf32, #tpu.memory_space<vmem_shared>>
      %dma_start3A_632 = arith.constant 0 : i32
      %dma_start3A_633 = tpu.memref_slice %arg6[%mul3A_2, %dma_start3A_632] : memref<10112x144xf32, #tpu.memory_space<hbm>> -> memref<632x144xf32, #tpu.memory_space<hbm>>
      tpu.enqueue_dma source(%dma_start3A_633 : memref<632x144xf32, #tpu.memory_space<hbm>>) target(%dma_start3A_631 : memref<632x144xf32, #tpu.memory_space<vmem_shared>>) target_semaphore(%run_scoped3A : memref<!tpu.dma_semaphore, #tpu.memory_space<semaphore_mem>>)
      %dma_wait3A_634 = arith.constant 0 : i32
      %dma_wait3A_635 = tpu.memref_slice %arg8[%mul3A_4, %dma_wait3A_634] : memref<10112x144xf32, #tpu.memory_space<vmem_shared>> -> memref<632x144xf32, #tpu.memory_space<vmem_shared>>
      %dma_wait3A_636 = arith.constant 0 : i32
      %dma_wait3A_637 = tpu.memref_slice %arg6[%mul3A_2, %dma_wait3A_636] : memref<10112x144xf32, #tpu.memory_space<hbm>> -> memref<632x144xf32, #tpu.memory_space<hbm>>
      tpu.wait_dma2 semaphore(%run_scoped3A : memref<!tpu.dma_semaphore, #tpu.memory_space<semaphore_mem>>) src(%dma_wait3A_637 : memref<632x144xf32, #tpu.memory_space<hbm>>) dst(%dma_wait3A_635 : memref<632x144xf32, #tpu.memory_space<vmem_shared>>)
      tpu.yield
    }) : () -> ()
    %broadcast_in_dim3A = arith.constant 0.000000e+00 : f32
    %broadcast_in_dim3A_5 = vector.broadcast %broadcast_in_dim3A : f32 to vector<16xf32>
    %swap3A = arith.constant 0 : i32
    %swap3A_6 = arith.index_cast %swap3A : i32 to index
    %swap3A_7 = arith.constant 0 : index
    %swap3A_8 = tpu.vector_load %arg19[%swap3A_6, %swap3A_7] {strides = array<i32>} : memref<80x16xf32, #tpu.memory_space<vmem>>, vector<16xf32>,
    tpu.vector_store %arg19[%swap3A_6, %swap3A_7], %broadcast_in_dim3A_5 {strides = array<i32>} : memref<80x16xf32, #tpu.memory_space<vmem>>, vector<16xf32>,
    %swap3A_9 = arith.constant 1 : i32
    %swap3A_10 = arith.index_cast %swap3A_9 : i32 to index
    %swap3A_11 = arith.constant 0 : index
    %swap3A_12 = tpu.vector_load %arg19[%swap3A_10, %swap3A_11] {strides = array<i32>} : memref<80x16xf32, #tpu.memory_space<vmem>>, vector<16xf32>,
    tpu.vector_store %arg19[%swap3A_10, %swap3A_11], %broadcast_in_dim3A_5 {strides = array<i32>} : memref<80x16xf32, #tpu.memory_space<vmem>>, vector<16xf32>,
    %swap3A_13 = arith.constant 2 : i32
    %swap3A_14 = arith.index_cast %swap3A_13 : i32 to index
    %swap3A_15 = arith.constant 0 : index
    %swap3A_16 = tpu.vector_load %arg19[%swap3A_14, %swap3A_15] {strides = array<i32>} : memref<80x16xf32, #tpu.memory_space<vmem>>, vector<16xf32>,
    tpu.vector_store %arg19[%swap3A_14, %swap3A_15], %broadcast_in_dim3A_5 {strides = array<i32>} : memref<80x16xf32, #tpu.memory_space<vmem>>, vector<16xf32>,
    %swap3A_17 = arith.constant 3 : i32
    %swap3A_18 = arith.index_cast %swap3A_17 : i32 to index
    %swap3A_19 = arith.constant 0 : index
    %swap3A_20 = tpu.vector_load %arg19[%swap3A_18, %swap3A_19] {strides = array<i32>} : memref<80x16xf32, #tpu.memory_space<vmem>>, vector<16xf32>,
    tpu.vector_store %arg19[%swap3A_18, %swap3A_19], %broadcast_in_dim3A_5 {strides = array<i32>} : memref<80x16xf32, #tpu.memory_space<vmem>>, vector<16xf32>,
    %swap3A_21 = arith.constant 4 : i32
    %swap3A_22 = arith.index_cast %swap3A_21 : i32 to index
    %swap3A_23 = arith.constant 0 : index
    %swap3A_24 = tpu.vector_load %arg19[%swap3A_22, %swap3A_23] {strides = array<i32>} : memref<80x16xf32, #tpu.memory_space<vmem>>, vector<16xf32>,
    tpu.vector_store %arg19[%swap3A_22, %swap3A_23], %broadcast_in_dim3A_5 {strides = array<i32>} : memref<80x16xf32, #tpu.memory_space<vmem>>, vector<16xf32>,
    %swap3A_25 = arith.constant 5 : i32
    %swap3A_26 = arith.index_cast %swap3A_25 : i32 to index
    %swap3A_27 = arith.constant 0 : index
    %swap3A_28 = tpu.vector_load %arg19[%swap3A_26, %swap3A_27] {strides = array<i32>} : memref<80x16xf32, #tpu.memory_space<vmem>>, vector<16xf32>,
    tpu.vector_store %arg19[%swap3A_26, %swap3A_27], %broadcast_in_dim3A_5 {strides = array<i32>} : memref<80x16xf32, #tpu.memory_space<vmem>>, vector<16xf32>,
    %swap3A_29 = arith.constant 6 : i32
    %swap3A_30 = arith.index_cast %swap3A_29 : i32 to index
    %swap3A_31 = arith.constant 0 : index
    %swap3A_32 = tpu.vector_load %arg19[%swap3A_30, %swap3A_31] {strides = array<i32>} : memref<80x16xf32, #tpu.memory_space<vmem>>, vector<16xf32>,
    tpu.vector_store %arg19[%swap3A_30, %swap3A_31], %broadcast_in_dim3A_5 {strides = array<i32>} : memref<80x16xf32, #tpu.memory_space<vmem>>, vector<16xf32>,
    %swap3A_33 = arith.constant 7 : i32
    %swap3A_34 = arith.index_cast %swap3A_33 : i32 to index
    %swap3A_35 = arith.constant 0 : index
    %swap3A_36 = tpu.vector_load %arg19[%swap3A_34, %swap3A_35] {strides = array<i32>} : memref<80x16xf32, #tpu.memory_space<vmem>>, vector<16xf32>,
    tpu.vector_store %arg19[%swap3A_34, %swap3A_35], %broadcast_in_dim3A_5 {strides = array<i32>} : memref<80x16xf32, #tpu.memory_space<vmem>>, vector<16xf32>,
    %swap3A_37 = arith.constant 8 : i32
    %swap3A_38 = arith.index_cast %swap3A_37 : i32 to index
    %swap3A_39 = arith.constant 0 : index
    %swap3A_40 = tpu.vector_load %arg19[%swap3A_38, %swap3A_39] {strides = array<i32>} : memref<80x16xf32, #tpu.memory_space<vmem>>, vector<16xf32>,
    tpu.vector_store %arg19[%swap3A_38, %swap3A_39], %broadcast_in_dim3A_5 {strides = array<i32>} : memref<80x16xf32, #tpu.memory_space<vmem>>, vector<16xf32>,
    %swap3A_41 = arith.constant 9 : i32
    %swap3A_42 = arith.index_cast %swap3A_41 : i32 to index
    %swap3A_43 = arith.constant 0 : index
    %swap3A_44 = tpu.vector_load %arg19[%swap3A_42, %swap3A_43] {strides = array<i32>} : memref<80x16xf32, #tpu.memory_space<vmem>>, vector<16xf32>,
    tpu.vector_store %arg19[%swap3A_42, %swap3A_43], %broadcast_in_dim3A_5 {strides = array<i32>} : memref<80x16xf32, #tpu.memory_space<vmem>>, vector<16xf32>,
    %swap3A_45 = arith.constant 10 : i32
    %swap3A_46 = arith.index_cast %swap3A_45 : i32 to index
    %swap3A_47 = arith.constant 0 : index
    %swap3A_48 = tpu.vector_load %arg19[%swap3A_46, %swap3A_47] {strides = array<i32>} : memref<80x16xf32, #tpu.memory_space<vmem>>, vector<16xf32>,
    tpu.vector_store %arg19[%swap3A_46, %swap3A_47], %broadcast_in_dim3A_5 {strides = array<i32>} : memref<80x16xf32, #tpu.memory_space<vmem>>, vector<16xf32>,
    %swap3A_49 = arith.constant 11 : i32
    %swap3A_50 = arith.index_cast %swap3A_49 : i32 to index
    %swap3A_51 = arith.constant 0 : index
    %swap3A_52 = tpu.vector_load %arg19[%swap3A_50, %swap3A_51] {strides = array<i32>} : memref<80x16xf32, #tpu.memory_space<vmem>>, vector<16xf32>,
    tpu.vector_store %arg19[%swap3A_50, %swap3A_51], %broadcast_in_dim3A_5 {strides = array<i32>} : memref<80x16xf32, #tpu.memory_space<vmem>>, vector<16xf32>,
    %swap3A_53 = arith.constant 12 : i32
    %swap3A_54 = arith.index_cast %swap3A_53 : i32 to index
    %swap3A_55 = arith.constant 0 : index
    %swap3A_56 = tpu.vector_load %arg19[%swap3A_54, %swap3A_55] {strides = array<i32>} : memref<80x16xf32, #tpu.memory_space<vmem>>, vector<16xf32>,
    tpu.vector_store %arg19[%swap3A_54, %swap3A_55], %broadcast_in_dim3A_5 {strides = array<i32>} : memref<80x16xf32, #tpu.memory_space<vmem>>, vector<16xf32>,
    %swap3A_57 = arith.constant 13 : i32
    %swap3A_58 = arith.index_cast %swap3A_57 : i32 to index
    %swap3A_59 = arith.constant 0 : index
    %swap3A_60 = tpu.vector_load %arg19[%swap3A_58, %swap3A_59] {strides = array<i32>} : memref<80x16xf32, #tpu.memory_space<vmem>>, vector<16xf32>,
    tpu.vector_store %arg19[%swap3A_58, %swap3A_59], %broadcast_in_dim3A_5 {strides = array<i32>} : memref<80x16xf32, #tpu.memory_space<vmem>>, vector<16xf32>,
    %swap3A_61 = arith.constant 14 : i32
    %swap3A_62 = arith.index_cast %swap3A_61 : i32 to index
    %swap3A_63 = arith.constant 0 : index
    %swap3A_64 = tpu.vector_load %arg19[%swap3A_62, %swap3A_63] {strides = array<i32>} : memref<80x16xf32, #tpu.memory_space<vmem>>, vector<16xf32>,
    tpu.vector_store %arg19[%swap3A_62, %swap3A_63], %broadcast_in_dim3A_5 {strides = array<i32>} : memref<80x16xf32, #tpu.memory_space<vmem>>, vector<16xf32>,
    %swap3A_65 = arith.constant 15 : i32
    %swap3A_66 = arith.index_cast %swap3A_65 : i32 to index
    %swap3A_67 = arith.constant 0 : index
    %swap3A_68 = tpu.vector_load %arg19[%swap3A_66, %swap3A_67] {strides = array<i32>} : memref<80x16xf32, #tpu.memory_space<vmem>>, vector<16xf32>,
    tpu.vector_store %arg19[%swap3A_66, %swap3A_67], %broadcast_in_dim3A_5 {strides = array<i32>} : memref<80x16xf32, #tpu.memory_space<vmem>>, vector<16xf32>,
    %swap3A_69 = arith.constant 16 : i32
    %swap3A_70 = arith.index_cast %swap3A_69 : i32 to index
    %swap3A_71 = arith.constant 0 : index
    %swap3A_72 = tpu.vector_load %arg19[%swap3A_70, %swap3A_71] {strides = array<i32>} : memref<80x16xf32, #tpu.memory_space<vmem>>, vector<16xf32>,
    tpu.vector_store %arg19[%swap3A_70, %swap3A_71], %broadcast_in_dim3A_5 {strides = array<i32>} : memref<80x16xf32, #tpu.memory_space<vmem>>, vector<16xf32>,
    %swap3A_73 = arith.constant 17 : i32
    %swap3A_74 = arith.index_cast %swap3A_73 : i32 to index
    %swap3A_75 = arith.constant 0 : index
    %swap3A_76 = tpu.vector_load %arg19[%swap3A_74, %swap3A_75] {strides = array<i32>} : memref<80x16xf32, #tpu.memory_space<vmem>>, vector<16xf32>,
    tpu.vector_store %arg19[%swap3A_74, %swap3A_75], %broadcast_in_dim3A_5 {strides = array<i32>} : memref<80x16xf32, #tpu.memory_space<vmem>>, vector<16xf32>,
    %swap3A_77 = arith.constant 18 : i32
    %swap3A_78 = arith.index_cast %swap3A_77 : i32 to index
    %swap3A_79 = arith.constant 0 : index
    %swap3A_80 = tpu.vector_load %arg19[%swap3A_78, %swap3A_79] {strides = array<i32>} : memref<80x16xf32, #tpu.memory_space<vmem>>, vector<16xf32>,
    tpu.vector_store %arg19[%swap3A_78, %swap3A_79], %broadcast_in_dim3A_5 {strides = array<i32>} : memref<80x16xf32, #tpu.memory_space<vmem>>, vector<16xf32>,
    %swap3A_81 = arith.constant 19 : i32
    %swap3A_82 = arith.index_cast %swap3A_81 : i32 to index
    %swap3A_83 = arith.constant 0 : index
    %swap3A_84 = tpu.vector_load %arg19[%swap3A_82, %swap3A_83] {strides = array<i32>} : memref<80x16xf32, #tpu.memory_space<vmem>>, vector<16xf32>,
    tpu.vector_store %arg19[%swap3A_82, %swap3A_83], %broadcast_in_dim3A_5 {strides = array<i32>} : memref<80x16xf32, #tpu.memory_space<vmem>>, vector<16xf32>,
    %swap3A_85 = arith.constant 20 : i32
    %swap3A_86 = arith.index_cast %swap3A_85 : i32 to index
    %swap3A_87 = arith.constant 0 : index
    %swap3A_88 = tpu.vector_load %arg19[%swap3A_86, %swap3A_87] {strides = array<i32>} : memref<80x16xf32, #tpu.memory_space<vmem>>, vector<16xf32>,
    tpu.vector_store %arg19[%swap3A_86, %swap3A_87], %broadcast_in_dim3A_5 {strides = array<i32>} : memref<80x16xf32, #tpu.memory_space<vmem>>, vector<16xf32>,
    %swap3A_89 = arith.constant 21 : i32
    %swap3A_90 = arith.index_cast %swap3A_89 : i32 to index
    %swap3A_91 = arith.constant 0 : index
    %swap3A_92 = tpu.vector_load %arg19[%swap3A_90, %swap3A_91] {strides = array<i32>} : memref<80x16xf32, #tpu.memory_space<vmem>>, vector<16xf32>,
    tpu.vector_store %arg19[%swap3A_90, %swap3A_91], %broadcast_in_dim3A_5 {strides = array<i32>} : memref<80x16xf32, #tpu.memory_space<vmem>>, vector<16xf32>,
    %swap3A_93 = arith.constant 22 : i32
    %swap3A_94 = arith.index_cast %swap3A_93 : i32 to index
    %swap3A_95 = arith.constant 0 : index
    %swap3A_96 = tpu.vector_load %arg19[%swap3A_94, %swap3A_95] {strides = array<i32>} : memref<80x16xf32, #tpu.memory_space<vmem>>, vector<16xf32>,
    tpu.vector_store %arg19[%swap3A_94, %swap3A_95], %broadcast_in_dim3A_5 {strides = array<i32>} : memref<80x16xf32, #tpu.memory_space<vmem>>, vector<16xf32>,
    %swap3A_97 = arith.constant 23 : i32
    %swap3A_98 = arith.index_cast %swap3A_97 : i32 to index
    %swap3A_99 = arith.constant 0 : index
    %swap3A_100 = tpu.vector_load %arg19[%swap3A_98, %swap3A_99] {strides = array<i32>} : memref<80x16xf32, #tpu.memory_space<vmem>>, vector<16xf32>,
    tpu.vector_store %arg19[%swap3A_98, %swap3A_99], %broadcast_in_dim3A_5 {strides = array<i32>} : memref<80x16xf32, #tpu.memory_space<vmem>>, vector<16xf32>,
    %swap3A_101 = arith.constant 24 : i32
    %swap3A_102 = arith.index_cast %swap3A_101 : i32 to index
    %swap3A_103 = arith.constant 0 : index
    %swap3A_104 = tpu.vector_load %arg19[%swap3A_102, %swap3A_103] {strides = array<i32>} : memref<80x16xf32, #tpu.memory_space<vmem>>, vector<16xf32>,
    tpu.vector_store %arg19[%swap3A_102, %swap3A_103], %broadcast_in_dim3A_5 {strides = array<i32>} : memref<80x16xf32, #tpu.memory_space<vmem>>, vector<16xf32>,
    %swap3A_105 = arith.constant 25 : i32
    %swap3A_106 = arith.index_cast %swap3A_105 : i32 to index
    %swap3A_107 = arith.constant 0 : index
    %swap3A_108 = tpu.vector_load %arg19[%swap3A_106, %swap3A_107] {strides = array<i32>} : memref<80x16xf32, #tpu.memory_space<vmem>>, vector<16xf32>,
    tpu.vector_store %arg19[%swap3A_106, %swap3A_107], %broadcast_in_dim3A_5 {strides = array<i32>} : memref<80x16xf32, #tpu.memory_space<vmem>>, vector<16xf32>,
    %swap3A_109 = arith.constant 26 : i32
    %swap3A_110 = arith.index_cast %swap3A_109 : i32 to index
    %swap3A_111 = arith.constant 0 : index
    %swap3A_112 = tpu.vector_load %arg19[%swap3A_110, %swap3A_111] {strides = array<i32>} : memref<80x16xf32, #tpu.memory_space<vmem>>, vector<16xf32>,
    tpu.vector_store %arg19[%swap3A_110, %swap3A_111], %broadcast_in_dim3A_5 {strides = array<i32>} : memref<80x16xf32, #tpu.memory_space<vmem>>, vector<16xf32>,
    %swap3A_113 = arith.constant 27 : i32
    %swap3A_114 = arith.index_cast %swap3A_113 : i32 to index
    %swap3A_115 = arith.constant 0 : index
    %swap3A_116 = tpu.vector_load %arg19[%swap3A_114, %swap3A_115] {strides = array<i32>} : memref<80x16xf32, #tpu.memory_space<vmem>>, vector<16xf32>,
    tpu.vector_store %arg19[%swap3A_114, %swap3A_115], %broadcast_in_dim3A_5 {strides = array<i32>} : memref<80x16xf32, #tpu.memory_space<vmem>>, vector<16xf32>,
    %swap3A_117 = arith.constant 28 : i32
    %swap3A_118 = arith.index_cast %swap3A_117 : i32 to index
    %swap3A_119 = arith.constant 0 : index
    %swap3A_120 = tpu.vector_load %arg19[%swap3A_118, %swap3A_119] {strides = array<i32>} : memref<80x16xf32, #tpu.memory_space<vmem>>, vector<16xf32>,
    tpu.vector_store %arg19[%swap3A_118, %swap3A_119], %broadcast_in_dim3A_5 {strides = array<i32>} : memref<80x16xf32, #tpu.memory_space<vmem>>, vector<16xf32>,
    %swap3A_121 = arith.constant 29 : i32
    %swap3A_122 = arith.index_cast %swap3A_121 : i32 to index
    %swap3A_123 = arith.constant 0 : index
    %swap3A_124 = tpu.vector_load %arg19[%swap3A_122, %swap3A_123] {strides = array<i32>} : memref<80x16xf32, #tpu.memory_space<vmem>>, vector<16xf32>,
    tpu.vector_store %arg19[%swap3A_122, %swap3A_123], %broadcast_in_dim3A_5 {strides = array<i32>} : memref<80x16xf32, #tpu.memory_space<vmem>>, vector<16xf32>,
    %swap3A_125 = arith.constant 30 : i32
    %swap3A_126 = arith.index_cast %swap3A_125 : i32 to index
    %swap3A_127 = arith.constant 0 : index
    %swap3A_128 = tpu.vector_load %arg19[%swap3A_126, %swap3A_127] {strides = array<i32>} : memref<80x16xf32, #tpu.memory_space<vmem>>, vector<16xf32>,
    tpu.vector_store %arg19[%swap3A_126, %swap3A_127], %broadcast_in_dim3A_5 {strides = array<i32>} : memref<80x16xf32, #tpu.memory_space<vmem>>, vector<16xf32>,
    %swap3A_129 = arith.constant 31 : i32
    %swap3A_130 = arith.index_cast %swap3A_129 : i32 to index
    %swap3A_131 = arith.constant 0 : index
    %swap3A_132 = tpu.vector_load %arg19[%swap3A_130, %swap3A_131] {strides = array<i32>} : memref<80x16xf32, #tpu.memory_space<vmem>>, vector<16xf32>,
    tpu.vector_store %arg19[%swap3A_130, %swap3A_131], %broadcast_in_dim3A_5 {strides = array<i32>} : memref<80x16xf32, #tpu.memory_space<vmem>>, vector<16xf32>,
    %swap3A_133 = arith.constant 32 : i32
    %swap3A_134 = arith.index_cast %swap3A_133 : i32 to index
    %swap3A_135 = arith.constant 0 : index
    %swap3A_136 = tpu.vector_load %arg19[%swap3A_134, %swap3A_135] {strides = array<i32>} : memref<80x16xf32, #tpu.memory_space<vmem>>, vector<16xf32>,
    tpu.vector_store %arg19[%swap3A_134, %swap3A_135], %broadcast_in_dim3A_5 {strides = array<i32>} : memref<80x16xf32, #tpu.memory_space<vmem>>, vector<16xf32>,
    %swap3A_137 = arith.constant 33 : i32
    %swap3A_138 = arith.index_cast %swap3A_137 : i32 to index
    %swap3A_139 = arith.constant 0 : index
    %swap3A_140 = tpu.vector_load %arg19[%swap3A_138, %swap3A_139] {strides = array<i32>} : memref<80x16xf32, #tpu.memory_space<vmem>>, vector<16xf32>,
    tpu.vector_store %arg19[%swap3A_138, %swap3A_139], %broadcast_in_dim3A_5 {strides = array<i32>} : memref<80x16xf32, #tpu.memory_space<vmem>>, vector<16xf32>,
    %swap3A_141 = arith.constant 34 : i32
    %swap3A_142 = arith.index_cast %swap3A_141 : i32 to index
    %swap3A_143 = arith.constant 0 : index
    %swap3A_144 = tpu.vector_load %arg19[%swap3A_142, %swap3A_143] {strides = array<i32>} : memref<80x16xf32, #tpu.memory_space<vmem>>, vector<16xf32>,
    tpu.vector_store %arg19[%swap3A_142, %swap3A_143], %broadcast_in_dim3A_5 {strides = array<i32>} : memref<80x16xf32, #tpu.memory_space<vmem>>, vector<16xf32>,
    %swap3A_145 = arith.constant 35 : i32
    %swap3A_146 = arith.index_cast %swap3A_145 : i32 to index
    %swap3A_147 = arith.constant 0 : index
    %swap3A_148 = tpu.vector_load %arg19[%swap3A_146, %swap3A_147] {strides = array<i32>} : memref<80x16xf32, #tpu.memory_space<vmem>>, vector<16xf32>,
    tpu.vector_store %arg19[%swap3A_146, %swap3A_147], %broadcast_in_dim3A_5 {strides = array<i32>} : memref<80x16xf32, #tpu.memory_space<vmem>>, vector<16xf32>,
    %swap3A_149 = arith.constant 36 : i32
    %swap3A_150 = arith.index_cast %swap3A_149 : i32 to index
    %swap3A_151 = arith.constant 0 : index
    %swap3A_152 = tpu.vector_load %arg19[%swap3A_150, %swap3A_151] {strides = array<i32>} : memref<80x16xf32, #tpu.memory_space<vmem>>, vector<16xf32>,
    tpu.vector_store %arg19[%swap3A_150, %swap3A_151], %broadcast_in_dim3A_5 {strides = array<i32>} : memref<80x16xf32, #tpu.memory_space<vmem>>, vector<16xf32>,
    %swap3A_153 = arith.constant 37 : i32
    %swap3A_154 = arith.index_cast %swap3A_153 : i32 to index
    %swap3A_155 = arith.constant 0 : index
    %swap3A_156 = tpu.vector_load %arg19[%swap3A_154, %swap3A_155] {strides = array<i32>} : memref<80x16xf32, #tpu.memory_space<vmem>>, vector<16xf32>,
    tpu.vector_store %arg19[%swap3A_154, %swap3A_155], %broadcast_in_dim3A_5 {strides = array<i32>} : memref<80x16xf32, #tpu.memory_space<vmem>>, vector<16xf32>,
    %swap3A_157 = arith.constant 38 : i32
    %swap3A_158 = arith.index_cast %swap3A_157 : i32 to index
    %swap3A_159 = arith.constant 0 : index
    %swap3A_160 = tpu.vector_load %arg19[%swap3A_158, %swap3A_159] {strides = array<i32>} : memref<80x16xf32, #tpu.memory_space<vmem>>, vector<16xf32>,
    tpu.vector_store %arg19[%swap3A_158, %swap3A_159], %broadcast_in_dim3A_5 {strides = array<i32>} : memref<80x16xf32, #tpu.memory_space<vmem>>, vector<16xf32>,
    %swap3A_161 = arith.constant 39 : i32
    %swap3A_162 = arith.index_cast %swap3A_161 : i32 to index
    %swap3A_163 = arith.constant 0 : index
    %swap3A_164 = tpu.vector_load %arg19[%swap3A_162, %swap3A_163] {strides = array<i32>} : memref<80x16xf32, #tpu.memory_space<vmem>>, vector<16xf32>,
    tpu.vector_store %arg19[%swap3A_162, %swap3A_163], %broadcast_in_dim3A_5 {strides = array<i32>} : memref<80x16xf32, #tpu.memory_space<vmem>>, vector<16xf32>,
    %swap3A_165 = arith.constant 40 : i32
    %swap3A_166 = arith.index_cast %swap3A_165 : i32 to index
    %swap3A_167 = arith.constant 0 : index
    %swap3A_168 = tpu.vector_load %arg19[%swap3A_166, %swap3A_167] {strides = array<i32>} : memref<80x16xf32, #tpu.memory_space<vmem>>, vector<16xf32>,
    tpu.vector_store %arg19[%swap3A_166, %swap3A_167], %broadcast_in_dim3A_5 {strides = array<i32>} : memref<80x16xf32, #tpu.memory_space<vmem>>, vector<16xf32>,
    %swap3A_169 = arith.constant 41 : i32
    %swap3A_170 = arith.index_cast %swap3A_169 : i32 to index
    %swap3A_171 = arith.constant 0 : index
    %swap3A_172 = tpu.vector_load %arg19[%swap3A_170, %swap3A_171] {strides = array<i32>} : memref<80x16xf32, #tpu.memory_space<vmem>>, vector<16xf32>,
    tpu.vector_store %arg19[%swap3A_170, %swap3A_171], %broadcast_in_dim3A_5 {strides = array<i32>} : memref<80x16xf32, #tpu.memory_space<vmem>>, vector<16xf32>,
    %swap3A_173 = arith.constant 42 : i32
    %swap3A_174 = arith.index_cast %swap3A_173 : i32 to index
    %swap3A_175 = arith.constant 0 : index
    %swap3A_176 = tpu.vector_load %arg19[%swap3A_174, %swap3A_175] {strides = array<i32>} : memref<80x16xf32, #tpu.memory_space<vmem>>, vector<16xf32>,
    tpu.vector_store %arg19[%swap3A_174, %swap3A_175], %broadcast_in_dim3A_5 {strides = array<i32>} : memref<80x16xf32, #tpu.memory_space<vmem>>, vector<16xf32>,
    %swap3A_177 = arith.constant 43 : i32
    %swap3A_178 = arith.index_cast %swap3A_177 : i32 to index
    %swap3A_179 = arith.constant 0 : index
    %swap3A_180 = tpu.vector_load %arg19[%swap3A_178, %swap3A_179] {strides = array<i32>} : memref<80x16xf32, #tpu.memory_space<vmem>>, vector<16xf32>,
    tpu.vector_store %arg19[%swap3A_178, %swap3A_179], %broadcast_in_dim3A_5 {strides = array<i32>} : memref<80x16xf32, #tpu.memory_space<vmem>>, vector<16xf32>,
    %swap3A_181 = arith.constant 44 : i32
    %swap3A_182 = arith.index_cast %swap3A_181 : i32 to index
    %swap3A_183 = arith.constant 0 : index
    %swap3A_184 = tpu.vector_load %arg19[%swap3A_182, %swap3A_183] {strides = array<i32>} : memref<80x16xf32, #tpu.memory_space<vmem>>, vector<16xf32>,
    tpu.vector_store %arg19[%swap3A_182, %swap3A_183], %broadcast_in_dim3A_5 {strides = array<i32>} : memref<80x16xf32, #tpu.memory_space<vmem>>, vector<16xf32>,
    %swap3A_185 = arith.constant 45 : i32
    %swap3A_186 = arith.index_cast %swap3A_185 : i32 to index
    %swap3A_187 = arith.constant 0 : index
    %swap3A_188 = tpu.vector_load %arg19[%swap3A_186, %swap3A_187] {strides = array<i32>} : memref<80x16xf32, #tpu.memory_space<vmem>>, vector<16xf32>,
    tpu.vector_store %arg19[%swap3A_186, %swap3A_187], %broadcast_in_dim3A_5 {strides = array<i32>} : memref<80x16xf32, #tpu.memory_space<vmem>>, vector<16xf32>,
    %swap3A_189 = arith.constant 46 : i32
    %swap3A_190 = arith.index_cast %swap3A_189 : i32 to index
    %swap3A_191 = arith.constant 0 : index
    %swap3A_192 = tpu.vector_load %arg19[%swap3A_190, %swap3A_191] {strides = array<i32>} : memref<80x16xf32, #tpu.memory_space<vmem>>, vector<16xf32>,
    tpu.vector_store %arg19[%swap3A_190, %swap3A_191], %broadcast_in_dim3A_5 {strides = array<i32>} : memref<80x16xf32, #tpu.memory_space<vmem>>, vector<16xf32>,
    %swap3A_193 = arith.constant 47 : i32
    %swap3A_194 = arith.index_cast %swap3A_193 : i32 to index
    %swap3A_195 = arith.constant 0 : index
    %swap3A_196 = tpu.vector_load %arg19[%swap3A_194, %swap3A_195] {strides = array<i32>} : memref<80x16xf32, #tpu.memory_space<vmem>>, vector<16xf32>,
    tpu.vector_store %arg19[%swap3A_194, %swap3A_195], %broadcast_in_dim3A_5 {strides = array<i32>} : memref<80x16xf32, #tpu.memory_space<vmem>>, vector<16xf32>,
    %swap3A_197 = arith.constant 48 : i32
    %swap3A_198 = arith.index_cast %swap3A_197 : i32 to index
    %swap3A_199 = arith.constant 0 : index
    %swap3A_200 = tpu.vector_load %arg19[%swap3A_198, %swap3A_199] {strides = array<i32>} : memref<80x16xf32, #tpu.memory_space<vmem>>, vector<16xf32>,
    tpu.vector_store %arg19[%swap3A_198, %swap3A_199], %broadcast_in_dim3A_5 {strides = array<i32>} : memref<80x16xf32, #tpu.memory_space<vmem>>, vector<16xf32>,
    %swap3A_201 = arith.constant 49 : i32
    %swap3A_202 = arith.index_cast %swap3A_201 : i32 to index
    %swap3A_203 = arith.constant 0 : index
    %swap3A_204 = tpu.vector_load %arg19[%swap3A_202, %swap3A_203] {strides = array<i32>} : memref<80x16xf32, #tpu.memory_space<vmem>>, vector<16xf32>,
    tpu.vector_store %arg19[%swap3A_202, %swap3A_203], %broadcast_in_dim3A_5 {strides = array<i32>} : memref<80x16xf32, #tpu.memory_space<vmem>>, vector<16xf32>,
    %swap3A_205 = arith.constant 50 : i32
    %swap3A_206 = arith.index_cast %swap3A_205 : i32 to index
    %swap3A_207 = arith.constant 0 : index
    %swap3A_208 = tpu.vector_load %arg19[%swap3A_206, %swap3A_207] {strides = array<i32>} : memref<80x16xf32, #tpu.memory_space<vmem>>, vector<16xf32>,
    tpu.vector_store %arg19[%swap3A_206, %swap3A_207], %broadcast_in_dim3A_5 {strides = array<i32>} : memref<80x16xf32, #tpu.memory_space<vmem>>, vector<16xf32>,
    %swap3A_209 = arith.constant 51 : i32
    %swap3A_210 = arith.index_cast %swap3A_209 : i32 to index
    %swap3A_211 = arith.constant 0 : index
    %swap3A_212 = tpu.vector_load %arg19[%swap3A_210, %swap3A_211] {strides = array<i32>} : memref<80x16xf32, #tpu.memory_space<vmem>>, vector<16xf32>,
    tpu.vector_store %arg19[%swap3A_210, %swap3A_211], %broadcast_in_dim3A_5 {strides = array<i32>} : memref<80x16xf32, #tpu.memory_space<vmem>>, vector<16xf32>,
    %swap3A_213 = arith.constant 52 : i32
    %swap3A_214 = arith.index_cast %swap3A_213 : i32 to index
    %swap3A_215 = arith.constant 0 : index
    %swap3A_216 = tpu.vector_load %arg19[%swap3A_214, %swap3A_215] {strides = array<i32>} : memref<80x16xf32, #tpu.memory_space<vmem>>, vector<16xf32>,
    tpu.vector_store %arg19[%swap3A_214, %swap3A_215], %broadcast_in_dim3A_5 {strides = array<i32>} : memref<80x16xf32, #tpu.memory_space<vmem>>, vector<16xf32>,
    %swap3A_217 = arith.constant 53 : i32
    %swap3A_218 = arith.index_cast %swap3A_217 : i32 to index
    %swap3A_219 = arith.constant 0 : index
    %swap3A_220 = tpu.vector_load %arg19[%swap3A_218, %swap3A_219] {strides = array<i32>} : memref<80x16xf32, #tpu.memory_space<vmem>>, vector<16xf32>,
    tpu.vector_store %arg19[%swap3A_218, %swap3A_219], %broadcast_in_dim3A_5 {strides = array<i32>} : memref<80x16xf32, #tpu.memory_space<vmem>>, vector<16xf32>,
    %swap3A_221 = arith.constant 54 : i32
    %swap3A_222 = arith.index_cast %swap3A_221 : i32 to index
    %swap3A_223 = arith.constant 0 : index
    %swap3A_224 = tpu.vector_load %arg19[%swap3A_222, %swap3A_223] {strides = array<i32>} : memref<80x16xf32, #tpu.memory_space<vmem>>, vector<16xf32>,
    tpu.vector_store %arg19[%swap3A_222, %swap3A_223], %broadcast_in_dim3A_5 {strides = array<i32>} : memref<80x16xf32, #tpu.memory_space<vmem>>, vector<16xf32>,
    %swap3A_225 = arith.constant 55 : i32
    %swap3A_226 = arith.index_cast %swap3A_225 : i32 to index
    %swap3A_227 = arith.constant 0 : index
    %swap3A_228 = tpu.vector_load %arg19[%swap3A_226, %swap3A_227] {strides = array<i32>} : memref<80x16xf32, #tpu.memory_space<vmem>>, vector<16xf32>,
    tpu.vector_store %arg19[%swap3A_226, %swap3A_227], %broadcast_in_dim3A_5 {strides = array<i32>} : memref<80x16xf32, #tpu.memory_space<vmem>>, vector<16xf32>,
    %swap3A_229 = arith.constant 56 : i32
    %swap3A_230 = arith.index_cast %swap3A_229 : i32 to index
    %swap3A_231 = arith.constant 0 : index
    %swap3A_232 = tpu.vector_load %arg19[%swap3A_230, %swap3A_231] {strides = array<i32>} : memref<80x16xf32, #tpu.memory_space<vmem>>, vector<16xf32>,
    tpu.vector_store %arg19[%swap3A_230, %swap3A_231], %broadcast_in_dim3A_5 {strides = array<i32>} : memref<80x16xf32, #tpu.memory_space<vmem>>, vector<16xf32>,
    %swap3A_233 = arith.constant 57 : i32
    %swap3A_234 = arith.index_cast %swap3A_233 : i32 to index
    %swap3A_235 = arith.constant 0 : index
    %swap3A_236 = tpu.vector_load %arg19[%swap3A_234, %swap3A_235] {strides = array<i32>} : memref<80x16xf32, #tpu.memory_space<vmem>>, vector<16xf32>,
    tpu.vector_store %arg19[%swap3A_234, %swap3A_235], %broadcast_in_dim3A_5 {strides = array<i32>} : memref<80x16xf32, #tpu.memory_space<vmem>>, vector<16xf32>,
    %swap3A_237 = arith.constant 58 : i32
    %swap3A_238 = arith.index_cast %swap3A_237 : i32 to index
    %swap3A_239 = arith.constant 0 : index
    %swap3A_240 = tpu.vector_load %arg19[%swap3A_238, %swap3A_239] {strides = array<i32>} : memref<80x16xf32, #tpu.memory_space<vmem>>, vector<16xf32>,
    tpu.vector_store %arg19[%swap3A_238, %swap3A_239], %broadcast_in_dim3A_5 {strides = array<i32>} : memref<80x16xf32, #tpu.memory_space<vmem>>, vector<16xf32>,
    %swap3A_241 = arith.constant 59 : i32
    %swap3A_242 = arith.index_cast %swap3A_241 : i32 to index
    %swap3A_243 = arith.constant 0 : index
    %swap3A_244 = tpu.vector_load %arg19[%swap3A_242, %swap3A_243] {strides = array<i32>} : memref<80x16xf32, #tpu.memory_space<vmem>>, vector<16xf32>,
    tpu.vector_store %arg19[%swap3A_242, %swap3A_243], %broadcast_in_dim3A_5 {strides = array<i32>} : memref<80x16xf32, #tpu.memory_space<vmem>>, vector<16xf32>,
    %swap3A_245 = arith.constant 60 : i32
    %swap3A_246 = arith.index_cast %swap3A_245 : i32 to index
    %swap3A_247 = arith.constant 0 : index
    %swap3A_248 = tpu.vector_load %arg19[%swap3A_246, %swap3A_247] {strides = array<i32>} : memref<80x16xf32, #tpu.memory_space<vmem>>, vector<16xf32>,
    tpu.vector_store %arg19[%swap3A_246, %swap3A_247], %broadcast_in_dim3A_5 {strides = array<i32>} : memref<80x16xf32, #tpu.memory_space<vmem>>, vector<16xf32>,
    %swap3A_249 = arith.constant 61 : i32
    %swap3A_250 = arith.index_cast %swap3A_249 : i32 to index
    %swap3A_251 = arith.constant 0 : index
    %swap3A_252 = tpu.vector_load %arg19[%swap3A_250, %swap3A_251] {strides = array<i32>} : memref<80x16xf32, #tpu.memory_space<vmem>>, vector<16xf32>,
    tpu.vector_store %arg19[%swap3A_250, %swap3A_251], %broadcast_in_dim3A_5 {strides = array<i32>} : memref<80x16xf32, #tpu.memory_space<vmem>>, vector<16xf32>,
    %swap3A_253 = arith.constant 62 : i32
    %swap3A_254 = arith.index_cast %swap3A_253 : i32 to index
    %swap3A_255 = arith.constant 0 : index
    %swap3A_256 = tpu.vector_load %arg19[%swap3A_254, %swap3A_255] {strides = array<i32>} : memref<80x16xf32, #tpu.memory_space<vmem>>, vector<16xf32>,
    tpu.vector_store %arg19[%swap3A_254, %swap3A_255], %broadcast_in_dim3A_5 {strides = array<i32>} : memref<80x16xf32, #tpu.memory_space<vmem>>, vector<16xf32>,
    %swap3A_257 = arith.constant 63 : i32
    %swap3A_258 = arith.index_cast %swap3A_257 : i32 to index
    %swap3A_259 = arith.constant 0 : index
    %swap3A_260 = tpu.vector_load %arg19[%swap3A_258, %swap3A_259] {strides = array<i32>} : memref<80x16xf32, #tpu.memory_space<vmem>>, vector<16xf32>,
    tpu.vector_store %arg19[%swap3A_258, %swap3A_259], %broadcast_in_dim3A_5 {strides = array<i32>} : memref<80x16xf32, #tpu.memory_space<vmem>>, vector<16xf32>,
    %swap3A_261 = arith.constant 64 : i32
    %swap3A_262 = arith.index_cast %swap3A_261 : i32 to index
    %swap3A_263 = arith.constant 0 : index
    %swap3A_264 = tpu.vector_load %arg19[%swap3A_262, %swap3A_263] {strides = array<i32>} : memref<80x16xf32, #tpu.memory_space<vmem>>, vector<16xf32>,
    tpu.vector_store %arg19[%swap3A_262, %swap3A_263], %broadcast_in_dim3A_5 {strides = array<i32>} : memref<80x16xf32, #tpu.memory_space<vmem>>, vector<16xf32>,
    %swap3A_265 = arith.constant 65 : i32
    %swap3A_266 = arith.index_cast %swap3A_265 : i32 to index
    %swap3A_267 = arith.constant 0 : index
    %swap3A_268 = tpu.vector_load %arg19[%swap3A_266, %swap3A_267] {strides = array<i32>} : memref<80x16xf32, #tpu.memory_space<vmem>>, vector<16xf32>,
    tpu.vector_store %arg19[%swap3A_266, %swap3A_267], %broadcast_in_dim3A_5 {strides = array<i32>} : memref<80x16xf32, #tpu.memory_space<vmem>>, vector<16xf32>,
    %swap3A_269 = arith.constant 66 : i32
    %swap3A_270 = arith.index_cast %swap3A_269 : i32 to index
    %swap3A_271 = arith.constant 0 : index
    %swap3A_272 = tpu.vector_load %arg19[%swap3A_270, %swap3A_271] {strides = array<i32>} : memref<80x16xf32, #tpu.memory_space<vmem>>, vector<16xf32>,
    tpu.vector_store %arg19[%swap3A_270, %swap3A_271], %broadcast_in_dim3A_5 {strides = array<i32>} : memref<80x16xf32, #tpu.memory_space<vmem>>, vector<16xf32>,
    %swap3A_273 = arith.constant 67 : i32
    %swap3A_274 = arith.index_cast %swap3A_273 : i32 to index
    %swap3A_275 = arith.constant 0 : index
    %swap3A_276 = tpu.vector_load %arg19[%swap3A_274, %swap3A_275] {strides = array<i32>} : memref<80x16xf32, #tpu.memory_space<vmem>>, vector<16xf32>,
    tpu.vector_store %arg19[%swap3A_274, %swap3A_275], %broadcast_in_dim3A_5 {strides = array<i32>} : memref<80x16xf32, #tpu.memory_space<vmem>>, vector<16xf32>,
    %swap3A_277 = arith.constant 68 : i32
    %swap3A_278 = arith.index_cast %swap3A_277 : i32 to index
    %swap3A_279 = arith.constant 0 : index
    %swap3A_280 = tpu.vector_load %arg19[%swap3A_278, %swap3A_279] {strides = array<i32>} : memref<80x16xf32, #tpu.memory_space<vmem>>, vector<16xf32>,
    tpu.vector_store %arg19[%swap3A_278, %swap3A_279], %broadcast_in_dim3A_5 {strides = array<i32>} : memref<80x16xf32, #tpu.memory_space<vmem>>, vector<16xf32>,
    %swap3A_281 = arith.constant 69 : i32
    %swap3A_282 = arith.index_cast %swap3A_281 : i32 to index
    %swap3A_283 = arith.constant 0 : index
    %swap3A_284 = tpu.vector_load %arg19[%swap3A_282, %swap3A_283] {strides = array<i32>} : memref<80x16xf32, #tpu.memory_space<vmem>>, vector<16xf32>,
    tpu.vector_store %arg19[%swap3A_282, %swap3A_283], %broadcast_in_dim3A_5 {strides = array<i32>} : memref<80x16xf32, #tpu.memory_space<vmem>>, vector<16xf32>,
    %swap3A_285 = arith.constant 70 : i32
    %swap3A_286 = arith.index_cast %swap3A_285 : i32 to index
    %swap3A_287 = arith.constant 0 : index
    %swap3A_288 = tpu.vector_load %arg19[%swap3A_286, %swap3A_287] {strides = array<i32>} : memref<80x16xf32, #tpu.memory_space<vmem>>, vector<16xf32>,
    tpu.vector_store %arg19[%swap3A_286, %swap3A_287], %broadcast_in_dim3A_5 {strides = array<i32>} : memref<80x16xf32, #tpu.memory_space<vmem>>, vector<16xf32>,
    %swap3A_289 = arith.constant 71 : i32
    %swap3A_290 = arith.index_cast %swap3A_289 : i32 to index
    %swap3A_291 = arith.constant 0 : index
    %swap3A_292 = tpu.vector_load %arg19[%swap3A_290, %swap3A_291] {strides = array<i32>} : memref<80x16xf32, #tpu.memory_space<vmem>>, vector<16xf32>,
    tpu.vector_store %arg19[%swap3A_290, %swap3A_291], %broadcast_in_dim3A_5 {strides = array<i32>} : memref<80x16xf32, #tpu.memory_space<vmem>>, vector<16xf32>,
    %swap3A_293 = arith.constant 72 : i32
    %swap3A_294 = arith.index_cast %swap3A_293 : i32 to index
    %swap3A_295 = arith.constant 0 : index
    %swap3A_296 = tpu.vector_load %arg19[%swap3A_294, %swap3A_295] {strides = array<i32>} : memref<80x16xf32, #tpu.memory_space<vmem>>, vector<16xf32>,
    tpu.vector_store %arg19[%swap3A_294, %swap3A_295], %broadcast_in_dim3A_5 {strides = array<i32>} : memref<80x16xf32, #tpu.memory_space<vmem>>, vector<16xf32>,
    %swap3A_297 = arith.constant 73 : i32
    %swap3A_298 = arith.index_cast %swap3A_297 : i32 to index
    %swap3A_299 = arith.constant 0 : index
    %swap3A_300 = tpu.vector_load %arg19[%swap3A_298, %swap3A_299] {strides = array<i32>} : memref<80x16xf32, #tpu.memory_space<vmem>>, vector<16xf32>,
    tpu.vector_store %arg19[%swap3A_298, %swap3A_299], %broadcast_in_dim3A_5 {strides = array<i32>} : memref<80x16xf32, #tpu.memory_space<vmem>>, vector<16xf32>,
    %swap3A_301 = arith.constant 74 : i32
    %swap3A_302 = arith.index_cast %swap3A_301 : i32 to index
    %swap3A_303 = arith.constant 0 : index
    %swap3A_304 = tpu.vector_load %arg19[%swap3A_302, %swap3A_303] {strides = array<i32>} : memref<80x16xf32, #tpu.memory_space<vmem>>, vector<16xf32>,
    tpu.vector_store %arg19[%swap3A_302, %swap3A_303], %broadcast_in_dim3A_5 {strides = array<i32>} : memref<80x16xf32, #tpu.memory_space<vmem>>, vector<16xf32>,
    %swap3A_305 = arith.constant 75 : i32
    %swap3A_306 = arith.index_cast %swap3A_305 : i32 to index
    %swap3A_307 = arith.constant 0 : index
    %swap3A_308 = tpu.vector_load %arg19[%swap3A_306, %swap3A_307] {strides = array<i32>} : memref<80x16xf32, #tpu.memory_space<vmem>>, vector<16xf32>,
    tpu.vector_store %arg19[%swap3A_306, %swap3A_307], %broadcast_in_dim3A_5 {strides = array<i32>} : memref<80x16xf32, #tpu.memory_space<vmem>>, vector<16xf32>,
    %swap3A_309 = arith.constant 76 : i32
    %swap3A_310 = arith.index_cast %swap3A_309 : i32 to index
    %swap3A_311 = arith.constant 0 : index
    %swap3A_312 = tpu.vector_load %arg19[%swap3A_310, %swap3A_311] {strides = array<i32>} : memref<80x16xf32, #tpu.memory_space<vmem>>, vector<16xf32>,
    tpu.vector_store %arg19[%swap3A_310, %swap3A_311], %broadcast_in_dim3A_5 {strides = array<i32>} : memref<80x16xf32, #tpu.memory_space<vmem>>, vector<16xf32>,
    %swap3A_313 = arith.constant 77 : i32
    %swap3A_314 = arith.index_cast %swap3A_313 : i32 to index
    %swap3A_315 = arith.constant 0 : index
    %swap3A_316 = tpu.vector_load %arg19[%swap3A_314, %swap3A_315] {strides = array<i32>} : memref<80x16xf32, #tpu.memory_space<vmem>>, vector<16xf32>,
    tpu.vector_store %arg19[%swap3A_314, %swap3A_315], %broadcast_in_dim3A_5 {strides = array<i32>} : memref<80x16xf32, #tpu.memory_space<vmem>>, vector<16xf32>,
    %swap3A_317 = arith.constant 78 : i32
    %swap3A_318 = arith.index_cast %swap3A_317 : i32 to index
    %swap3A_319 = arith.constant 0 : index
    %swap3A_320 = tpu.vector_load %arg19[%swap3A_318, %swap3A_319] {strides = array<i32>} : memref<80x16xf32, #tpu.memory_space<vmem>>, vector<16xf32>,
    tpu.vector_store %arg19[%swap3A_318, %swap3A_319], %broadcast_in_dim3A_5 {strides = array<i32>} : memref<80x16xf32, #tpu.memory_space<vmem>>, vector<16xf32>,
    %swap3A_321 = arith.constant 79 : i32
    %swap3A_322 = arith.index_cast %swap3A_321 : i32 to index
    %swap3A_323 = arith.constant 0 : index
    %swap3A_324 = tpu.vector_load %arg19[%swap3A_322, %swap3A_323] {strides = array<i32>} : memref<80x16xf32, #tpu.memory_space<vmem>>, vector<16xf32>,
    tpu.vector_store %arg19[%swap3A_322, %swap3A_323], %broadcast_in_dim3A_5 {strides = array<i32>} : memref<80x16xf32, #tpu.memory_space<vmem>>, vector<16xf32>,
    %barrier3A = arith.constant 0 : index
    tpu.barrier barrier_id(%barrier3A)
    %iota3A = tpu.iota {dimensions = array<i32: 0>} : vector<16xi32>
    %mul3A_325 = arith.constant 10000 : i32
    %mul3A_326 = arith.muli %add3A, %mul3A_325 : i32
    %add3A_327 = arith.constant 0 : i32
    %add3A_328 = arith.addi %mul3A_326, %add3A_327 : i32
    "tpu.region"() ({
      %run_scoped3A = tpu.sem_alloc : memref<!tpu.dma_semaphore, #tpu.memory_space<semaphore_mem>>
      %dma_start3A_630 = tpu.memref_slice %arg5[%add3A_328] : memref<640000xi32, #tpu.memory_space<hbm>> -> memref<80xi32, #tpu.memory_space<hbm>>
      %dma_start3A_631 = tpu.memref_slice %arg5[%add3A_328] : memref<640000xi32, #tpu.memory_space<hbm>> -> memref<80xi32, #tpu.memory_space<hbm>>
      tpu.enqueue_dma source(%dma_start3A_631 : memref<80xi32, #tpu.memory_space<hbm>>) target(%arg9 : memref<80xi32, #tpu.memory_space<vmem>>) target_semaphore(%run_scoped3A : memref<!tpu.dma_semaphore, #tpu.memory_space<semaphore_mem>>)
      %dma_wait3A_632 = tpu.memref_slice %arg5[%add3A_328] : memref<640000xi32, #tpu.memory_space<hbm>> -> memref<80xi32, #tpu.memory_space<hbm>>
      %dma_wait3A_633 = tpu.memref_slice %arg5[%add3A_328] : memref<640000xi32, #tpu.memory_space<hbm>> -> memref<80xi32, #tpu.memory_space<hbm>>
      tpu.wait_dma2 semaphore(%run_scoped3A : memref<!tpu.dma_semaphore, #tpu.memory_space<semaphore_mem>>) src(%dma_wait3A_633 : memref<80xi32, #tpu.memory_space<hbm>>) dst(%arg9 : memref<80xi32, #tpu.memory_space<vmem>>)
      tpu.yield
    }) : () -> ()
    %add3A_329 = arith.constant 320000 : i32
    %add3A_330 = arith.addi %add3A_329, %add3A_328 : i32
    "tpu.region"() ({
      %run_scoped3A = tpu.sem_alloc : memref<!tpu.dma_semaphore, #tpu.memory_space<semaphore_mem>>
      %dma_start3A_630 = tpu.memref_slice %arg5[%add3A_330] : memref<640000xi32, #tpu.memory_space<hbm>> -> memref<80xi32, #tpu.memory_space<hbm>>
      %dma_start3A_631 = tpu.memref_slice %arg5[%add3A_330] : memref<640000xi32, #tpu.memory_space<hbm>> -> memref<80xi32, #tpu.memory_space<hbm>>
      tpu.enqueue_dma source(%dma_start3A_631 : memref<80xi32, #tpu.memory_space<hbm>>) target(%arg11 : memref<80xi32, #tpu.memory_space<vmem>>) target_semaphore(%run_scoped3A : memref<!tpu.dma_semaphore, #tpu.memory_space<semaphore_mem>>)
      %dma_wait3A_632 = tpu.memref_slice %arg5[%add3A_330] : memref<640000xi32, #tpu.memory_space<hbm>> -> memref<80xi32, #tpu.memory_space<hbm>>
      %dma_wait3A_633 = tpu.memref_slice %arg5[%add3A_330] : memref<640000xi32, #tpu.memory_space<hbm>> -> memref<80xi32, #tpu.memory_space<hbm>>
      tpu.wait_dma2 semaphore(%run_scoped3A : memref<!tpu.dma_semaphore, #tpu.memory_space<semaphore_mem>>) src(%dma_wait3A_633 : memref<80xi32, #tpu.memory_space<hbm>>) dst(%arg11 : memref<80xi32, #tpu.memory_space<vmem>>)
      tpu.yield
    }) : () -> ()
    %dma_start3A = arith.constant 0 : i32
    %dma_start3A_331 = arith.constant 0 : i32
    %dma_start3A_332 = tpu.memref_slice %arg2[%dma_start3A, %dma_start3A_331] : memref<10000x128xf32, #tpu.memory_space<hbm>> -> memref<10000x128xf32, #tpu.memory_space<hbm>>
    tpu.enqueue_indirect_dma source(%dma_start3A_332 : memref<10000x128xf32, #tpu.memory_space<hbm>>) target(%arg13 : memref<80x128xf32, #tpu.memory_space<vmem>>) offsets(%arg9 : memref<80xi32, #tpu.memory_space<vmem>>) semaphore(%arg21 : memref<!tpu.dma_semaphore, #tpu.memory_space<semaphore_mem>>)
    %dma_start3A_333 = arith.constant 0 : i32
    %dma_start3A_334 = arith.constant 0 : i32
    %dma_start3A_335 = tpu.memref_slice %arg3[%dma_start3A_333, %dma_start3A_334] : memref<10000x16xf32, #tpu.memory_space<hbm>> -> memref<10000x16xf32, #tpu.memory_space<hbm>>
    tpu.enqueue_indirect_dma source(%dma_start3A_335 : memref<10000x16xf32, #tpu.memory_space<hbm>>) target(%arg15 : memref<80x16xf32, #tpu.memory_space<vmem>>) offsets(%arg9 : memref<80xi32, #tpu.memory_space<vmem>>) semaphore(%arg22 : memref<!tpu.dma_semaphore, #tpu.memory_space<semaphore_mem>>)
    %dma_start3A_336 = arith.constant 0 : i32
    %dma_start3A_337 = arith.constant 0 : i32
    %dma_start3A_338 = tpu.memref_slice %arg4[%dma_start3A_336, %dma_start3A_337] : memref<10000x16xf32, #tpu.memory_space<hbm>> -> memref<10000x16xf32, #tpu.memory_space<hbm>>
    tpu.enqueue_indirect_dma source(%dma_start3A_338 : memref<10000x16xf32, #tpu.memory_space<hbm>>) target(%arg17 : memref<80x16xf32, #tpu.memory_space<vmem>>) offsets(%arg11 : memref<80xi32, #tpu.memory_space<vmem>>) semaphore(%arg23 : memref<!tpu.dma_semaphore, #tpu.memory_space<semaphore_mem>>)
    %scan3A = arith.constant 0 : i32
    %scan3A_339 = arith.constant 0 : i32
    %scan3A_340 = arith.constant 62 : i32
    %scan3A_341 = arith.addi %scan3A_339, %scan3A_340 : i32
    %scan3A_342 = arith.constant 1 : i32
    scf.for %scan3A_630 = %scan3A_339 to %scan3A_341 step %scan3A_342  : i32 {
      %dma_wait3A_631 = arith.constant 0 : i32
      %dma_wait3A_632 = arith.constant 0 : i32
      %dma_wait3A_633 = tpu.memref_slice %arg2[%dma_wait3A_631, %dma_wait3A_632] : memref<10000x128xf32, #tpu.memory_space<hbm>> -> memref<10000x128xf32, #tpu.memory_space<hbm>>
      tpu.wait_indirect_dma semaphore(%arg21 : memref<!tpu.dma_semaphore, #tpu.memory_space<semaphore_mem>>) src(%dma_wait3A_633 : memref<10000x128xf32, #tpu.memory_space<hbm>>) dst(%arg13 : memref<80x128xf32, #tpu.memory_space<vmem>>)
      %dma_wait3A_634 = arith.constant 0 : i32
      %dma_wait3A_635 = arith.constant 0 : i32
      %dma_wait3A_636 = tpu.memref_slice %arg3[%dma_wait3A_634, %dma_wait3A_635] : memref<10000x16xf32, #tpu.memory_space<hbm>> -> memref<10000x16xf32, #tpu.memory_space<hbm>>
      tpu.wait_indirect_dma semaphore(%arg22 : memref<!tpu.dma_semaphore, #tpu.memory_space<semaphore_mem>>) src(%dma_wait3A_636 : memref<10000x16xf32, #tpu.memory_space<hbm>>) dst(%arg15 : memref<80x16xf32, #tpu.memory_space<vmem>>)
      %dma_wait3A_637 = arith.constant 0 : i32
      %dma_wait3A_638 = arith.constant 0 : i32
      %dma_wait3A_639 = tpu.memref_slice %arg4[%dma_wait3A_637, %dma_wait3A_638] : memref<10000x16xf32, #tpu.memory_space<hbm>> -> memref<10000x16xf32, #tpu.memory_space<hbm>>
      tpu.wait_indirect_dma semaphore(%arg23 : memref<!tpu.dma_semaphore, #tpu.memory_space<semaphore_mem>>) src(%dma_wait3A_639 : memref<10000x16xf32, #tpu.memory_space<hbm>>) dst(%arg17 : memref<80x16xf32, #tpu.memory_space<vmem>>)
      %mul3A_640 = arith.constant 2 : i32
      %mul3A_641 = arith.muli %mul3A_640, %scan3A_630 : i32
      %add3A_642 = arith.constant 1 : i32
      %add3A_643 = arith.addi %mul3A_641, %add3A_642 : i32
      %mul3A_644 = arith.constant 10000 : i32
      %mul3A_645 = arith.muli %add3A, %mul3A_644 : i32
      %mul3A_646 = arith.constant 80 : i32
      %mul3A_647 = arith.muli %add3A_643, %mul3A_646 : i32
      %add3A_648 = arith.addi %mul3A_645, %mul3A_647 : i32
      "tpu.region"() ({
        %run_scoped3A = tpu.sem_alloc : memref<!tpu.dma_semaphore, #tpu.memory_space<semaphore_mem>>
        %dma_start3A_1245 = tpu.memref_slice %arg5[%add3A_648] : memref<640000xi32, #tpu.memory_space<hbm>> -> memref<80xi32, #tpu.memory_space<hbm>>
        %dma_start3A_1246 = tpu.memref_slice %arg5[%add3A_648] : memref<640000xi32, #tpu.memory_space<hbm>> -> memref<80xi32, #tpu.memory_space<hbm>>
        tpu.enqueue_dma source(%dma_start3A_1246 : memref<80xi32, #tpu.memory_space<hbm>>) target(%arg10 : memref<80xi32, #tpu.memory_space<vmem>>) target_semaphore(%run_scoped3A : memref<!tpu.dma_semaphore, #tpu.memory_space<semaphore_mem>>)
        %dma_wait3A_1247 = tpu.memref_slice %arg5[%add3A_648] : memref<640000xi32, #tpu.memory_space<hbm>> -> memref<80xi32, #tpu.memory_space<hbm>>
        %dma_wait3A_1248 = tpu.memref_slice %arg5[%add3A_648] : memref<640000xi32, #tpu.memory_space<hbm>> -> memref<80xi32, #tpu.memory_space<hbm>>
        tpu.wait_dma2 semaphore(%run_scoped3A : memref<!tpu.dma_semaphore, #tpu.memory_space<semaphore_mem>>) src(%dma_wait3A_1248 : memref<80xi32, #tpu.memory_space<hbm>>) dst(%arg10 : memref<80xi32, #tpu.memory_space<vmem>>)
        tpu.yield
      }) : () -> ()
      %add3A_649 = arith.constant 320000 : i32
      %add3A_650 = arith.addi %add3A_649, %add3A_648 : i32
      "tpu.region"() ({
        %run_scoped3A = tpu.sem_alloc : memref<!tpu.dma_semaphore, #tpu.memory_space<semaphore_mem>>
        %dma_start3A_1245 = tpu.memref_slice %arg5[%add3A_650] : memref<640000xi32, #tpu.memory_space<hbm>> -> memref<80xi32, #tpu.memory_space<hbm>>
        %dma_start3A_1246 = tpu.memref_slice %arg5[%add3A_650] : memref<640000xi32, #tpu.memory_space<hbm>> -> memref<80xi32, #tpu.memory_space<hbm>>
        tpu.enqueue_dma source(%dma_start3A_1246 : memref<80xi32, #tpu.memory_space<hbm>>) target(%arg12 : memref<80xi32, #tpu.memory_space<vmem>>) target_semaphore(%run_scoped3A : memref<!tpu.dma_semaphore, #tpu.memory_space<semaphore_mem>>)
        %dma_wait3A_1247 = tpu.memref_slice %arg5[%add3A_650] : memref<640000xi32, #tpu.memory_space<hbm>> -> memref<80xi32, #tpu.memory_space<hbm>>
        %dma_wait3A_1248 = tpu.memref_slice %arg5[%add3A_650] : memref<640000xi32, #tpu.memory_space<hbm>> -> memref<80xi32, #tpu.memory_space<hbm>>
        tpu.wait_dma2 semaphore(%run_scoped3A : memref<!tpu.dma_semaphore, #tpu.memory_space<semaphore_mem>>) src(%dma_wait3A_1248 : memref<80xi32, #tpu.memory_space<hbm>>) dst(%arg12 : memref<80xi32, #tpu.memory_space<vmem>>)
        tpu.yield
      }) : () -> ()
      %dma_start3A_651 = arith.constant 0 : i32
      %dma_start3A_652 = arith.constant 0 : i32
      %dma_start3A_653 = tpu.memref_slice %arg2[%dma_start3A_651, %dma_start3A_652] : memref<10000x128xf32, #tpu.memory_space<hbm>> -> memref<10000x128xf32, #tpu.memory_space<hbm>>
      tpu.enqueue_indirect_dma source(%dma_start3A_653 : memref<10000x128xf32, #tpu.memory_space<hbm>>) target(%arg14 : memref<80x128xf32, #tpu.memory_space<vmem>>) offsets(%arg10 : memref<80xi32, #tpu.memory_space<vmem>>) semaphore(%arg24 : memref<!tpu.dma_semaphore, #tpu.memory_space<semaphore_mem>>)
      %dma_start3A_654 = arith.constant 0 : i32
      %dma_start3A_655 = arith.constant 0 : i32
      %dma_start3A_656 = tpu.memref_slice %arg3[%dma_start3A_654, %dma_start3A_655] : memref<10000x16xf32, #tpu.memory_space<hbm>> -> memref<10000x16xf32, #tpu.memory_space<hbm>>
      tpu.enqueue_indirect_dma source(%dma_start3A_656 : memref<10000x16xf32, #tpu.memory_space<hbm>>) target(%arg16 : memref<80x16xf32, #tpu.memory_space<vmem>>) offsets(%arg10 : memref<80xi32, #tpu.memory_space<vmem>>) semaphore(%arg25 : memref<!tpu.dma_semaphore, #tpu.memory_space<semaphore_mem>>)
      %dma_start3A_657 = arith.constant 0 : i32
      %dma_start3A_658 = arith.constant 0 : i32
      %dma_start3A_659 = tpu.memref_slice %arg4[%dma_start3A_657, %dma_start3A_658] : memref<10000x16xf32, #tpu.memory_space<hbm>> -> memref<10000x16xf32, #tpu.memory_space<hbm>>
      tpu.enqueue_indirect_dma source(%dma_start3A_659 : memref<10000x16xf32, #tpu.memory_space<hbm>>) target(%arg18 : memref<80x16xf32, #tpu.memory_space<vmem>>) offsets(%arg12 : memref<80xi32, #tpu.memory_space<vmem>>) semaphore(%arg26 : memref<!tpu.dma_semaphore, #tpu.memory_space<semaphore_mem>>)
      %add3A_660 = arith.constant 0 : i32
      %add3A_661 = vector.broadcast %add3A_660 : i32 to vector<16xi32>
      %add3A_662 = arith.addi %add3A_661, %iota3A : vector<16xi32>
      %broadcast_in_dim3A_663 = arith.constant 0 : i32
      %broadcast_in_dim3A_664 = vector.broadcast %broadcast_in_dim3A_663 : i32 to vector<16xi32>
      %gather3A_665 = tpu.vector_load_idx %arg15[%add3A_662, %broadcast_in_dim3A_664] : memref<80x16xf32, #tpu.memory_space<vmem>>[vector<16xi32>, vector<16xi32>], vector<16xf32>,
      %gather3A_666 = tpu.vector_load_idx %arg17[%add3A_662, %broadcast_in_dim3A_664] : memref<80x16xf32, #tpu.memory_space<vmem>>[vector<16xi32>, vector<16xi32>], vector<16xf32>,
      %add3A_667 = arith.addf %gather3A_665, %gather3A_666 : vector<16xf32>
      %ge3A_668 = arith.constant 0.000000e+00 : f32
      %ge3A_669 = vector.broadcast %ge3A_668 : f32 to vector<16xf32>
      %ge3A_670 = arith.cmpf oge, %add3A_667, %ge3A_669 : vector<16xf32>
      %mul3A_671 = arith.constant 2.000000e-01 : f32
      %mul3A_672 = vector.broadcast %mul3A_671 : f32 to vector<16xf32>
      %mul3A_673 = arith.mulf %mul3A_672, %add3A_667 : vector<16xf32>
      %select_n3A_674 = arith.select %ge3A_670, %add3A_667, %mul3A_673 : vector<16xi1>, vector<16xf32>
      %exp3A_675 = math.exp %select_n3A_674 : vector<16xf32>
      tpu.vector_store_idx %arg19[%add3A_662, %broadcast_in_dim3A_664], %exp3A_675 : memref<80x16xf32, #tpu.memory_space<vmem>>[vector<16xi32>, vector<16xi32>], vector<16xf32>,
      %broadcast_in_dim3A_676 = arith.constant 1 : i32
      %broadcast_in_dim3A_677 = vector.broadcast %broadcast_in_dim3A_676 : i32 to vector<16xi32>
      %gather3A_678 = tpu.vector_load_idx %arg15[%add3A_662, %broadcast_in_dim3A_677] : memref<80x16xf32, #tpu.memory_space<vmem>>[vector<16xi32>, vector<16xi32>], vector<16xf32>,
      %gather3A_679 = tpu.vector_load_idx %arg17[%add3A_662, %broadcast_in_dim3A_677] : memref<80x16xf32, #tpu.memory_space<vmem>>[vector<16xi32>, vector<16xi32>], vector<16xf32>,
      %add3A_680 = arith.addf %gather3A_678, %gather3A_679 : vector<16xf32>
      %ge3A_681 = arith.constant 0.000000e+00 : f32
      %ge3A_682 = vector.broadcast %ge3A_681 : f32 to vector<16xf32>
      %ge3A_683 = arith.cmpf oge, %add3A_680, %ge3A_682 : vector<16xf32>
      %mul3A_684 = arith.constant 2.000000e-01 : f32
      %mul3A_685 = vector.broadcast %mul3A_684 : f32 to vector<16xf32>
      %mul3A_686 = arith.mulf %mul3A_685, %add3A_680 : vector<16xf32>
      %select_n3A_687 = arith.select %ge3A_683, %add3A_680, %mul3A_686 : vector<16xi1>, vector<16xf32>
      %exp3A_688 = math.exp %select_n3A_687 : vector<16xf32>
      tpu.vector_store_idx %arg19[%add3A_662, %broadcast_in_dim3A_677], %exp3A_688 : memref<80x16xf32, #tpu.memory_space<vmem>>[vector<16xi32>, vector<16xi32>], vector<16xf32>,
      %broadcast_in_dim3A_689 = arith.constant 2 : i32
      %broadcast_in_dim3A_690 = vector.broadcast %broadcast_in_dim3A_689 : i32 to vector<16xi32>
      %gather3A_691 = tpu.vector_load_idx %arg15[%add3A_662, %broadcast_in_dim3A_690] : memref<80x16xf32, #tpu.memory_space<vmem>>[vector<16xi32>, vector<16xi32>], vector<16xf32>,
      %gather3A_692 = tpu.vector_load_idx %arg17[%add3A_662, %broadcast_in_dim3A_690] : memref<80x16xf32, #tpu.memory_space<vmem>>[vector<16xi32>, vector<16xi32>], vector<16xf32>,
      %add3A_693 = arith.addf %gather3A_691, %gather3A_692 : vector<16xf32>
      %ge3A_694 = arith.constant 0.000000e+00 : f32
      %ge3A_695 = vector.broadcast %ge3A_694 : f32 to vector<16xf32>
      %ge3A_696 = arith.cmpf oge, %add3A_693, %ge3A_695 : vector<16xf32>
      %mul3A_697 = arith.constant 2.000000e-01 : f32
      %mul3A_698 = vector.broadcast %mul3A_697 : f32 to vector<16xf32>
      %mul3A_699 = arith.mulf %mul3A_698, %add3A_693 : vector<16xf32>
      %select_n3A_700 = arith.select %ge3A_696, %add3A_693, %mul3A_699 : vector<16xi1>, vector<16xf32>
      %exp3A_701 = math.exp %select_n3A_700 : vector<16xf32>
      tpu.vector_store_idx %arg19[%add3A_662, %broadcast_in_dim3A_690], %exp3A_701 : memref<80x16xf32, #tpu.memory_space<vmem>>[vector<16xi32>, vector<16xi32>], vector<16xf32>,
      %broadcast_in_dim3A_702 = arith.constant 3 : i32
      %broadcast_in_dim3A_703 = vector.broadcast %broadcast_in_dim3A_702 : i32 to vector<16xi32>
      %gather3A_704 = tpu.vector_load_idx %arg15[%add3A_662, %broadcast_in_dim3A_703] : memref<80x16xf32, #tpu.memory_space<vmem>>[vector<16xi32>, vector<16xi32>], vector<16xf32>,
      %gather3A_705 = tpu.vector_load_idx %arg17[%add3A_662, %broadcast_in_dim3A_703] : memref<80x16xf32, #tpu.memory_space<vmem>>[vector<16xi32>, vector<16xi32>], vector<16xf32>,
      %add3A_706 = arith.addf %gather3A_704, %gather3A_705 : vector<16xf32>
      %ge3A_707 = arith.constant 0.000000e+00 : f32
      %ge3A_708 = vector.broadcast %ge3A_707 : f32 to vector<16xf32>
      %ge3A_709 = arith.cmpf oge, %add3A_706, %ge3A_708 : vector<16xf32>
      %mul3A_710 = arith.constant 2.000000e-01 : f32
      %mul3A_711 = vector.broadcast %mul3A_710 : f32 to vector<16xf32>
      %mul3A_712 = arith.mulf %mul3A_711, %add3A_706 : vector<16xf32>
      %select_n3A_713 = arith.select %ge3A_709, %add3A_706, %mul3A_712 : vector<16xi1>, vector<16xf32>
      %exp3A_714 = math.exp %select_n3A_713 : vector<16xf32>
      tpu.vector_store_idx %arg19[%add3A_662, %broadcast_in_dim3A_703], %exp3A_714 : memref<80x16xf32, #tpu.memory_space<vmem>>[vector<16xi32>, vector<16xi32>], vector<16xf32>,
      %add3A_715 = arith.constant 16 : i32
      %add3A_716 = vector.broadcast %add3A_715 : i32 to vector<16xi32>
      %add3A_717 = arith.addi %add3A_716, %iota3A : vector<16xi32>
      %broadcast_in_dim3A_718 = arith.constant 0 : i32
      %broadcast_in_dim3A_719 = vector.broadcast %broadcast_in_dim3A_718 : i32 to vector<16xi32>
      %gather3A_720 = tpu.vector_load_idx %arg15[%add3A_717, %broadcast_in_dim3A_719] : memref<80x16xf32, #tpu.memory_space<vmem>>[vector<16xi32>, vector<16xi32>], vector<16xf32>,
      %gather3A_721 = tpu.vector_load_idx %arg17[%add3A_717, %broadcast_in_dim3A_719] : memref<80x16xf32, #tpu.memory_space<vmem>>[vector<16xi32>, vector<16xi32>], vector<16xf32>,
      %add3A_722 = arith.addf %gather3A_720, %gather3A_721 : vector<16xf32>
      %ge3A_723 = arith.constant 0.000000e+00 : f32
      %ge3A_724 = vector.broadcast %ge3A_723 : f32 to vector<16xf32>
      %ge3A_725 = arith.cmpf oge, %add3A_722, %ge3A_724 : vector<16xf32>
      %mul3A_726 = arith.constant 2.000000e-01 : f32
      %mul3A_727 = vector.broadcast %mul3A_726 : f32 to vector<16xf32>
      %mul3A_728 = arith.mulf %mul3A_727, %add3A_722 : vector<16xf32>
      %select_n3A_729 = arith.select %ge3A_725, %add3A_722, %mul3A_728 : vector<16xi1>, vector<16xf32>
      %exp3A_730 = math.exp %select_n3A_729 : vector<16xf32>
      tpu.vector_store_idx %arg19[%add3A_717, %broadcast_in_dim3A_719], %exp3A_730 : memref<80x16xf32, #tpu.memory_space<vmem>>[vector<16xi32>, vector<16xi32>], vector<16xf32>,
      %broadcast_in_dim3A_731 = arith.constant 1 : i32
      %broadcast_in_dim3A_732 = vector.broadcast %broadcast_in_dim3A_731 : i32 to vector<16xi32>
      %gather3A_733 = tpu.vector_load_idx %arg15[%add3A_717, %broadcast_in_dim3A_732] : memref<80x16xf32, #tpu.memory_space<vmem>>[vector<16xi32>, vector<16xi32>], vector<16xf32>,
      %gather3A_734 = tpu.vector_load_idx %arg17[%add3A_717, %broadcast_in_dim3A_732] : memref<80x16xf32, #tpu.memory_space<vmem>>[vector<16xi32>, vector<16xi32>], vector<16xf32>,
      %add3A_735 = arith.addf %gather3A_733, %gather3A_734 : vector<16xf32>
      %ge3A_736 = arith.constant 0.000000e+00 : f32
      %ge3A_737 = vector.broadcast %ge3A_736 : f32 to vector<16xf32>
      %ge3A_738 = arith.cmpf oge, %add3A_735, %ge3A_737 : vector<16xf32>
      %mul3A_739 = arith.constant 2.000000e-01 : f32
      %mul3A_740 = vector.broadcast %mul3A_739 : f32 to vector<16xf32>
      %mul3A_741 = arith.mulf %mul3A_740, %add3A_735 : vector<16xf32>
      %select_n3A_742 = arith.select %ge3A_738, %add3A_735, %mul3A_741 : vector<16xi1>, vector<16xf32>
      %exp3A_743 = math.exp %select_n3A_742 : vector<16xf32>
      tpu.vector_store_idx %arg19[%add3A_717, %broadcast_in_dim3A_732], %exp3A_743 : memref<80x16xf32, #tpu.memory_space<vmem>>[vector<16xi32>, vector<16xi32>], vector<16xf32>,
      %broadcast_in_dim3A_744 = arith.constant 2 : i32
      %broadcast_in_dim3A_745 = vector.broadcast %broadcast_in_dim3A_744 : i32 to vector<16xi32>
      %gather3A_746 = tpu.vector_load_idx %arg15[%add3A_717, %broadcast_in_dim3A_745] : memref<80x16xf32, #tpu.memory_space<vmem>>[vector<16xi32>, vector<16xi32>], vector<16xf32>,
      %gather3A_747 = tpu.vector_load_idx %arg17[%add3A_717, %broadcast_in_dim3A_745] : memref<80x16xf32, #tpu.memory_space<vmem>>[vector<16xi32>, vector<16xi32>], vector<16xf32>,
      %add3A_748 = arith.addf %gather3A_746, %gather3A_747 : vector<16xf32>
      %ge3A_749 = arith.constant 0.000000e+00 : f32
      %ge3A_750 = vector.broadcast %ge3A_749 : f32 to vector<16xf32>
      %ge3A_751 = arith.cmpf oge, %add3A_748, %ge3A_750 : vector<16xf32>
      %mul3A_752 = arith.constant 2.000000e-01 : f32
      %mul3A_753 = vector.broadcast %mul3A_752 : f32 to vector<16xf32>
      %mul3A_754 = arith.mulf %mul3A_753, %add3A_748 : vector<16xf32>
      %select_n3A_755 = arith.select %ge3A_751, %add3A_748, %mul3A_754 : vector<16xi1>, vector<16xf32>
      %exp3A_756 = math.exp %select_n3A_755 : vector<16xf32>
      tpu.vector_store_idx %arg19[%add3A_717, %broadcast_in_dim3A_745], %exp3A_756 : memref<80x16xf32, #tpu.memory_space<vmem>>[vector<16xi32>, vector<16xi32>], vector<16xf32>,
      %broadcast_in_dim3A_757 = arith.constant 3 : i32
      %broadcast_in_dim3A_758 = vector.broadcast %broadcast_in_dim3A_757 : i32 to vector<16xi32>
      %gather3A_759 = tpu.vector_load_idx %arg15[%add3A_717, %broadcast_in_dim3A_758] : memref<80x16xf32, #tpu.memory_space<vmem>>[vector<16xi32>, vector<16xi32>], vector<16xf32>,
      %gather3A_760 = tpu.vector_load_idx %arg17[%add3A_717, %broadcast_in_dim3A_758] : memref<80x16xf32, #tpu.memory_space<vmem>>[vector<16xi32>, vector<16xi32>], vector<16xf32>,
      %add3A_761 = arith.addf %gather3A_759, %gather3A_760 : vector<16xf32>
      %ge3A_762 = arith.constant 0.000000e+00 : f32
      %ge3A_763 = vector.broadcast %ge3A_762 : f32 to vector<16xf32>
      %ge3A_764 = arith.cmpf oge, %add3A_761, %ge3A_763 : vector<16xf32>
      %mul3A_765 = arith.constant 2.000000e-01 : f32
      %mul3A_766 = vector.broadcast %mul3A_765 : f32 to vector<16xf32>
      %mul3A_767 = arith.mulf %mul3A_766, %add3A_761 : vector<16xf32>
      %select_n3A_768 = arith.select %ge3A_764, %add3A_761, %mul3A_767 : vector<16xi1>, vector<16xf32>
      %exp3A_769 = math.exp %select_n3A_768 : vector<16xf32>
      tpu.vector_store_idx %arg19[%add3A_717, %broadcast_in_dim3A_758], %exp3A_769 : memref<80x16xf32, #tpu.memory_space<vmem>>[vector<16xi32>, vector<16xi32>], vector<16xf32>,
      %add3A_770 = arith.constant 32 : i32
      %add3A_771 = vector.broadcast %add3A_770 : i32 to vector<16xi32>
      %add3A_772 = arith.addi %add3A_771, %iota3A : vector<16xi32>
      %broadcast_in_dim3A_773 = arith.constant 0 : i32
      %broadcast_in_dim3A_774 = vector.broadcast %broadcast_in_dim3A_773 : i32 to vector<16xi32>
      %gather3A_775 = tpu.vector_load_idx %arg15[%add3A_772, %broadcast_in_dim3A_774] : memref<80x16xf32, #tpu.memory_space<vmem>>[vector<16xi32>, vector<16xi32>], vector<16xf32>,
      %gather3A_776 = tpu.vector_load_idx %arg17[%add3A_772, %broadcast_in_dim3A_774] : memref<80x16xf32, #tpu.memory_space<vmem>>[vector<16xi32>, vector<16xi32>], vector<16xf32>,
      %add3A_777 = arith.addf %gather3A_775, %gather3A_776 : vector<16xf32>
      %ge3A_778 = arith.constant 0.000000e+00 : f32
      %ge3A_779 = vector.broadcast %ge3A_778 : f32 to vector<16xf32>
      %ge3A_780 = arith.cmpf oge, %add3A_777, %ge3A_779 : vector<16xf32>
      %mul3A_781 = arith.constant 2.000000e-01 : f32
      %mul3A_782 = vector.broadcast %mul3A_781 : f32 to vector<16xf32>
      %mul3A_783 = arith.mulf %mul3A_782, %add3A_777 : vector<16xf32>
      %select_n3A_784 = arith.select %ge3A_780, %add3A_777, %mul3A_783 : vector<16xi1>, vector<16xf32>
      %exp3A_785 = math.exp %select_n3A_784 : vector<16xf32>
      tpu.vector_store_idx %arg19[%add3A_772, %broadcast_in_dim3A_774], %exp3A_785 : memref<80x16xf32, #tpu.memory_space<vmem>>[vector<16xi32>, vector<16xi32>], vector<16xf32>,
      %broadcast_in_dim3A_786 = arith.constant 1 : i32
      %broadcast_in_dim3A_787 = vector.broadcast %broadcast_in_dim3A_786 : i32 to vector<16xi32>
      %gather3A_788 = tpu.vector_load_idx %arg15[%add3A_772, %broadcast_in_dim3A_787] : memref<80x16xf32, #tpu.memory_space<vmem>>[vector<16xi32>, vector<16xi32>], vector<16xf32>,
      %gather3A_789 = tpu.vector_load_idx %arg17[%add3A_772, %broadcast_in_dim3A_787] : memref<80x16xf32, #tpu.memory_space<vmem>>[vector<16xi32>, vector<16xi32>], vector<16xf32>,
      %add3A_790 = arith.addf %gather3A_788, %gather3A_789 : vector<16xf32>
      %ge3A_791 = arith.constant 0.000000e+00 : f32
      %ge3A_792 = vector.broadcast %ge3A_791 : f32 to vector<16xf32>
      %ge3A_793 = arith.cmpf oge, %add3A_790, %ge3A_792 : vector<16xf32>
      %mul3A_794 = arith.constant 2.000000e-01 : f32
      %mul3A_795 = vector.broadcast %mul3A_794 : f32 to vector<16xf32>
      %mul3A_796 = arith.mulf %mul3A_795, %add3A_790 : vector<16xf32>
      %select_n3A_797 = arith.select %ge3A_793, %add3A_790, %mul3A_796 : vector<16xi1>, vector<16xf32>
      %exp3A_798 = math.exp %select_n3A_797 : vector<16xf32>
      tpu.vector_store_idx %arg19[%add3A_772, %broadcast_in_dim3A_787], %exp3A_798 : memref<80x16xf32, #tpu.memory_space<vmem>>[vector<16xi32>, vector<16xi32>], vector<16xf32>,
      %broadcast_in_dim3A_799 = arith.constant 2 : i32
      %broadcast_in_dim3A_800 = vector.broadcast %broadcast_in_dim3A_799 : i32 to vector<16xi32>
      %gather3A_801 = tpu.vector_load_idx %arg15[%add3A_772, %broadcast_in_dim3A_800] : memref<80x16xf32, #tpu.memory_space<vmem>>[vector<16xi32>, vector<16xi32>], vector<16xf32>,
      %gather3A_802 = tpu.vector_load_idx %arg17[%add3A_772, %broadcast_in_dim3A_800] : memref<80x16xf32, #tpu.memory_space<vmem>>[vector<16xi32>, vector<16xi32>], vector<16xf32>,
      %add3A_803 = arith.addf %gather3A_801, %gather3A_802 : vector<16xf32>
      %ge3A_804 = arith.constant 0.000000e+00 : f32
      %ge3A_805 = vector.broadcast %ge3A_804 : f32 to vector<16xf32>
      %ge3A_806 = arith.cmpf oge, %add3A_803, %ge3A_805 : vector<16xf32>
      %mul3A_807 = arith.constant 2.000000e-01 : f32
      %mul3A_808 = vector.broadcast %mul3A_807 : f32 to vector<16xf32>
      %mul3A_809 = arith.mulf %mul3A_808, %add3A_803 : vector<16xf32>
      %select_n3A_810 = arith.select %ge3A_806, %add3A_803, %mul3A_809 : vector<16xi1>, vector<16xf32>
      %exp3A_811 = math.exp %select_n3A_810 : vector<16xf32>
      tpu.vector_store_idx %arg19[%add3A_772, %broadcast_in_dim3A_800], %exp3A_811 : memref<80x16xf32, #tpu.memory_space<vmem>>[vector<16xi32>, vector<16xi32>], vector<16xf32>,
      %broadcast_in_dim3A_812 = arith.constant 3 : i32
      %broadcast_in_dim3A_813 = vector.broadcast %broadcast_in_dim3A_812 : i32 to vector<16xi32>
      %gather3A_814 = tpu.vector_load_idx %arg15[%add3A_772, %broadcast_in_dim3A_813] : memref<80x16xf32, #tpu.memory_space<vmem>>[vector<16xi32>, vector<16xi32>], vector<16xf32>,
      %gather3A_815 = tpu.vector_load_idx %arg17[%add3A_772, %broadcast_in_dim3A_813] : memref<80x16xf32, #tpu.memory_space<vmem>>[vector<16xi32>, vector<16xi32>], vector<16xf32>,
      %add3A_816 = arith.addf %gather3A_814, %gather3A_815 : vector<16xf32>
      %ge3A_817 = arith.constant 0.000000e+00 : f32
      %ge3A_818 = vector.broadcast %ge3A_817 : f32 to vector<16xf32>
      %ge3A_819 = arith.cmpf oge, %add3A_816, %ge3A_818 : vector<16xf32>
      %mul3A_820 = arith.constant 2.000000e-01 : f32
      %mul3A_821 = vector.broadcast %mul3A_820 : f32 to vector<16xf32>
      %mul3A_822 = arith.mulf %mul3A_821, %add3A_816 : vector<16xf32>
      %select_n3A_823 = arith.select %ge3A_819, %add3A_816, %mul3A_822 : vector<16xi1>, vector<16xf32>
      %exp3A_824 = math.exp %select_n3A_823 : vector<16xf32>
      tpu.vector_store_idx %arg19[%add3A_772, %broadcast_in_dim3A_813], %exp3A_824 : memref<80x16xf32, #tpu.memory_space<vmem>>[vector<16xi32>, vector<16xi32>], vector<16xf32>,
      %add3A_825 = arith.constant 48 : i32
      %add3A_826 = vector.broadcast %add3A_825 : i32 to vector<16xi32>
      %add3A_827 = arith.addi %add3A_826, %iota3A : vector<16xi32>
      %broadcast_in_dim3A_828 = arith.constant 0 : i32
      %broadcast_in_dim3A_829 = vector.broadcast %broadcast_in_dim3A_828 : i32 to vector<16xi32>
      %gather3A_830 = tpu.vector_load_idx %arg15[%add3A_827, %broadcast_in_dim3A_829] : memref<80x16xf32, #tpu.memory_space<vmem>>[vector<16xi32>, vector<16xi32>], vector<16xf32>,
      %gather3A_831 = tpu.vector_load_idx %arg17[%add3A_827, %broadcast_in_dim3A_829] : memref<80x16xf32, #tpu.memory_space<vmem>>[vector<16xi32>, vector<16xi32>], vector<16xf32>,
      %add3A_832 = arith.addf %gather3A_830, %gather3A_831 : vector<16xf32>
      %ge3A_833 = arith.constant 0.000000e+00 : f32
      %ge3A_834 = vector.broadcast %ge3A_833 : f32 to vector<16xf32>
      %ge3A_835 = arith.cmpf oge, %add3A_832, %ge3A_834 : vector<16xf32>
      %mul3A_836 = arith.constant 2.000000e-01 : f32
      %mul3A_837 = vector.broadcast %mul3A_836 : f32 to vector<16xf32>
      %mul3A_838 = arith.mulf %mul3A_837, %add3A_832 : vector<16xf32>
      %select_n3A_839 = arith.select %ge3A_835, %add3A_832, %mul3A_838 : vector<16xi1>, vector<16xf32>
      %exp3A_840 = math.exp %select_n3A_839 : vector<16xf32>
      tpu.vector_store_idx %arg19[%add3A_827, %broadcast_in_dim3A_829], %exp3A_840 : memref<80x16xf32, #tpu.memory_space<vmem>>[vector<16xi32>, vector<16xi32>], vector<16xf32>,
      %broadcast_in_dim3A_841 = arith.constant 1 : i32
      %broadcast_in_dim3A_842 = vector.broadcast %broadcast_in_dim3A_841 : i32 to vector<16xi32>
      %gather3A_843 = tpu.vector_load_idx %arg15[%add3A_827, %broadcast_in_dim3A_842] : memref<80x16xf32, #tpu.memory_space<vmem>>[vector<16xi32>, vector<16xi32>], vector<16xf32>,
      %gather3A_844 = tpu.vector_load_idx %arg17[%add3A_827, %broadcast_in_dim3A_842] : memref<80x16xf32, #tpu.memory_space<vmem>>[vector<16xi32>, vector<16xi32>], vector<16xf32>,
      %add3A_845 = arith.addf %gather3A_843, %gather3A_844 : vector<16xf32>
      %ge3A_846 = arith.constant 0.000000e+00 : f32
      %ge3A_847 = vector.broadcast %ge3A_846 : f32 to vector<16xf32>
      %ge3A_848 = arith.cmpf oge, %add3A_845, %ge3A_847 : vector<16xf32>
      %mul3A_849 = arith.constant 2.000000e-01 : f32
      %mul3A_850 = vector.broadcast %mul3A_849 : f32 to vector<16xf32>
      %mul3A_851 = arith.mulf %mul3A_850, %add3A_845 : vector<16xf32>
      %select_n3A_852 = arith.select %ge3A_848, %add3A_845, %mul3A_851 : vector<16xi1>, vector<16xf32>
      %exp3A_853 = math.exp %select_n3A_852 : vector<16xf32>
      tpu.vector_store_idx %arg19[%add3A_827, %broadcast_in_dim3A_842], %exp3A_853 : memref<80x16xf32, #tpu.memory_space<vmem>>[vector<16xi32>, vector<16xi32>], vector<16xf32>,
      %broadcast_in_dim3A_854 = arith.constant 2 : i32
      %broadcast_in_dim3A_855 = vector.broadcast %broadcast_in_dim3A_854 : i32 to vector<16xi32>
      %gather3A_856 = tpu.vector_load_idx %arg15[%add3A_827, %broadcast_in_dim3A_855] : memref<80x16xf32, #tpu.memory_space<vmem>>[vector<16xi32>, vector<16xi32>], vector<16xf32>,
      %gather3A_857 = tpu.vector_load_idx %arg17[%add3A_827, %broadcast_in_dim3A_855] : memref<80x16xf32, #tpu.memory_space<vmem>>[vector<16xi32>, vector<16xi32>], vector<16xf32>,
      %add3A_858 = arith.addf %gather3A_856, %gather3A_857 : vector<16xf32>
      %ge3A_859 = arith.constant 0.000000e+00 : f32
      %ge3A_860 = vector.broadcast %ge3A_859 : f32 to vector<16xf32>
      %ge3A_861 = arith.cmpf oge, %add3A_858, %ge3A_860 : vector<16xf32>
      %mul3A_862 = arith.constant 2.000000e-01 : f32
      %mul3A_863 = vector.broadcast %mul3A_862 : f32 to vector<16xf32>
      %mul3A_864 = arith.mulf %mul3A_863, %add3A_858 : vector<16xf32>
      %select_n3A_865 = arith.select %ge3A_861, %add3A_858, %mul3A_864 : vector<16xi1>, vector<16xf32>
      %exp3A_866 = math.exp %select_n3A_865 : vector<16xf32>
      tpu.vector_store_idx %arg19[%add3A_827, %broadcast_in_dim3A_855], %exp3A_866 : memref<80x16xf32, #tpu.memory_space<vmem>>[vector<16xi32>, vector<16xi32>], vector<16xf32>,
      %broadcast_in_dim3A_867 = arith.constant 3 : i32
      %broadcast_in_dim3A_868 = vector.broadcast %broadcast_in_dim3A_867 : i32 to vector<16xi32>
      %gather3A_869 = tpu.vector_load_idx %arg15[%add3A_827, %broadcast_in_dim3A_868] : memref<80x16xf32, #tpu.memory_space<vmem>>[vector<16xi32>, vector<16xi32>], vector<16xf32>,
      %gather3A_870 = tpu.vector_load_idx %arg17[%add3A_827, %broadcast_in_dim3A_868] : memref<80x16xf32, #tpu.memory_space<vmem>>[vector<16xi32>, vector<16xi32>], vector<16xf32>,
      %add3A_871 = arith.addf %gather3A_869, %gather3A_870 : vector<16xf32>
      %ge3A_872 = arith.constant 0.000000e+00 : f32
      %ge3A_873 = vector.broadcast %ge3A_872 : f32 to vector<16xf32>
      %ge3A_874 = arith.cmpf oge, %add3A_871, %ge3A_873 : vector<16xf32>
      %mul3A_875 = arith.constant 2.000000e-01 : f32
      %mul3A_876 = vector.broadcast %mul3A_875 : f32 to vector<16xf32>
      %mul3A_877 = arith.mulf %mul3A_876, %add3A_871 : vector<16xf32>
      %select_n3A_878 = arith.select %ge3A_874, %add3A_871, %mul3A_877 : vector<16xi1>, vector<16xf32>
      %exp3A_879 = math.exp %select_n3A_878 : vector<16xf32>
      tpu.vector_store_idx %arg19[%add3A_827, %broadcast_in_dim3A_868], %exp3A_879 : memref<80x16xf32, #tpu.memory_space<vmem>>[vector<16xi32>, vector<16xi32>], vector<16xf32>,
      %add3A_880 = arith.constant 64 : i32
      %add3A_881 = vector.broadcast %add3A_880 : i32 to vector<16xi32>
      %add3A_882 = arith.addi %add3A_881, %iota3A : vector<16xi32>
      %broadcast_in_dim3A_883 = arith.constant 0 : i32
      %broadcast_in_dim3A_884 = vector.broadcast %broadcast_in_dim3A_883 : i32 to vector<16xi32>
      %gather3A_885 = tpu.vector_load_idx %arg15[%add3A_882, %broadcast_in_dim3A_884] : memref<80x16xf32, #tpu.memory_space<vmem>>[vector<16xi32>, vector<16xi32>], vector<16xf32>,
      %gather3A_886 = tpu.vector_load_idx %arg17[%add3A_882, %broadcast_in_dim3A_884] : memref<80x16xf32, #tpu.memory_space<vmem>>[vector<16xi32>, vector<16xi32>], vector<16xf32>,
      %add3A_887 = arith.addf %gather3A_885, %gather3A_886 : vector<16xf32>
      %ge3A_888 = arith.constant 0.000000e+00 : f32
      %ge3A_889 = vector.broadcast %ge3A_888 : f32 to vector<16xf32>
      %ge3A_890 = arith.cmpf oge, %add3A_887, %ge3A_889 : vector<16xf32>
      %mul3A_891 = arith.constant 2.000000e-01 : f32
      %mul3A_892 = vector.broadcast %mul3A_891 : f32 to vector<16xf32>
      %mul3A_893 = arith.mulf %mul3A_892, %add3A_887 : vector<16xf32>
      %select_n3A_894 = arith.select %ge3A_890, %add3A_887, %mul3A_893 : vector<16xi1>, vector<16xf32>
      %exp3A_895 = math.exp %select_n3A_894 : vector<16xf32>
      tpu.vector_store_idx %arg19[%add3A_882, %broadcast_in_dim3A_884], %exp3A_895 : memref<80x16xf32, #tpu.memory_space<vmem>>[vector<16xi32>, vector<16xi32>], vector<16xf32>,
      %broadcast_in_dim3A_896 = arith.constant 1 : i32
      %broadcast_in_dim3A_897 = vector.broadcast %broadcast_in_dim3A_896 : i32 to vector<16xi32>
      %gather3A_898 = tpu.vector_load_idx %arg15[%add3A_882, %broadcast_in_dim3A_897] : memref<80x16xf32, #tpu.memory_space<vmem>>[vector<16xi32>, vector<16xi32>], vector<16xf32>,
      %gather3A_899 = tpu.vector_load_idx %arg17[%add3A_882, %broadcast_in_dim3A_897] : memref<80x16xf32, #tpu.memory_space<vmem>>[vector<16xi32>, vector<16xi32>], vector<16xf32>,
      %add3A_900 = arith.addf %gather3A_898, %gather3A_899 : vector<16xf32>
      %ge3A_901 = arith.constant 0.000000e+00 : f32
      %ge3A_902 = vector.broadcast %ge3A_901 : f32 to vector<16xf32>
      %ge3A_903 = arith.cmpf oge, %add3A_900, %ge3A_902 : vector<16xf32>
      %mul3A_904 = arith.constant 2.000000e-01 : f32
      %mul3A_905 = vector.broadcast %mul3A_904 : f32 to vector<16xf32>
      %mul3A_906 = arith.mulf %mul3A_905, %add3A_900 : vector<16xf32>
      %select_n3A_907 = arith.select %ge3A_903, %add3A_900, %mul3A_906 : vector<16xi1>, vector<16xf32>
      %exp3A_908 = math.exp %select_n3A_907 : vector<16xf32>
      tpu.vector_store_idx %arg19[%add3A_882, %broadcast_in_dim3A_897], %exp3A_908 : memref<80x16xf32, #tpu.memory_space<vmem>>[vector<16xi32>, vector<16xi32>], vector<16xf32>,
      %broadcast_in_dim3A_909 = arith.constant 2 : i32
      %broadcast_in_dim3A_910 = vector.broadcast %broadcast_in_dim3A_909 : i32 to vector<16xi32>
      %gather3A_911 = tpu.vector_load_idx %arg15[%add3A_882, %broadcast_in_dim3A_910] : memref<80x16xf32, #tpu.memory_space<vmem>>[vector<16xi32>, vector<16xi32>], vector<16xf32>,
      %gather3A_912 = tpu.vector_load_idx %arg17[%add3A_882, %broadcast_in_dim3A_910] : memref<80x16xf32, #tpu.memory_space<vmem>>[vector<16xi32>, vector<16xi32>], vector<16xf32>,
      %add3A_913 = arith.addf %gather3A_911, %gather3A_912 : vector<16xf32>
      %ge3A_914 = arith.constant 0.000000e+00 : f32
      %ge3A_915 = vector.broadcast %ge3A_914 : f32 to vector<16xf32>
      %ge3A_916 = arith.cmpf oge, %add3A_913, %ge3A_915 : vector<16xf32>
      %mul3A_917 = arith.constant 2.000000e-01 : f32
      %mul3A_918 = vector.broadcast %mul3A_917 : f32 to vector<16xf32>
      %mul3A_919 = arith.mulf %mul3A_918, %add3A_913 : vector<16xf32>
      %select_n3A_920 = arith.select %ge3A_916, %add3A_913, %mul3A_919 : vector<16xi1>, vector<16xf32>
      %exp3A_921 = math.exp %select_n3A_920 : vector<16xf32>
      tpu.vector_store_idx %arg19[%add3A_882, %broadcast_in_dim3A_910], %exp3A_921 : memref<80x16xf32, #tpu.memory_space<vmem>>[vector<16xi32>, vector<16xi32>], vector<16xf32>,
      %broadcast_in_dim3A_922 = arith.constant 3 : i32
      %broadcast_in_dim3A_923 = vector.broadcast %broadcast_in_dim3A_922 : i32 to vector<16xi32>
      %gather3A_924 = tpu.vector_load_idx %arg15[%add3A_882, %broadcast_in_dim3A_923] : memref<80x16xf32, #tpu.memory_space<vmem>>[vector<16xi32>, vector<16xi32>], vector<16xf32>,
      %gather3A_925 = tpu.vector_load_idx %arg17[%add3A_882, %broadcast_in_dim3A_923] : memref<80x16xf32, #tpu.memory_space<vmem>>[vector<16xi32>, vector<16xi32>], vector<16xf32>,
      %add3A_926 = arith.addf %gather3A_924, %gather3A_925 : vector<16xf32>
      %ge3A_927 = arith.constant 0.000000e+00 : f32
      %ge3A_928 = vector.broadcast %ge3A_927 : f32 to vector<16xf32>
      %ge3A_929 = arith.cmpf oge, %add3A_926, %ge3A_928 : vector<16xf32>
      %mul3A_930 = arith.constant 2.000000e-01 : f32
      %mul3A_931 = vector.broadcast %mul3A_930 : f32 to vector<16xf32>
      %mul3A_932 = arith.mulf %mul3A_931, %add3A_926 : vector<16xf32>
      %select_n3A_933 = arith.select %ge3A_929, %add3A_926, %mul3A_932 : vector<16xi1>, vector<16xf32>
      %exp3A_934 = math.exp %select_n3A_933 : vector<16xf32>
      tpu.vector_store_idx %arg19[%add3A_882, %broadcast_in_dim3A_923], %exp3A_934 : memref<80x16xf32, #tpu.memory_space<vmem>>[vector<16xi32>, vector<16xi32>], vector<16xf32>,
      %parallel_loop3A_935 = arith.constant 0 : i32
      %parallel_loop3A_936 = arith.constant 80 : i32
      %parallel_loop3A_937 = arith.constant 1 : i32
      scf.for %parallel_loop3A_1245 = %parallel_loop3A_935 to %parallel_loop3A_936 step %parallel_loop3A_937  : i32 {
        %parallel_loop3A_1246 = vector.broadcast %parallel_loop3A_1245 : i32 to vector<16xi32>
        %parallel_loop3A_1247 = arith.index_cast %parallel_loop3A_1245 : i32 to index
        %parallel_loop3A_1248 = arith.constant 0 : index
        %parallel_loop3A_1249 = tpu.vector_load %arg19[%parallel_loop3A_1247, %parallel_loop3A_1248] {strides = array<i32>} : memref<80x16xf32, #tpu.memory_space<vmem>>, vector<16xf32>,
        %parallel_loop3A_1250 = arith.index_cast %parallel_loop3A_1245 : i32 to index
        %parallel_loop3A_1251 = arith.constant 128 : index
        %parallel_loop3A_1252 = tpu.vector_load %arg20[%parallel_loop3A_1250, %parallel_loop3A_1251] {strides = array<i32>} : memref<80x144xf32, #tpu.memory_space<vmem>>, vector<16xf32>,
        tpu.vector_store %arg20[%parallel_loop3A_1250, %parallel_loop3A_1251], %parallel_loop3A_1249 {strides = array<i32>} : memref<80x144xf32, #tpu.memory_space<vmem>>, vector<16xf32>,
        %parallel_loop3A_1253 = arith.constant 0 : i32
        %parallel_loop3A_1254 = vector.broadcast %parallel_loop3A_1253 : i32 to vector<16xi32>
        %parallel_loop3A_1255 = tpu.vector_load_idx %arg19[%parallel_loop3A_1246, %parallel_loop3A_1254] : memref<80x16xf32, #tpu.memory_space<vmem>>[vector<16xi32>, vector<16xi32>], vector<16xf32>,
        %parallel_loop3A_1256 = arith.index_cast %parallel_loop3A_1245 : i32 to index
        %parallel_loop3A_1257 = arith.constant 0 : index
        %parallel_loop3A_1258 = tpu.vector_load %arg13[%parallel_loop3A_1256, %parallel_loop3A_1257] {strides = array<i32>} : memref<80x128xf32, #tpu.memory_space<vmem>>, vector<16xf32>,
        %parallel_loop3A_1259 = arith.mulf %parallel_loop3A_1258, %parallel_loop3A_1255 : vector<16xf32>
        %parallel_loop3A_1260 = arith.index_cast %parallel_loop3A_1245 : i32 to index
        %parallel_loop3A_1261 = arith.constant 0 : index
        %parallel_loop3A_1262 = tpu.vector_load %arg20[%parallel_loop3A_1260, %parallel_loop3A_1261] {strides = array<i32>} : memref<80x144xf32, #tpu.memory_space<vmem>>, vector<16xf32>,
        tpu.vector_store %arg20[%parallel_loop3A_1260, %parallel_loop3A_1261], %parallel_loop3A_1259 {strides = array<i32>} : memref<80x144xf32, #tpu.memory_space<vmem>>, vector<16xf32>,
        %parallel_loop3A_1263 = arith.index_cast %parallel_loop3A_1245 : i32 to index
        %parallel_loop3A_1264 = arith.constant 16 : index
        %parallel_loop3A_1265 = tpu.vector_load %arg13[%parallel_loop3A_1263, %parallel_loop3A_1264] {strides = array<i32>} : memref<80x128xf32, #tpu.memory_space<vmem>>, vector<16xf32>,
        %parallel_loop3A_1266 = arith.mulf %parallel_loop3A_1265, %parallel_loop3A_1255 : vector<16xf32>
        %parallel_loop3A_1267 = arith.index_cast %parallel_loop3A_1245 : i32 to index
        %parallel_loop3A_1268 = arith.constant 16 : index
        %parallel_loop3A_1269 = tpu.vector_load %arg20[%parallel_loop3A_1267, %parallel_loop3A_1268] {strides = array<i32>} : memref<80x144xf32, #tpu.memory_space<vmem>>, vector<16xf32>,
        tpu.vector_store %arg20[%parallel_loop3A_1267, %parallel_loop3A_1268], %parallel_loop3A_1266 {strides = array<i32>} : memref<80x144xf32, #tpu.memory_space<vmem>>, vector<16xf32>,
        %parallel_loop3A_1270 = arith.constant 1 : i32
        %parallel_loop3A_1271 = vector.broadcast %parallel_loop3A_1270 : i32 to vector<16xi32>
        %parallel_loop3A_1272 = tpu.vector_load_idx %arg19[%parallel_loop3A_1246, %parallel_loop3A_1271] : memref<80x16xf32, #tpu.memory_space<vmem>>[vector<16xi32>, vector<16xi32>], vector<16xf32>,
        %parallel_loop3A_1273 = arith.index_cast %parallel_loop3A_1245 : i32 to index
        %parallel_loop3A_1274 = arith.constant 32 : index
        %parallel_loop3A_1275 = tpu.vector_load %arg13[%parallel_loop3A_1273, %parallel_loop3A_1274] {strides = array<i32>} : memref<80x128xf32, #tpu.memory_space<vmem>>, vector<16xf32>,
        %parallel_loop3A_1276 = arith.mulf %parallel_loop3A_1275, %parallel_loop3A_1272 : vector<16xf32>
        %parallel_loop3A_1277 = arith.index_cast %parallel_loop3A_1245 : i32 to index
        %parallel_loop3A_1278 = arith.constant 32 : index
        %parallel_loop3A_1279 = tpu.vector_load %arg20[%parallel_loop3A_1277, %parallel_loop3A_1278] {strides = array<i32>} : memref<80x144xf32, #tpu.memory_space<vmem>>, vector<16xf32>,
        tpu.vector_store %arg20[%parallel_loop3A_1277, %parallel_loop3A_1278], %parallel_loop3A_1276 {strides = array<i32>} : memref<80x144xf32, #tpu.memory_space<vmem>>, vector<16xf32>,
        %parallel_loop3A_1280 = arith.index_cast %parallel_loop3A_1245 : i32 to index
        %parallel_loop3A_1281 = arith.constant 48 : index
        %parallel_loop3A_1282 = tpu.vector_load %arg13[%parallel_loop3A_1280, %parallel_loop3A_1281] {strides = array<i32>} : memref<80x128xf32, #tpu.memory_space<vmem>>, vector<16xf32>,
        %parallel_loop3A_1283 = arith.mulf %parallel_loop3A_1282, %parallel_loop3A_1272 : vector<16xf32>
        %parallel_loop3A_1284 = arith.index_cast %parallel_loop3A_1245 : i32 to index
        %parallel_loop3A_1285 = arith.constant 48 : index
        %parallel_loop3A_1286 = tpu.vector_load %arg20[%parallel_loop3A_1284, %parallel_loop3A_1285] {strides = array<i32>} : memref<80x144xf32, #tpu.memory_space<vmem>>, vector<16xf32>,
        tpu.vector_store %arg20[%parallel_loop3A_1284, %parallel_loop3A_1285], %parallel_loop3A_1283 {strides = array<i32>} : memref<80x144xf32, #tpu.memory_space<vmem>>, vector<16xf32>,
        %parallel_loop3A_1287 = arith.constant 2 : i32
        %parallel_loop3A_1288 = vector.broadcast %parallel_loop3A_1287 : i32 to vector<16xi32>
        %parallel_loop3A_1289 = tpu.vector_load_idx %arg19[%parallel_loop3A_1246, %parallel_loop3A_1288] : memref<80x16xf32, #tpu.memory_space<vmem>>[vector<16xi32>, vector<16xi32>], vector<16xf32>,
        %parallel_loop3A_1290 = arith.index_cast %parallel_loop3A_1245 : i32 to index
        %parallel_loop3A_1291 = arith.constant 64 : index
        %parallel_loop3A_1292 = tpu.vector_load %arg13[%parallel_loop3A_1290, %parallel_loop3A_1291] {strides = array<i32>} : memref<80x128xf32, #tpu.memory_space<vmem>>, vector<16xf32>,
        %parallel_loop3A_1293 = arith.mulf %parallel_loop3A_1292, %parallel_loop3A_1289 : vector<16xf32>
        %parallel_loop3A_1294 = arith.index_cast %parallel_loop3A_1245 : i32 to index
        %parallel_loop3A_1295 = arith.constant 64 : index
        %parallel_loop3A_1296 = tpu.vector_load %arg20[%parallel_loop3A_1294, %parallel_loop3A_1295] {strides = array<i32>} : memref<80x144xf32, #tpu.memory_space<vmem>>, vector<16xf32>,
        tpu.vector_store %arg20[%parallel_loop3A_1294, %parallel_loop3A_1295], %parallel_loop3A_1293 {strides = array<i32>} : memref<80x144xf32, #tpu.memory_space<vmem>>, vector<16xf32>,
        %parallel_loop3A_1297 = arith.index_cast %parallel_loop3A_1245 : i32 to index
        %parallel_loop3A_1298 = arith.constant 80 : index
        %parallel_loop3A_1299 = tpu.vector_load %arg13[%parallel_loop3A_1297, %parallel_loop3A_1298] {strides = array<i32>} : memref<80x128xf32, #tpu.memory_space<vmem>>, vector<16xf32>,
        %parallel_loop3A_1300 = arith.mulf %parallel_loop3A_1299, %parallel_loop3A_1289 : vector<16xf32>
        %parallel_loop3A_1301 = arith.index_cast %parallel_loop3A_1245 : i32 to index
        %parallel_loop3A_1302 = arith.constant 80 : index
        %parallel_loop3A_1303 = tpu.vector_load %arg20[%parallel_loop3A_1301, %parallel_loop3A_1302] {strides = array<i32>} : memref<80x144xf32, #tpu.memory_space<vmem>>, vector<16xf32>,
        tpu.vector_store %arg20[%parallel_loop3A_1301, %parallel_loop3A_1302], %parallel_loop3A_1300 {strides = array<i32>} : memref<80x144xf32, #tpu.memory_space<vmem>>, vector<16xf32>,
        %parallel_loop3A_1304 = arith.constant 3 : i32
        %parallel_loop3A_1305 = vector.broadcast %parallel_loop3A_1304 : i32 to vector<16xi32>
        %parallel_loop3A_1306 = tpu.vector_load_idx %arg19[%parallel_loop3A_1246, %parallel_loop3A_1305] : memref<80x16xf32, #tpu.memory_space<vmem>>[vector<16xi32>, vector<16xi32>], vector<16xf32>,
        %parallel_loop3A_1307 = arith.index_cast %parallel_loop3A_1245 : i32 to index
        %parallel_loop3A_1308 = arith.constant 96 : index
        %parallel_loop3A_1309 = tpu.vector_load %arg13[%parallel_loop3A_1307, %parallel_loop3A_1308] {strides = array<i32>} : memref<80x128xf32, #tpu.memory_space<vmem>>, vector<16xf32>,
        %parallel_loop3A_1310 = arith.mulf %parallel_loop3A_1309, %parallel_loop3A_1306 : vector<16xf32>
        %parallel_loop3A_1311 = arith.index_cast %parallel_loop3A_1245 : i32 to index
        %parallel_loop3A_1312 = arith.constant 96 : index
        %parallel_loop3A_1313 = tpu.vector_load %arg20[%parallel_loop3A_1311, %parallel_loop3A_1312] {strides = array<i32>} : memref<80x144xf32, #tpu.memory_space<vmem>>, vector<16xf32>,
        tpu.vector_store %arg20[%parallel_loop3A_1311, %parallel_loop3A_1312], %parallel_loop3A_1310 {strides = array<i32>} : memref<80x144xf32, #tpu.memory_space<vmem>>, vector<16xf32>,
        %parallel_loop3A_1314 = arith.index_cast %parallel_loop3A_1245 : i32 to index
        %parallel_loop3A_1315 = arith.constant 112 : index
        %parallel_loop3A_1316 = tpu.vector_load %arg13[%parallel_loop3A_1314, %parallel_loop3A_1315] {strides = array<i32>} : memref<80x128xf32, #tpu.memory_space<vmem>>, vector<16xf32>,
        %parallel_loop3A_1317 = arith.mulf %parallel_loop3A_1316, %parallel_loop3A_1306 : vector<16xf32>
        %parallel_loop3A_1318 = arith.index_cast %parallel_loop3A_1245 : i32 to index
        %parallel_loop3A_1319 = arith.constant 112 : index
        %parallel_loop3A_1320 = tpu.vector_load %arg20[%parallel_loop3A_1318, %parallel_loop3A_1319] {strides = array<i32>} : memref<80x144xf32, #tpu.memory_space<vmem>>, vector<16xf32>,
        tpu.vector_store %arg20[%parallel_loop3A_1318, %parallel_loop3A_1319], %parallel_loop3A_1317 {strides = array<i32>} : memref<80x144xf32, #tpu.memory_space<vmem>>, vector<16xf32>,
      } {sc.loop_unroll_factor = 8 : i64, sc.parallel_access}
      "tpu.region"() ({
        %run_scoped3A = tpu.sem_alloc : memref<!tpu.dma_semaphore, #tpu.memory_space<semaphore_mem>>
        %dma_start3A_1245 = arith.constant 0 : i32
        %dma_start3A_1246 = arith.constant 0 : i32
        %dma_start3A_1247 = tpu.memref_slice %arg8[%dma_start3A_1245, %dma_start3A_1246] : memref<10112x144xf32, #tpu.memory_space<vmem_shared>> -> memref<10112x144xf32, #tpu.memory_space<vmem_shared>>
        tpu.enqueue_indirect_dma source(%arg20 : memref<80x144xf32, #tpu.memory_space<vmem>>) target(%dma_start3A_1247 : memref<10112x144xf32, #tpu.memory_space<vmem_shared>>) offsets(%arg11 : memref<80xi32, #tpu.memory_space<vmem>>) semaphore(%run_scoped3A : memref<!tpu.dma_semaphore, #tpu.memory_space<semaphore_mem>>) {add = true}
        %dma_wait3A_1248 = arith.constant 0 : i32
        %dma_wait3A_1249 = arith.constant 0 : i32
        %dma_wait3A_1250 = tpu.memref_slice %arg8[%dma_wait3A_1248, %dma_wait3A_1249] : memref<10112x144xf32, #tpu.memory_space<vmem_shared>> -> memref<10112x144xf32, #tpu.memory_space<vmem_shared>>
        tpu.wait_indirect_dma semaphore(%run_scoped3A : memref<!tpu.dma_semaphore, #tpu.memory_space<semaphore_mem>>) src(%arg20 : memref<80x144xf32, #tpu.memory_space<vmem>>) dst(%dma_wait3A_1250 : memref<10112x144xf32, #tpu.memory_space<vmem_shared>>)
        tpu.yield
      }) : () -> ()
      %dma_wait3A_938 = arith.constant 0 : i32
      %dma_wait3A_939 = arith.constant 0 : i32
      %dma_wait3A_940 = tpu.memref_slice %arg2[%dma_wait3A_938, %dma_wait3A_939] : memref<10000x128xf32, #tpu.memory_space<hbm>> -> memref<10000x128xf32, #tpu.memory_space<hbm>>
      tpu.wait_indirect_dma semaphore(%arg24 : memref<!tpu.dma_semaphore, #tpu.memory_space<semaphore_mem>>) src(%dma_wait3A_940 : memref<10000x128xf32, #tpu.memory_space<hbm>>) dst(%arg14 : memref<80x128xf32, #tpu.memory_space<vmem>>)
      %dma_wait3A_941 = arith.constant 0 : i32
      %dma_wait3A_942 = arith.constant 0 : i32
      %dma_wait3A_943 = tpu.memref_slice %arg3[%dma_wait3A_941, %dma_wait3A_942] : memref<10000x16xf32, #tpu.memory_space<hbm>> -> memref<10000x16xf32, #tpu.memory_space<hbm>>
      tpu.wait_indirect_dma semaphore(%arg25 : memref<!tpu.dma_semaphore, #tpu.memory_space<semaphore_mem>>) src(%dma_wait3A_943 : memref<10000x16xf32, #tpu.memory_space<hbm>>) dst(%arg16 : memref<80x16xf32, #tpu.memory_space<vmem>>)
      %dma_wait3A_944 = arith.constant 0 : i32
      %dma_wait3A_945 = arith.constant 0 : i32
      %dma_wait3A_946 = tpu.memref_slice %arg4[%dma_wait3A_944, %dma_wait3A_945] : memref<10000x16xf32, #tpu.memory_space<hbm>> -> memref<10000x16xf32, #tpu.memory_space<hbm>>
      tpu.wait_indirect_dma semaphore(%arg26 : memref<!tpu.dma_semaphore, #tpu.memory_space<semaphore_mem>>) src(%dma_wait3A_946 : memref<10000x16xf32, #tpu.memory_space<hbm>>) dst(%arg18 : memref<80x16xf32, #tpu.memory_space<vmem>>)
      %mul3A_947 = arith.constant 2 : i32
      %mul3A_948 = arith.muli %mul3A_947, %scan3A_630 : i32
      %add3A_949 = arith.constant 2 : i32
      %add3A_950 = arith.addi %mul3A_948, %add3A_949 : i32
      %mul3A_951 = arith.constant 10000 : i32
      %mul3A_952 = arith.muli %add3A, %mul3A_951 : i32
      %mul3A_953 = arith.constant 80 : i32
      %mul3A_954 = arith.muli %add3A_950, %mul3A_953 : i32
      %add3A_955 = arith.addi %mul3A_952, %mul3A_954 : i32
      "tpu.region"() ({
        %run_scoped3A = tpu.sem_alloc : memref<!tpu.dma_semaphore, #tpu.memory_space<semaphore_mem>>
        %dma_start3A_1245 = tpu.memref_slice %arg5[%add3A_955] : memref<640000xi32, #tpu.memory_space<hbm>> -> memref<80xi32, #tpu.memory_space<hbm>>
        %dma_start3A_1246 = tpu.memref_slice %arg5[%add3A_955] : memref<640000xi32, #tpu.memory_space<hbm>> -> memref<80xi32, #tpu.memory_space<hbm>>
        tpu.enqueue_dma source(%dma_start3A_1246 : memref<80xi32, #tpu.memory_space<hbm>>) target(%arg9 : memref<80xi32, #tpu.memory_space<vmem>>) target_semaphore(%run_scoped3A : memref<!tpu.dma_semaphore, #tpu.memory_space<semaphore_mem>>)
        %dma_wait3A_1247 = tpu.memref_slice %arg5[%add3A_955] : memref<640000xi32, #tpu.memory_space<hbm>> -> memref<80xi32, #tpu.memory_space<hbm>>
        %dma_wait3A_1248 = tpu.memref_slice %arg5[%add3A_955] : memref<640000xi32, #tpu.memory_space<hbm>> -> memref<80xi32, #tpu.memory_space<hbm>>
        tpu.wait_dma2 semaphore(%run_scoped3A : memref<!tpu.dma_semaphore, #tpu.memory_space<semaphore_mem>>) src(%dma_wait3A_1248 : memref<80xi32, #tpu.memory_space<hbm>>) dst(%arg9 : memref<80xi32, #tpu.memory_space<vmem>>)
        tpu.yield
      }) : () -> ()
      %add3A_956 = arith.constant 320000 : i32
      %add3A_957 = arith.addi %add3A_956, %add3A_955 : i32
      "tpu.region"() ({
        %run_scoped3A = tpu.sem_alloc : memref<!tpu.dma_semaphore, #tpu.memory_space<semaphore_mem>>
        %dma_start3A_1245 = tpu.memref_slice %arg5[%add3A_957] : memref<640000xi32, #tpu.memory_space<hbm>> -> memref<80xi32, #tpu.memory_space<hbm>>
        %dma_start3A_1246 = tpu.memref_slice %arg5[%add3A_957] : memref<640000xi32, #tpu.memory_space<hbm>> -> memref<80xi32, #tpu.memory_space<hbm>>
        tpu.enqueue_dma source(%dma_start3A_1246 : memref<80xi32, #tpu.memory_space<hbm>>) target(%arg11 : memref<80xi32, #tpu.memory_space<vmem>>) target_semaphore(%run_scoped3A : memref<!tpu.dma_semaphore, #tpu.memory_space<semaphore_mem>>)
        %dma_wait3A_1247 = tpu.memref_slice %arg5[%add3A_957] : memref<640000xi32, #tpu.memory_space<hbm>> -> memref<80xi32, #tpu.memory_space<hbm>>
        %dma_wait3A_1248 = tpu.memref_slice %arg5[%add3A_957] : memref<640000xi32, #tpu.memory_space<hbm>> -> memref<80xi32, #tpu.memory_space<hbm>>
        tpu.wait_dma2 semaphore(%run_scoped3A : memref<!tpu.dma_semaphore, #tpu.memory_space<semaphore_mem>>) src(%dma_wait3A_1248 : memref<80xi32, #tpu.memory_space<hbm>>) dst(%arg11 : memref<80xi32, #tpu.memory_space<vmem>>)
        tpu.yield
      }) : () -> ()
      %dma_start3A_958 = arith.constant 0 : i32
      %dma_start3A_959 = arith.constant 0 : i32
      %dma_start3A_960 = tpu.memref_slice %arg2[%dma_start3A_958, %dma_start3A_959] : memref<10000x128xf32, #tpu.memory_space<hbm>> -> memref<10000x128xf32, #tpu.memory_space<hbm>>
      tpu.enqueue_indirect_dma source(%dma_start3A_960 : memref<10000x128xf32, #tpu.memory_space<hbm>>) target(%arg13 : memref<80x128xf32, #tpu.memory_space<vmem>>) offsets(%arg9 : memref<80xi32, #tpu.memory_space<vmem>>) semaphore(%arg21 : memref<!tpu.dma_semaphore, #tpu.memory_space<semaphore_mem>>)
      %dma_start3A_961 = arith.constant 0 : i32
      %dma_start3A_962 = arith.constant 0 : i32
      %dma_start3A_963 = tpu.memref_slice %arg3[%dma_start3A_961, %dma_start3A_962] : memref<10000x16xf32, #tpu.memory_space<hbm>> -> memref<10000x16xf32, #tpu.memory_space<hbm>>
      tpu.enqueue_indirect_dma source(%dma_start3A_963 : memref<10000x16xf32, #tpu.memory_space<hbm>>) target(%arg15 : memref<80x16xf32, #tpu.memory_space<vmem>>) offsets(%arg9 : memref<80xi32, #tpu.memory_space<vmem>>) semaphore(%arg22 : memref<!tpu.dma_semaphore, #tpu.memory_space<semaphore_mem>>)
      %dma_start3A_964 = arith.constant 0 : i32
      %dma_start3A_965 = arith.constant 0 : i32
      %dma_start3A_966 = tpu.memref_slice %arg4[%dma_start3A_964, %dma_start3A_965] : memref<10000x16xf32, #tpu.memory_space<hbm>> -> memref<10000x16xf32, #tpu.memory_space<hbm>>
      tpu.enqueue_indirect_dma source(%dma_start3A_966 : memref<10000x16xf32, #tpu.memory_space<hbm>>) target(%arg17 : memref<80x16xf32, #tpu.memory_space<vmem>>) offsets(%arg11 : memref<80xi32, #tpu.memory_space<vmem>>) semaphore(%arg23 : memref<!tpu.dma_semaphore, #tpu.memory_space<semaphore_mem>>)
      %add3A_967 = arith.constant 0 : i32
      %add3A_968 = vector.broadcast %add3A_967 : i32 to vector<16xi32>
      %add3A_969 = arith.addi %add3A_968, %iota3A : vector<16xi32>
      %broadcast_in_dim3A_970 = arith.constant 0 : i32
      %broadcast_in_dim3A_971 = vector.broadcast %broadcast_in_dim3A_970 : i32 to vector<16xi32>
      %gather3A_972 = tpu.vector_load_idx %arg16[%add3A_969, %broadcast_in_dim3A_971] : memref<80x16xf32, #tpu.memory_space<vmem>>[vector<16xi32>, vector<16xi32>], vector<16xf32>,
      %gather3A_973 = tpu.vector_load_idx %arg18[%add3A_969, %broadcast_in_dim3A_971] : memref<80x16xf32, #tpu.memory_space<vmem>>[vector<16xi32>, vector<16xi32>], vector<16xf32>,
      %add3A_974 = arith.addf %gather3A_972, %gather3A_973 : vector<16xf32>
      %ge3A_975 = arith.constant 0.000000e+00 : f32
      %ge3A_976 = vector.broadcast %ge3A_975 : f32 to vector<16xf32>
      %ge3A_977 = arith.cmpf oge, %add3A_974, %ge3A_976 : vector<16xf32>
      %mul3A_978 = arith.constant 2.000000e-01 : f32
      %mul3A_979 = vector.broadcast %mul3A_978 : f32 to vector<16xf32>
      %mul3A_980 = arith.mulf %mul3A_979, %add3A_974 : vector<16xf32>
      %select_n3A_981 = arith.select %ge3A_977, %add3A_974, %mul3A_980 : vector<16xi1>, vector<16xf32>
      %exp3A_982 = math.exp %select_n3A_981 : vector<16xf32>
      tpu.vector_store_idx %arg19[%add3A_969, %broadcast_in_dim3A_971], %exp3A_982 : memref<80x16xf32, #tpu.memory_space<vmem>>[vector<16xi32>, vector<16xi32>], vector<16xf32>,
      %broadcast_in_dim3A_983 = arith.constant 1 : i32
      %broadcast_in_dim3A_984 = vector.broadcast %broadcast_in_dim3A_983 : i32 to vector<16xi32>
      %gather3A_985 = tpu.vector_load_idx %arg16[%add3A_969, %broadcast_in_dim3A_984] : memref<80x16xf32, #tpu.memory_space<vmem>>[vector<16xi32>, vector<16xi32>], vector<16xf32>,
      %gather3A_986 = tpu.vector_load_idx %arg18[%add3A_969, %broadcast_in_dim3A_984] : memref<80x16xf32, #tpu.memory_space<vmem>>[vector<16xi32>, vector<16xi32>], vector<16xf32>,
      %add3A_987 = arith.addf %gather3A_985, %gather3A_986 : vector<16xf32>
      %ge3A_988 = arith.constant 0.000000e+00 : f32
      %ge3A_989 = vector.broadcast %ge3A_988 : f32 to vector<16xf32>
      %ge3A_990 = arith.cmpf oge, %add3A_987, %ge3A_989 : vector<16xf32>
      %mul3A_991 = arith.constant 2.000000e-01 : f32
      %mul3A_992 = vector.broadcast %mul3A_991 : f32 to vector<16xf32>
      %mul3A_993 = arith.mulf %mul3A_992, %add3A_987 : vector<16xf32>
      %select_n3A_994 = arith.select %ge3A_990, %add3A_987, %mul3A_993 : vector<16xi1>, vector<16xf32>
      %exp3A_995 = math.exp %select_n3A_994 : vector<16xf32>
      tpu.vector_store_idx %arg19[%add3A_969, %broadcast_in_dim3A_984], %exp3A_995 : memref<80x16xf32, #tpu.memory_space<vmem>>[vector<16xi32>, vector<16xi32>], vector<16xf32>,
      %broadcast_in_dim3A_996 = arith.constant 2 : i32
      %broadcast_in_dim3A_997 = vector.broadcast %broadcast_in_dim3A_996 : i32 to vector<16xi32>
      %gather3A_998 = tpu.vector_load_idx %arg16[%add3A_969, %broadcast_in_dim3A_997] : memref<80x16xf32, #tpu.memory_space<vmem>>[vector<16xi32>, vector<16xi32>], vector<16xf32>,
      %gather3A_999 = tpu.vector_load_idx %arg18[%add3A_969, %broadcast_in_dim3A_997] : memref<80x16xf32, #tpu.memory_space<vmem>>[vector<16xi32>, vector<16xi32>], vector<16xf32>,
      %add3A_1000 = arith.addf %gather3A_998, %gather3A_999 : vector<16xf32>
      %ge3A_1001 = arith.constant 0.000000e+00 : f32
      %ge3A_1002 = vector.broadcast %ge3A_1001 : f32 to vector<16xf32>
      %ge3A_1003 = arith.cmpf oge, %add3A_1000, %ge3A_1002 : vector<16xf32>
      %mul3A_1004 = arith.constant 2.000000e-01 : f32
      %mul3A_1005 = vector.broadcast %mul3A_1004 : f32 to vector<16xf32>
      %mul3A_1006 = arith.mulf %mul3A_1005, %add3A_1000 : vector<16xf32>
      %select_n3A_1007 = arith.select %ge3A_1003, %add3A_1000, %mul3A_1006 : vector<16xi1>, vector<16xf32>
      %exp3A_1008 = math.exp %select_n3A_1007 : vector<16xf32>
      tpu.vector_store_idx %arg19[%add3A_969, %broadcast_in_dim3A_997], %exp3A_1008 : memref<80x16xf32, #tpu.memory_space<vmem>>[vector<16xi32>, vector<16xi32>], vector<16xf32>,
      %broadcast_in_dim3A_1009 = arith.constant 3 : i32
      %broadcast_in_dim3A_1010 = vector.broadcast %broadcast_in_dim3A_1009 : i32 to vector<16xi32>
      %gather3A_1011 = tpu.vector_load_idx %arg16[%add3A_969, %broadcast_in_dim3A_1010] : memref<80x16xf32, #tpu.memory_space<vmem>>[vector<16xi32>, vector<16xi32>], vector<16xf32>,
      %gather3A_1012 = tpu.vector_load_idx %arg18[%add3A_969, %broadcast_in_dim3A_1010] : memref<80x16xf32, #tpu.memory_space<vmem>>[vector<16xi32>, vector<16xi32>], vector<16xf32>,
      %add3A_1013 = arith.addf %gather3A_1011, %gather3A_1012 : vector<16xf32>
      %ge3A_1014 = arith.constant 0.000000e+00 : f32
      %ge3A_1015 = vector.broadcast %ge3A_1014 : f32 to vector<16xf32>
      %ge3A_1016 = arith.cmpf oge, %add3A_1013, %ge3A_1015 : vector<16xf32>
      %mul3A_1017 = arith.constant 2.000000e-01 : f32
      %mul3A_1018 = vector.broadcast %mul3A_1017 : f32 to vector<16xf32>
      %mul3A_1019 = arith.mulf %mul3A_1018, %add3A_1013 : vector<16xf32>
      %select_n3A_1020 = arith.select %ge3A_1016, %add3A_1013, %mul3A_1019 : vector<16xi1>, vector<16xf32>
      %exp3A_1021 = math.exp %select_n3A_1020 : vector<16xf32>
      tpu.vector_store_idx %arg19[%add3A_969, %broadcast_in_dim3A_1010], %exp3A_1021 : memref<80x16xf32, #tpu.memory_space<vmem>>[vector<16xi32>, vector<16xi32>], vector<16xf32>,
      %add3A_1022 = arith.constant 16 : i32
      %add3A_1023 = vector.broadcast %add3A_1022 : i32 to vector<16xi32>
      %add3A_1024 = arith.addi %add3A_1023, %iota3A : vector<16xi32>
      %broadcast_in_dim3A_1025 = arith.constant 0 : i32
      %broadcast_in_dim3A_1026 = vector.broadcast %broadcast_in_dim3A_1025 : i32 to vector<16xi32>
      %gather3A_1027 = tpu.vector_load_idx %arg16[%add3A_1024, %broadcast_in_dim3A_1026] : memref<80x16xf32, #tpu.memory_space<vmem>>[vector<16xi32>, vector<16xi32>], vector<16xf32>,
      %gather3A_1028 = tpu.vector_load_idx %arg18[%add3A_1024, %broadcast_in_dim3A_1026] : memref<80x16xf32, #tpu.memory_space<vmem>>[vector<16xi32>, vector<16xi32>], vector<16xf32>,
      %add3A_1029 = arith.addf %gather3A_1027, %gather3A_1028 : vector<16xf32>
      %ge3A_1030 = arith.constant 0.000000e+00 : f32
      %ge3A_1031 = vector.broadcast %ge3A_1030 : f32 to vector<16xf32>
      %ge3A_1032 = arith.cmpf oge, %add3A_1029, %ge3A_1031 : vector<16xf32>
      %mul3A_1033 = arith.constant 2.000000e-01 : f32
      %mul3A_1034 = vector.broadcast %mul3A_1033 : f32 to vector<16xf32>
      %mul3A_1035 = arith.mulf %mul3A_1034, %add3A_1029 : vector<16xf32>
      %select_n3A_1036 = arith.select %ge3A_1032, %add3A_1029, %mul3A_1035 : vector<16xi1>, vector<16xf32>
      %exp3A_1037 = math.exp %select_n3A_1036 : vector<16xf32>
      tpu.vector_store_idx %arg19[%add3A_1024, %broadcast_in_dim3A_1026], %exp3A_1037 : memref<80x16xf32, #tpu.memory_space<vmem>>[vector<16xi32>, vector<16xi32>], vector<16xf32>,
      %broadcast_in_dim3A_1038 = arith.constant 1 : i32
      %broadcast_in_dim3A_1039 = vector.broadcast %broadcast_in_dim3A_1038 : i32 to vector<16xi32>
      %gather3A_1040 = tpu.vector_load_idx %arg16[%add3A_1024, %broadcast_in_dim3A_1039] : memref<80x16xf32, #tpu.memory_space<vmem>>[vector<16xi32>, vector<16xi32>], vector<16xf32>,
      %gather3A_1041 = tpu.vector_load_idx %arg18[%add3A_1024, %broadcast_in_dim3A_1039] : memref<80x16xf32, #tpu.memory_space<vmem>>[vector<16xi32>, vector<16xi32>], vector<16xf32>,
      %add3A_1042 = arith.addf %gather3A_1040, %gather3A_1041 : vector<16xf32>
      %ge3A_1043 = arith.constant 0.000000e+00 : f32
      %ge3A_1044 = vector.broadcast %ge3A_1043 : f32 to vector<16xf32>
      %ge3A_1045 = arith.cmpf oge, %add3A_1042, %ge3A_1044 : vector<16xf32>
      %mul3A_1046 = arith.constant 2.000000e-01 : f32
      %mul3A_1047 = vector.broadcast %mul3A_1046 : f32 to vector<16xf32>
      %mul3A_1048 = arith.mulf %mul3A_1047, %add3A_1042 : vector<16xf32>
      %select_n3A_1049 = arith.select %ge3A_1045, %add3A_1042, %mul3A_1048 : vector<16xi1>, vector<16xf32>
      %exp3A_1050 = math.exp %select_n3A_1049 : vector<16xf32>
      tpu.vector_store_idx %arg19[%add3A_1024, %broadcast_in_dim3A_1039], %exp3A_1050 : memref<80x16xf32, #tpu.memory_space<vmem>>[vector<16xi32>, vector<16xi32>], vector<16xf32>,
      %broadcast_in_dim3A_1051 = arith.constant 2 : i32
      %broadcast_in_dim3A_1052 = vector.broadcast %broadcast_in_dim3A_1051 : i32 to vector<16xi32>
      %gather3A_1053 = tpu.vector_load_idx %arg16[%add3A_1024, %broadcast_in_dim3A_1052] : memref<80x16xf32, #tpu.memory_space<vmem>>[vector<16xi32>, vector<16xi32>], vector<16xf32>,
      %gather3A_1054 = tpu.vector_load_idx %arg18[%add3A_1024, %broadcast_in_dim3A_1052] : memref<80x16xf32, #tpu.memory_space<vmem>>[vector<16xi32>, vector<16xi32>], vector<16xf32>,
      %add3A_1055 = arith.addf %gather3A_1053, %gather3A_1054 : vector<16xf32>
      %ge3A_1056 = arith.constant 0.000000e+00 : f32
      %ge3A_1057 = vector.broadcast %ge3A_1056 : f32 to vector<16xf32>
      %ge3A_1058 = arith.cmpf oge, %add3A_1055, %ge3A_1057 : vector<16xf32>
      %mul3A_1059 = arith.constant 2.000000e-01 : f32
      %mul3A_1060 = vector.broadcast %mul3A_1059 : f32 to vector<16xf32>
      %mul3A_1061 = arith.mulf %mul3A_1060, %add3A_1055 : vector<16xf32>
      %select_n3A_1062 = arith.select %ge3A_1058, %add3A_1055, %mul3A_1061 : vector<16xi1>, vector<16xf32>
      %exp3A_1063 = math.exp %select_n3A_1062 : vector<16xf32>
      tpu.vector_store_idx %arg19[%add3A_1024, %broadcast_in_dim3A_1052], %exp3A_1063 : memref<80x16xf32, #tpu.memory_space<vmem>>[vector<16xi32>, vector<16xi32>], vector<16xf32>,
      %broadcast_in_dim3A_1064 = arith.constant 3 : i32
      %broadcast_in_dim3A_1065 = vector.broadcast %broadcast_in_dim3A_1064 : i32 to vector<16xi32>
      %gather3A_1066 = tpu.vector_load_idx %arg16[%add3A_1024, %broadcast_in_dim3A_1065] : memref<80x16xf32, #tpu.memory_space<vmem>>[vector<16xi32>, vector<16xi32>], vector<16xf32>,
      %gather3A_1067 = tpu.vector_load_idx %arg18[%add3A_1024, %broadcast_in_dim3A_1065] : memref<80x16xf32, #tpu.memory_space<vmem>>[vector<16xi32>, vector<16xi32>], vector<16xf32>,
      %add3A_1068 = arith.addf %gather3A_1066, %gather3A_1067 : vector<16xf32>
      %ge3A_1069 = arith.constant 0.000000e+00 : f32
      %ge3A_1070 = vector.broadcast %ge3A_1069 : f32 to vector<16xf32>
      %ge3A_1071 = arith.cmpf oge, %add3A_1068, %ge3A_1070 : vector<16xf32>
      %mul3A_1072 = arith.constant 2.000000e-01 : f32
      %mul3A_1073 = vector.broadcast %mul3A_1072 : f32 to vector<16xf32>
      %mul3A_1074 = arith.mulf %mul3A_1073, %add3A_1068 : vector<16xf32>
      %select_n3A_1075 = arith.select %ge3A_1071, %add3A_1068, %mul3A_1074 : vector<16xi1>, vector<16xf32>
      %exp3A_1076 = math.exp %select_n3A_1075 : vector<16xf32>
      tpu.vector_store_idx %arg19[%add3A_1024, %broadcast_in_dim3A_1065], %exp3A_1076 : memref<80x16xf32, #tpu.memory_space<vmem>>[vector<16xi32>, vector<16xi32>], vector<16xf32>,
      %add3A_1077 = arith.constant 32 : i32
      %add3A_1078 = vector.broadcast %add3A_1077 : i32 to vector<16xi32>
      %add3A_1079 = arith.addi %add3A_1078, %iota3A : vector<16xi32>
      %broadcast_in_dim3A_1080 = arith.constant 0 : i32
      %broadcast_in_dim3A_1081 = vector.broadcast %broadcast_in_dim3A_1080 : i32 to vector<16xi32>
      %gather3A_1082 = tpu.vector_load_idx %arg16[%add3A_1079, %broadcast_in_dim3A_1081] : memref<80x16xf32, #tpu.memory_space<vmem>>[vector<16xi32>, vector<16xi32>], vector<16xf32>,
      %gather3A_1083 = tpu.vector_load_idx %arg18[%add3A_1079, %broadcast_in_dim3A_1081] : memref<80x16xf32, #tpu.memory_space<vmem>>[vector<16xi32>, vector<16xi32>], vector<16xf32>,
      %add3A_1084 = arith.addf %gather3A_1082, %gather3A_1083 : vector<16xf32>
      %ge3A_1085 = arith.constant 0.000000e+00 : f32
      %ge3A_1086 = vector.broadcast %ge3A_1085 : f32 to vector<16xf32>
      %ge3A_1087 = arith.cmpf oge, %add3A_1084, %ge3A_1086 : vector<16xf32>
      %mul3A_1088 = arith.constant 2.000000e-01 : f32
      %mul3A_1089 = vector.broadcast %mul3A_1088 : f32 to vector<16xf32>
      %mul3A_1090 = arith.mulf %mul3A_1089, %add3A_1084 : vector<16xf32>
      %select_n3A_1091 = arith.select %ge3A_1087, %add3A_1084, %mul3A_1090 : vector<16xi1>, vector<16xf32>
      %exp3A_1092 = math.exp %select_n3A_1091 : vector<16xf32>
      tpu.vector_store_idx %arg19[%add3A_1079, %broadcast_in_dim3A_1081], %exp3A_1092 : memref<80x16xf32, #tpu.memory_space<vmem>>[vector<16xi32>, vector<16xi32>], vector<16xf32>,
      %broadcast_in_dim3A_1093 = arith.constant 1 : i32
      %broadcast_in_dim3A_1094 = vector.broadcast %broadcast_in_dim3A_1093 : i32 to vector<16xi32>
      %gather3A_1095 = tpu.vector_load_idx %arg16[%add3A_1079, %broadcast_in_dim3A_1094] : memref<80x16xf32, #tpu.memory_space<vmem>>[vector<16xi32>, vector<16xi32>], vector<16xf32>,
      %gather3A_1096 = tpu.vector_load_idx %arg18[%add3A_1079, %broadcast_in_dim3A_1094] : memref<80x16xf32, #tpu.memory_space<vmem>>[vector<16xi32>, vector<16xi32>], vector<16xf32>,
      %add3A_1097 = arith.addf %gather3A_1095, %gather3A_1096 : vector<16xf32>
      %ge3A_1098 = arith.constant 0.000000e+00 : f32
      %ge3A_1099 = vector.broadcast %ge3A_1098 : f32 to vector<16xf32>
      %ge3A_1100 = arith.cmpf oge, %add3A_1097, %ge3A_1099 : vector<16xf32>
      %mul3A_1101 = arith.constant 2.000000e-01 : f32
      %mul3A_1102 = vector.broadcast %mul3A_1101 : f32 to vector<16xf32>
      %mul3A_1103 = arith.mulf %mul3A_1102, %add3A_1097 : vector<16xf32>
      %select_n3A_1104 = arith.select %ge3A_1100, %add3A_1097, %mul3A_1103 : vector<16xi1>, vector<16xf32>
      %exp3A_1105 = math.exp %select_n3A_1104 : vector<16xf32>
      tpu.vector_store_idx %arg19[%add3A_1079, %broadcast_in_dim3A_1094], %exp3A_1105 : memref<80x16xf32, #tpu.memory_space<vmem>>[vector<16xi32>, vector<16xi32>], vector<16xf32>,
      %broadcast_in_dim3A_1106 = arith.constant 2 : i32
      %broadcast_in_dim3A_1107 = vector.broadcast %broadcast_in_dim3A_1106 : i32 to vector<16xi32>
      %gather3A_1108 = tpu.vector_load_idx %arg16[%add3A_1079, %broadcast_in_dim3A_1107] : memref<80x16xf32, #tpu.memory_space<vmem>>[vector<16xi32>, vector<16xi32>], vector<16xf32>,
      %gather3A_1109 = tpu.vector_load_idx %arg18[%add3A_1079, %broadcast_in_dim3A_1107] : memref<80x16xf32, #tpu.memory_space<vmem>>[vector<16xi32>, vector<16xi32>], vector<16xf32>,
      %add3A_1110 = arith.addf %gather3A_1108, %gather3A_1109 : vector<16xf32>
      %ge3A_1111 = arith.constant 0.000000e+00 : f32
      %ge3A_1112 = vector.broadcast %ge3A_1111 : f32 to vector<16xf32>
      %ge3A_1113 = arith.cmpf oge, %add3A_1110, %ge3A_1112 : vector<16xf32>
      %mul3A_1114 = arith.constant 2.000000e-01 : f32
      %mul3A_1115 = vector.broadcast %mul3A_1114 : f32 to vector<16xf32>
      %mul3A_1116 = arith.mulf %mul3A_1115, %add3A_1110 : vector<16xf32>
      %select_n3A_1117 = arith.select %ge3A_1113, %add3A_1110, %mul3A_1116 : vector<16xi1>, vector<16xf32>
      %exp3A_1118 = math.exp %select_n3A_1117 : vector<16xf32>
      tpu.vector_store_idx %arg19[%add3A_1079, %broadcast_in_dim3A_1107], %exp3A_1118 : memref<80x16xf32, #tpu.memory_space<vmem>>[vector<16xi32>, vector<16xi32>], vector<16xf32>,
      %broadcast_in_dim3A_1119 = arith.constant 3 : i32
      %broadcast_in_dim3A_1120 = vector.broadcast %broadcast_in_dim3A_1119 : i32 to vector<16xi32>
      %gather3A_1121 = tpu.vector_load_idx %arg16[%add3A_1079, %broadcast_in_dim3A_1120] : memref<80x16xf32, #tpu.memory_space<vmem>>[vector<16xi32>, vector<16xi32>], vector<16xf32>,
      %gather3A_1122 = tpu.vector_load_idx %arg18[%add3A_1079, %broadcast_in_dim3A_1120] : memref<80x16xf32, #tpu.memory_space<vmem>>[vector<16xi32>, vector<16xi32>], vector<16xf32>,
      %add3A_1123 = arith.addf %gather3A_1121, %gather3A_1122 : vector<16xf32>
      %ge3A_1124 = arith.constant 0.000000e+00 : f32
      %ge3A_1125 = vector.broadcast %ge3A_1124 : f32 to vector<16xf32>
      %ge3A_1126 = arith.cmpf oge, %add3A_1123, %ge3A_1125 : vector<16xf32>
      %mul3A_1127 = arith.constant 2.000000e-01 : f32
      %mul3A_1128 = vector.broadcast %mul3A_1127 : f32 to vector<16xf32>
      %mul3A_1129 = arith.mulf %mul3A_1128, %add3A_1123 : vector<16xf32>
      %select_n3A_1130 = arith.select %ge3A_1126, %add3A_1123, %mul3A_1129 : vector<16xi1>, vector<16xf32>
      %exp3A_1131 = math.exp %select_n3A_1130 : vector<16xf32>
      tpu.vector_store_idx %arg19[%add3A_1079, %broadcast_in_dim3A_1120], %exp3A_1131 : memref<80x16xf32, #tpu.memory_space<vmem>>[vector<16xi32>, vector<16xi32>], vector<16xf32>,
      %add3A_1132 = arith.constant 48 : i32
      %add3A_1133 = vector.broadcast %add3A_1132 : i32 to vector<16xi32>
      %add3A_1134 = arith.addi %add3A_1133, %iota3A : vector<16xi32>
      %broadcast_in_dim3A_1135 = arith.constant 0 : i32
      %broadcast_in_dim3A_1136 = vector.broadcast %broadcast_in_dim3A_1135 : i32 to vector<16xi32>
      %gather3A_1137 = tpu.vector_load_idx %arg16[%add3A_1134, %broadcast_in_dim3A_1136] : memref<80x16xf32, #tpu.memory_space<vmem>>[vector<16xi32>, vector<16xi32>], vector<16xf32>,
      %gather3A_1138 = tpu.vector_load_idx %arg18[%add3A_1134, %broadcast_in_dim3A_1136] : memref<80x16xf32, #tpu.memory_space<vmem>>[vector<16xi32>, vector<16xi32>], vector<16xf32>,
      %add3A_1139 = arith.addf %gather3A_1137, %gather3A_1138 : vector<16xf32>
      %ge3A_1140 = arith.constant 0.000000e+00 : f32
      %ge3A_1141 = vector.broadcast %ge3A_1140 : f32 to vector<16xf32>
      %ge3A_1142 = arith.cmpf oge, %add3A_1139, %ge3A_1141 : vector<16xf32>
      %mul3A_1143 = arith.constant 2.000000e-01 : f32
      %mul3A_1144 = vector.broadcast %mul3A_1143 : f32 to vector<16xf32>
      %mul3A_1145 = arith.mulf %mul3A_1144, %add3A_1139 : vector<16xf32>
      %select_n3A_1146 = arith.select %ge3A_1142, %add3A_1139, %mul3A_1145 : vector<16xi1>, vector<16xf32>
      %exp3A_1147 = math.exp %select_n3A_1146 : vector<16xf32>
      tpu.vector_store_idx %arg19[%add3A_1134, %broadcast_in_dim3A_1136], %exp3A_1147 : memref<80x16xf32, #tpu.memory_space<vmem>>[vector<16xi32>, vector<16xi32>], vector<16xf32>,
      %broadcast_in_dim3A_1148 = arith.constant 1 : i32
      %broadcast_in_dim3A_1149 = vector.broadcast %broadcast_in_dim3A_1148 : i32 to vector<16xi32>
      %gather3A_1150 = tpu.vector_load_idx %arg16[%add3A_1134, %broadcast_in_dim3A_1149] : memref<80x16xf32, #tpu.memory_space<vmem>>[vector<16xi32>, vector<16xi32>], vector<16xf32>,
      %gather3A_1151 = tpu.vector_load_idx %arg18[%add3A_1134, %broadcast_in_dim3A_1149] : memref<80x16xf32, #tpu.memory_space<vmem>>[vector<16xi32>, vector<16xi32>], vector<16xf32>,
      %add3A_1152 = arith.addf %gather3A_1150, %gather3A_1151 : vector<16xf32>
      %ge3A_1153 = arith.constant 0.000000e+00 : f32
      %ge3A_1154 = vector.broadcast %ge3A_1153 : f32 to vector<16xf32>
      %ge3A_1155 = arith.cmpf oge, %add3A_1152, %ge3A_1154 : vector<16xf32>
      %mul3A_1156 = arith.constant 2.000000e-01 : f32
      %mul3A_1157 = vector.broadcast %mul3A_1156 : f32 to vector<16xf32>
      %mul3A_1158 = arith.mulf %mul3A_1157, %add3A_1152 : vector<16xf32>
      %select_n3A_1159 = arith.select %ge3A_1155, %add3A_1152, %mul3A_1158 : vector<16xi1>, vector<16xf32>
      %exp3A_1160 = math.exp %select_n3A_1159 : vector<16xf32>
      tpu.vector_store_idx %arg19[%add3A_1134, %broadcast_in_dim3A_1149], %exp3A_1160 : memref<80x16xf32, #tpu.memory_space<vmem>>[vector<16xi32>, vector<16xi32>], vector<16xf32>,
      %broadcast_in_dim3A_1161 = arith.constant 2 : i32
      %broadcast_in_dim3A_1162 = vector.broadcast %broadcast_in_dim3A_1161 : i32 to vector<16xi32>
      %gather3A_1163 = tpu.vector_load_idx %arg16[%add3A_1134, %broadcast_in_dim3A_1162] : memref<80x16xf32, #tpu.memory_space<vmem>>[vector<16xi32>, vector<16xi32>], vector<16xf32>,
      %gather3A_1164 = tpu.vector_load_idx %arg18[%add3A_1134, %broadcast_in_dim3A_1162] : memref<80x16xf32, #tpu.memory_space<vmem>>[vector<16xi32>, vector<16xi32>], vector<16xf32>,
      %add3A_1165 = arith.addf %gather3A_1163, %gather3A_1164 : vector<16xf32>
      %ge3A_1166 = arith.constant 0.000000e+00 : f32
      %ge3A_1167 = vector.broadcast %ge3A_1166 : f32 to vector<16xf32>
      %ge3A_1168 = arith.cmpf oge, %add3A_1165, %ge3A_1167 : vector<16xf32>
      %mul3A_1169 = arith.constant 2.000000e-01 : f32
      %mul3A_1170 = vector.broadcast %mul3A_1169 : f32 to vector<16xf32>
      %mul3A_1171 = arith.mulf %mul3A_1170, %add3A_1165 : vector<16xf32>
      %select_n3A_1172 = arith.select %ge3A_1168, %add3A_1165, %mul3A_1171 : vector<16xi1>, vector<16xf32>
      %exp3A_1173 = math.exp %select_n3A_1172 : vector<16xf32>
      tpu.vector_store_idx %arg19[%add3A_1134, %broadcast_in_dim3A_1162], %exp3A_1173 : memref<80x16xf32, #tpu.memory_space<vmem>>[vector<16xi32>, vector<16xi32>], vector<16xf32>,
      %broadcast_in_dim3A_1174 = arith.constant 3 : i32
      %broadcast_in_dim3A_1175 = vector.broadcast %broadcast_in_dim3A_1174 : i32 to vector<16xi32>
      %gather3A_1176 = tpu.vector_load_idx %arg16[%add3A_1134, %broadcast_in_dim3A_1175] : memref<80x16xf32, #tpu.memory_space<vmem>>[vector<16xi32>, vector<16xi32>], vector<16xf32>,
      %gather3A_1177 = tpu.vector_load_idx %arg18[%add3A_1134, %broadcast_in_dim3A_1175] : memref<80x16xf32, #tpu.memory_space<vmem>>[vector<16xi32>, vector<16xi32>], vector<16xf32>,
      %add3A_1178 = arith.addf %gather3A_1176, %gather3A_1177 : vector<16xf32>
      %ge3A_1179 = arith.constant 0.000000e+00 : f32
      %ge3A_1180 = vector.broadcast %ge3A_1179 : f32 to vector<16xf32>
      %ge3A_1181 = arith.cmpf oge, %add3A_1178, %ge3A_1180 : vector<16xf32>
      %mul3A_1182 = arith.constant 2.000000e-01 : f32
      %mul3A_1183 = vector.broadcast %mul3A_1182 : f32 to vector<16xf32>
      %mul3A_1184 = arith.mulf %mul3A_1183, %add3A_1178 : vector<16xf32>
      %select_n3A_1185 = arith.select %ge3A_1181, %add3A_1178, %mul3A_1184 : vector<16xi1>, vector<16xf32>
      %exp3A_1186 = math.exp %select_n3A_1185 : vector<16xf32>
      tpu.vector_store_idx %arg19[%add3A_1134, %broadcast_in_dim3A_1175], %exp3A_1186 : memref<80x16xf32, #tpu.memory_space<vmem>>[vector<16xi32>, vector<16xi32>], vector<16xf32>,
      %add3A_1187 = arith.constant 64 : i32
      %add3A_1188 = vector.broadcast %add3A_1187 : i32 to vector<16xi32>
      %add3A_1189 = arith.addi %add3A_1188, %iota3A : vector<16xi32>
      %broadcast_in_dim3A_1190 = arith.constant 0 : i32
      %broadcast_in_dim3A_1191 = vector.broadcast %broadcast_in_dim3A_1190 : i32 to vector<16xi32>
      %gather3A_1192 = tpu.vector_load_idx %arg16[%add3A_1189, %broadcast_in_dim3A_1191] : memref<80x16xf32, #tpu.memory_space<vmem>>[vector<16xi32>, vector<16xi32>], vector<16xf32>,
      %gather3A_1193 = tpu.vector_load_idx %arg18[%add3A_1189, %broadcast_in_dim3A_1191] : memref<80x16xf32, #tpu.memory_space<vmem>>[vector<16xi32>, vector<16xi32>], vector<16xf32>,
      %add3A_1194 = arith.addf %gather3A_1192, %gather3A_1193 : vector<16xf32>
      %ge3A_1195 = arith.constant 0.000000e+00 : f32
      %ge3A_1196 = vector.broadcast %ge3A_1195 : f32 to vector<16xf32>
      %ge3A_1197 = arith.cmpf oge, %add3A_1194, %ge3A_1196 : vector<16xf32>
      %mul3A_1198 = arith.constant 2.000000e-01 : f32
      %mul3A_1199 = vector.broadcast %mul3A_1198 : f32 to vector<16xf32>
      %mul3A_1200 = arith.mulf %mul3A_1199, %add3A_1194 : vector<16xf32>
      %select_n3A_1201 = arith.select %ge3A_1197, %add3A_1194, %mul3A_1200 : vector<16xi1>, vector<16xf32>
      %exp3A_1202 = math.exp %select_n3A_1201 : vector<16xf32>
      tpu.vector_store_idx %arg19[%add3A_1189, %broadcast_in_dim3A_1191], %exp3A_1202 : memref<80x16xf32, #tpu.memory_space<vmem>>[vector<16xi32>, vector<16xi32>], vector<16xf32>,
      %broadcast_in_dim3A_1203 = arith.constant 1 : i32
      %broadcast_in_dim3A_1204 = vector.broadcast %broadcast_in_dim3A_1203 : i32 to vector<16xi32>
      %gather3A_1205 = tpu.vector_load_idx %arg16[%add3A_1189, %broadcast_in_dim3A_1204] : memref<80x16xf32, #tpu.memory_space<vmem>>[vector<16xi32>, vector<16xi32>], vector<16xf32>,
      %gather3A_1206 = tpu.vector_load_idx %arg18[%add3A_1189, %broadcast_in_dim3A_1204] : memref<80x16xf32, #tpu.memory_space<vmem>>[vector<16xi32>, vector<16xi32>], vector<16xf32>,
      %add3A_1207 = arith.addf %gather3A_1205, %gather3A_1206 : vector<16xf32>
      %ge3A_1208 = arith.constant 0.000000e+00 : f32
      %ge3A_1209 = vector.broadcast %ge3A_1208 : f32 to vector<16xf32>
      %ge3A_1210 = arith.cmpf oge, %add3A_1207, %ge3A_1209 : vector<16xf32>
      %mul3A_1211 = arith.constant 2.000000e-01 : f32
      %mul3A_1212 = vector.broadcast %mul3A_1211 : f32 to vector<16xf32>
      %mul3A_1213 = arith.mulf %mul3A_1212, %add3A_1207 : vector<16xf32>
      %select_n3A_1214 = arith.select %ge3A_1210, %add3A_1207, %mul3A_1213 : vector<16xi1>, vector<16xf32>
      %exp3A_1215 = math.exp %select_n3A_1214 : vector<16xf32>
      tpu.vector_store_idx %arg19[%add3A_1189, %broadcast_in_dim3A_1204], %exp3A_1215 : memref<80x16xf32, #tpu.memory_space<vmem>>[vector<16xi32>, vector<16xi32>], vector<16xf32>,
      %broadcast_in_dim3A_1216 = arith.constant 2 : i32
      %broadcast_in_dim3A_1217 = vector.broadcast %broadcast_in_dim3A_1216 : i32 to vector<16xi32>
      %gather3A_1218 = tpu.vector_load_idx %arg16[%add3A_1189, %broadcast_in_dim3A_1217] : memref<80x16xf32, #tpu.memory_space<vmem>>[vector<16xi32>, vector<16xi32>], vector<16xf32>,
      %gather3A_1219 = tpu.vector_load_idx %arg18[%add3A_1189, %broadcast_in_dim3A_1217] : memref<80x16xf32, #tpu.memory_space<vmem>>[vector<16xi32>, vector<16xi32>], vector<16xf32>,
      %add3A_1220 = arith.addf %gather3A_1218, %gather3A_1219 : vector<16xf32>
      %ge3A_1221 = arith.constant 0.000000e+00 : f32
      %ge3A_1222 = vector.broadcast %ge3A_1221 : f32 to vector<16xf32>
      %ge3A_1223 = arith.cmpf oge, %add3A_1220, %ge3A_1222 : vector<16xf32>
      %mul3A_1224 = arith.constant 2.000000e-01 : f32
      %mul3A_1225 = vector.broadcast %mul3A_1224 : f32 to vector<16xf32>
      %mul3A_1226 = arith.mulf %mul3A_1225, %add3A_1220 : vector<16xf32>
      %select_n3A_1227 = arith.select %ge3A_1223, %add3A_1220, %mul3A_1226 : vector<16xi1>, vector<16xf32>
      %exp3A_1228 = math.exp %select_n3A_1227 : vector<16xf32>
      tpu.vector_store_idx %arg19[%add3A_1189, %broadcast_in_dim3A_1217], %exp3A_1228 : memref<80x16xf32, #tpu.memory_space<vmem>>[vector<16xi32>, vector<16xi32>], vector<16xf32>,
      %broadcast_in_dim3A_1229 = arith.constant 3 : i32
      %broadcast_in_dim3A_1230 = vector.broadcast %broadcast_in_dim3A_1229 : i32 to vector<16xi32>
      %gather3A_1231 = tpu.vector_load_idx %arg16[%add3A_1189, %broadcast_in_dim3A_1230] : memref<80x16xf32, #tpu.memory_space<vmem>>[vector<16xi32>, vector<16xi32>], vector<16xf32>,
      %gather3A_1232 = tpu.vector_load_idx %arg18[%add3A_1189, %broadcast_in_dim3A_1230] : memref<80x16xf32, #tpu.memory_space<vmem>>[vector<16xi32>, vector<16xi32>], vector<16xf32>,
      %add3A_1233 = arith.addf %gather3A_1231, %gather3A_1232 : vector<16xf32>
      %ge3A_1234 = arith.constant 0.000000e+00 : f32
      %ge3A_1235 = vector.broadcast %ge3A_1234 : f32 to vector<16xf32>
      %ge3A_1236 = arith.cmpf oge, %add3A_1233, %ge3A_1235 : vector<16xf32>
      %mul3A_1237 = arith.constant 2.000000e-01 : f32
      %mul3A_1238 = vector.broadcast %mul3A_1237 : f32 to vector<16xf32>
      %mul3A_1239 = arith.mulf %mul3A_1238, %add3A_1233 : vector<16xf32>
      %select_n3A_1240 = arith.select %ge3A_1236, %add3A_1233, %mul3A_1239 : vector<16xi1>, vector<16xf32>
      %exp3A_1241 = math.exp %select_n3A_1240 : vector<16xf32>
      tpu.vector_store_idx %arg19[%add3A_1189, %broadcast_in_dim3A_1230], %exp3A_1241 : memref<80x16xf32, #tpu.memory_space<vmem>>[vector<16xi32>, vector<16xi32>], vector<16xf32>,
      %parallel_loop3A_1242 = arith.constant 0 : i32
      %parallel_loop3A_1243 = arith.constant 80 : i32
      %parallel_loop3A_1244 = arith.constant 1 : i32
      scf.for %parallel_loop3A_1245 = %parallel_loop3A_1242 to %parallel_loop3A_1243 step %parallel_loop3A_1244  : i32 {
        %parallel_loop3A_1246 = vector.broadcast %parallel_loop3A_1245 : i32 to vector<16xi32>
        %parallel_loop3A_1247 = arith.index_cast %parallel_loop3A_1245 : i32 to index
        %parallel_loop3A_1248 = arith.constant 0 : index
        %parallel_loop3A_1249 = tpu.vector_load %arg19[%parallel_loop3A_1247, %parallel_loop3A_1248] {strides = array<i32>} : memref<80x16xf32, #tpu.memory_space<vmem>>, vector<16xf32>,
        %parallel_loop3A_1250 = arith.index_cast %parallel_loop3A_1245 : i32 to index
        %parallel_loop3A_1251 = arith.constant 128 : index
        %parallel_loop3A_1252 = tpu.vector_load %arg20[%parallel_loop3A_1250, %parallel_loop3A_1251] {strides = array<i32>} : memref<80x144xf32, #tpu.memory_space<vmem>>, vector<16xf32>,
        tpu.vector_store %arg20[%parallel_loop3A_1250, %parallel_loop3A_1251], %parallel_loop3A_1249 {strides = array<i32>} : memref<80x144xf32, #tpu.memory_space<vmem>>, vector<16xf32>,
        %parallel_loop3A_1253 = arith.constant 0 : i32
        %parallel_loop3A_1254 = vector.broadcast %parallel_loop3A_1253 : i32 to vector<16xi32>
        %parallel_loop3A_1255 = tpu.vector_load_idx %arg19[%parallel_loop3A_1246, %parallel_loop3A_1254] : memref<80x16xf32, #tpu.memory_space<vmem>>[vector<16xi32>, vector<16xi32>], vector<16xf32>,
        %parallel_loop3A_1256 = arith.index_cast %parallel_loop3A_1245 : i32 to index
        %parallel_loop3A_1257 = arith.constant 0 : index
        %parallel_loop3A_1258 = tpu.vector_load %arg14[%parallel_loop3A_1256, %parallel_loop3A_1257] {strides = array<i32>} : memref<80x128xf32, #tpu.memory_space<vmem>>, vector<16xf32>,
        %parallel_loop3A_1259 = arith.mulf %parallel_loop3A_1258, %parallel_loop3A_1255 : vector<16xf32>
        %parallel_loop3A_1260 = arith.index_cast %parallel_loop3A_1245 : i32 to index
        %parallel_loop3A_1261 = arith.constant 0 : index
        %parallel_loop3A_1262 = tpu.vector_load %arg20[%parallel_loop3A_1260, %parallel_loop3A_1261] {strides = array<i32>} : memref<80x144xf32, #tpu.memory_space<vmem>>, vector<16xf32>,
        tpu.vector_store %arg20[%parallel_loop3A_1260, %parallel_loop3A_1261], %parallel_loop3A_1259 {strides = array<i32>} : memref<80x144xf32, #tpu.memory_space<vmem>>, vector<16xf32>,
        %parallel_loop3A_1263 = arith.index_cast %parallel_loop3A_1245 : i32 to index
        %parallel_loop3A_1264 = arith.constant 16 : index
        %parallel_loop3A_1265 = tpu.vector_load %arg14[%parallel_loop3A_1263, %parallel_loop3A_1264] {strides = array<i32>} : memref<80x128xf32, #tpu.memory_space<vmem>>, vector<16xf32>,
        %parallel_loop3A_1266 = arith.mulf %parallel_loop3A_1265, %parallel_loop3A_1255 : vector<16xf32>
        %parallel_loop3A_1267 = arith.index_cast %parallel_loop3A_1245 : i32 to index
        %parallel_loop3A_1268 = arith.constant 16 : index
        %parallel_loop3A_1269 = tpu.vector_load %arg20[%parallel_loop3A_1267, %parallel_loop3A_1268] {strides = array<i32>} : memref<80x144xf32, #tpu.memory_space<vmem>>, vector<16xf32>,
        tpu.vector_store %arg20[%parallel_loop3A_1267, %parallel_loop3A_1268], %parallel_loop3A_1266 {strides = array<i32>} : memref<80x144xf32, #tpu.memory_space<vmem>>, vector<16xf32>,
        %parallel_loop3A_1270 = arith.constant 1 : i32
        %parallel_loop3A_1271 = vector.broadcast %parallel_loop3A_1270 : i32 to vector<16xi32>
        %parallel_loop3A_1272 = tpu.vector_load_idx %arg19[%parallel_loop3A_1246, %parallel_loop3A_1271] : memref<80x16xf32, #tpu.memory_space<vmem>>[vector<16xi32>, vector<16xi32>], vector<16xf32>,
        %parallel_loop3A_1273 = arith.index_cast %parallel_loop3A_1245 : i32 to index
        %parallel_loop3A_1274 = arith.constant 32 : index
        %parallel_loop3A_1275 = tpu.vector_load %arg14[%parallel_loop3A_1273, %parallel_loop3A_1274] {strides = array<i32>} : memref<80x128xf32, #tpu.memory_space<vmem>>, vector<16xf32>,
        %parallel_loop3A_1276 = arith.mulf %parallel_loop3A_1275, %parallel_loop3A_1272 : vector<16xf32>
        %parallel_loop3A_1277 = arith.index_cast %parallel_loop3A_1245 : i32 to index
        %parallel_loop3A_1278 = arith.constant 32 : index
        %parallel_loop3A_1279 = tpu.vector_load %arg20[%parallel_loop3A_1277, %parallel_loop3A_1278] {strides = array<i32>} : memref<80x144xf32, #tpu.memory_space<vmem>>, vector<16xf32>,
        tpu.vector_store %arg20[%parallel_loop3A_1277, %parallel_loop3A_1278], %parallel_loop3A_1276 {strides = array<i32>} : memref<80x144xf32, #tpu.memory_space<vmem>>, vector<16xf32>,
        %parallel_loop3A_1280 = arith.index_cast %parallel_loop3A_1245 : i32 to index
        %parallel_loop3A_1281 = arith.constant 48 : index
        %parallel_loop3A_1282 = tpu.vector_load %arg14[%parallel_loop3A_1280, %parallel_loop3A_1281] {strides = array<i32>} : memref<80x128xf32, #tpu.memory_space<vmem>>, vector<16xf32>,
        %parallel_loop3A_1283 = arith.mulf %parallel_loop3A_1282, %parallel_loop3A_1272 : vector<16xf32>
        %parallel_loop3A_1284 = arith.index_cast %parallel_loop3A_1245 : i32 to index
        %parallel_loop3A_1285 = arith.constant 48 : index
        %parallel_loop3A_1286 = tpu.vector_load %arg20[%parallel_loop3A_1284, %parallel_loop3A_1285] {strides = array<i32>} : memref<80x144xf32, #tpu.memory_space<vmem>>, vector<16xf32>,
        tpu.vector_store %arg20[%parallel_loop3A_1284, %parallel_loop3A_1285], %parallel_loop3A_1283 {strides = array<i32>} : memref<80x144xf32, #tpu.memory_space<vmem>>, vector<16xf32>,
        %parallel_loop3A_1287 = arith.constant 2 : i32
        %parallel_loop3A_1288 = vector.broadcast %parallel_loop3A_1287 : i32 to vector<16xi32>
        %parallel_loop3A_1289 = tpu.vector_load_idx %arg19[%parallel_loop3A_1246, %parallel_loop3A_1288] : memref<80x16xf32, #tpu.memory_space<vmem>>[vector<16xi32>, vector<16xi32>], vector<16xf32>,
        %parallel_loop3A_1290 = arith.index_cast %parallel_loop3A_1245 : i32 to index
        %parallel_loop3A_1291 = arith.constant 64 : index
        %parallel_loop3A_1292 = tpu.vector_load %arg14[%parallel_loop3A_1290, %parallel_loop3A_1291] {strides = array<i32>} : memref<80x128xf32, #tpu.memory_space<vmem>>, vector<16xf32>,
        %parallel_loop3A_1293 = arith.mulf %parallel_loop3A_1292, %parallel_loop3A_1289 : vector<16xf32>
        %parallel_loop3A_1294 = arith.index_cast %parallel_loop3A_1245 : i32 to index
        %parallel_loop3A_1295 = arith.constant 64 : index
        %parallel_loop3A_1296 = tpu.vector_load %arg20[%parallel_loop3A_1294, %parallel_loop3A_1295] {strides = array<i32>} : memref<80x144xf32, #tpu.memory_space<vmem>>, vector<16xf32>,
        tpu.vector_store %arg20[%parallel_loop3A_1294, %parallel_loop3A_1295], %parallel_loop3A_1293 {strides = array<i32>} : memref<80x144xf32, #tpu.memory_space<vmem>>, vector<16xf32>,
        %parallel_loop3A_1297 = arith.index_cast %parallel_loop3A_1245 : i32 to index
        %parallel_loop3A_1298 = arith.constant 80 : index
        %parallel_loop3A_1299 = tpu.vector_load %arg14[%parallel_loop3A_1297, %parallel_loop3A_1298] {strides = array<i32>} : memref<80x128xf32, #tpu.memory_space<vmem>>, vector<16xf32>,
        %parallel_loop3A_1300 = arith.mulf %parallel_loop3A_1299, %parallel_loop3A_1289 : vector<16xf32>
        %parallel_loop3A_1301 = arith.index_cast %parallel_loop3A_1245 : i32 to index
        %parallel_loop3A_1302 = arith.constant 80 : index
        %parallel_loop3A_1303 = tpu.vector_load %arg20[%parallel_loop3A_1301, %parallel_loop3A_1302] {strides = array<i32>} : memref<80x144xf32, #tpu.memory_space<vmem>>, vector<16xf32>,
        tpu.vector_store %arg20[%parallel_loop3A_1301, %parallel_loop3A_1302], %parallel_loop3A_1300 {strides = array<i32>} : memref<80x144xf32, #tpu.memory_space<vmem>>, vector<16xf32>,
        %parallel_loop3A_1304 = arith.constant 3 : i32
        %parallel_loop3A_1305 = vector.broadcast %parallel_loop3A_1304 : i32 to vector<16xi32>
        %parallel_loop3A_1306 = tpu.vector_load_idx %arg19[%parallel_loop3A_1246, %parallel_loop3A_1305] : memref<80x16xf32, #tpu.memory_space<vmem>>[vector<16xi32>, vector<16xi32>], vector<16xf32>,
        %parallel_loop3A_1307 = arith.index_cast %parallel_loop3A_1245 : i32 to index
        %parallel_loop3A_1308 = arith.constant 96 : index
        %parallel_loop3A_1309 = tpu.vector_load %arg14[%parallel_loop3A_1307, %parallel_loop3A_1308] {strides = array<i32>} : memref<80x128xf32, #tpu.memory_space<vmem>>, vector<16xf32>,
        %parallel_loop3A_1310 = arith.mulf %parallel_loop3A_1309, %parallel_loop3A_1306 : vector<16xf32>
        %parallel_loop3A_1311 = arith.index_cast %parallel_loop3A_1245 : i32 to index
        %parallel_loop3A_1312 = arith.constant 96 : index
        %parallel_loop3A_1313 = tpu.vector_load %arg20[%parallel_loop3A_1311, %parallel_loop3A_1312] {strides = array<i32>} : memref<80x144xf32, #tpu.memory_space<vmem>>, vector<16xf32>,
        tpu.vector_store %arg20[%parallel_loop3A_1311, %parallel_loop3A_1312], %parallel_loop3A_1310 {strides = array<i32>} : memref<80x144xf32, #tpu.memory_space<vmem>>, vector<16xf32>,
        %parallel_loop3A_1314 = arith.index_cast %parallel_loop3A_1245 : i32 to index
        %parallel_loop3A_1315 = arith.constant 112 : index
        %parallel_loop3A_1316 = tpu.vector_load %arg14[%parallel_loop3A_1314, %parallel_loop3A_1315] {strides = array<i32>} : memref<80x128xf32, #tpu.memory_space<vmem>>, vector<16xf32>,
        %parallel_loop3A_1317 = arith.mulf %parallel_loop3A_1316, %parallel_loop3A_1306 : vector<16xf32>
        %parallel_loop3A_1318 = arith.index_cast %parallel_loop3A_1245 : i32 to index
        %parallel_loop3A_1319 = arith.constant 112 : index
        %parallel_loop3A_1320 = tpu.vector_load %arg20[%parallel_loop3A_1318, %parallel_loop3A_1319] {strides = array<i32>} : memref<80x144xf32, #tpu.memory_space<vmem>>, vector<16xf32>,
        tpu.vector_store %arg20[%parallel_loop3A_1318, %parallel_loop3A_1319], %parallel_loop3A_1317 {strides = array<i32>} : memref<80x144xf32, #tpu.memory_space<vmem>>, vector<16xf32>,
      } {sc.loop_unroll_factor = 8 : i64, sc.parallel_access}
      "tpu.region"() ({
        %run_scoped3A = tpu.sem_alloc : memref<!tpu.dma_semaphore, #tpu.memory_space<semaphore_mem>>
        %dma_start3A_1245 = arith.constant 0 : i32
        %dma_start3A_1246 = arith.constant 0 : i32
        %dma_start3A_1247 = tpu.memref_slice %arg8[%dma_start3A_1245, %dma_start3A_1246] : memref<10112x144xf32, #tpu.memory_space<vmem_shared>> -> memref<10112x144xf32, #tpu.memory_space<vmem_shared>>
        tpu.enqueue_indirect_dma source(%arg20 : memref<80x144xf32, #tpu.memory_space<vmem>>) target(%dma_start3A_1247 : memref<10112x144xf32, #tpu.memory_space<vmem_shared>>) offsets(%arg12 : memref<80xi32, #tpu.memory_space<vmem>>) semaphore(%run_scoped3A : memref<!tpu.dma_semaphore, #tpu.memory_space<semaphore_mem>>) {add = true}
        %dma_wait3A_1248 = arith.constant 0 : i32
        %dma_wait3A_1249 = arith.constant 0 : i32
        %dma_wait3A_1250 = tpu.memref_slice %arg8[%dma_wait3A_1248, %dma_wait3A_1249] : memref<10112x144xf32, #tpu.memory_space<vmem_shared>> -> memref<10112x144xf32, #tpu.memory_space<vmem_shared>>
        tpu.wait_indirect_dma semaphore(%run_scoped3A : memref<!tpu.dma_semaphore, #tpu.memory_space<semaphore_mem>>) src(%arg20 : memref<80x144xf32, #tpu.memory_space<vmem>>) dst(%dma_wait3A_1250 : memref<10112x144xf32, #tpu.memory_space<vmem_shared>>)
        tpu.yield
      }) : () -> ()
    }
    %scan3A_343 = arith.constant 62 : i32
    %dma_wait3A = arith.constant 0 : i32
    %dma_wait3A_344 = arith.constant 0 : i32
    %dma_wait3A_345 = tpu.memref_slice %arg2[%dma_wait3A, %dma_wait3A_344] : memref<10000x128xf32, #tpu.memory_space<hbm>> -> memref<10000x128xf32, #tpu.memory_space<hbm>>
    tpu.wait_indirect_dma semaphore(%arg21 : memref<!tpu.dma_semaphore, #tpu.memory_space<semaphore_mem>>) src(%dma_wait3A_345 : memref<10000x128xf32, #tpu.memory_space<hbm>>) dst(%arg13 : memref<80x128xf32, #tpu.memory_space<vmem>>)
    %dma_wait3A_346 = arith.constant 0 : i32
    %dma_wait3A_347 = arith.constant 0 : i32
    %dma_wait3A_348 = tpu.memref_slice %arg3[%dma_wait3A_346, %dma_wait3A_347] : memref<10000x16xf32, #tpu.memory_space<hbm>> -> memref<10000x16xf32, #tpu.memory_space<hbm>>
    tpu.wait_indirect_dma semaphore(%arg22 : memref<!tpu.dma_semaphore, #tpu.memory_space<semaphore_mem>>) src(%dma_wait3A_348 : memref<10000x16xf32, #tpu.memory_space<hbm>>) dst(%arg15 : memref<80x16xf32, #tpu.memory_space<vmem>>)
    %dma_wait3A_349 = arith.constant 0 : i32
    %dma_wait3A_350 = arith.constant 0 : i32
    %dma_wait3A_351 = tpu.memref_slice %arg4[%dma_wait3A_349, %dma_wait3A_350] : memref<10000x16xf32, #tpu.memory_space<hbm>> -> memref<10000x16xf32, #tpu.memory_space<hbm>>
    tpu.wait_indirect_dma semaphore(%arg23 : memref<!tpu.dma_semaphore, #tpu.memory_space<semaphore_mem>>) src(%dma_wait3A_351 : memref<10000x16xf32, #tpu.memory_space<hbm>>) dst(%arg17 : memref<80x16xf32, #tpu.memory_space<vmem>>)
    %add3A_352 = arith.constant 0 : i32
    %add3A_353 = vector.broadcast %add3A_352 : i32 to vector<16xi32>
    %add3A_354 = arith.addi %add3A_353, %iota3A : vector<16xi32>
    %broadcast_in_dim3A_355 = arith.constant 0 : i32
    %broadcast_in_dim3A_356 = vector.broadcast %broadcast_in_dim3A_355 : i32 to vector<16xi32>
    %gather3A = tpu.vector_load_idx %arg15[%add3A_354, %broadcast_in_dim3A_356] : memref<80x16xf32, #tpu.memory_space<vmem>>[vector<16xi32>, vector<16xi32>], vector<16xf32>,
    %gather3A_357 = tpu.vector_load_idx %arg17[%add3A_354, %broadcast_in_dim3A_356] : memref<80x16xf32, #tpu.memory_space<vmem>>[vector<16xi32>, vector<16xi32>], vector<16xf32>,
    %add3A_358 = arith.addf %gather3A, %gather3A_357 : vector<16xf32>
    %ge3A = arith.constant 0.000000e+00 : f32
    %ge3A_359 = vector.broadcast %ge3A : f32 to vector<16xf32>
    %ge3A_360 = arith.cmpf oge, %add3A_358, %ge3A_359 : vector<16xf32>
    %mul3A_361 = arith.constant 2.000000e-01 : f32
    %mul3A_362 = vector.broadcast %mul3A_361 : f32 to vector<16xf32>
    %mul3A_363 = arith.mulf %mul3A_362, %add3A_358 : vector<16xf32>
    %select_n3A = arith.select %ge3A_360, %add3A_358, %mul3A_363 : vector<16xi1>, vector<16xf32>
    %exp3A = math.exp %select_n3A : vector<16xf32>
    tpu.vector_store_idx %arg19[%add3A_354, %broadcast_in_dim3A_356], %exp3A : memref<80x16xf32, #tpu.memory_space<vmem>>[vector<16xi32>, vector<16xi32>], vector<16xf32>,
    %broadcast_in_dim3A_364 = arith.constant 1 : i32
    %broadcast_in_dim3A_365 = vector.broadcast %broadcast_in_dim3A_364 : i32 to vector<16xi32>
    %gather3A_366 = tpu.vector_load_idx %arg15[%add3A_354, %broadcast_in_dim3A_365] : memref<80x16xf32, #tpu.memory_space<vmem>>[vector<16xi32>, vector<16xi32>], vector<16xf32>,
    %gather3A_367 = tpu.vector_load_idx %arg17[%add3A_354, %broadcast_in_dim3A_365] : memref<80x16xf32, #tpu.memory_space<vmem>>[vector<16xi32>, vector<16xi32>], vector<16xf32>,
    %add3A_368 = arith.addf %gather3A_366, %gather3A_367 : vector<16xf32>
    %ge3A_369 = arith.constant 0.000000e+00 : f32
    %ge3A_370 = vector.broadcast %ge3A_369 : f32 to vector<16xf32>
    %ge3A_371 = arith.cmpf oge, %add3A_368, %ge3A_370 : vector<16xf32>
    %mul3A_372 = arith.constant 2.000000e-01 : f32
    %mul3A_373 = vector.broadcast %mul3A_372 : f32 to vector<16xf32>
    %mul3A_374 = arith.mulf %mul3A_373, %add3A_368 : vector<16xf32>
    %select_n3A_375 = arith.select %ge3A_371, %add3A_368, %mul3A_374 : vector<16xi1>, vector<16xf32>
    %exp3A_376 = math.exp %select_n3A_375 : vector<16xf32>
    tpu.vector_store_idx %arg19[%add3A_354, %broadcast_in_dim3A_365], %exp3A_376 : memref<80x16xf32, #tpu.memory_space<vmem>>[vector<16xi32>, vector<16xi32>], vector<16xf32>,
    %broadcast_in_dim3A_377 = arith.constant 2 : i32
    %broadcast_in_dim3A_378 = vector.broadcast %broadcast_in_dim3A_377 : i32 to vector<16xi32>
    %gather3A_379 = tpu.vector_load_idx %arg15[%add3A_354, %broadcast_in_dim3A_378] : memref<80x16xf32, #tpu.memory_space<vmem>>[vector<16xi32>, vector<16xi32>], vector<16xf32>,
    %gather3A_380 = tpu.vector_load_idx %arg17[%add3A_354, %broadcast_in_dim3A_378] : memref<80x16xf32, #tpu.memory_space<vmem>>[vector<16xi32>, vector<16xi32>], vector<16xf32>,
    %add3A_381 = arith.addf %gather3A_379, %gather3A_380 : vector<16xf32>
    %ge3A_382 = arith.constant 0.000000e+00 : f32
    %ge3A_383 = vector.broadcast %ge3A_382 : f32 to vector<16xf32>
    %ge3A_384 = arith.cmpf oge, %add3A_381, %ge3A_383 : vector<16xf32>
    %mul3A_385 = arith.constant 2.000000e-01 : f32
    %mul3A_386 = vector.broadcast %mul3A_385 : f32 to vector<16xf32>
    %mul3A_387 = arith.mulf %mul3A_386, %add3A_381 : vector<16xf32>
    %select_n3A_388 = arith.select %ge3A_384, %add3A_381, %mul3A_387 : vector<16xi1>, vector<16xf32>
    %exp3A_389 = math.exp %select_n3A_388 : vector<16xf32>
    tpu.vector_store_idx %arg19[%add3A_354, %broadcast_in_dim3A_378], %exp3A_389 : memref<80x16xf32, #tpu.memory_space<vmem>>[vector<16xi32>, vector<16xi32>], vector<16xf32>,
    %broadcast_in_dim3A_390 = arith.constant 3 : i32
    %broadcast_in_dim3A_391 = vector.broadcast %broadcast_in_dim3A_390 : i32 to vector<16xi32>
    %gather3A_392 = tpu.vector_load_idx %arg15[%add3A_354, %broadcast_in_dim3A_391] : memref<80x16xf32, #tpu.memory_space<vmem>>[vector<16xi32>, vector<16xi32>], vector<16xf32>,
    %gather3A_393 = tpu.vector_load_idx %arg17[%add3A_354, %broadcast_in_dim3A_391] : memref<80x16xf32, #tpu.memory_space<vmem>>[vector<16xi32>, vector<16xi32>], vector<16xf32>,
    %add3A_394 = arith.addf %gather3A_392, %gather3A_393 : vector<16xf32>
    %ge3A_395 = arith.constant 0.000000e+00 : f32
    %ge3A_396 = vector.broadcast %ge3A_395 : f32 to vector<16xf32>
    %ge3A_397 = arith.cmpf oge, %add3A_394, %ge3A_396 : vector<16xf32>
    %mul3A_398 = arith.constant 2.000000e-01 : f32
    %mul3A_399 = vector.broadcast %mul3A_398 : f32 to vector<16xf32>
    %mul3A_400 = arith.mulf %mul3A_399, %add3A_394 : vector<16xf32>
    %select_n3A_401 = arith.select %ge3A_397, %add3A_394, %mul3A_400 : vector<16xi1>, vector<16xf32>
    %exp3A_402 = math.exp %select_n3A_401 : vector<16xf32>
    tpu.vector_store_idx %arg19[%add3A_354, %broadcast_in_dim3A_391], %exp3A_402 : memref<80x16xf32, #tpu.memory_space<vmem>>[vector<16xi32>, vector<16xi32>], vector<16xf32>,
    %add3A_403 = arith.constant 16 : i32
    %add3A_404 = vector.broadcast %add3A_403 : i32 to vector<16xi32>
    %add3A_405 = arith.addi %add3A_404, %iota3A : vector<16xi32>
    %broadcast_in_dim3A_406 = arith.constant 0 : i32
    %broadcast_in_dim3A_407 = vector.broadcast %broadcast_in_dim3A_406 : i32 to vector<16xi32>
    %gather3A_408 = tpu.vector_load_idx %arg15[%add3A_405, %broadcast_in_dim3A_407] : memref<80x16xf32, #tpu.memory_space<vmem>>[vector<16xi32>, vector<16xi32>], vector<16xf32>,
    %gather3A_409 = tpu.vector_load_idx %arg17[%add3A_405, %broadcast_in_dim3A_407] : memref<80x16xf32, #tpu.memory_space<vmem>>[vector<16xi32>, vector<16xi32>], vector<16xf32>,
    %add3A_410 = arith.addf %gather3A_408, %gather3A_409 : vector<16xf32>
    %ge3A_411 = arith.constant 0.000000e+00 : f32
    %ge3A_412 = vector.broadcast %ge3A_411 : f32 to vector<16xf32>
    %ge3A_413 = arith.cmpf oge, %add3A_410, %ge3A_412 : vector<16xf32>
    %mul3A_414 = arith.constant 2.000000e-01 : f32
    %mul3A_415 = vector.broadcast %mul3A_414 : f32 to vector<16xf32>
    %mul3A_416 = arith.mulf %mul3A_415, %add3A_410 : vector<16xf32>
    %select_n3A_417 = arith.select %ge3A_413, %add3A_410, %mul3A_416 : vector<16xi1>, vector<16xf32>
    %exp3A_418 = math.exp %select_n3A_417 : vector<16xf32>
    tpu.vector_store_idx %arg19[%add3A_405, %broadcast_in_dim3A_407], %exp3A_418 : memref<80x16xf32, #tpu.memory_space<vmem>>[vector<16xi32>, vector<16xi32>], vector<16xf32>,
    %broadcast_in_dim3A_419 = arith.constant 1 : i32
    %broadcast_in_dim3A_420 = vector.broadcast %broadcast_in_dim3A_419 : i32 to vector<16xi32>
    %gather3A_421 = tpu.vector_load_idx %arg15[%add3A_405, %broadcast_in_dim3A_420] : memref<80x16xf32, #tpu.memory_space<vmem>>[vector<16xi32>, vector<16xi32>], vector<16xf32>,
    %gather3A_422 = tpu.vector_load_idx %arg17[%add3A_405, %broadcast_in_dim3A_420] : memref<80x16xf32, #tpu.memory_space<vmem>>[vector<16xi32>, vector<16xi32>], vector<16xf32>,
    %add3A_423 = arith.addf %gather3A_421, %gather3A_422 : vector<16xf32>
    %ge3A_424 = arith.constant 0.000000e+00 : f32
    %ge3A_425 = vector.broadcast %ge3A_424 : f32 to vector<16xf32>
    %ge3A_426 = arith.cmpf oge, %add3A_423, %ge3A_425 : vector<16xf32>
    %mul3A_427 = arith.constant 2.000000e-01 : f32
    %mul3A_428 = vector.broadcast %mul3A_427 : f32 to vector<16xf32>
    %mul3A_429 = arith.mulf %mul3A_428, %add3A_423 : vector<16xf32>
    %select_n3A_430 = arith.select %ge3A_426, %add3A_423, %mul3A_429 : vector<16xi1>, vector<16xf32>
    %exp3A_431 = math.exp %select_n3A_430 : vector<16xf32>
    tpu.vector_store_idx %arg19[%add3A_405, %broadcast_in_dim3A_420], %exp3A_431 : memref<80x16xf32, #tpu.memory_space<vmem>>[vector<16xi32>, vector<16xi32>], vector<16xf32>,
    %broadcast_in_dim3A_432 = arith.constant 2 : i32
    %broadcast_in_dim3A_433 = vector.broadcast %broadcast_in_dim3A_432 : i32 to vector<16xi32>
    %gather3A_434 = tpu.vector_load_idx %arg15[%add3A_405, %broadcast_in_dim3A_433] : memref<80x16xf32, #tpu.memory_space<vmem>>[vector<16xi32>, vector<16xi32>], vector<16xf32>,
    %gather3A_435 = tpu.vector_load_idx %arg17[%add3A_405, %broadcast_in_dim3A_433] : memref<80x16xf32, #tpu.memory_space<vmem>>[vector<16xi32>, vector<16xi32>], vector<16xf32>,
    %add3A_436 = arith.addf %gather3A_434, %gather3A_435 : vector<16xf32>
    %ge3A_437 = arith.constant 0.000000e+00 : f32
    %ge3A_438 = vector.broadcast %ge3A_437 : f32 to vector<16xf32>
    %ge3A_439 = arith.cmpf oge, %add3A_436, %ge3A_438 : vector<16xf32>
    %mul3A_440 = arith.constant 2.000000e-01 : f32
    %mul3A_441 = vector.broadcast %mul3A_440 : f32 to vector<16xf32>
    %mul3A_442 = arith.mulf %mul3A_441, %add3A_436 : vector<16xf32>
    %select_n3A_443 = arith.select %ge3A_439, %add3A_436, %mul3A_442 : vector<16xi1>, vector<16xf32>
    %exp3A_444 = math.exp %select_n3A_443 : vector<16xf32>
    tpu.vector_store_idx %arg19[%add3A_405, %broadcast_in_dim3A_433], %exp3A_444 : memref<80x16xf32, #tpu.memory_space<vmem>>[vector<16xi32>, vector<16xi32>], vector<16xf32>,
    %broadcast_in_dim3A_445 = arith.constant 3 : i32
    %broadcast_in_dim3A_446 = vector.broadcast %broadcast_in_dim3A_445 : i32 to vector<16xi32>
    %gather3A_447 = tpu.vector_load_idx %arg15[%add3A_405, %broadcast_in_dim3A_446] : memref<80x16xf32, #tpu.memory_space<vmem>>[vector<16xi32>, vector<16xi32>], vector<16xf32>,
    %gather3A_448 = tpu.vector_load_idx %arg17[%add3A_405, %broadcast_in_dim3A_446] : memref<80x16xf32, #tpu.memory_space<vmem>>[vector<16xi32>, vector<16xi32>], vector<16xf32>,
    %add3A_449 = arith.addf %gather3A_447, %gather3A_448 : vector<16xf32>
    %ge3A_450 = arith.constant 0.000000e+00 : f32
    %ge3A_451 = vector.broadcast %ge3A_450 : f32 to vector<16xf32>
    %ge3A_452 = arith.cmpf oge, %add3A_449, %ge3A_451 : vector<16xf32>
    %mul3A_453 = arith.constant 2.000000e-01 : f32
    %mul3A_454 = vector.broadcast %mul3A_453 : f32 to vector<16xf32>
    %mul3A_455 = arith.mulf %mul3A_454, %add3A_449 : vector<16xf32>
    %select_n3A_456 = arith.select %ge3A_452, %add3A_449, %mul3A_455 : vector<16xi1>, vector<16xf32>
    %exp3A_457 = math.exp %select_n3A_456 : vector<16xf32>
    tpu.vector_store_idx %arg19[%add3A_405, %broadcast_in_dim3A_446], %exp3A_457 : memref<80x16xf32, #tpu.memory_space<vmem>>[vector<16xi32>, vector<16xi32>], vector<16xf32>,
    %add3A_458 = arith.constant 32 : i32
    %add3A_459 = vector.broadcast %add3A_458 : i32 to vector<16xi32>
    %add3A_460 = arith.addi %add3A_459, %iota3A : vector<16xi32>
    %broadcast_in_dim3A_461 = arith.constant 0 : i32
    %broadcast_in_dim3A_462 = vector.broadcast %broadcast_in_dim3A_461 : i32 to vector<16xi32>
    %gather3A_463 = tpu.vector_load_idx %arg15[%add3A_460, %broadcast_in_dim3A_462] : memref<80x16xf32, #tpu.memory_space<vmem>>[vector<16xi32>, vector<16xi32>], vector<16xf32>,
    %gather3A_464 = tpu.vector_load_idx %arg17[%add3A_460, %broadcast_in_dim3A_462] : memref<80x16xf32, #tpu.memory_space<vmem>>[vector<16xi32>, vector<16xi32>], vector<16xf32>,
    %add3A_465 = arith.addf %gather3A_463, %gather3A_464 : vector<16xf32>
    %ge3A_466 = arith.constant 0.000000e+00 : f32
    %ge3A_467 = vector.broadcast %ge3A_466 : f32 to vector<16xf32>
    %ge3A_468 = arith.cmpf oge, %add3A_465, %ge3A_467 : vector<16xf32>
    %mul3A_469 = arith.constant 2.000000e-01 : f32
    %mul3A_470 = vector.broadcast %mul3A_469 : f32 to vector<16xf32>
    %mul3A_471 = arith.mulf %mul3A_470, %add3A_465 : vector<16xf32>
    %select_n3A_472 = arith.select %ge3A_468, %add3A_465, %mul3A_471 : vector<16xi1>, vector<16xf32>
    %exp3A_473 = math.exp %select_n3A_472 : vector<16xf32>
    tpu.vector_store_idx %arg19[%add3A_460, %broadcast_in_dim3A_462], %exp3A_473 : memref<80x16xf32, #tpu.memory_space<vmem>>[vector<16xi32>, vector<16xi32>], vector<16xf32>,
    %broadcast_in_dim3A_474 = arith.constant 1 : i32
    %broadcast_in_dim3A_475 = vector.broadcast %broadcast_in_dim3A_474 : i32 to vector<16xi32>
    %gather3A_476 = tpu.vector_load_idx %arg15[%add3A_460, %broadcast_in_dim3A_475] : memref<80x16xf32, #tpu.memory_space<vmem>>[vector<16xi32>, vector<16xi32>], vector<16xf32>,
    %gather3A_477 = tpu.vector_load_idx %arg17[%add3A_460, %broadcast_in_dim3A_475] : memref<80x16xf32, #tpu.memory_space<vmem>>[vector<16xi32>, vector<16xi32>], vector<16xf32>,
    %add3A_478 = arith.addf %gather3A_476, %gather3A_477 : vector<16xf32>
    %ge3A_479 = arith.constant 0.000000e+00 : f32
    %ge3A_480 = vector.broadcast %ge3A_479 : f32 to vector<16xf32>
    %ge3A_481 = arith.cmpf oge, %add3A_478, %ge3A_480 : vector<16xf32>
    %mul3A_482 = arith.constant 2.000000e-01 : f32
    %mul3A_483 = vector.broadcast %mul3A_482 : f32 to vector<16xf32>
    %mul3A_484 = arith.mulf %mul3A_483, %add3A_478 : vector<16xf32>
    %select_n3A_485 = arith.select %ge3A_481, %add3A_478, %mul3A_484 : vector<16xi1>, vector<16xf32>
    %exp3A_486 = math.exp %select_n3A_485 : vector<16xf32>
    tpu.vector_store_idx %arg19[%add3A_460, %broadcast_in_dim3A_475], %exp3A_486 : memref<80x16xf32, #tpu.memory_space<vmem>>[vector<16xi32>, vector<16xi32>], vector<16xf32>,
    %broadcast_in_dim3A_487 = arith.constant 2 : i32
    %broadcast_in_dim3A_488 = vector.broadcast %broadcast_in_dim3A_487 : i32 to vector<16xi32>
    %gather3A_489 = tpu.vector_load_idx %arg15[%add3A_460, %broadcast_in_dim3A_488] : memref<80x16xf32, #tpu.memory_space<vmem>>[vector<16xi32>, vector<16xi32>], vector<16xf32>,
    %gather3A_490 = tpu.vector_load_idx %arg17[%add3A_460, %broadcast_in_dim3A_488] : memref<80x16xf32, #tpu.memory_space<vmem>>[vector<16xi32>, vector<16xi32>], vector<16xf32>,
    %add3A_491 = arith.addf %gather3A_489, %gather3A_490 : vector<16xf32>
    %ge3A_492 = arith.constant 0.000000e+00 : f32
    %ge3A_493 = vector.broadcast %ge3A_492 : f32 to vector<16xf32>
    %ge3A_494 = arith.cmpf oge, %add3A_491, %ge3A_493 : vector<16xf32>
    %mul3A_495 = arith.constant 2.000000e-01 : f32
    %mul3A_496 = vector.broadcast %mul3A_495 : f32 to vector<16xf32>
    %mul3A_497 = arith.mulf %mul3A_496, %add3A_491 : vector<16xf32>
    %select_n3A_498 = arith.select %ge3A_494, %add3A_491, %mul3A_497 : vector<16xi1>, vector<16xf32>
    %exp3A_499 = math.exp %select_n3A_498 : vector<16xf32>
    tpu.vector_store_idx %arg19[%add3A_460, %broadcast_in_dim3A_488], %exp3A_499 : memref<80x16xf32, #tpu.memory_space<vmem>>[vector<16xi32>, vector<16xi32>], vector<16xf32>,
    %broadcast_in_dim3A_500 = arith.constant 3 : i32
    %broadcast_in_dim3A_501 = vector.broadcast %broadcast_in_dim3A_500 : i32 to vector<16xi32>
    %gather3A_502 = tpu.vector_load_idx %arg15[%add3A_460, %broadcast_in_dim3A_501] : memref<80x16xf32, #tpu.memory_space<vmem>>[vector<16xi32>, vector<16xi32>], vector<16xf32>,
    %gather3A_503 = tpu.vector_load_idx %arg17[%add3A_460, %broadcast_in_dim3A_501] : memref<80x16xf32, #tpu.memory_space<vmem>>[vector<16xi32>, vector<16xi32>], vector<16xf32>,
    %add3A_504 = arith.addf %gather3A_502, %gather3A_503 : vector<16xf32>
    %ge3A_505 = arith.constant 0.000000e+00 : f32
    %ge3A_506 = vector.broadcast %ge3A_505 : f32 to vector<16xf32>
    %ge3A_507 = arith.cmpf oge, %add3A_504, %ge3A_506 : vector<16xf32>
    %mul3A_508 = arith.constant 2.000000e-01 : f32
    %mul3A_509 = vector.broadcast %mul3A_508 : f32 to vector<16xf32>
    %mul3A_510 = arith.mulf %mul3A_509, %add3A_504 : vector<16xf32>
    %select_n3A_511 = arith.select %ge3A_507, %add3A_504, %mul3A_510 : vector<16xi1>, vector<16xf32>
    %exp3A_512 = math.exp %select_n3A_511 : vector<16xf32>
    tpu.vector_store_idx %arg19[%add3A_460, %broadcast_in_dim3A_501], %exp3A_512 : memref<80x16xf32, #tpu.memory_space<vmem>>[vector<16xi32>, vector<16xi32>], vector<16xf32>,
    %add3A_513 = arith.constant 48 : i32
    %add3A_514 = vector.broadcast %add3A_513 : i32 to vector<16xi32>
    %add3A_515 = arith.addi %add3A_514, %iota3A : vector<16xi32>
    %broadcast_in_dim3A_516 = arith.constant 0 : i32
    %broadcast_in_dim3A_517 = vector.broadcast %broadcast_in_dim3A_516 : i32 to vector<16xi32>
    %gather3A_518 = tpu.vector_load_idx %arg15[%add3A_515, %broadcast_in_dim3A_517] : memref<80x16xf32, #tpu.memory_space<vmem>>[vector<16xi32>, vector<16xi32>], vector<16xf32>,
    %gather3A_519 = tpu.vector_load_idx %arg17[%add3A_515, %broadcast_in_dim3A_517] : memref<80x16xf32, #tpu.memory_space<vmem>>[vector<16xi32>, vector<16xi32>], vector<16xf32>,
    %add3A_520 = arith.addf %gather3A_518, %gather3A_519 : vector<16xf32>
    %ge3A_521 = arith.constant 0.000000e+00 : f32
    %ge3A_522 = vector.broadcast %ge3A_521 : f32 to vector<16xf32>
    %ge3A_523 = arith.cmpf oge, %add3A_520, %ge3A_522 : vector<16xf32>
    %mul3A_524 = arith.constant 2.000000e-01 : f32
    %mul3A_525 = vector.broadcast %mul3A_524 : f32 to vector<16xf32>
    %mul3A_526 = arith.mulf %mul3A_525, %add3A_520 : vector<16xf32>
    %select_n3A_527 = arith.select %ge3A_523, %add3A_520, %mul3A_526 : vector<16xi1>, vector<16xf32>
    %exp3A_528 = math.exp %select_n3A_527 : vector<16xf32>
    tpu.vector_store_idx %arg19[%add3A_515, %broadcast_in_dim3A_517], %exp3A_528 : memref<80x16xf32, #tpu.memory_space<vmem>>[vector<16xi32>, vector<16xi32>], vector<16xf32>,
    %broadcast_in_dim3A_529 = arith.constant 1 : i32
    %broadcast_in_dim3A_530 = vector.broadcast %broadcast_in_dim3A_529 : i32 to vector<16xi32>
    %gather3A_531 = tpu.vector_load_idx %arg15[%add3A_515, %broadcast_in_dim3A_530] : memref<80x16xf32, #tpu.memory_space<vmem>>[vector<16xi32>, vector<16xi32>], vector<16xf32>,
    %gather3A_532 = tpu.vector_load_idx %arg17[%add3A_515, %broadcast_in_dim3A_530] : memref<80x16xf32, #tpu.memory_space<vmem>>[vector<16xi32>, vector<16xi32>], vector<16xf32>,
    %add3A_533 = arith.addf %gather3A_531, %gather3A_532 : vector<16xf32>
    %ge3A_534 = arith.constant 0.000000e+00 : f32
    %ge3A_535 = vector.broadcast %ge3A_534 : f32 to vector<16xf32>
    %ge3A_536 = arith.cmpf oge, %add3A_533, %ge3A_535 : vector<16xf32>
    %mul3A_537 = arith.constant 2.000000e-01 : f32
    %mul3A_538 = vector.broadcast %mul3A_537 : f32 to vector<16xf32>
    %mul3A_539 = arith.mulf %mul3A_538, %add3A_533 : vector<16xf32>
    %select_n3A_540 = arith.select %ge3A_536, %add3A_533, %mul3A_539 : vector<16xi1>, vector<16xf32>
    %exp3A_541 = math.exp %select_n3A_540 : vector<16xf32>
    tpu.vector_store_idx %arg19[%add3A_515, %broadcast_in_dim3A_530], %exp3A_541 : memref<80x16xf32, #tpu.memory_space<vmem>>[vector<16xi32>, vector<16xi32>], vector<16xf32>,
    %broadcast_in_dim3A_542 = arith.constant 2 : i32
    %broadcast_in_dim3A_543 = vector.broadcast %broadcast_in_dim3A_542 : i32 to vector<16xi32>
    %gather3A_544 = tpu.vector_load_idx %arg15[%add3A_515, %broadcast_in_dim3A_543] : memref<80x16xf32, #tpu.memory_space<vmem>>[vector<16xi32>, vector<16xi32>], vector<16xf32>,
    %gather3A_545 = tpu.vector_load_idx %arg17[%add3A_515, %broadcast_in_dim3A_543] : memref<80x16xf32, #tpu.memory_space<vmem>>[vector<16xi32>, vector<16xi32>], vector<16xf32>,
    %add3A_546 = arith.addf %gather3A_544, %gather3A_545 : vector<16xf32>
    %ge3A_547 = arith.constant 0.000000e+00 : f32
    %ge3A_548 = vector.broadcast %ge3A_547 : f32 to vector<16xf32>
    %ge3A_549 = arith.cmpf oge, %add3A_546, %ge3A_548 : vector<16xf32>
    %mul3A_550 = arith.constant 2.000000e-01 : f32
    %mul3A_551 = vector.broadcast %mul3A_550 : f32 to vector<16xf32>
    %mul3A_552 = arith.mulf %mul3A_551, %add3A_546 : vector<16xf32>
    %select_n3A_553 = arith.select %ge3A_549, %add3A_546, %mul3A_552 : vector<16xi1>, vector<16xf32>
    %exp3A_554 = math.exp %select_n3A_553 : vector<16xf32>
    tpu.vector_store_idx %arg19[%add3A_515, %broadcast_in_dim3A_543], %exp3A_554 : memref<80x16xf32, #tpu.memory_space<vmem>>[vector<16xi32>, vector<16xi32>], vector<16xf32>,
    %broadcast_in_dim3A_555 = arith.constant 3 : i32
    %broadcast_in_dim3A_556 = vector.broadcast %broadcast_in_dim3A_555 : i32 to vector<16xi32>
    %gather3A_557 = tpu.vector_load_idx %arg15[%add3A_515, %broadcast_in_dim3A_556] : memref<80x16xf32, #tpu.memory_space<vmem>>[vector<16xi32>, vector<16xi32>], vector<16xf32>,
    %gather3A_558 = tpu.vector_load_idx %arg17[%add3A_515, %broadcast_in_dim3A_556] : memref<80x16xf32, #tpu.memory_space<vmem>>[vector<16xi32>, vector<16xi32>], vector<16xf32>,
    %add3A_559 = arith.addf %gather3A_557, %gather3A_558 : vector<16xf32>
    %ge3A_560 = arith.constant 0.000000e+00 : f32
    %ge3A_561 = vector.broadcast %ge3A_560 : f32 to vector<16xf32>
    %ge3A_562 = arith.cmpf oge, %add3A_559, %ge3A_561 : vector<16xf32>
    %mul3A_563 = arith.constant 2.000000e-01 : f32
    %mul3A_564 = vector.broadcast %mul3A_563 : f32 to vector<16xf32>
    %mul3A_565 = arith.mulf %mul3A_564, %add3A_559 : vector<16xf32>
    %select_n3A_566 = arith.select %ge3A_562, %add3A_559, %mul3A_565 : vector<16xi1>, vector<16xf32>
    %exp3A_567 = math.exp %select_n3A_566 : vector<16xf32>
    tpu.vector_store_idx %arg19[%add3A_515, %broadcast_in_dim3A_556], %exp3A_567 : memref<80x16xf32, #tpu.memory_space<vmem>>[vector<16xi32>, vector<16xi32>], vector<16xf32>,
    %add3A_568 = arith.constant 64 : i32
    %add3A_569 = vector.broadcast %add3A_568 : i32 to vector<16xi32>
    %add3A_570 = arith.addi %add3A_569, %iota3A : vector<16xi32>
    %broadcast_in_dim3A_571 = arith.constant 0 : i32
    %broadcast_in_dim3A_572 = vector.broadcast %broadcast_in_dim3A_571 : i32 to vector<16xi32>
    %gather3A_573 = tpu.vector_load_idx %arg15[%add3A_570, %broadcast_in_dim3A_572] : memref<80x16xf32, #tpu.memory_space<vmem>>[vector<16xi32>, vector<16xi32>], vector<16xf32>,
    %gather3A_574 = tpu.vector_load_idx %arg17[%add3A_570, %broadcast_in_dim3A_572] : memref<80x16xf32, #tpu.memory_space<vmem>>[vector<16xi32>, vector<16xi32>], vector<16xf32>,
    %add3A_575 = arith.addf %gather3A_573, %gather3A_574 : vector<16xf32>
    %ge3A_576 = arith.constant 0.000000e+00 : f32
    %ge3A_577 = vector.broadcast %ge3A_576 : f32 to vector<16xf32>
    %ge3A_578 = arith.cmpf oge, %add3A_575, %ge3A_577 : vector<16xf32>
    %mul3A_579 = arith.constant 2.000000e-01 : f32
    %mul3A_580 = vector.broadcast %mul3A_579 : f32 to vector<16xf32>
    %mul3A_581 = arith.mulf %mul3A_580, %add3A_575 : vector<16xf32>
    %select_n3A_582 = arith.select %ge3A_578, %add3A_575, %mul3A_581 : vector<16xi1>, vector<16xf32>
    %exp3A_583 = math.exp %select_n3A_582 : vector<16xf32>
    tpu.vector_store_idx %arg19[%add3A_570, %broadcast_in_dim3A_572], %exp3A_583 : memref<80x16xf32, #tpu.memory_space<vmem>>[vector<16xi32>, vector<16xi32>], vector<16xf32>,
    %broadcast_in_dim3A_584 = arith.constant 1 : i32
    %broadcast_in_dim3A_585 = vector.broadcast %broadcast_in_dim3A_584 : i32 to vector<16xi32>
    %gather3A_586 = tpu.vector_load_idx %arg15[%add3A_570, %broadcast_in_dim3A_585] : memref<80x16xf32, #tpu.memory_space<vmem>>[vector<16xi32>, vector<16xi32>], vector<16xf32>,
    %gather3A_587 = tpu.vector_load_idx %arg17[%add3A_570, %broadcast_in_dim3A_585] : memref<80x16xf32, #tpu.memory_space<vmem>>[vector<16xi32>, vector<16xi32>], vector<16xf32>,
    %add3A_588 = arith.addf %gather3A_586, %gather3A_587 : vector<16xf32>
    %ge3A_589 = arith.constant 0.000000e+00 : f32
    %ge3A_590 = vector.broadcast %ge3A_589 : f32 to vector<16xf32>
    %ge3A_591 = arith.cmpf oge, %add3A_588, %ge3A_590 : vector<16xf32>
    %mul3A_592 = arith.constant 2.000000e-01 : f32
    %mul3A_593 = vector.broadcast %mul3A_592 : f32 to vector<16xf32>
    %mul3A_594 = arith.mulf %mul3A_593, %add3A_588 : vector<16xf32>
    %select_n3A_595 = arith.select %ge3A_591, %add3A_588, %mul3A_594 : vector<16xi1>, vector<16xf32>
    %exp3A_596 = math.exp %select_n3A_595 : vector<16xf32>
    tpu.vector_store_idx %arg19[%add3A_570, %broadcast_in_dim3A_585], %exp3A_596 : memref<80x16xf32, #tpu.memory_space<vmem>>[vector<16xi32>, vector<16xi32>], vector<16xf32>,
    %broadcast_in_dim3A_597 = arith.constant 2 : i32
    %broadcast_in_dim3A_598 = vector.broadcast %broadcast_in_dim3A_597 : i32 to vector<16xi32>
    %gather3A_599 = tpu.vector_load_idx %arg15[%add3A_570, %broadcast_in_dim3A_598] : memref<80x16xf32, #tpu.memory_space<vmem>>[vector<16xi32>, vector<16xi32>], vector<16xf32>,
    %gather3A_600 = tpu.vector_load_idx %arg17[%add3A_570, %broadcast_in_dim3A_598] : memref<80x16xf32, #tpu.memory_space<vmem>>[vector<16xi32>, vector<16xi32>], vector<16xf32>,
    %add3A_601 = arith.addf %gather3A_599, %gather3A_600 : vector<16xf32>
    %ge3A_602 = arith.constant 0.000000e+00 : f32
    %ge3A_603 = vector.broadcast %ge3A_602 : f32 to vector<16xf32>
    %ge3A_604 = arith.cmpf oge, %add3A_601, %ge3A_603 : vector<16xf32>
    %mul3A_605 = arith.constant 2.000000e-01 : f32
    %mul3A_606 = vector.broadcast %mul3A_605 : f32 to vector<16xf32>
    %mul3A_607 = arith.mulf %mul3A_606, %add3A_601 : vector<16xf32>
    %select_n3A_608 = arith.select %ge3A_604, %add3A_601, %mul3A_607 : vector<16xi1>, vector<16xf32>
    %exp3A_609 = math.exp %select_n3A_608 : vector<16xf32>
    tpu.vector_store_idx %arg19[%add3A_570, %broadcast_in_dim3A_598], %exp3A_609 : memref<80x16xf32, #tpu.memory_space<vmem>>[vector<16xi32>, vector<16xi32>], vector<16xf32>,
    %broadcast_in_dim3A_610 = arith.constant 3 : i32
    %broadcast_in_dim3A_611 = vector.broadcast %broadcast_in_dim3A_610 : i32 to vector<16xi32>
    %gather3A_612 = tpu.vector_load_idx %arg15[%add3A_570, %broadcast_in_dim3A_611] : memref<80x16xf32, #tpu.memory_space<vmem>>[vector<16xi32>, vector<16xi32>], vector<16xf32>,
    %gather3A_613 = tpu.vector_load_idx %arg17[%add3A_570, %broadcast_in_dim3A_611] : memref<80x16xf32, #tpu.memory_space<vmem>>[vector<16xi32>, vector<16xi32>], vector<16xf32>,
    %add3A_614 = arith.addf %gather3A_612, %gather3A_613 : vector<16xf32>
    %ge3A_615 = arith.constant 0.000000e+00 : f32
    %ge3A_616 = vector.broadcast %ge3A_615 : f32 to vector<16xf32>
    %ge3A_617 = arith.cmpf oge, %add3A_614, %ge3A_616 : vector<16xf32>
    %mul3A_618 = arith.constant 2.000000e-01 : f32
    %mul3A_619 = vector.broadcast %mul3A_618 : f32 to vector<16xf32>
    %mul3A_620 = arith.mulf %mul3A_619, %add3A_614 : vector<16xf32>
    %select_n3A_621 = arith.select %ge3A_617, %add3A_614, %mul3A_620 : vector<16xi1>, vector<16xf32>
    %exp3A_622 = math.exp %select_n3A_621 : vector<16xf32>
    tpu.vector_store_idx %arg19[%add3A_570, %broadcast_in_dim3A_611], %exp3A_622 : memref<80x16xf32, #tpu.memory_space<vmem>>[vector<16xi32>, vector<16xi32>], vector<16xf32>,
    %parallel_loop3A = arith.constant 0 : i32
    %parallel_loop3A_623 = arith.constant 80 : i32
    %parallel_loop3A_624 = arith.constant 1 : i32
    scf.for %parallel_loop3A_630 = %parallel_loop3A to %parallel_loop3A_623 step %parallel_loop3A_624  : i32 {
      %parallel_loop3A_631 = vector.broadcast %parallel_loop3A_630 : i32 to vector<16xi32>
      %parallel_loop3A_632 = arith.index_cast %parallel_loop3A_630 : i32 to index
      %parallel_loop3A_633 = arith.constant 0 : index
      %parallel_loop3A_634 = tpu.vector_load %arg19[%parallel_loop3A_632, %parallel_loop3A_633] {strides = array<i32>} : memref<80x16xf32, #tpu.memory_space<vmem>>, vector<16xf32>,
      %parallel_loop3A_635 = arith.index_cast %parallel_loop3A_630 : i32 to index
      %parallel_loop3A_636 = arith.constant 128 : index
      %parallel_loop3A_637 = tpu.vector_load %arg20[%parallel_loop3A_635, %parallel_loop3A_636] {strides = array<i32>} : memref<80x144xf32, #tpu.memory_space<vmem>>, vector<16xf32>,
      tpu.vector_store %arg20[%parallel_loop3A_635, %parallel_loop3A_636], %parallel_loop3A_634 {strides = array<i32>} : memref<80x144xf32, #tpu.memory_space<vmem>>, vector<16xf32>,
      %parallel_loop3A_638 = arith.constant 0 : i32
      %parallel_loop3A_639 = vector.broadcast %parallel_loop3A_638 : i32 to vector<16xi32>
      %parallel_loop3A_640 = tpu.vector_load_idx %arg19[%parallel_loop3A_631, %parallel_loop3A_639] : memref<80x16xf32, #tpu.memory_space<vmem>>[vector<16xi32>, vector<16xi32>], vector<16xf32>,
      %parallel_loop3A_641 = arith.index_cast %parallel_loop3A_630 : i32 to index
      %parallel_loop3A_642 = arith.constant 0 : index
      %parallel_loop3A_643 = tpu.vector_load %arg13[%parallel_loop3A_641, %parallel_loop3A_642] {strides = array<i32>} : memref<80x128xf32, #tpu.memory_space<vmem>>, vector<16xf32>,
      %parallel_loop3A_644 = arith.mulf %parallel_loop3A_643, %parallel_loop3A_640 : vector<16xf32>
      %parallel_loop3A_645 = arith.index_cast %parallel_loop3A_630 : i32 to index
      %parallel_loop3A_646 = arith.constant 0 : index
      %parallel_loop3A_647 = tpu.vector_load %arg20[%parallel_loop3A_645, %parallel_loop3A_646] {strides = array<i32>} : memref<80x144xf32, #tpu.memory_space<vmem>>, vector<16xf32>,
      tpu.vector_store %arg20[%parallel_loop3A_645, %parallel_loop3A_646], %parallel_loop3A_644 {strides = array<i32>} : memref<80x144xf32, #tpu.memory_space<vmem>>, vector<16xf32>,
      %parallel_loop3A_648 = arith.index_cast %parallel_loop3A_630 : i32 to index
      %parallel_loop3A_649 = arith.constant 16 : index
      %parallel_loop3A_650 = tpu.vector_load %arg13[%parallel_loop3A_648, %parallel_loop3A_649] {strides = array<i32>} : memref<80x128xf32, #tpu.memory_space<vmem>>, vector<16xf32>,
      %parallel_loop3A_651 = arith.mulf %parallel_loop3A_650, %parallel_loop3A_640 : vector<16xf32>
      %parallel_loop3A_652 = arith.index_cast %parallel_loop3A_630 : i32 to index
      %parallel_loop3A_653 = arith.constant 16 : index
      %parallel_loop3A_654 = tpu.vector_load %arg20[%parallel_loop3A_652, %parallel_loop3A_653] {strides = array<i32>} : memref<80x144xf32, #tpu.memory_space<vmem>>, vector<16xf32>,
      tpu.vector_store %arg20[%parallel_loop3A_652, %parallel_loop3A_653], %parallel_loop3A_651 {strides = array<i32>} : memref<80x144xf32, #tpu.memory_space<vmem>>, vector<16xf32>,
      %parallel_loop3A_655 = arith.constant 1 : i32
      %parallel_loop3A_656 = vector.broadcast %parallel_loop3A_655 : i32 to vector<16xi32>
      %parallel_loop3A_657 = tpu.vector_load_idx %arg19[%parallel_loop3A_631, %parallel_loop3A_656] : memref<80x16xf32, #tpu.memory_space<vmem>>[vector<16xi32>, vector<16xi32>], vector<16xf32>,
      %parallel_loop3A_658 = arith.index_cast %parallel_loop3A_630 : i32 to index
      %parallel_loop3A_659 = arith.constant 32 : index
      %parallel_loop3A_660 = tpu.vector_load %arg13[%parallel_loop3A_658, %parallel_loop3A_659] {strides = array<i32>} : memref<80x128xf32, #tpu.memory_space<vmem>>, vector<16xf32>,
      %parallel_loop3A_661 = arith.mulf %parallel_loop3A_660, %parallel_loop3A_657 : vector<16xf32>
      %parallel_loop3A_662 = arith.index_cast %parallel_loop3A_630 : i32 to index
      %parallel_loop3A_663 = arith.constant 32 : index
      %parallel_loop3A_664 = tpu.vector_load %arg20[%parallel_loop3A_662, %parallel_loop3A_663] {strides = array<i32>} : memref<80x144xf32, #tpu.memory_space<vmem>>, vector<16xf32>,
      tpu.vector_store %arg20[%parallel_loop3A_662, %parallel_loop3A_663], %parallel_loop3A_661 {strides = array<i32>} : memref<80x144xf32, #tpu.memory_space<vmem>>, vector<16xf32>,
      %parallel_loop3A_665 = arith.index_cast %parallel_loop3A_630 : i32 to index
      %parallel_loop3A_666 = arith.constant 48 : index
      %parallel_loop3A_667 = tpu.vector_load %arg13[%parallel_loop3A_665, %parallel_loop3A_666] {strides = array<i32>} : memref<80x128xf32, #tpu.memory_space<vmem>>, vector<16xf32>,
      %parallel_loop3A_668 = arith.mulf %parallel_loop3A_667, %parallel_loop3A_657 : vector<16xf32>
      %parallel_loop3A_669 = arith.index_cast %parallel_loop3A_630 : i32 to index
      %parallel_loop3A_670 = arith.constant 48 : index
      %parallel_loop3A_671 = tpu.vector_load %arg20[%parallel_loop3A_669, %parallel_loop3A_670] {strides = array<i32>} : memref<80x144xf32, #tpu.memory_space<vmem>>, vector<16xf32>,
      tpu.vector_store %arg20[%parallel_loop3A_669, %parallel_loop3A_670], %parallel_loop3A_668 {strides = array<i32>} : memref<80x144xf32, #tpu.memory_space<vmem>>, vector<16xf32>,
      %parallel_loop3A_672 = arith.constant 2 : i32
      %parallel_loop3A_673 = vector.broadcast %parallel_loop3A_672 : i32 to vector<16xi32>
      %parallel_loop3A_674 = tpu.vector_load_idx %arg19[%parallel_loop3A_631, %parallel_loop3A_673] : memref<80x16xf32, #tpu.memory_space<vmem>>[vector<16xi32>, vector<16xi32>], vector<16xf32>,
      %parallel_loop3A_675 = arith.index_cast %parallel_loop3A_630 : i32 to index
      %parallel_loop3A_676 = arith.constant 64 : index
      %parallel_loop3A_677 = tpu.vector_load %arg13[%parallel_loop3A_675, %parallel_loop3A_676] {strides = array<i32>} : memref<80x128xf32, #tpu.memory_space<vmem>>, vector<16xf32>,
      %parallel_loop3A_678 = arith.mulf %parallel_loop3A_677, %parallel_loop3A_674 : vector<16xf32>
      %parallel_loop3A_679 = arith.index_cast %parallel_loop3A_630 : i32 to index
      %parallel_loop3A_680 = arith.constant 64 : index
      %parallel_loop3A_681 = tpu.vector_load %arg20[%parallel_loop3A_679, %parallel_loop3A_680] {strides = array<i32>} : memref<80x144xf32, #tpu.memory_space<vmem>>, vector<16xf32>,
      tpu.vector_store %arg20[%parallel_loop3A_679, %parallel_loop3A_680], %parallel_loop3A_678 {strides = array<i32>} : memref<80x144xf32, #tpu.memory_space<vmem>>, vector<16xf32>,
      %parallel_loop3A_682 = arith.index_cast %parallel_loop3A_630 : i32 to index
      %parallel_loop3A_683 = arith.constant 80 : index
      %parallel_loop3A_684 = tpu.vector_load %arg13[%parallel_loop3A_682, %parallel_loop3A_683] {strides = array<i32>} : memref<80x128xf32, #tpu.memory_space<vmem>>, vector<16xf32>,
      %parallel_loop3A_685 = arith.mulf %parallel_loop3A_684, %parallel_loop3A_674 : vector<16xf32>
      %parallel_loop3A_686 = arith.index_cast %parallel_loop3A_630 : i32 to index
      %parallel_loop3A_687 = arith.constant 80 : index
      %parallel_loop3A_688 = tpu.vector_load %arg20[%parallel_loop3A_686, %parallel_loop3A_687] {strides = array<i32>} : memref<80x144xf32, #tpu.memory_space<vmem>>, vector<16xf32>,
      tpu.vector_store %arg20[%parallel_loop3A_686, %parallel_loop3A_687], %parallel_loop3A_685 {strides = array<i32>} : memref<80x144xf32, #tpu.memory_space<vmem>>, vector<16xf32>,
      %parallel_loop3A_689 = arith.constant 3 : i32
      %parallel_loop3A_690 = vector.broadcast %parallel_loop3A_689 : i32 to vector<16xi32>
      %parallel_loop3A_691 = tpu.vector_load_idx %arg19[%parallel_loop3A_631, %parallel_loop3A_690] : memref<80x16xf32, #tpu.memory_space<vmem>>[vector<16xi32>, vector<16xi32>], vector<16xf32>,
      %parallel_loop3A_692 = arith.index_cast %parallel_loop3A_630 : i32 to index
      %parallel_loop3A_693 = arith.constant 96 : index
      %parallel_loop3A_694 = tpu.vector_load %arg13[%parallel_loop3A_692, %parallel_loop3A_693] {strides = array<i32>} : memref<80x128xf32, #tpu.memory_space<vmem>>, vector<16xf32>,
      %parallel_loop3A_695 = arith.mulf %parallel_loop3A_694, %parallel_loop3A_691 : vector<16xf32>
      %parallel_loop3A_696 = arith.index_cast %parallel_loop3A_630 : i32 to index
      %parallel_loop3A_697 = arith.constant 96 : index
      %parallel_loop3A_698 = tpu.vector_load %arg20[%parallel_loop3A_696, %parallel_loop3A_697] {strides = array<i32>} : memref<80x144xf32, #tpu.memory_space<vmem>>, vector<16xf32>,
      tpu.vector_store %arg20[%parallel_loop3A_696, %parallel_loop3A_697], %parallel_loop3A_695 {strides = array<i32>} : memref<80x144xf32, #tpu.memory_space<vmem>>, vector<16xf32>,
      %parallel_loop3A_699 = arith.index_cast %parallel_loop3A_630 : i32 to index
      %parallel_loop3A_700 = arith.constant 112 : index
      %parallel_loop3A_701 = tpu.vector_load %arg13[%parallel_loop3A_699, %parallel_loop3A_700] {strides = array<i32>} : memref<80x128xf32, #tpu.memory_space<vmem>>, vector<16xf32>,
      %parallel_loop3A_702 = arith.mulf %parallel_loop3A_701, %parallel_loop3A_691 : vector<16xf32>
      %parallel_loop3A_703 = arith.index_cast %parallel_loop3A_630 : i32 to index
      %parallel_loop3A_704 = arith.constant 112 : index
      %parallel_loop3A_705 = tpu.vector_load %arg20[%parallel_loop3A_703, %parallel_loop3A_704] {strides = array<i32>} : memref<80x144xf32, #tpu.memory_space<vmem>>, vector<16xf32>,
      tpu.vector_store %arg20[%parallel_loop3A_703, %parallel_loop3A_704], %parallel_loop3A_702 {strides = array<i32>} : memref<80x144xf32, #tpu.memory_space<vmem>>, vector<16xf32>,
    } {sc.loop_unroll_factor = 8 : i64, sc.parallel_access}
    "tpu.region"() ({
      %run_scoped3A = tpu.sem_alloc : memref<!tpu.dma_semaphore, #tpu.memory_space<semaphore_mem>>
      %dma_start3A_630 = arith.constant 0 : i32
      %dma_start3A_631 = arith.constant 0 : i32
      %dma_start3A_632 = tpu.memref_slice %arg8[%dma_start3A_630, %dma_start3A_631] : memref<10112x144xf32, #tpu.memory_space<vmem_shared>> -> memref<10112x144xf32, #tpu.memory_space<vmem_shared>>
      tpu.enqueue_indirect_dma source(%arg20 : memref<80x144xf32, #tpu.memory_space<vmem>>) target(%dma_start3A_632 : memref<10112x144xf32, #tpu.memory_space<vmem_shared>>) offsets(%arg11 : memref<80xi32, #tpu.memory_space<vmem>>) semaphore(%run_scoped3A : memref<!tpu.dma_semaphore, #tpu.memory_space<semaphore_mem>>) {add = true}
      %dma_wait3A_633 = arith.constant 0 : i32
      %dma_wait3A_634 = arith.constant 0 : i32
      %dma_wait3A_635 = tpu.memref_slice %arg8[%dma_wait3A_633, %dma_wait3A_634] : memref<10112x144xf32, #tpu.memory_space<vmem_shared>> -> memref<10112x144xf32, #tpu.memory_space<vmem_shared>>
      tpu.wait_indirect_dma semaphore(%run_scoped3A : memref<!tpu.dma_semaphore, #tpu.memory_space<semaphore_mem>>) src(%arg20 : memref<80x144xf32, #tpu.memory_space<vmem>>) dst(%dma_wait3A_635 : memref<10112x144xf32, #tpu.memory_space<vmem_shared>>)
      tpu.yield
    }) : () -> ()
    %barrier3A_625 = arith.constant 0 : index
    tpu.barrier barrier_id(%barrier3A_625)
    %mul3A_626 = arith.constant 632 : i32
    %mul3A_627 = arith.muli %arg1, %mul3A_626 : i32
    %mul3A_628 = arith.constant 632 : i32
    %mul3A_629 = arith.muli %arg1, %mul3A_628 : i32
    "tpu.region"() ({
      %run_scoped3A = tpu.sem_alloc : memref<!tpu.dma_semaphore, #tpu.memory_space<semaphore_mem>>
      %dma_start3A_630 = arith.constant 0 : i32
      %dma_start3A_631 = tpu.memref_slice %arg7[%arg0, %mul3A_629, %dma_start3A_630] : memref<2x10112x144xf32, #tpu.memory_space<hbm>> -> memref<1x632x144xf32, #tpu.memory_space<hbm>>
      %dma_start3A_632 = tpu.memref_squeeze %dma_start3A_631 : memref<1x632x144xf32, #tpu.memory_space<hbm>> -> memref<632x144xf32, #tpu.memory_space<hbm>>
      %dma_start3A_633 = arith.constant 0 : i32
      %dma_start3A_634 = tpu.memref_slice %arg8[%mul3A_627, %dma_start3A_633] : memref<10112x144xf32, #tpu.memory_space<vmem_shared>> -> memref<632x144xf32, #tpu.memory_space<vmem_shared>>
      tpu.enqueue_dma source(%dma_start3A_634 : memref<632x144xf32, #tpu.memory_space<vmem_shared>>) target(%dma_start3A_632 : memref<632x144xf32, #tpu.memory_space<hbm>>) target_semaphore(%run_scoped3A : memref<!tpu.dma_semaphore, #tpu.memory_space<semaphore_mem>>)
      %dma_wait3A_635 = arith.constant 0 : i32
      %dma_wait3A_636 = tpu.memref_slice %arg7[%arg0, %mul3A_629, %dma_wait3A_635] : memref<2x10112x144xf32, #tpu.memory_space<hbm>> -> memref<1x632x144xf32, #tpu.memory_space<hbm>>
      %dma_wait3A_637 = tpu.memref_squeeze %dma_wait3A_636 : memref<1x632x144xf32, #tpu.memory_space<hbm>> -> memref<632x144xf32, #tpu.memory_space<hbm>>
      %dma_wait3A_638 = arith.constant 0 : i32
      %dma_wait3A_639 = tpu.memref_slice %arg8[%mul3A_627, %dma_wait3A_638] : memref<10112x144xf32, #tpu.memory_space<vmem_shared>> -> memref<632x144xf32, #tpu.memory_space<vmem_shared>>
      tpu.wait_dma2 semaphore(%run_scoped3A : memref<!tpu.dma_semaphore, #tpu.memory_space<semaphore_mem>>) src(%dma_wait3A_639 : memref<632x144xf32, #tpu.memory_space<vmem_shared>>) dst(%dma_wait3A_637 : memref<632x144xf32, #tpu.memory_space<hbm>>)
      tpu.yield
    }) : () -> ()
    return
  }
}

module attributes {stable_mosaic.version = 14 : i64} {
  func.func @_tc1_body(%arg0: i32, %arg1: memref<400x128xf32, #tpu.memory_space<vmem>>, %arg2: memref<128x128xf32, #tpu.memory_space<vmem>>, %arg3: memref<128x16xf32, #tpu.memory_space<vmem>>, %arg4: memref<128x16xf32, #tpu.memory_space<vmem>>, %arg5: memref<400x128xf32, #tpu.memory_space<vmem>>, %arg6: memref<400x16xf32, #tpu.memory_space<vmem>>, %arg7: memref<400x16xf32, #tpu.memory_space<vmem>>) attributes {dimension_semantics = [#tpu.dimension_semantics<arbitrary>], iteration_bounds = array<i64: 25>, scalar_prefetch = 0 : i64, scratch_operands = 0 : i64, tpu.core_type = #tpu.core_type<tc>, window_params = [{transform_indices = @transform_0, window_bounds = array<i64: 400, 128>}, {pipeline_mode = #tpu.pipeline_mode<synchronous>, transform_indices = @transform_1, window_bounds = array<i64: 128, 128>}, {pipeline_mode = #tpu.pipeline_mode<synchronous>, transform_indices = @transform_2, window_bounds = array<i64: 128, 16>}, {pipeline_mode = #tpu.pipeline_mode<synchronous>, transform_indices = @transform_3, window_bounds = array<i64: 128, 16>}, {transform_indices = @transform_4, window_bounds = array<i64: 400, 128>}, {transform_indices = @transform_5, window_bounds = array<i64: 400, 16>}, {transform_indices = @transform_6, window_bounds = array<i64: 400, 16>}]} {
    %get3A = arith.constant 0 : index
    %get3A_0 = arith.constant 0 : index
    %get3A_1 = vector.load %arg1[%get3A, %get3A_0] : memref<400x128xf32, #tpu.memory_space<vmem>>, vector<400x128xf32>
    %get3A_2 = arith.constant 0 : index
    %get3A_3 = arith.constant 0 : index
    %get3A_4 = vector.load %arg2[%get3A_2, %get3A_3] : memref<128x128xf32, #tpu.memory_space<vmem>>, vector<128x128xf32>
    %dot_general3A = arith.constant dense<0.000000e+00> : vector<400x128xf32>
    %dot_general3A_5 = tpu.matmul %get3A_1, %get3A_4, %dot_general3A {dimension_numbers = #tpu.dot_dimension_numbers<[1], [0], [0], [1], [0, 0, 1, 1], [], []>, precision = #tpu.contract_precision<fp32>, transpose_lhs_hint = false} : vector<400x128xf32>, vector<128x128xf32>, vector<400x128xf32> -> vector<400x128xf32>
    %swap3A = arith.constant 0 : index
    %swap3A_6 = arith.constant 0 : index
    %swap3A_7 = vector.load %arg5[%swap3A, %swap3A_6] : memref<400x128xf32, #tpu.memory_space<vmem>>, vector<400x128xf32>
    tpu.vector_store %arg5[%swap3A, %swap3A_6], %dot_general3A_5 {strides = array<i32>} : memref<400x128xf32, #tpu.memory_space<vmem>>, vector<400x128xf32>,
    %get3A_8 = arith.constant 0 : index
    %get3A_9 = arith.constant 0 : index
    %get3A_10 = vector.load %arg3[%get3A_8, %get3A_9] : memref<128x16xf32, #tpu.memory_space<vmem>>, vector<128x16xf32>
    %dot_general3A_11 = arith.constant dense<0.000000e+00> : vector<400x16xf32>
    %dot_general3A_12 = tpu.matmul %dot_general3A_5, %get3A_10, %dot_general3A_11 {dimension_numbers = #tpu.dot_dimension_numbers<[1], [0], [0], [1], [0, 0, 1, 1], [], []>, precision = #tpu.contract_precision<fp32>, transpose_lhs_hint = false} : vector<400x128xf32>, vector<128x16xf32>, vector<400x16xf32> -> vector<400x16xf32>
    %swap3A_13 = arith.constant 0 : index
    %swap3A_14 = arith.constant 0 : index
    %swap3A_15 = vector.load %arg6[%swap3A_13, %swap3A_14] : memref<400x16xf32, #tpu.memory_space<vmem>>, vector<400x16xf32>
    tpu.vector_store %arg6[%swap3A_13, %swap3A_14], %dot_general3A_12 {strides = array<i32>} : memref<400x16xf32, #tpu.memory_space<vmem>>, vector<400x16xf32>,
    %get3A_16 = arith.constant 0 : index
    %get3A_17 = arith.constant 0 : index
    %get3A_18 = vector.load %arg4[%get3A_16, %get3A_17] : memref<128x16xf32, #tpu.memory_space<vmem>>, vector<128x16xf32>
    %dot_general3A_19 = arith.constant dense<0.000000e+00> : vector<400x16xf32>
    %dot_general3A_20 = tpu.matmul %dot_general3A_5, %get3A_18, %dot_general3A_19 {dimension_numbers = #tpu.dot_dimension_numbers<[1], [0], [0], [1], [0, 0, 1, 1], [], []>, precision = #tpu.contract_precision<fp32>, transpose_lhs_hint = false} : vector<400x128xf32>, vector<128x16xf32>, vector<400x16xf32> -> vector<400x16xf32>
    %swap3A_21 = arith.constant 0 : index
    %swap3A_22 = arith.constant 0 : index
    %swap3A_23 = vector.load %arg7[%swap3A_21, %swap3A_22] : memref<400x16xf32, #tpu.memory_space<vmem>>, vector<400x16xf32>
    tpu.vector_store %arg7[%swap3A_21, %swap3A_22], %dot_general3A_20 {strides = array<i32>} : memref<400x16xf32, #tpu.memory_space<vmem>>, vector<400x16xf32>,
    return
  }
  func.func @transform_0(%arg0: i32) -> (i32, i32) {
    %c0_i32 = arith.constant 0 : i32
    %c0_i32_0 = arith.constant 0 : i32
    return %arg0, %c0_i32 : i32, i32
  }
  func.func @transform_1(%arg0: i32) -> (i32, i32) {
    %c0_i32 = arith.constant 0 : i32
    %c0_i32_0 = arith.constant 0 : i32
    %c0_i32_1 = arith.constant 0 : i32
    return %c0_i32, %c0_i32_0 : i32, i32
  }
  func.func @transform_2(%arg0: i32) -> (i32, i32) {
    %c0_i32 = arith.constant 0 : i32
    %c0_i32_0 = arith.constant 0 : i32
    %c0_i32_1 = arith.constant 0 : i32
    return %c0_i32, %c0_i32_0 : i32, i32
  }
  func.func @transform_3(%arg0: i32) -> (i32, i32) {
    %c0_i32 = arith.constant 0 : i32
    %c0_i32_0 = arith.constant 0 : i32
    %c0_i32_1 = arith.constant 0 : i32
    return %c0_i32, %c0_i32_0 : i32, i32
  }
  func.func @transform_4(%arg0: i32) -> (i32, i32) {
    %c0_i32 = arith.constant 0 : i32
    %c0_i32_0 = arith.constant 0 : i32
    return %arg0, %c0_i32 : i32, i32
  }
  func.func @transform_5(%arg0: i32) -> (i32, i32) {
    %c0_i32 = arith.constant 0 : i32
    %c0_i32_0 = arith.constant 0 : i32
    return %arg0, %c0_i32 : i32, i32
  }
  func.func @transform_6(%arg0: i32) -> (i32, i32) {
    %c0_i32 = arith.constant 0 : i32
    %c0_i32_0 = arith.constant 0 : i32
    return %arg0, %c0_i32 : i32, i32
  }
}

module attributes {stable_mosaic.version = 14 : i64} {
  func.func @_tc2_body(%arg0: i32, %arg1: memref<2x400x144xf32, #tpu.memory_space<vmem>>, %arg2: memref<16x128xf32, #tpu.memory_space<vmem>>, %arg3: memref<1x128xf32, #tpu.memory_space<vmem>>, %arg4: memref<400x128xf32, #tpu.memory_space<vmem>>) attributes {dimension_semantics = [#tpu.dimension_semantics<arbitrary>], iteration_bounds = array<i64: 25>, scalar_prefetch = 0 : i64, scratch_operands = 0 : i64, tpu.core_type = #tpu.core_type<tc>, window_params = [{transform_indices = @transform_0, window_bounds = array<i64: 2, 400, 144>}, {pipeline_mode = #tpu.pipeline_mode<synchronous>, transform_indices = @transform_1, window_bounds = array<i64: 16, 128>}, {pipeline_mode = #tpu.pipeline_mode<synchronous>, transform_indices = @transform_2, window_bounds = array<i64: 1, 128>}, {transform_indices = @transform_3, window_bounds = array<i64: 400, 128>}]} {
    %get3A = arith.constant 0 : index
    %get3A_0 = arith.constant 0 : index
    %get3A_1 = arith.constant 0 : index
    %get3A_2 = vector.load %arg1[%get3A, %get3A_0, %get3A_1] : memref<2x400x144xf32, #tpu.memory_space<vmem>>, vector<1x400x144xf32>
    %get3A_3 = vector.shape_cast %get3A_2 : vector<1x400x144xf32> to vector<400x144xf32>
    %get3A_4 = arith.constant 1 : index
    %get3A_5 = arith.constant 0 : index
    %get3A_6 = arith.constant 0 : index
    %get3A_7 = vector.load %arg1[%get3A_4, %get3A_5, %get3A_6] : memref<2x400x144xf32, #tpu.memory_space<vmem>>, vector<1x400x144xf32>
    %get3A_8 = vector.shape_cast %get3A_7 : vector<1x400x144xf32> to vector<400x144xf32>
    %add3A = arith.addf %get3A_3, %get3A_8 : vector<400x144xf32>
    %slice3A = vector.extract_strided_slice %add3A {offsets = [0, 0], sizes = [400, 128], strides = [1, 1]} : vector<400x144xf32> to vector<400x128xf32>
    %slice3A_9 = vector.extract_strided_slice %add3A {offsets = [0, 128], sizes = [400, 16], strides = [1, 1]} : vector<400x144xf32> to vector<400x16xf32>
    %get3A_10 = arith.constant 0 : index
    %get3A_11 = arith.constant 0 : index
    %get3A_12 = vector.load %arg2[%get3A_10, %get3A_11] : memref<16x128xf32, #tpu.memory_space<vmem>>, vector<16x128xf32>
    %dot_general3A = arith.constant dense<0.000000e+00> : vector<400x128xf32>
    %dot_general3A_13 = tpu.matmul %slice3A_9, %get3A_12, %dot_general3A {dimension_numbers = #tpu.dot_dimension_numbers<[1], [0], [0], [1], [0, 0, 1, 1], [], []>, precision = #tpu.contract_precision<fp32>, transpose_lhs_hint = false} : vector<400x16xf32>, vector<16x128xf32>, vector<400x128xf32> -> vector<400x128xf32>
    %eq3A = arith.constant 0.000000e+00 : f32
    %eq3A_14 = vector.broadcast %eq3A : f32 to vector<400x128xf32>
    %eq3A_15 = arith.cmpf oeq, %dot_general3A_13, %eq3A_14 : vector<400x128xf32>
    %jit3A = arith.constant 1.000000e+00 : f32
    %broadcast_in_dim3A = vector.broadcast %jit3A : f32 to vector<400x128xf32>
    %select_n3A = arith.select %eq3A_15, %broadcast_in_dim3A, %dot_general3A_13 : vector<400x128xi1>, vector<400x128xf32>
    %div3A = arith.divf %slice3A, %select_n3A : vector<400x128xf32>
    %get3A_16 = arith.constant 0 : index
    %get3A_17 = arith.constant 0 : index
    %get3A_18 = vector.load %arg3[%get3A_16, %get3A_17] : memref<1x128xf32, #tpu.memory_space<vmem>>, vector<1x128xf32>
    %add3A_19 = vector.broadcast %get3A_18 : vector<1x128xf32> to vector<400x128xf32>
    %add3A_20 = arith.addf %div3A, %add3A_19 : vector<400x128xf32>
    %ge3A = arith.constant 0.000000e+00 : f32
    %ge3A_21 = vector.broadcast %ge3A : f32 to vector<400x128xf32>
    %ge3A_22 = arith.cmpf oge, %add3A_20, %ge3A_21 : vector<400x128xf32>
    %mul3A = arith.constant 0.00999999977 : f32
    %mul3A_23 = vector.broadcast %mul3A : f32 to vector<400x128xf32>
    %mul3A_24 = arith.mulf %mul3A_23, %add3A_20 : vector<400x128xf32>
    %select_n3A_25 = arith.select %ge3A_22, %add3A_20, %mul3A_24 : vector<400x128xi1>, vector<400x128xf32>
    %swap3A = arith.constant 0 : index
    %swap3A_26 = arith.constant 0 : index
    %swap3A_27 = vector.load %arg4[%swap3A, %swap3A_26] : memref<400x128xf32, #tpu.memory_space<vmem>>, vector<400x128xf32>
    tpu.vector_store %arg4[%swap3A, %swap3A_26], %select_n3A_25 {strides = array<i32>} : memref<400x128xf32, #tpu.memory_space<vmem>>, vector<400x128xf32>,
    return
  }
  func.func @transform_0(%arg0: i32) -> (i32, i32, i32) {
    %c0_i32 = arith.constant 0 : i32
    %c0_i32_0 = arith.constant 0 : i32
    %c0_i32_1 = arith.constant 0 : i32
    return %c0_i32, %arg0, %c0_i32_0 : i32, i32, i32
  }
  func.func @transform_1(%arg0: i32) -> (i32, i32) {
    %c0_i32 = arith.constant 0 : i32
    %c0_i32_0 = arith.constant 0 : i32
    %c0_i32_1 = arith.constant 0 : i32
    return %c0_i32, %c0_i32_0 : i32, i32
  }
  func.func @transform_2(%arg0: i32) -> (i32, i32) {
    %c0_i32 = arith.constant 0 : i32
    %c0_i32_0 = arith.constant 0 : i32
    %c0_i32_1 = arith.constant 0 : i32
    return %c0_i32, %c0_i32_0 : i32, i32
  }
  func.func @transform_3(%arg0: i32) -> (i32, i32) {
    %c0_i32 = arith.constant 0 : i32
    %c0_i32_0 = arith.constant 0 : i32
    return %arg0, %c0_i32 : i32, i32
  }
}

</mosaic_0001>

<sc_bundles>
// kernel: kernel.5.cloned.1.call-start
scs
__scs_entry_jumppad:
0x0: {  	(pc) =	sbr.rel $0x88, $3  }
0x1: {  	(tag) =	ssettag $0x0;
	lr =	simm.s32 $0x1  }
0x2: {  	[smem:$0x3F9B] =	sst lr;
	_ =	strace $0xD0000000  }
0x3: {  	_ = 	snop  }
0x4: {  	_ = 	snop  }
0x5: {  	_ = 	snop  }
0x6: {  	_ = 	snop  }
0x7: {  	_ = 	snop  }
__scs_overlays_trampoline_lowered:
0x8: {  	[smem:$0x3FAA] =	sst s0  }
0x9: {  	[smem:$0x3FAB] =	sst s1  }
0xa: {  	[smem:$0x3FAC] =	sst s2  }
0xb: {  	[smem:$0x3FAD] =	sst s3  }
0xc: {  	[smem:$0x3FAE] =	sst s4  }
0xd: {  	[smem:$0x3FAF] =	sst s5  }
0xe: {  	[smem:$0x3FB0] =	sst s6  }
0xf: {  	[smem:$0x3FB1] =	sst s7  }
0x10: {  	[smem:$0x3FB2] =	sst s8  }
0x11: {  	[smem:$0x3FB3] =	sst s9;
	s0 =	simm.s32 @!p0 $0x0  }
0x12: {  	s1 =	sld [smem:$0x3F99];
	s0 =	simm.s32 @p0 $0x1  }
0x13: {  	[smem:$0x3FB4] =	sst s0;
	s0 =	simm.s32 @!p1 $0x0  }
0x14: {  	s2 =	sld [smem:$0x3F98];
	s0 =	simm.s32 @p1 $0x1  }
0x15: {  	[smem:$0x3FB5] =	sst s0;
	s0 =	simm.s32 @!p2 $0x0  }
0x16: {  	s3 =	sld [smem:$0x3FDB];
	s0 =	simm.s32 @p2 $0x1  }
0x17: {  	s4 =	simm.s32 $0x1BF5;
	[smem:$0x3FB7] =	sst s0  }
0x18: {  	s0 =	sld [smem:$0x3F9A];
	_ =	swait.ge [sflag:s4], $0x0  }
0x19: {  	s7 =	sld [smem:$0x3F9B]  }
0x1a: {  	s8 =	sadd.s32 $0xFFFFE003, lr  }
0x1b: {  	s9 =	sadd.s32 $0xFFFFFEF7, lr;
	s5 =	simm.s32 $0xFFFFFFFF;
	p2 =	slt.u32 s8, $0xFFFFF086  }
0x1c: {  	p1 =	slt.u32 s9, $0xF7A;
	s5 =	simm.s32 @!p2 $0x0  }
0x1d: {  	s5 =	simm.s32 @p1 $0x1;
	p0 =	seq.s32 s7, s2  }
0x1e: {  	s7 =	smul.u32 @!p0 $0xF7A, s2;
	p2 =	seq.s32 @!p0 s5, $0x0  }
0x1f: {  	s9 =	smul.u32 $0xF7A, s1;
	s8 =	simm.s32 @!p0 $0x1BF5;
	p2 =	por !p2, p0  }
0x20: {  	[sflag:s8] =	ssyncset.s32 @!p0 $0xFFFFF086;
	s6 =	sadd.s32 @!p0 s3, s7;
	s7 =	simm.s32 @!p0 $0x108  }
0x21: {  	s3 =	sadd.s32 s3, s9;
	s6 =	sadd.s32 @!p0 $0x88, s6;
	s7 =	simm.s32 @p2 $0x1082  }
0x22: {  	[simem:s7], [sflag:s8] =	dma.local @!p0 [hbm:s6], $0xF7A  }
0x23: {  	s9 =	sor.u32 $0xD0000000, s2;
	s6 =	simm.s32 $0x108;
	_ =	swait.ge @!p0 [sflag:s8], $0x0  }
0x24: {  	s3 =	sadd.s32 $0x88, s3;
	s6 =	simm.s32 @!p1 $0x1082;
	[sflag:s4] =	ssyncset.s32 $0xFFFFF086  }
0x25: {  	[simem:s6], [sflag:s4] =	dma.local [hbm:s3], $0xF7A  }
0x26: {  	[smem:$0x3F9B] =	sst s1;
	(tag) =	ssettag s2;
	_ =	strace s9  }
0x27: {  	s1 =	sld [smem:$0x3FAB]  }
0x28: {  	s2 =	sld [smem:$0x3FAC]  }
0x29: {  	s4 =	sld [smem:$0x3FAE]  }
0x2a: {  	p0 =	seq.s32 s5, $0x0;
	s5 =	sld [smem:$0x3FAF]  }
0x2b: {  	s6 =	sld [smem:$0x3FB0]  }
0x2c: {  	s7 =	sld [smem:$0x3FB1]  }
0x2d: {  	s3 =	simm.s32 $0x108;
	s8 =	sld [smem:$0x3FB2]  }
0x2e: {  	s3 =	simm.s32 @!p0 $0x1082;
	s9 =	sld [smem:$0x3FB3]  }
0x2f: {  	lr =	sadd.s32 s0, s3;
	s0 =	sld [smem:$0x3FAA]  }
0x30: {  	s3 =	sld [smem:$0x3FAD]  }
0x31: {  	[smem:$0x3FB6] =	sst s10  }
0x32: {  	s10 =	sld [smem:$0x3FB4];
	_ =	sdelay $0x3  }
0x33: {  	p0 =	seq.s32 s10, $0x1;
	s10 =	sld [smem:$0x3FB6];
	_ =	sdelay $0x3  }
0x34: {  	[smem:$0x3FB6] =	sst s10  }
0x35: {  	s10 =	sld [smem:$0x3FB5];
	_ =	sdelay $0x3  }
0x36: {  	p1 =	seq.s32 s10, $0x1;
	s10 =	sld [smem:$0x3FB6];
	_ =	sdelay $0x3  }
0x37: {  	[smem:$0x3FB6] =	sst s10  }
0x38: {  	s10 =	sld [smem:$0x3FB7]  }
0x39: {  	_ = 	snop;
	(pc) =	sbr.ind lr, $3  }
0x3a: {  	_ = 	snop  }
0x3b: {  	_ = 	snop  }
0x3c: {  	p2 =	seq.s32 s10, $0x1;
	s10 =	sld [smem:$0x3FB6]  }
0x3d: {  	_ =	shalt  }
0x3e: {  	_ =	shalt  }
0x3f: {  	_ =	shalt  }
0x40: {  	_ =	shalt  }
0x41: {  	_ =	shalt  }
0x42: {  	_ =	shalt  }
0x43: {  	_ =	shalt  }
0x44: {  	_ =	shalt  }
0x45: {  	_ =	shalt  }
0x46: {  	_ =	shalt  }
0x47: {  	_ =	shalt  }
0x48: {  	_ =	shalt  }
0x49: {  	_ =	shalt  }
0x4a: {  	_ =	shalt  }
0x4b: {  	_ =	shalt  }
0x4c: {  	_ =	shalt  }
0x4d: {  	_ =	shalt  }
0x4e: {  	_ =	shalt  }
0x4f: {  	_ =	shalt  }
0x50: {  	_ =	shalt  }
0x51: {  	_ =	shalt  }
0x52: {  	_ =	shalt  }
0x53: {  	_ =	shalt  }
0x54: {  	_ =	shalt  }
0x55: {  	_ =	shalt  }
0x56: {  	_ =	shalt  }
0x57: {  	_ =	shalt  }
0x58: {  	_ =	shalt  }
0x59: {  	_ =	shalt  }
0x5a: {  	_ =	shalt  }
0x5b: {  	_ =	shalt  }
0x5c: {  	_ =	shalt  }
0x5d: {  	_ =	shalt  }
0x5e: {  	_ =	shalt  }
0x5f: {  	_ =	shalt  }
0x60: {  	_ =	shalt  }
0x61: {  	_ =	shalt  }
0x62: {  	_ =	shalt  }
0x63: {  	_ =	shalt  }
0x64: {  	_ =	shalt  }
0x65: {  	_ =	shalt  }
0x66: {  	_ =	shalt  }
0x67: {  	_ =	shalt  }
0x68: {  	_ =	shalt  }
0x69: {  	_ =	shalt  }
0x6a: {  	_ =	shalt  }
0x6b: {  	_ =	shalt  }
0x6c: {  	_ =	shalt  }
0x6d: {  	_ =	shalt  }
0x6e: {  	_ =	shalt  }
0x6f: {  	_ =	shalt  }
0x70: {  	_ =	shalt  }
0x71: {  	_ =	shalt  }
0x72: {  	_ =	shalt  }
0x73: {  	_ =	shalt  }
0x74: {  	_ =	shalt  }
0x75: {  	_ =	shalt  }
0x76: {  	_ =	shalt  }
0x77: {  	_ =	shalt  }
0x78: {  	_ =	shalt  }
0x79: {  	_ =	shalt  }
0x7a: {  	_ =	shalt  }
0x7b: {  	_ =	shalt  }
0x7c: {  	_ =	shalt  }
0x7d: {  	_ =	shalt  }
0x7e: {  	_ =	shalt  }
0x7f: {  	_ =	shalt  }
0x80: {  	_ =	shalt  }
0x81: {  	_ =	shalt  }
0x82: {  	_ =	shalt  }
0x83: {  	_ =	shalt  }
0x84: {  	_ =	shalt  }
0x85: {  	_ =	shalt  }
0x86: {  	_ =	shalt  }
0x87: {  	_ =	shalt  }
.Lfunc_end0:
.L_simem_size_0:
called_computation_lowered:
.L_overlay_start_0:
0x88: {  	s2 =	sld [smem:$0x3FD9]  }
0x89: {  	s3 =	sld [smem:$0x3FFE];
	_ =	sdelay $0x1  }
0x8a: {  	s1 =	srdreg.scid  }
0x8b: {  	s0 =	sand.u32 $0x1, s1  }
0x8c: {  	s17 =	sshll.u32 s0, $0xA;
	s2 =	sadd.s32 s3, s2  }
0x8d: {  	s2 =	sadd.s32 s2, s17  }
0x8e: {  	[smem:$0x3FC2] =	sst s2  }
0x8f: {  	_ = 	snop  }
0x90: {  	s2 =	sld [smem:$0x3FD0];
	(tm) =	ssettm $0x1  }
0x91: {  	s18 =	sld [smem:$0x3FFB];
	_ =	sdelay $0x3  }
0x92: {  	_ =	strace s18  }
0x93: {  	s3 =	sld [smem:$0x3FFC];
	_ =	sdelay $0x3  }
0x94: {  	_ =	strace s3  }
0x95: {  	s3 =	sld [smem:$0x3FFD];
	_ =	sdelay $0x3  }
0x96: {  	_ =	strace s3  }
0x97: {  	_ =	strace $0x8FFFFFFF  }
0x98: {  	s19 =	sld [smem:$0x3FDB];
	_ =	sdelay $0x1  }
0x99: {  	s4 =	simm.s32 $_scs_section_size  }
0x9a: {  	s5 =	simm.s32 $_size__tile_overlayer_lowered;
	s6 =	simm.s32 $_tile_overlayer_lowered  }
0x9b: {  	s22 =	simm.s32 $0x1BFF;
	s21 =	sshll.u32 s6, $0x1;
	s3 =	sadd.s32 s4, s19  }
0x9c: {  	s7 =	simm.s32 $0x0;
	s20 =	sshll.u32 s5, $0x1;
	s5 =	sadd.s32 s21, s3  }
0x9d: {  	[timem:s7], [sflag:s22] =	dma.local [hbm:s5], s20  }
0x9e: {  	_ =	swait.ge [sflag:s22], s20  }
0x9f: {  	s4 =	ssub.s32 $0x0, s20;
	[sflag:s22] =	ssyncset.done $0x0  }
0xa0: {  	[sflag:s22] =	ssyncadd.s32 s4;
	_ =	sdelay $0x1  }
0xa1: {  	s23 =	simm.s32 $0x1B8B  }
0xa2: {  	_ =	swait.ge [sflag:s23], $0x1  }
0xa3: {  	[sflag:s23] =	ssyncset.done $0x0  }
0xa4: {  	s25 =	simm.s32 $0x1B8E;
	s24 =	sld [smem:$0x3FFE];
	[sflag:s23] =	ssyncadd.s32 $0xFFFFFFFF  }
0xa5: {  	s26 =	simm.s32 $execute0_lowered;
	[smem:$0x3FD2] =	sst s25  }
0xa6: {  	s5 =	sshll.u32 s26, $0x1;
	_ =	strace $0x80000046;
	[dreg:$0x1] =	wrdreg $0xFFFFFFFF  }
0xa7: {  	s28 =	simm.s32 $_size_execute0_lowered;
	s3 =	sadd.s32 s3, s5;
	[dreg:$0x0] =	wrdreg $0x0  }
0xa8: {  	s5 =	sshll.u32 s28, $0x1;
	[dreg:$0x2] =	wrdreg s3  }
0xa9: {  	[dreg:$0x3] =	wrdreg s5  }
0xaa: {  	[dreg:$0x4] =	wrdreg $0xC0  }
0xab: {  	_ =	task [dreg:s7], $0x5FFFF  }
0xac: {  	[dreg:$0x1] =	wrdreg $0xFFFFFFFF  }
0xad: {  	[dreg:$0x0] =	wrdreg $0x60  }
0xae: {  	[dreg:$0x2] =	wrdreg s2  }
0xaf: {  	[dreg:$0x3] =	wrdreg s24  }
0xb0: {  	[dreg:$0x4] =	wrdreg $0x0  }
0xb1: {  	[dreg:$0x5] =	wrdreg $0x9  }
0xb2: {  	_ =	task.clear_ibuf [dreg:s7], $0x6FFFF;
	_ =	strace $0x90000046  }
0xb3: {  	s29 =	simm.s32 $0x9;
	_ =	strace $0x80000048  }
0xb4: {  	_ =	swait.ge [sflag:s29], $0x1  }
0xb5: {  	[sflag:s29] =	ssyncadd.s32 $0xFFFFFFFF  }
0xb6: {  	_ =	strace $0x90000048  }
0xb7: {  	_ =	sfence  }
0xb8: {  	s30 =	sld [smem:$0x0];
	_ =	sdelay $0x2  }
0xb9: {  	s31 =	sshll.u32 s1, $0xD;
	s1 =	sshrl.u32 s1, $0x2  }
0xba: {  	s3 =	sand.u32 $0x4000, s31;
	s1 =	sadd.s32 s1, s30  }
0xbb: {  	s0 =	sor.u32 s3, s0;
	s1 =	sshll.u32 s1, $0x11  }
0xbc: {  	s0 =	sor.u32 s1, s0  }
0xbd: {  	s0 =	sadd.s32 $0x8F2B, s0  }
0xbe: {  	[sflag:s0] =	ssyncadd.remote.s32 $0x1  }
0xbf: {  	_ =	sfence.sel $0xFFFF  }
0xc0: {  	[dreg:$0x0] =	wrdreg $0xFFFFFFFF;
	(pc) =	sbr.abs _section_cstart, $3  }
0xc1: {  	[dreg:$0x1] =	wrdreg $0xFFFFFFFF  }
0xc2: {  	_ =	task.clear_ibuf [dreg:s7], $0x2FFFF;
	_ =	strace $0x9FFFFFFF  }
0xc3: {  	(tm) =	ssettm $0x7FFFFFFF  }
tec
execute0_lowered:
.L_overlay_start_1:
0x0: {  	(tag) =	ssettag $0x1  }
0x1: {  	s30 =	rddreg [dreg:$0x0]  }
0x2: {  	s0 =	rddreg [dreg:$0x1]  }
0x3: {  	s11 =	rddreg [dreg:$0x2];
	s1 =	simm.s32 $0x0;
	s3 =	stileid.u32  }
0x4: {  	s19 =	srdreg.scid;
	s17 =	simm.s32 $0x7;
	s18 =	simm.s32 $0x16380  }
0x5: {  	s29 =	simm.s32 $0x16470;
	s31 =	simm.s32 $0x1B9C0;
	s14 =	simm.s32 $0x6  }
0x6: {  	[smem:$0x7FF] =	sst s1;
	s2 =	smul.u32 $0x16380, s3;
	s1 =	sand.u32 $0x1, s19  }
0x7: {  	s5 =	sadd.s32 $0x5800, s0;
	s6 =	sadd.s32 $0x800, s0;
	s7 =	sadd.s32 $0xA800, s0  }
0x8: {  	s9 =	sshll.u32 s3, $0x1;
	s22 =	sshll.u32 s3, $0x6;
	s19 =	simm.s32 $0x16420  }
0x9: {  	_ =	strace $0x80000047;
	s4 =	smul.u32 $0x163800, s1;
	s10 =	ssub.s32 $0x2, s1  }
0xa: {  	s1 =	sor.u32 s1, s9;
	s3 =	sor.u32 $0x1C07, s22;
	s22 =	simm.s32 $0x1B4C0  }
0xb: {  	s8 =	sshrl.u32 s2, $0x3;
	s20 =	sshrl.u32 s10, $0x1;
	s1 =	smul.u32 $0x2710, s1  }
0xc: {  	[dreg:$0x5] =	wrdreg s3;
	s4 =	sadd.s32 s2, s4;
	s8 =	sadd.s32 s8, s0  }
0xd: {  	v0 =	vlaneseq.u32;
	s21 =	ssub.s32 s10, s20;
	s2 =	sadd.s32 s2, s11;
	s20 =	simm.s32 $0x50  }
0xe: {  	v0 =	vmul.u32 $0x10, v0;
	s11 =	simm.s32 $0x5;
	s4 =	sshrl.u32 s4, $0x3;
	s24 =	sadd.s32 $0x1E200, s8  }
0xf: {  	s23 =	sshrl.u32 s1, $0x3;
	s26 =	sadd.s32 $0x50, s1;
	[dreg:$0x4] =	wrdreg s24  }
0x10: {  	v1 =	vor.u32 $0x1, v0;
	s1 =	sadd.s32 $0xA0, s1;
	s28 =	smax.u32 s21, $0x1;
	[dreg:$0x8] =	wrdreg s26  }
0x11: {  	v3 =	vor.u32 $0x2, v0;
	v4 =	vor.u32 $0x3, v0;
	v5 =	vor.u32 $0x100, v0;
	s0 =	sadd.s32 s4, s0;
	s25 =	sadd.s32 s7, s23;
	[dreg:$0x9] =	wrdreg s1  }
0x12: {  	v6 =	vor.u32 $0x101, v0;
	v7 =	vor.u32 $0x102, v0;
	v8 =	vor.u32 $0x103, v0;
	[dreg:$0xb] =	wrdreg s28;
	s4 =	sshrl.u32 s2, $0x3;
	s23 =	simm.s32 $0x1BEC0  }
0x13: {  	v9 =	vor.u32 $0x200, v0;
	v10 =	vor.u32 $0x201, v0;
	v11 =	vor.u32 $0x202, v0;
	s24 =	simm.s32 $0x1;
	s26 =	simm.s32 $0x3;
	[dreg:$0x6] =	wrdreg s25  }
0x14: {  	v12 =	vor.u32 $0x203, v0;
	v13 =	vor.u32 $0x300, v0;
	v14 =	vor.u32 $0x301, v0;
	s2 =	simm.s32 $0x1C8C0;
	s8 =	sadd.s32 $0x9C40, s25;
	[dreg:$0xc] =	wrdreg s4  }
0x15: {  	v15 =	vor.u32 $0x302, v0;
	v16 =	vor.u32 $0x303, v0;
	v17 =	vor.u32 $0x400, v0;
	s0 =	sadd.s32 $0x4AA00, s0;
	s25 =	simm.s32 $0x2;
	[dreg:$0x7] =	wrdreg s8  }
0x16: {  	v18 =	vor.u32 $0x401, v0;
	v19 =	vor.u32 $0x402, v0;
	v20 =	vor.u32 $0x403, v0;
	[tilespmem:$0x1FFF0] =	vst v1;
	[dreg:$0xa] =	wrdreg s0;
	s0 =	simm.s32 $0x1C3C0;
	s8 =	simm.s32 $0x0  }
.LBB2_1:
0x17: {  	[dreg:$0xd] =	wrdreg s8  }
0x18: {  	s1 =	rddreg [dreg:$0x4]  }
0x19: {  	[spmem:s4], [sflag:s3] =	dma.local [hbm:s1], $0x2C70  }
0x1a: {  	_ =	swait.ge [sflag:s17], $0x2C70  }
0x1b: {  	[sflag:s17] =	ssyncset.done $0x0  }
0x1c: {  	v1 =	vimm.f32 $0.0e+00;
	[sflag:s17] =	ssyncadd.s32 $0xFFFFD390  }
0x1d: {  	[tilespmem:$0x1C8C0] =	vst v1  }
0x1e: {  	[tilespmem:$0x1C8D0] =	vst v1  }
0x1f: {  	[tilespmem:$0x1C8E0] =	vst v1  }
0x20: {  	[tilespmem:$0x1C8F0] =	vst v1  }
0x21: {  	[tilespmem:$0x1C900] =	vst v1  }
0x22: {  	[tilespmem:$0x1C910] =	vst v1  }
0x23: {  	[tilespmem:$0x1C920] =	vst v1  }
0x24: {  	[tilespmem:$0x1C930] =	vst v1  }
0x25: {  	[tilespmem:$0x1C940] =	vst v1  }
0x26: {  	[tilespmem:$0x1C950] =	vst v1  }
0x27: {  	[tilespmem:$0x1C960] =	vst v1  }
0x28: {  	[tilespmem:$0x1C970] =	vst v1  }
0x29: {  	[tilespmem:$0x1C980] =	vst v1  }
0x2a: {  	[tilespmem:$0x1C990] =	vst v1  }
0x2b: {  	[tilespmem:$0x1C9A0] =	vst v1  }
0x2c: {  	[tilespmem:$0x1C9B0] =	vst v1  }
0x2d: {  	[tilespmem:$0x1C9C0] =	vst v1  }
0x2e: {  	[tilespmem:$0x1C9D0] =	vst v1  }
0x2f: {  	[tilespmem:$0x1C9E0] =	vst v1  }
0x30: {  	[tilespmem:$0x1C9F0] =	vst v1  }
0x31: {  	[tilespmem:$0x1CA00] =	vst v1  }
0x32: {  	[tilespmem:$0x1CA10] =	vst v1  }
0x33: {  	[tilespmem:$0x1CA20] =	vst v1  }
0x34: {  	[tilespmem:$0x1CA30] =	vst v1  }
0x35: {  	[tilespmem:$0x1CA40] =	vst v1  }
0x36: {  	[tilespmem:$0x1CA50] =	vst v1  }
0x37: {  	[tilespmem:$0x1CA60] =	vst v1  }
0x38: {  	[tilespmem:$0x1CA70] =	vst v1  }
0x39: {  	[tilespmem:$0x1CA80] =	vst v1  }
0x3a: {  	[tilespmem:$0x1CA90] =	vst v1  }
0x3b: {  	[tilespmem:$0x1CAA0] =	vst v1  }
0x3c: {  	[tilespmem:$0x1CAB0] =	vst v1  }
0x3d: {  	[tilespmem:$0x1CAC0] =	vst v1  }
0x3e: {  	[tilespmem:$0x1CAD0] =	vst v1  }
0x3f: {  	[tilespmem:$0x1CAE0] =	vst v1  }
0x40: {  	[tilespmem:$0x1CAF0] =	vst v1  }
0x41: {  	[tilespmem:$0x1CB00] =	vst v1  }
0x42: {  	[tilespmem:$0x1CB10] =	vst v1  }
0x43: {  	[tilespmem:$0x1CB20] =	vst v1  }
0x44: {  	[tilespmem:$0x1CB30] =	vst v1  }
0x45: {  	[tilespmem:$0x1CB40] =	vst v1  }
0x46: {  	[tilespmem:$0x1CB50] =	vst v1  }
0x47: {  	[tilespmem:$0x1CB60] =	vst v1  }
0x48: {  	[tilespmem:$0x1CB70] =	vst v1  }
0x49: {  	[tilespmem:$0x1CB80] =	vst v1  }
0x4a: {  	[tilespmem:$0x1CB90] =	vst v1  }
0x4b: {  	[tilespmem:$0x1CBA0] =	vst v1  }
0x4c: {  	[tilespmem:$0x1CBB0] =	vst v1  }
0x4d: {  	[tilespmem:$0x1CBC0] =	vst v1  }
0x4e: {  	[tilespmem:$0x1CBD0] =	vst v1  }
0x4f: {  	[tilespmem:$0x1CBE0] =	vst v1  }
0x50: {  	[tilespmem:$0x1CBF0] =	vst v1  }
0x51: {  	[tilespmem:$0x1CC00] =	vst v1  }
0x52: {  	[tilespmem:$0x1CC10] =	vst v1  }
0x53: {  	[tilespmem:$0x1CC20] =	vst v1  }
0x54: {  	[tilespmem:$0x1CC30] =	vst v1  }
0x55: {  	[tilespmem:$0x1CC40] =	vst v1  }
0x56: {  	[tilespmem:$0x1CC50] =	vst v1  }
0x57: {  	[tilespmem:$0x1CC60] =	vst v1  }
0x58: {  	[tilespmem:$0x1CC70] =	vst v1  }
0x59: {  	[tilespmem:$0x1CC80] =	vst v1  }
0x5a: {  	[tilespmem:$0x1CC90] =	vst v1  }
0x5b: {  	[tilespmem:$0x1CCA0] =	vst v1  }
0x5c: {  	[tilespmem:$0x1CCB0] =	vst v1  }
0x5d: {  	[tilespmem:$0x1CCC0] =	vst v1  }
0x5e: {  	[tilespmem:$0x1CCD0] =	vst v1  }
0x5f: {  	[tilespmem:$0x1CCE0] =	vst v1  }
0x60: {  	[tilespmem:$0x1CCF0] =	vst v1  }
0x61: {  	[tilespmem:$0x1CD00] =	vst v1  }
0x62: {  	[tilespmem:$0x1CD10] =	vst v1  }
0x63: {  	[tilespmem:$0x1CD20] =	vst v1  }
0x64: {  	[tilespmem:$0x1CD30] =	vst v1  }
0x65: {  	[tilespmem:$0x1CD40] =	vst v1  }
0x66: {  	[tilespmem:$0x1CD50] =	vst v1  }
0x67: {  	[tilespmem:$0x1CD60] =	vst v1  }
0x68: {  	[tilespmem:$0x1CD70] =	vst v1  }
0x69: {  	[tilespmem:$0x1CD80] =	vst v1  }
0x6a: {  	[tilespmem:$0x1CD90] =	vst v1  }
0x6b: {  	[tilespmem:$0x1CDA0] =	vst v1  }
0x6c: {  	[tilespmem:$0x1CDB0] =	vst v1  }
0x6d: {  	[bflag:$0x0] =	sbarrier.arrive $0xFFFF  }
0x6e: {  	s15 =	simm.s32 $0x0;
	s16 =	rddreg [dreg:$0x6]  }
0x6f: {  	[tilespmem:s18], [sflag:$0x7] =	stream.linear.gather [hbm4b:s16+s15], $0x50, $0x38;
	[tilespmem:$0x1FAC0] =	vst v63  }
0x70: {  	_ =	swait.ge [sflag:s17], $0x50  }
0x71: {  	[sflag:s17] =	ssyncset.done $0x0  }
0x72: {  	s21 =	rddreg [dreg:$0x7];
	[sflag:s17] =	ssyncadd.s32 $0xFFFFFFB0  }
0x73: {  	[tilespmem:s19], [sflag:$0x7] =	stream.linear.gather [hbm4b:s21+s15], $0x50, $0x38;
	[tilespmem:$0x1FAC0] =	vst v63  }
0x74: {  	_ =	swait.ge [sflag:s17], $0x50  }
0x75: {  	[sflag:s17] =	ssyncset.done $0x0  }
0x76: {  	s28 =	simm.s32 $0x164C0;
	[sflag:s17] =	ssyncadd.s32 $0xFFFFFFB0  }
0x77: {  	[tilespmem:s28], [sflag:$0x1] =	stream.indirect.gather [hbm4b:s30+s20], $0x80, s18, s20, $0xb8;
	[tilespmem:$0x1FAC0] =	vst v63  }
0x78: {  	_ = 	snop  }
0x79: {  	[tilespmem:s22], [sflag:$0x2] =	stream.indirect.gather [hbm4b:s5+s20], $0x10, s18, s20, $0xb8;
	[tilespmem:$0x1FAC0] =	vst v63  }
0x7a: {  	s10 =	simm.s32 $0x0  }
0x7b: {  	[tilespmem:s23], [sflag:$0x3] =	stream.indirect.gather [hbm4b:s6+s20], $0x10, s19, s20, $0xb8;
	[tilespmem:$0x1FAC0] =	vst v63  }
.LBB2_2:
0x7c: {  	_ =	swait.ge [sflag:s24], $0x2800  }
0x7d: {  	[sflag:s24] =	ssyncset.done $0x0  }
0x7e: {  	[sflag:s24] =	ssyncadd.s32 $0xFFFFD800  }
0x7f: {  	_ =	swait.ge [sflag:s25], $0x500  }
0x80: {  	[sflag:s25] =	ssyncset.done $0x0  }
0x81: {  	[sflag:s25] =	ssyncadd.s32 $0xFFFFFB00  }
0x82: {  	s9 =	smul.u32 $0xA0, s10;
	_ =	swait.ge [sflag:s26], $0x500  }
0x83: {  	s1 =	rddreg [dreg:$0x8]  }
0x84: {  	s1 =	sadd.s32 s9, s1  }
0x85: {  	s12 =	simm.s32 $0x0;
	[sflag:s26] =	ssyncset.done $0x0;
	s1 =	sshrl.u32 s1, $0x3  }
0x86: {  	s3 =	simm.s32 $0x163D0;
	[sflag:s26] =	ssyncadd.s32 $0xFFFFFB00;
	s1 =	sadd.s32 s7, s1  }
0x87: {  	[tilespmem:s3], [sflag:$0x7] =	stream.linear.gather [hbm4b:s1+s12], $0x50, $0x38;
	[tilespmem:$0x1FAC0] =	vst v63  }
0x88: {  	_ =	swait.ge [sflag:s17], $0x50  }
0x89: {  	[sflag:s17] =	ssyncset.done $0x0  }
0x8a: {  	s1 =	sadd.s32 $0x9C40, s1;
	[sflag:s17] =	ssyncadd.s32 $0xFFFFFFB0  }
0x8b: {  	[tilespmem:s29], [sflag:$0x7] =	stream.linear.gather [hbm4b:s1+s12], $0x50, $0x38;
	[tilespmem:$0x1FAC0] =	vst v63  }
0x8c: {  	_ =	swait.ge [sflag:s17], $0x50  }
0x8d: {  	[sflag:s17] =	ssyncset.done $0x0  }
0x8e: {  	s13 =	simm.s32 $0x18CC0;
	[sflag:s17] =	ssyncadd.s32 $0xFFFFFFB0  }
0x8f: {  	[tilespmem:s13], [sflag:$0x4] =	stream.indirect.gather [hbm4b:s30+s20], $0x80, s3, s20, $0xb8;
	[tilespmem:$0x1FAC0] =	vst v63  }
0x90: {  	_ = 	snop  }
0x91: {  	[tilespmem:s31], [sflag:$0x5] =	stream.indirect.gather [hbm4b:s5+s20], $0x10, s3, s20, $0xb8;
	[tilespmem:$0x1FAC0] =	vst v63  }
0x92: {  	_ = 	snop  }
0x93: {  	[tilespmem:s0], [sflag:$0x6] =	stream.indirect.gather [hbm4b:s6+s20], $0x10, s29, s20, $0xb8;
	[tilespmem:$0x1FAC0] =	vst v63  }
0x94: {  	v21 =	vld.idx.msk [tilespmem:v0+s22+$0x0], $0xffff  }
0x95: {  	v22 =	vld.idx.msk [tilespmem:v0+s23+$0x0], $0xffff;
	_ =	sdelay $0x4  }
0x96: {  	v21 =	vadd.f32 v22, v21;
	_ =	sdelay $0x1  }
0x97: {  	v22 =	vmul.f32 $2.000000030e-01, v21  }
0x98: {  	vm0 =	vge.f32 v21, $0.0e+00  }
0x99: {  	v21 =	vsel vm0, v21, v22  }
0x9a: {  	v21 =	vmul.f32 $1.442695020e+00, v21;
	_ =	sdelay $0x1  }
0x9b: {  	(erf) = vpow2.f32 v21;
	_ =	sdelay $0x2  }
0x9c: {  	v1 =	vld [tilespmem:$0x1FFF0];
	_ =	sdelay $0x5  }
0x9d: {  	v21 =	vpop (erf)  }
0x9e: {  	[tilespmem:v0+s2+$0x0] =	vst.idx.msk $0xffff, v21  }
0x9f: {  	v21 =	vld.idx.msk [tilespmem:v1+s22+$0x0], $0xffff  }
0xa0: {  	v22 =	vld.idx.msk [tilespmem:v1+s23+$0x0], $0xffff;
	_ =	sdelay $0x4  }
0xa1: {  	v21 =	vadd.f32 v22, v21;
	_ =	sdelay $0x1  }
0xa2: {  	v22 =	vmul.f32 $2.000000030e-01, v21  }
0xa3: {  	vm9 =	vge.f32 v21, $0.0e+00  }
0xa4: {  	v21 =	vsel vm9, v21, v22  }
0xa5: {  	v21 =	vmul.f32 $1.442695020e+00, v21;
	_ =	sdelay $0x1  }
0xa6: {  	(erf) = vpow2.f32 v21;
	_ =	sdelay $0x8  }
0xa7: {  	v21 =	vpop (erf)  }
0xa8: {  	[tilespmem:v1+s2+$0x0] =	vst.idx.msk $0xffff, v21  }
0xa9: {  	v21 =	vld.idx.msk [tilespmem:v3+s22+$0x0], $0xffff  }
0xaa: {  	v22 =	vld.idx.msk [tilespmem:v3+s23+$0x0], $0xffff;
	_ =	sdelay $0x4  }
0xab: {  	v21 =	vadd.f32 v22, v21;
	_ =	sdelay $0x1  }
0xac: {  	v22 =	vmul.f32 $2.000000030e-01, v21  }
0xad: {  	vm10 =	vge.f32 v21, $0.0e+00  }
0xae: {  	v21 =	vsel vm10, v21, v22  }
0xaf: {  	v21 =	vmul.f32 $1.442695020e+00, v21;
	_ =	sdelay $0x1  }
0xb0: {  	(erf) = vpow2.f32 v21;
	_ =	sdelay $0x8  }
0xb1: {  	v21 =	vpop (erf)  }
0xb2: {  	[tilespmem:v3+s2+$0x0] =	vst.idx.msk $0xffff, v21  }
0xb3: {  	v21 =	vld.idx.msk [tilespmem:v4+s22+$0x0], $0xffff  }
0xb4: {  	v22 =	vld.idx.msk [tilespmem:v4+s23+$0x0], $0xffff;
	_ =	sdelay $0x4  }
0xb5: {  	v21 =	vadd.f32 v22, v21;
	_ =	sdelay $0x1  }
0xb6: {  	v22 =	vmul.f32 $2.000000030e-01, v21  }
0xb7: {  	vm11 =	vge.f32 v21, $0.0e+00  }
0xb8: {  	v21 =	vsel vm11, v21, v22  }
0xb9: {  	v21 =	vmul.f32 $1.442695020e+00, v21;
	_ =	sdelay $0x1  }
0xba: {  	(erf) = vpow2.f32 v21;
	_ =	sdelay $0x8  }
0xbb: {  	v21 =	vpop (erf)  }
0xbc: {  	[tilespmem:v4+s2+$0x0] =	vst.idx.msk $0xffff, v21  }
0xbd: {  	v21 =	vld.idx.msk [tilespmem:v5+s22+$0x0], $0xffff  }
0xbe: {  	v22 =	vld.idx.msk [tilespmem:v5+s23+$0x0], $0xffff;
	_ =	sdelay $0x4  }
0xbf: {  	v21 =	vadd.f32 v22, v21;
	_ =	sdelay $0x1  }
0xc0: {  	v22 =	vmul.f32 $2.000000030e-01, v21  }
0xc1: {  	vm12 =	vge.f32 v21, $0.0e+00  }
0xc2: {  	v21 =	vsel vm12, v21, v22  }
0xc3: {  	v21 =	vmul.f32 $1.442695020e+00, v21;
	_ =	sdelay $0x1  }
0xc4: {  	(erf) = vpow2.f32 v21;
	_ =	sdelay $0x8  }
0xc5: {  	v21 =	vpop (erf)  }
0xc6: {  	[tilespmem:v5+s2+$0x0] =	vst.idx.msk $0xffff, v21  }
0xc7: {  	v21 =	vld.idx.msk [tilespmem:v6+s22+$0x0], $0xffff  }
0xc8: {  	v22 =	vld.idx.msk [tilespmem:v6+s23+$0x0], $0xffff;
	_ =	sdelay $0x4  }
0xc9: {  	v21 =	vadd.f32 v22, v21;
	_ =	sdelay $0x1  }
0xca: {  	v22 =	vmul.f32 $2.000000030e-01, v21  }
0xcb: {  	vm13 =	vge.f32 v21, $0.0e+00  }
0xcc: {  	v21 =	vsel vm13, v21, v22  }
0xcd: {  	v21 =	vmul.f32 $1.442695020e+00, v21;
	_ =	sdelay $0x1  }
0xce: {  	(erf) = vpow2.f32 v21;
	_ =	sdelay $0x8  }
0xcf: {  	v21 =	vpop (erf)  }
0xd0: {  	[tilespmem:v6+s2+$0x0] =	vst.idx.msk $0xffff, v21  }
0xd1: {  	v21 =	vld.idx.msk [tilespmem:v7+s22+$0x0], $0xffff  }
0xd2: {  	v22 =	vld.idx.msk [tilespmem:v7+s23+$0x0], $0xffff;
	_ =	sdelay $0x4  }
0xd3: {  	v21 =	vadd.f32 v22, v21;
	_ =	sdelay $0x1  }
0xd4: {  	v22 =	vmul.f32 $2.000000030e-01, v21  }
0xd5: {  	vm14 =	vge.f32 v21, $0.0e+00  }
0xd6: {  	v21 =	vsel vm14, v21, v22  }
0xd7: {  	v21 =	vmul.f32 $1.442695020e+00, v21;
	_ =	sdelay $0x1  }
0xd8: {  	(erf) = vpow2.f32 v21;
	_ =	sdelay $0x8  }
0xd9: {  	v21 =	vpop (erf)  }
0xda: {  	[tilespmem:v7+s2+$0x0] =	vst.idx.msk $0xffff, v21  }
0xdb: {  	v21 =	vld.idx.msk [tilespmem:v8+s22+$0x0], $0xffff  }
0xdc: {  	v22 =	vld.idx.msk [tilespmem:v8+s23+$0x0], $0xffff;
	_ =	sdelay $0x4  }
0xdd: {  	v21 =	vadd.f32 v22, v21;
	_ =	sdelay $0x1  }
0xde: {  	v22 =	vmul.f32 $2.000000030e-01, v21  }
0xdf: {  	vm15 =	vge.f32 v21, $0.0e+00  }
0xe0: {  	v21 =	vsel vm15, v21, v22  }
0xe1: {  	v21 =	vmul.f32 $1.442695020e+00, v21;
	_ =	sdelay $0x1  }
0xe2: {  	(erf) = vpow2.f32 v21;
	_ =	sdelay $0x8  }
0xe3: {  	v21 =	vpop (erf)  }
0xe4: {  	[tilespmem:v8+s2+$0x0] =	vst.idx.msk $0xffff, v21  }
0xe5: {  	v21 =	vld.idx.msk [tilespmem:v9+s22+$0x0], $0xffff  }
0xe6: {  	v22 =	vld.idx.msk [tilespmem:v9+s23+$0x0], $0xffff;
	_ =	sdelay $0x4  }
0xe7: {  	v21 =	vadd.f32 v22, v21;
	_ =	sdelay $0x1  }
0xe8: {  	v22 =	vmul.f32 $2.000000030e-01, v21  }
0xe9: {  	vm4 =	vge.f32 v21, $0.0e+00  }
0xea: {  	v21 =	vsel vm4, v21, v22  }
0xeb: {  	v21 =	vmul.f32 $1.442695020e+00, v21;
	_ =	sdelay $0x1  }
0xec: {  	(erf) = vpow2.f32 v21;
	_ =	sdelay $0x8  }
0xed: {  	v21 =	vpop (erf)  }
0xee: {  	[tilespmem:v9+s2+$0x0] =	vst.idx.msk $0xffff, v21  }
0xef: {  	v21 =	vld.idx.msk [tilespmem:v10+s22+$0x0], $0xffff  }
0xf0: {  	v22 =	vld.idx.msk [tilespmem:v10+s23+$0x0], $0xffff;
	_ =	sdelay $0x4  }
0xf1: {  	v21 =	vadd.f32 v22, v21;
	_ =	sdelay $0x1  }
0xf2: {  	v22 =	vmul.f32 $2.000000030e-01, v21  }
0xf3: {  	vm5 =	vge.f32 v21, $0.0e+00  }
0xf4: {  	v21 =	vsel vm5, v21, v22  }
0xf5: {  	v21 =	vmul.f32 $1.442695020e+00, v21;
	_ =	sdelay $0x1  }
0xf6: {  	(erf) = vpow2.f32 v21;
	_ =	sdelay $0x8  }
0xf7: {  	v21 =	vpop (erf)  }
0xf8: {  	[tilespmem:v10+s2+$0x0] =	vst.idx.msk $0xffff, v21  }
0xf9: {  	v21 =	vld.idx.msk [tilespmem:v11+s22+$0x0], $0xffff  }
0xfa: {  	v22 =	vld.idx.msk [tilespmem:v11+s23+$0x0], $0xffff;
	_ =	sdelay $0x4  }
0xfb: {  	v21 =	vadd.f32 v22, v21;
	_ =	sdelay $0x1  }
0xfc: {  	v22 =	vmul.f32 $2.000000030e-01, v21  }
0xfd: {  	vm6 =	vge.f32 v21, $0.0e+00  }
0xfe: {  	v21 =	vsel vm6, v21, v22  }
0xff: {  	v21 =	vmul.f32 $1.442695020e+00, v21;
	_ =	sdelay $0x1  }
0x100: {  	(erf) = vpow2.f32 v21;
	_ =	sdelay $0x8  }
0x101: {  	v21 =	vpop (erf)  }
0x102: {  	[tilespmem:v11+s2+$0x0] =	vst.idx.msk $0xffff, v21  }
0x103: {  	v21 =	vld.idx.msk [tilespmem:v12+s22+$0x0], $0xffff  }
0x104: {  	v22 =	vld.idx.msk [tilespmem:v12+s23+$0x0], $0xffff;
	_ =	sdelay $0x4  }
0x105: {  	v21 =	vadd.f32 v22, v21;
	_ =	sdelay $0x1  }
0x106: {  	v22 =	vmul.f32 $2.000000030e-01, v21  }
0x107: {  	vm7 =	vge.f32 v21, $0.0e+00  }
0x108: {  	v21 =	vsel vm7, v21, v22  }
0x109: {  	v21 =	vmul.f32 $1.442695020e+00, v21;
	_ =	sdelay $0x1  }
0x10a: {  	(erf) = vpow2.f32 v21;
	_ =	sdelay $0x8  }
0x10b: {  	v21 =	vpop (erf)  }
0x10c: {  	[tilespmem:v12+s2+$0x0] =	vst.idx.msk $0xffff, v21  }
0x10d: {  	v21 =	vld.idx.msk [tilespmem:v13+s22+$0x0], $0xffff  }
0x10e: {  	v22 =	vld.idx.msk [tilespmem:v13+s23+$0x0], $0xffff;
	_ =	sdelay $0x4  }
0x10f: {  	v21 =	vadd.f32 v22, v21;
	_ =	sdelay $0x1  }
0x110: {  	v22 =	vmul.f32 $2.000000030e-01, v21  }
0x111: {  	vm8 =	vge.f32 v21, $0.0e+00  }
0x112: {  	v21 =	vsel vm8, v21, v22  }
0x113: {  	v21 =	vmul.f32 $1.442695020e+00, v21;
	_ =	sdelay $0x1  }
0x114: {  	(erf) = vpow2.f32 v21;
	_ =	sdelay $0x8  }
0x115: {  	v21 =	vpop (erf)  }
0x116: {  	[tilespmem:v13+s2+$0x0] =	vst.idx.msk $0xffff, v21  }
0x117: {  	v21 =	vld.idx.msk [tilespmem:v14+s22+$0x0], $0xffff  }
0x118: {  	v22 =	vld.idx.msk [tilespmem:v14+s23+$0x0], $0xffff;
	_ =	sdelay $0x4  }
0x119: {  	v21 =	vadd.f32 v22, v21;
	_ =	sdelay $0x1  }
0x11a: {  	v22 =	vmul.f32 $2.000000030e-01, v21  }
0x11b: {  	vm9 =	vge.f32 v21, $0.0e+00  }
0x11c: {  	v21 =	vsel vm9, v21, v22  }
0x11d: {  	v21 =	vmul.f32 $1.442695020e+00, v21;
	_ =	sdelay $0x1  }
0x11e: {  	(erf) = vpow2.f32 v21;
	_ =	sdelay $0x8  }
0x11f: {  	v21 =	vpop (erf)  }
0x120: {  	[tilespmem:v14+s2+$0x0] =	vst.idx.msk $0xffff, v21  }
0x121: {  	v21 =	vld.idx.msk [tilespmem:v15+s22+$0x0], $0xffff  }
0x122: {  	v22 =	vld.idx.msk [tilespmem:v15+s23+$0x0], $0xffff;
	_ =	sdelay $0x4  }
0x123: {  	v21 =	vadd.f32 v22, v21;
	_ =	sdelay $0x1  }
0x124: {  	v22 =	vmul.f32 $2.000000030e-01, v21  }
0x125: {  	vm10 =	vge.f32 v21, $0.0e+00  }
0x126: {  	v21 =	vsel vm10, v21, v22  }
0x127: {  	v21 =	vmul.f32 $1.442695020e+00, v21;
	_ =	sdelay $0x1  }
0x128: {  	(erf) = vpow2.f32 v21;
	_ =	sdelay $0x8  }
0x129: {  	v21 =	vpop (erf)  }
0x12a: {  	[tilespmem:v15+s2+$0x0] =	vst.idx.msk $0xffff, v21  }
0x12b: {  	v21 =	vld.idx.msk [tilespmem:v16+s22+$0x0], $0xffff  }
0x12c: {  	v22 =	vld.idx.msk [tilespmem:v16+s23+$0x0], $0xffff;
	_ =	sdelay $0x4  }
0x12d: {  	v21 =	vadd.f32 v22, v21;
	_ =	sdelay $0x1  }
0x12e: {  	v22 =	vmul.f32 $2.000000030e-01, v21  }
0x12f: {  	vm11 =	vge.f32 v21, $0.0e+00  }
0x130: {  	v21 =	vsel vm11, v21, v22  }
0x131: {  	v21 =	vmul.f32 $1.442695020e+00, v21;
	_ =	sdelay $0x1  }
0x132: {  	(erf) = vpow2.f32 v21;
	_ =	sdelay $0x8  }
0x133: {  	v21 =	vpop (erf)  }
0x134: {  	[tilespmem:v16+s2+$0x0] =	vst.idx.msk $0xffff, v21  }
0x135: {  	v21 =	vld.idx.msk [tilespmem:v17+s22+$0x0], $0xffff  }
0x136: {  	v22 =	vld.idx.msk [tilespmem:v17+s23+$0x0], $0xffff;
	_ =	sdelay $0x4  }
0x137: {  	v21 =	vadd.f32 v22, v21;
	_ =	sdelay $0x1  }
0x138: {  	v22 =	vmul.f32 $2.000000030e-01, v21  }
0x139: {  	vm12 =	vge.f32 v21, $0.0e+00  }
0x13a: {  	v21 =	vsel vm12, v21, v22  }
0x13b: {  	v21 =	vmul.f32 $1.442695020e+00, v21;
	_ =	sdelay $0x1  }
0x13c: {  	(erf) = vpow2.f32 v21;
	_ =	sdelay $0x8  }
0x13d: {  	v21 =	vpop (erf)  }
0x13e: {  	[tilespmem:v17+s2+$0x0] =	vst.idx.msk $0xffff, v21  }
0x13f: {  	v21 =	vld.idx.msk [tilespmem:v18+s22+$0x0], $0xffff  }
0x140: {  	v22 =	vld.idx.msk [tilespmem:v18+s23+$0x0], $0xffff;
	_ =	sdelay $0x4  }
0x141: {  	v21 =	vadd.f32 v22, v21;
	_ =	sdelay $0x1  }
0x142: {  	v22 =	vmul.f32 $2.000000030e-01, v21  }
0x143: {  	vm13 =	vge.f32 v21, $0.0e+00  }
0x144: {  	v21 =	vsel vm13, v21, v22  }
0x145: {  	v21 =	vmul.f32 $1.442695020e+00, v21;
	_ =	sdelay $0x1  }
0x146: {  	(erf) = vpow2.f32 v21;
	_ =	sdelay $0x8  }
0x147: {  	v21 =	vpop (erf)  }
0x148: {  	[tilespmem:v18+s2+$0x0] =	vst.idx.msk $0xffff, v21  }
0x149: {  	v21 =	vld.idx.msk [tilespmem:v19+s22+$0x0], $0xffff  }
0x14a: {  	v22 =	vld.idx.msk [tilespmem:v19+s23+$0x0], $0xffff;
	_ =	sdelay $0x4  }
0x14b: {  	v21 =	vadd.f32 v22, v21;
	_ =	sdelay $0x1  }
0x14c: {  	v22 =	vmul.f32 $2.000000030e-01, v21  }
0x14d: {  	vm14 =	vge.f32 v21, $0.0e+00  }
0x14e: {  	v21 =	vsel vm14, v21, v22  }
0x14f: {  	v21 =	vmul.f32 $1.442695020e+00, v21;
	_ =	sdelay $0x1  }
0x150: {  	(erf) = vpow2.f32 v21;
	_ =	sdelay $0x8  }
0x151: {  	v21 =	vpop (erf)  }
0x152: {  	[tilespmem:v19+s2+$0x0] =	vst.idx.msk $0xffff, v21  }
0x153: {  	v21 =	vld.idx.msk [tilespmem:v20+s22+$0x0], $0xffff  }
0x154: {  	v22 =	vld.idx.msk [tilespmem:v20+s23+$0x0], $0xffff;
	_ =	sdelay $0x4  }
0x155: {  	v21 =	vadd.f32 v22, v21;
	_ =	sdelay $0x1  }
0x156: {  	v22 =	vmul.f32 $2.000000030e-01, v21  }
0x157: {  	vm15 =	vge.f32 v21, $0.0e+00  }
0x158: {  	v21 =	vsel vm15, v21, v22  }
0x159: {  	v21 =	vmul.f32 $1.442695020e+00, v21;
	_ =	sdelay $0x1  }
0x15a: {  	(erf) = vpow2.f32 v21;
	_ =	sdelay $0x8  }
0x15b: {  	v21 =	vpop (erf)  }
0x15c: {  	s15 =	simm.s32 $0x1C900;
	[tilespmem:v20+s2+$0x0] =	vst.idx.msk $0xffff, v21  }
0x15d: {  	v21 =	vld [tilespmem:s15+$0x30]  }
0x15e: {  	v27 =	vld [tilespmem:s15+$0xFFFFFFD0]  }
0x15f: {  	s21 =	simm.s32 $0x70;
	v29 =	vld [tilespmem:s15+$0xFFFFFFE0]  }
0x160: {  	v22 =	vmov s21;
	v30 =	vld [tilespmem:s15+$0xFFFFFFF0]  }
0x161: {  	s28 =	simm.s32 $0x10;
	v31 =	vld [tilespmem:s15+$0x0]  }
0x162: {  	v25 =	vmov s28;
	s29 =	simm.s32 $0x20;
	v32 =	vld [tilespmem:s15+$0x10]  }
0x163: {  	s16 =	simm.s32 $0x1D000;
	s13 =	simm.s32 $0x30;
	v28 =	vmov s29;
	v35 =	vld [tilespmem:s15+$0x20]  }
0x164: {  	v26 =	vmov s13;
	s3 =	simm.s32 $0x40;
	v36 =	vld [tilespmem:s15+$0xFFFFFFC0];
	[tilespmem:s16+$0x230] =	vst v21  }
0x165: {  	s4 =	simm.s32 $0x50;
	v24 =	vmov s3;
	s21 =	simm.s32 $0x166C0;
	v33 =	vld.idx.msk [tilespmem:v22+s2+$0x0], $0xffff  }
0x166: {  	v23 =	vmov s4;
	[tilespmem:s16+$0xFFFFFED0] =	vst v27;
	v34 =	vld [tilespmem:s21+$0x180]  }
0x167: {  	[tilespmem:s16+$0xFFFFFF60] =	vst v29;
	v29 =	vld.idx.msk [tilespmem:v25+s2+$0x0], $0xffff  }
0x168: {  	[tilespmem:s16+$0xFFFFFFF0] =	vst v30;
	v30 =	vld.idx.msk [tilespmem:v28+s2+$0x0], $0xffff  }
0x169: {  	[tilespmem:s16+$0x80] =	vst v31;
	v31 =	vld.idx.msk [tilespmem:v26+s2+$0x0], $0xffff  }
0x16a: {  	[tilespmem:s16+$0x110] =	vst v32;
	v56 =	vld.idx.msk [tilespmem:v24+s2+$0x0], $0xffff  }
0x16b: {  	[tilespmem:s16+$0xFFFFFE40] =	vst v36;
	v37 =	vld.idx.msk [tilespmem:v23+s2+$0x0], $0xffff  }
0x16c: {  	s13 =	simm.s32 $0x0;
	v38 =	vld [tilespmem:s21+$0xFFFFFE00]  }
0x16d: {  	v21 =	vmov s13;
	v40 =	vld [tilespmem:s21+$0xFFFFFE80]  }
0x16e: {  	v41 =	vld [tilespmem:s21+$0xFFFFFF00]  }
0x16f: {  	s12 =	simm.s32 $0x60;
	v57 =	vld [tilespmem:s21+$0xFFFFFF80]  }
0x170: {  	v27 =	vmov s12;
	v42 =	vld [tilespmem:s21+$0x0];
	v34 =	vmul.f32 v34, v33  }
0x171: {  	v43 =	vld [tilespmem:s21+$0x80]  }
0x172: {  	v36 =	vld.idx.msk [tilespmem:v21+s2+$0x0], $0xffff;
	[tilespmem:s16+$0x1B0] =	vst v34  }
0x173: {  	[tilespmem:s16+$0x1A0] =	vst v35;
	v41 =	vmul.f32 v41, v30;
	v34 =	vld [tilespmem:s21+$0x190]  }
0x174: {  	v60 =	vld [tilespmem:s21+$0x100];
	v58 =	vmul.f32 v40, v29  }
0x175: {  	v35 =	vld.idx.msk [tilespmem:v27+s2+$0x0], $0xffff;
	v61 =	vmul.f32 v42, v56;
	[tilespmem:s16+$0xFFFFFEE0] =	vst v41  }
0x176: {  	v39 =	vor.u32 $0x1, v22;
	v43 =	vmul.f32 v43, v37;
	[tilespmem:s16+$0xFFFFFE50] =	vst v58;
	v62 =	vld [tilespmem:s21+$0xFFFFFF10]  }
0x177: {  	[tilespmem:s16+$0x0] =	vst v61;
	v44 =	vld [tilespmem:s21+$0xFFFFFE90];
	v38 =	vmul.f32 v38, v36  }
0x178: {  	[tilespmem:s16+$0x90] =	vst v43;
	v48 =	vld [tilespmem:s21+$0x10];
	v33 =	vmul.f32 v34, v33  }
0x179: {  	v45 =	vor.u32 $0x1, v28;
	v52 =	vld [tilespmem:s21+$0x90];
	[tilespmem:s16+$0xFFFFFDC0] =	vst v38  }
0x17a: {  	v46 =	vld [tilespmem:s21+$0xFFFFFE10];
	v34 =	vmul.f32 v57, v31;
	[tilespmem:s16+$0x1C0] =	vst v33  }
0x17b: {  	v30 =	vmul.f32 v62, v30;
	v33 =	vld.idx.msk [tilespmem:v39+s2+$0x0], $0xffff  }
0x17c: {  	v29 =	vmul.f32 v44, v29;
	[tilespmem:s16+$0xFFFFFF70] =	vst v34;
	v59 =	vld [tilespmem:s21+$0x1A0]  }
0x17d: {  	[tilespmem:s16+$0xFFFFFEF0] =	vst v30;
	v34 =	vld [tilespmem:s21+$0xFFFFFF90]  }
0x17e: {  	v53 =	vor.u32 $0x1, v21;
	v37 =	vmul.f32 v52, v37;
	[tilespmem:s16+$0xFFFFFE60] =	vst v29;
	v38 =	vld.idx.msk [tilespmem:v45+s2+$0x0], $0xffff  }
0x17f: {  	v63 =	vor.u32 $0x1, v25;
	v30 =	vmul.f32 v48, v56;
	v57 =	vld [tilespmem:s21+$0xFFFFFEA0]  }
0x180: {  	[tilespmem:s16+$0xA0] =	vst v37;
	v58 =	vld [tilespmem:s21+$0xFFFFFF20];
	v36 =	vmul.f32 v46, v36  }
0x181: {  	v49 =	vor.u32 $0x1, v26;
	v39 =	vmul.f32 v60, v35;
	v61 =	vld [tilespmem:s21+$0xA0];
	[tilespmem:s16+$0x10] =	vst v30  }
0x182: {  	v60 =	vld [tilespmem:s21+$0x20];
	[tilespmem:s16+$0xFFFFFDD0] =	vst v36;
	v40 =	vmul.f32 v59, v33  }
0x183: {  	[tilespmem:s16+$0x120] =	vst v39;
	v39 =	vld.idx.msk [tilespmem:v53+s2+$0x0], $0xffff;
	v29 =	vmul.f32 v34, v31  }
0x184: {  	v51 =	vor.u32 $0x1, v24;
	v34 =	vld.idx.msk [tilespmem:v63+s2+$0x0], $0xffff;
	[tilespmem:s16+$0x1D0] =	vst v40  }
0x185: {  	[tilespmem:s16+$0xFFFFFF80] =	vst v29;
	v50 =	vld [tilespmem:s21+$0x1B0]  }
0x186: {  	v29 =	vor.u32 $0x1, v23;
	v40 =	vld.idx.msk [tilespmem:v49+s2+$0x0], $0xffff  }
0x187: {  	v49 =	vld [tilespmem:s21+$0xFFFFFE20]  }
0x188: {  	v54 =	vor.u32 $0x2, v22;
	v31 =	vld [tilespmem:s21+$0x110]  }
0x189: {  	v36 =	vld.idx.msk [tilespmem:v51+s2+$0x0], $0xffff;
	v62 =	vmul.f32 v57, v34  }
0x18a: {  	v59 =	vld [tilespmem:s21+$0xFFFFFFA0];
	v30 =	vmul.f32 v50, v33  }
0x18b: {  	v55 =	vor.u32 $0x1, v27;
	v29 =	vld.idx.msk [tilespmem:v29+s2+$0x0], $0xffff;
	[tilespmem:s16+$0xFFFFFE70] =	vst v62  }
0x18c: {  	v51 =	vld [tilespmem:s21+$0xFFFFFEB0];
	v44 =	vmul.f32 v49, v39;
	[tilespmem:s16+$0x1E0] =	vst v30  }
0x18d: {  	v30 =	vmul.f32 v31, v35;
	v31 =	vld.idx.msk [tilespmem:v54+s2+$0x0], $0xffff  }
0x18e: {  	[tilespmem:s16+$0xFFFFFDE0] =	vst v44;
	v56 =	vld [tilespmem:s21+$0x1C0]  }
0x18f: {  	v50 =	vmul.f32 v59, v40;
	v47 =	vld [tilespmem:s21+$0xFFFFFE30];
	[tilespmem:s16+$0x130] =	vst v30  }
0x190: {  	v35 =	vmul.f32 v58, v38;
	v30 =	vld.idx.msk [tilespmem:v55+s2+$0x0], $0xffff  }
0x191: {  	[tilespmem:s16+$0xFFFFFF90] =	vst v50;
	v58 =	vor.u32 $0x2, v25;
	v54 =	vmul.f32 v61, v29;
	v48 =	vld [tilespmem:s21+$0x120]  }
0x192: {  	v52 =	vmul.f32 v60, v36;
	[tilespmem:s16+$0xFFFFFF00] =	vst v35;
	v55 =	vld [tilespmem:s21+$0xFFFFFFB0]  }
0x193: {  	v53 =	vld [tilespmem:s21+$0xFFFFFF30];
	v34 =	vmul.f32 v51, v34;
	[tilespmem:s16+$0xB0] =	vst v54  }
0x194: {  	[tilespmem:s16+$0x20] =	vst v52;
	v59 =	vld [tilespmem:s21+$0xB0]  }
0x195: {  	v60 =	vor.u32 $0x2, v26;
	[tilespmem:s16+$0xFFFFFE80] =	vst v34;
	v32 =	vmul.f32 v56, v31;
	v56 =	vld [tilespmem:s21+$0x30]  }
0x196: {  	v35 =	vld.idx.msk [tilespmem:v58+s2+$0x0], $0xffff;
	v57 =	vmul.f32 v48, v30  }
0x197: {  	v49 =	vld [tilespmem:s21+$0xFFFFFEC0];
	[tilespmem:s16+$0x1F0] =	vst v32;
	v46 =	vmul.f32 v55, v40  }
0x198: {  	v50 =	vor.u32 $0x2, v21;
	v38 =	vmul.f32 v53, v38;
	v63 =	vld [tilespmem:s21+$0x1D0];
	[tilespmem:s16+$0x140] =	vst v57  }
0x199: {  	[tilespmem:s16+$0xFFFFFFA0] =	vst v46;
	v61 =	vld [tilespmem:s21+$0x130]  }
0x19a: {  	v39 =	vmul.f32 v47, v39;
	[tilespmem:s16+$0xFFFFFF10] =	vst v38;
	v32 =	vld.idx.msk [tilespmem:v60+s2+$0x0], $0xffff  }
0x19b: {  	v62 =	vor.u32 $0x2, v24;
	v51 =	vld [tilespmem:s21+$0xFFFFFF40]  }
0x19c: {  	[tilespmem:s16+$0xFFFFFDF0] =	vst v39;
	v29 =	vmul.f32 v59, v29;
	v52 =	vld [tilespmem:s21+$0xFFFFFFC0]  }
0x19d: {  	v33 =	vmul.f32 v56, v36;
	v36 =	vld.idx.msk [tilespmem:v50+s2+$0x0], $0xffff  }
0x19e: {  	v56 =	vld [tilespmem:s21+$0xFFFFFE40];
	[tilespmem:s16+$0xC0] =	vst v29  }
0x19f: {  	v22 =	vor.u32 $0x3, v22;
	v34 =	vmul.f32 v49, v35;
	[tilespmem:s16+$0x30] =	vst v33;
	v54 =	vld [tilespmem:s21+$0xC0]  }
0x1a0: {  	v31 =	vmul.f32 v63, v31;
	v29 =	vld.idx.msk [tilespmem:v62+s2+$0x0], $0xffff  }
0x1a1: {  	[tilespmem:s16+$0xFFFFFE90] =	vst v34;
	v53 =	vld [tilespmem:s21+$0x40]  }
0x1a2: {  	s1 =	simm.s32 $0x1C980;
	v58 =	vld [tilespmem:s21+$0xFFFFFED0];
	[tilespmem:s16+$0x200] =	vst v31;
	v31 =	vor.u32 $0x2, v28  }
0x1a3: {  	v47 =	vmul.f32 v56, v36;
	v56 =	vld [tilespmem:s1+$0xFFFFFFD0]  }
0x1a4: {  	v63 =	vor.u32 $0x2, v23;
	v57 =	vmul.f32 v52, v32;
	v22 =	vld.idx.msk [tilespmem:v22+s2+$0x0], $0xffff  }
0x1a5: {  	v48 =	vor.u32 $0x2, v27;
	v41 =	vld [tilespmem:s21+$0x1E0]  }
0x1a6: {  	[tilespmem:s16+$0xFFFFFFB0] =	vst v57;
	v57 =	vld [tilespmem:s1+$0xFFFFFFE0]  }
0x1a7: {  	v30 =	vmul.f32 v61, v30;
	v31 =	vld.idx.msk [tilespmem:v31+s2+$0x0], $0xffff  }
0x1a8: {  	[tilespmem:s16+$0xFFFFFE00] =	vst v47;
	v47 =	vld [tilespmem:s1+$0x10]  }
0x1a9: {  	[tilespmem:s16+$0x150] =	vst v30;
	v33 =	vld.idx.msk [tilespmem:v63+s2+$0x0], $0xffff  }
0x1aa: {  	v30 =	vld.idx.msk [tilespmem:v48+s2+$0x0], $0xffff  }
0x1ab: {  	v55 =	vld [tilespmem:s21+$0x140];
	v59 =	vmul.f32 v53, v29  }
0x1ac: {  	v62 =	vld [tilespmem:s21+$0xFFFFFFD0];
	v37 =	vmul.f32 v51, v31  }
0x1ad: {  	s29 =	simm.s32 $0xA0;
	v35 =	vmul.f32 v58, v35;
	v58 =	vld [tilespmem:s1+$0xFFFFFFF0];
	[tilespmem:s16+$0x40] =	vst v59  }
0x1ae: {  	s15 =	simm.s32 $0xF0;
	v42 =	vmov s29;
	v59 =	vld [tilespmem:s1+$0x0];
	[tilespmem:s16+$0xFFFFFF20] =	vst v37  }
0x1af: {  	v44 =	vmov s15;
	s15 =	simm.s32 $0x1D480;
	v61 =	vmul.f32 v54, v33;
	v60 =	vld [tilespmem:s21+$0xFFFFFF50]  }
0x1b0: {  	s8 =	smov.u32 s30;
	s30 =	simm.s32 $0x16AC0;
	[tilespmem:s15+$0xFFFFFED0] =	vst v56;
	v46 =	vld [tilespmem:s21+$0x50]  }
0x1b1: {  	v25 =	vor.u32 $0x3, v25;
	v45 =	vmul.f32 v41, v22;
	v56 =	vld [tilespmem:s30+$0xFFFFFE80];
	[tilespmem:s16+$0xD0] =	vst v61  }
0x1b2: {  	v28 =	vor.u32 $0x3, v28;
	[tilespmem:s15+$0xFFFFFF60] =	vst v57;
	v48 =	vld [tilespmem:s21+$0xD0]  }
0x1b3: {  	v26 =	vor.u32 $0x3, v26;
	[tilespmem:s16+$0x210] =	vst v45;
	v45 =	vld.idx.msk [tilespmem:v42+s2+$0x0], $0xffff  }
0x1b4: {  	v57 =	vld [tilespmem:s30+$0xFFFFFF00];
	v50 =	vmul.f32 v60, v31  }
0x1b5: {  	v49 =	vor.u32 $0x3, v24;
	[tilespmem:s16+$0xFFFFFEA0] =	vst v35;
	v32 =	vmul.f32 v62, v32;
	v24 =	vld [tilespmem:s21+$0x1F0]  }
0x1b6: {  	v31 =	vld.idx.msk [tilespmem:v25+s2+$0x0], $0xffff;
	v25 =	vmul.f32 v46, v29;
	[tilespmem:s16+$0xFFFFFF30] =	vst v50  }
0x1b7: {  	s4 =	simm.s32 $0xC0;
	v52 =	vor.u32 $0x3, v27;
	[tilespmem:s16+$0xFFFFFFC0] =	vst v32;
	v27 =	vld.idx.msk [tilespmem:v28+s2+$0x0], $0xffff;
	v28 =	vmul.f32 v48, v33  }
0x1b8: {  	v39 =	vmov s4;
	v32 =	vld.idx.msk [tilespmem:v26+s2+$0x0], $0xffff;
	[tilespmem:s16+$0x50] =	vst v25  }
0x1b9: {  	[tilespmem:s16+$0xE0] =	vst v28;
	v28 =	vld [tilespmem:s21+$0xFFFFFF60]  }
0x1ba: {  	v33 =	vld.idx.msk [tilespmem:v49+s2+$0x0], $0xffff  }
0x1bb: {  	[tilespmem:s15+$0x110] =	vst v47;
	v54 =	vld [tilespmem:s21+$0x60]  }
0x1bc: {  	v63 =	vmul.f32 v55, v30;
	[tilespmem:s15+$0x80] =	vst v59;
	v53 =	vld [tilespmem:s21+$0xFFFFFFE0]  }
0x1bd: {  	[tilespmem:s15+$0xFFFFFFF0] =	vst v58;
	v47 =	vld.idx.msk [tilespmem:v39+s2+$0x0], $0xffff  }
0x1be: {  	s3 =	simm.s32 $0xB0;
	[tilespmem:s16+$0x160] =	vst v63;
	v58 =	vld [tilespmem:s30+$0x0];
	v28 =	vmul.f32 v28, v27  }
0x1bf: {  	v43 =	vmov s3;
	v37 =	vld [tilespmem:s21+$0x150];
	v57 =	vmul.f32 v57, v45  }
0x1c0: {  	v51 =	vld [tilespmem:s21+$0xFFFFFE50];
	[tilespmem:s16+$0xFFFFFF40] =	vst v28;
	v28 =	vmul.f32 v54, v33  }
0x1c1: {  	v59 =	vld [tilespmem:s30+$0x80];
	[tilespmem:s15+$0xFFFFFEE0] =	vst v57  }
0x1c2: {  	[tilespmem:s16+$0x60] =	vst v28;
	v28 =	vld [tilespmem:s1+$0x30]  }
0x1c3: {  	v34 =	vmul.f32 v53, v32;
	v62 =	vmul.f32 v58, v47;
	v58 =	vld [tilespmem:s30+$0xFFFFFF10]  }
0x1c4: {  	v46 =	vld.idx.msk [tilespmem:v43+s2+$0x0], $0xffff;
	v25 =	vmul.f32 v37, v30  }
0x1c5: {  	[tilespmem:s16+$0xFFFFFFD0] =	vst v34;
	v60 =	vld [tilespmem:s30+$0xFFFFFF80]  }
0x1c6: {  	v50 =	vld [tilespmem:s1+$0x20];
	[tilespmem:s16+$0x170] =	vst v25  }
0x1c7: {  	v23 =	vor.u32 $0x3, v23;
	v25 =	vmul.f32 v51, v36;
	v36 =	vld [tilespmem:s21+$0xFFFFFFF0];
	[tilespmem:s15+$0x230] =	vst v28  }
0x1c8: {  	s28 =	simm.s32 $0x90;
	v48 =	vld.idx.msk [tilespmem:v44+s2+$0x0], $0xffff  }
0x1c9: {  	v41 =	vmov s28;
	v49 =	vld [tilespmem:s30+$0x180]  }
0x1ca: {  	v51 =	vld [tilespmem:s1+$0xFFFFFFC0]  }
0x1cb: {  	v30 =	vld.idx.msk [tilespmem:v52+s2+$0x0], $0xffff  }
0x1cc: {  	v29 =	vld.idx.msk [tilespmem:v23+s2+$0x0], $0xffff  }
0x1cd: {  	v21 =	vor.u32 $0x3, v21;
	s28 =	simm.s32 $0xE0;
	v23 =	vld [tilespmem:s21+$0xFFFFFEE0]  }
0x1ce: {  	s29 =	simm.s32 $0x80;
	v40 =	vmov s28;
	v52 =	vld.idx.msk [tilespmem:v41+s2+$0x0], $0xffff;
	v49 =	vmul.f32 v49, v48  }
0x1cf: {  	v38 =	vmov s29;
	[tilespmem:s16+$0xFFFFFE10] =	vst v25;
	v26 =	vld [tilespmem:s21+$0xE0]  }
0x1d0: {  	v25 =	vld [tilespmem:s21+$0x160];
	[tilespmem:s15+$0x1B0] =	vst v49  }
0x1d1: {  	s13 =	simm.s32 $0xD0;
	v49 =	vld [tilespmem:s30+$0x190]  }
0x1d2: {  	v21 =	vld.idx.msk [tilespmem:v21+s2+$0x0], $0xffff;
	[tilespmem:s15+$0x1A0] =	vst v50;
	v55 =	vmul.f32 v23, v31;
	v28 =	vmov s13  }
0x1d3: {  	v50 =	vld.idx.msk [tilespmem:v40+s2+$0x0], $0xffff;
	[tilespmem:s15+$0xFFFFFE40] =	vst v51  }
0x1d4: {  	v51 =	vld.idx.msk [tilespmem:v38+s2+$0x0], $0xffff;
	[tilespmem:s16+$0xFFFFFEB0] =	vst v55;
	v55 =	vor.u32 $0x1, v44  }
0x1d5: {  	v61 =	vmul.f32 v56, v52;
	v23 =	vld [tilespmem:s21+$0xFFFFFE60]  }
0x1d6: {  	v54 =	vld [tilespmem:s30+$0xFFFFFE00];
	v48 =	vmul.f32 v49, v48  }
0x1d7: {  	[tilespmem:s15+$0xFFFFFE50] =	vst v61;
	v53 =	vld.idx.msk [tilespmem:v28+s2+$0x0], $0xffff  }
0x1d8: {  	v49 =	vmul.f32 v60, v46;
	v60 =	vld [tilespmem:s30+$0xFFFFFE90];
	[tilespmem:s15+$0x1C0] =	vst v48  }
0x1d9: {  	v48 =	vld.idx.msk [tilespmem:v55+s2+$0x0], $0xffff  }
0x1da: {  	v56 =	vld [tilespmem:s30+$0x1A0]  }
0x1db: {  	v57 =	vor.u32 $0x1, v41;
	[tilespmem:s15+$0x0] =	vst v62;
	v45 =	vmul.f32 v58, v45;
	v55 =	vld [tilespmem:s30+$0x100]  }
0x1dc: {  	v35 =	vld [tilespmem:s21+$0xFFFFFF70];
	v54 =	vmul.f32 v54, v51;
	[tilespmem:s15+$0xFFFFFF70] =	vst v49  }
0x1dd: {  	[tilespmem:s15+$0xFFFFFEF0] =	vst v45;
	v49 =	vld [tilespmem:s30+$0xFFFFFF90];
	v52 =	vmul.f32 v60, v52  }
0x1de: {  	v37 =	vld [tilespmem:s21+$0xFFFFFEF0];
	[tilespmem:s15+$0xFFFFFDC0] =	vst v54;
	v59 =	vmul.f32 v59, v53  }
0x1df: {  	v54 =	vld [tilespmem:s30+$0x10];
	[tilespmem:s15+$0xFFFFFE60] =	vst v52;
	v56 =	vmul.f32 v56, v48  }
0x1e0: {  	[tilespmem:s15+$0x90] =	vst v59;
	v60 =	vor.u32 $0x1, v43;
	v55 =	vmul.f32 v55, v50;
	v45 =	vld.idx.msk [tilespmem:v57+s2+$0x0], $0xffff  }
0x1e1: {  	[tilespmem:s15+$0x1D0] =	vst v56;
	v56 =	vld [tilespmem:s30+$0xFFFFFE10]  }
0x1e2: {  	v61 =	vor.u32 $0x1, v42;
	v46 =	vmul.f32 v49, v46;
	[tilespmem:s15+$0x120] =	vst v55;
	v55 =	vld [tilespmem:s30+$0x90]  }
0x1e3: {  	v63 =	vld [tilespmem:s30+$0x1B0]  }
0x1e4: {  	v58 =	vor.u32 $0x1, v39;
	[tilespmem:s15+$0xFFFFFF80] =	vst v46;
	v49 =	vld [tilespmem:s30+$0x110]  }
0x1e5: {  	v47 =	vmul.f32 v54, v47;
	v52 =	vor.u32 $0x1, v38;
	v57 =	vld.idx.msk [tilespmem:v60+s2+$0x0], $0xffff  }
0x1e6: {  	v60 =	vld [tilespmem:s30+$0xFFFFFEA0]  }
0x1e7: {  	v54 =	vor.u32 $0x2, v44;
	[tilespmem:s15+$0x10] =	vst v47;
	v51 =	vmul.f32 v56, v51;
	v56 =	vld.idx.msk [tilespmem:v61+s2+$0x0], $0xffff  }
0x1e8: {  	v53 =	vmul.f32 v55, v53;
	v55 =	vld [tilespmem:s30+$0x20]  }
0x1e9: {  	v62 =	vmul.f32 v63, v48;
	[tilespmem:s15+$0xFFFFFDD0] =	vst v51;
	v51 =	vld.idx.msk [tilespmem:v58+s2+$0x0], $0xffff  }
0x1ea: {  	v61 =	vor.u32 $0x1, v28;
	v52 =	vld.idx.msk [tilespmem:v52+s2+$0x0], $0xffff  }
0x1eb: {  	v48 =	vmul.f32 v60, v45;
	[tilespmem:s15+$0x1E0] =	vst v62;
	v60 =	vld [tilespmem:s30+$0xFFFFFE20]  }
0x1ec: {  	v63 =	vor.u32 $0x1, v40;
	v58 =	vmul.f32 v49, v50;
	v49 =	vld.idx.msk [tilespmem:v54+s2+$0x0], $0xffff  }
0x1ed: {  	v59 =	vld [tilespmem:s30+$0x1C0]  }
0x1ee: {  	[tilespmem:s15+$0xA0] =	vst v53;
	v54 =	vld [tilespmem:s30+$0xFFFFFFA0]  }
0x1ef: {  	v46 =	vld.idx.msk [tilespmem:v61+s2+$0x0], $0xffff  }
0x1f0: {  	[tilespmem:s15+$0x130] =	vst v58;
	v61 =	vld [tilespmem:s30+$0xFFFFFF20]  }
0x1f1: {  	v47 =	vld.idx.msk [tilespmem:v63+s2+$0x0], $0xffff;
	v63 =	vmul.f32 v55, v51  }
0x1f2: {  	[tilespmem:s15+$0xFFFFFE70] =	vst v48;
	v58 =	vld [tilespmem:s30+$0xA0];
	v60 =	vmul.f32 v60, v52  }
0x1f3: {  	v50 =	vmul.f32 v59, v49;
	v59 =	vld [tilespmem:s30+$0x120];
	[tilespmem:s15+$0x20] =	vst v63  }
0x1f4: {  	v62 =	vmul.f32 v54, v57;
	v54 =	vld [tilespmem:s30+$0xFFFFFEB0];
	[tilespmem:s15+$0xFFFFFDE0] =	vst v60  }
0x1f5: {  	v53 =	vmul.f32 v61, v56;
	[tilespmem:s15+$0x1F0] =	vst v50;
	v63 =	vld [tilespmem:s30+$0xFFFFFE30]  }
0x1f6: {  	v50 =	vld [tilespmem:s30+$0x1D0]  }
0x1f7: {  	v34 =	vld [tilespmem:s21+$0x70];
	v48 =	vor.u32 $0x2, v41;
	v61 =	vmul.f32 v58, v46;
	[tilespmem:s15+$0xFFFFFF00] =	vst v53  }
0x1f8: {  	v26 =	vmul.f32 v26, v29;
	[tilespmem:s15+$0xFFFFFF90] =	vst v62;
	v55 =	vld [tilespmem:s30+$0xFFFFFF30]  }
0x1f9: {  	v58 =	vld [tilespmem:s30+$0xFFFFFFB0];
	[tilespmem:s15+$0xB0] =	vst v61;
	v45 =	vmul.f32 v54, v45  }
0x1fa: {  	[tilespmem:s16+$0xF0] =	vst v26;
	v44 =	vor.u32 $0x3, v44;
	v53 =	vmul.f32 v59, v47;
	v59 =	vld [tilespmem:s30+$0xB0]  }
0x1fb: {  	[tilespmem:s15+$0xFFFFFE80] =	vst v45;
	v52 =	vmul.f32 v63, v52;
	v49 =	vmul.f32 v50, v49;
	v50 =	vld [tilespmem:s30+$0x30]  }
0x1fc: {  	v54 =	vor.u32 $0x2, v43;
	[tilespmem:s15+$0x140] =	vst v53;
	v48 =	vld.idx.msk [tilespmem:v48+s2+$0x0], $0xffff  }
0x1fd: {  	v55 =	vmul.f32 v55, v56;
	v56 =	vld [tilespmem:s30+$0x130];
	[tilespmem:s15+$0xFFFFFDF0] =	vst v52  }
0x1fe: {  	v62 =	vor.u32 $0x2, v28;
	v57 =	vmul.f32 v58, v57;
	[tilespmem:s15+$0x200] =	vst v49;
	v26 =	vld [tilespmem:s30+$0xFFFFFE40]  }
0x1ff: {  	v44 =	vld.idx.msk [tilespmem:v44+s2+$0x0], $0xffff  }
0x200: {  	v49 =	vor.u32 $0x2, v42;
	[tilespmem:s15+$0xFFFFFFA0] =	vst v57;
	v46 =	vmul.f32 v59, v46;
	v53 =	vld [tilespmem:s30+$0x1E0]  }
0x201: {  	v61 =	vor.u32 $0x2, v38;
	[tilespmem:s15+$0xFFFFFF10] =	vst v55;
	v54 =	vld.idx.msk [tilespmem:v54+s2+$0x0], $0xffff  }
0x202: {  	[tilespmem:s15+$0xC0] =	vst v46;
	v63 =	vld [tilespmem:s30+$0xFFFFFF40]  }
0x203: {  	v60 =	vor.u32 $0x2, v39;
	v45 =	vld.idx.msk [tilespmem:v62+s2+$0x0], $0xffff  }
0x204: {  	v50 =	vmul.f32 v50, v51;
	v62 =	vld [tilespmem:s30+$0xFFFFFEC0]  }
0x205: {  	v49 =	vld.idx.msk [tilespmem:v49+s2+$0x0], $0xffff  }
0x206: {  	[tilespmem:s15+$0x30] =	vst v50;
	v50 =	vld.idx.msk [tilespmem:v61+s2+$0x0], $0xffff  }
0x207: {  	v59 =	vor.u32 $0x2, v40;
	v61 =	vld [tilespmem:s30+$0xC0]  }
0x208: {  	v22 =	vmul.f32 v24, v22;
	v46 =	vld.idx.msk [tilespmem:v60+s2+$0x0], $0xffff  }
0x209: {  	v47 =	vmul.f32 v56, v47;
	v60 =	vld [tilespmem:s30+$0xFFFFFFC0]  }
0x20a: {  	[tilespmem:s16+$0x220] =	vst v22;
	v55 =	vld [tilespmem:s21+$0xF0];
	v53 =	vmul.f32 v53, v44  }
0x20b: {  	[tilespmem:s15+$0x150] =	vst v47;
	v24 =	vld [tilespmem:s30+$0x40];
	v22 =	vmul.f32 v62, v48  }
0x20c: {  	v51 =	vld.idx.msk [tilespmem:v59+s2+$0x0], $0xffff;
	[tilespmem:s15+$0x210] =	vst v53;
	v53 =	vmul.f32 v63, v49  }
0x20d: {  	v62 =	vld [tilespmem:s30+$0x140];
	[tilespmem:s15+$0xFFFFFE90] =	vst v22;
	v56 =	vmul.f32 v61, v45  }
0x20e: {  	v47 =	vld [tilespmem:s30+$0x1F0];
	v22 =	vmul.f32 v60, v54;
	[tilespmem:s15+$0xFFFFFF20] =	vst v53  }
0x20f: {  	v26 =	vmul.f32 v26, v50;
	v63 =	vld [tilespmem:s30+$0xFFFFFED0];
	[tilespmem:s15+$0xD0] =	vst v56  }
0x210: {  	v24 =	vmul.f32 v24, v46;
	[tilespmem:s15+$0xFFFFFFB0] =	vst v22;
	v22 =	vld [tilespmem:s30+$0xFFFFFF50]  }
0x211: {  	v25 =	vmul.f32 v25, v30;
	[tilespmem:s15+$0xFFFFFE00] =	vst v26;
	v58 =	vld [tilespmem:s30+$0xD0]  }
0x212: {  	v41 =	vor.u32 $0x3, v41;
	[tilespmem:s15+$0x40] =	vst v24;
	v52 =	vmul.f32 v62, v51;
	v24 =	vld [tilespmem:s30+$0xFFFFFFD0]  }
0x213: {  	[tilespmem:s16+$0x180] =	vst v25;
	v31 =	vmul.f32 v37, v31;
	v61 =	vld [tilespmem:s30+$0xFFFFFE50]  }
0x214: {  	v42 =	vor.u32 $0x3, v42;
	v56 =	vld [tilespmem:s30+$0x50];
	[tilespmem:s15+$0x160] =	vst v52;
	v59 =	vmul.f32 v63, v48  }
0x215: {  	[tilespmem:s16+$0xFFFFFEC0] =	vst v31;
	v62 =	vor.u32 $0x3, v28;
	v60 =	vld [tilespmem:s30+$0x150];
	v22 =	vmul.f32 v22, v49  }
0x216: {  	v38 =	vor.u32 $0x3, v38;
	v63 =	vld [tilespmem:s21+$0x170];
	[tilespmem:s15+$0xFFFFFEA0] =	vst v59;
	v28 =	vmul.f32 v58, v45  }
0x217: {  	v25 =	vmul.f32 v24, v54;
	v24 =	vld.idx.msk [tilespmem:v41+s2+$0x0], $0xffff;
	[tilespmem:s15+$0xFFFFFF30] =	vst v22  }
0x218: {  	v26 =	vor.u32 $0x3, v43;
	v52 =	vmul.f32 v61, v50;
	v31 =	vld [tilespmem:s30+$0xFFFFFEE0];
	[tilespmem:s15+$0xE0] =	vst v28  }
0x219: {  	[tilespmem:s15+$0xFFFFFFC0] =	vst v25;
	v25 =	vld.idx.msk [tilespmem:v42+s2+$0x0], $0xffff  }
0x21a: {  	v32 =	vmul.f32 v36, v32;
	v54 =	vmul.f32 v23, v21;
	[tilespmem:s15+$0xFFFFFE10] =	vst v52;
	v23 =	vld.idx.msk [tilespmem:v62+s2+$0x0], $0xffff  }
0x21b: {  	v35 =	vmul.f32 v35, v27;
	v39 =	vor.u32 $0x3, v39;
	v27 =	vld.idx.msk [tilespmem:v38+s2+$0x0], $0xffff  }
0x21c: {  	[tilespmem:s16+$0xFFFFFFE0] =	vst v32;
	v33 =	vmul.f32 v34, v33;
	v22 =	vmul.f32 v56, v46;
	v56 =	vld [tilespmem:s30+$0xFFFFFF60]  }
0x21d: {  	[tilespmem:s16+$0xFFFFFF50] =	vst v35;
	v40 =	vor.u32 $0x3, v40;
	v26 =	vld.idx.msk [tilespmem:v26+s2+$0x0], $0xffff  }
0x21e: {  	[tilespmem:s16+$0x70] =	vst v33;
	v29 =	vmul.f32 v55, v29;
	v58 =	vld [tilespmem:s30+$0xFFFFFFE0]  }
0x21f: {  	[tilespmem:s15+$0x50] =	vst v22;
	v22 =	vmul.f32 v60, v51;
	v60 =	vld [tilespmem:s30+$0xE0]  }
0x220: {  	[tilespmem:s16+$0x100] =	vst v29;
	v57 =	vmul.f32 v47, v44;
	v28 =	vld.idx.msk [tilespmem:v39+s2+$0x0], $0xffff  }
0x221: {  	v59 =	vld [tilespmem:s30+$0x60];
	[tilespmem:s15+$0x170] =	vst v22  }
0x222: {  	[tilespmem:s15+$0x220] =	vst v57;
	v30 =	vmul.f32 v63, v30;
	v22 =	vld.idx.msk [tilespmem:v40+s2+$0x0], $0xffff  }
0x223: {  	[tilespmem:s16+$0xFFFFFE20] =	vst v54;
	v29 =	vmul.f32 v31, v24;
	v61 =	vld [tilespmem:s30+$0x160]  }
0x224: {  	v62 =	vld [tilespmem:s30+$0xFFFFFE60];
	[tilespmem:s16+$0x190] =	vst v30;
	v30 =	vmul.f32 v56, v25  }
0x225: {  	v33 =	vld [tilespmem:s21+$0xFFFFFE70];
	[tilespmem:s15+$0xFFFFFEB0] =	vst v29;
	v31 =	vmul.f32 v58, v26  }
0x226: {  	v29 =	vld [tilespmem:s30+$0xFFFFFEF0];
	[tilespmem:s15+$0xFFFFFF40] =	vst v30;
	v63 =	vmul.f32 v59, v28  }
0x227: {  	v32 =	vmul.f32 v60, v23;
	[tilespmem:s15+$0xFFFFFFD0] =	vst v31;
	v30 =	vld [tilespmem:s30+$0xFFFFFF70]  }
0x228: {  	s12 =	simm.s32 $0x1CA00;
	[tilespmem:s15+$0x60] =	vst v63;
	v31 =	vld [tilespmem:s30+$0xFFFFFFF0];
	v41 =	vmul.f32 v61, v22  }
0x229: {  	s1 =	simm.s32 $0x100;
	s13 =	simm.s32 $0x18;
	s21 =	simm.s32 $0x16AC0;
	v34 =	vmul.f32 v62, v27;
	[tilespmem:s15+$0xF0] =	vst v32;
	v32 =	vld [tilespmem:s30+$0x70]  }
.LBB2_3:
0x22a: {  	p0 =	slt.u32 s13, $0x48;
	v54 =	vmov s1;
	s3 =	sadd.s32 $0x10, s1;
	v35 =	vld [tilespmem:s12+$0x30];
	s4 =	sadd.s32 $0x70, s1;
	[tilespmem:s15+$0x180] =	vst v41;
	v33 =	vmul.f32 v33, v21;
	v21 =	vmov v27  }
0x22b: {  	s28 =	sadd.s32 $0x30, s1;
	s29 =	sadd.s32 $0x40, s1;
	v47 =	vor.u32 $0x1, v54;
	v27 =	vld [tilespmem:s12+$0xFFFFFFD0];
	v55 =	vmov s3;
	s3 =	sadd.s32 $0x20, s1;
	v46 =	vmov s4;
	[tilespmem:s15+$0xFFFFFE20] =	vst v34  }
0x22c: {  	v57 =	vmov s28;
	v58 =	vmov s29;
	v34 =	vld [tilespmem:s12+$0xFFFFFFE0];
	v56 =	vmov s3;
	s3 =	sadd.s32 $0x50, s1;
	s1 =	sadd.s32 $0x60, s1  }
0x22d: {  	v52 =	vor.u32 $0x1, v55;
	v36 =	vld [tilespmem:s12+$0xFFFFFFF0];
	v59 =	vmov s3;
	v60 =	vmov s1;
	[tilespmem:s16+$0xFFFFFE30] =	vst v33;
	s16 =	smov.u32 s15  }
0x22e: {  	v51 =	vor.u32 $0x1, v57;
	v50 =	vor.u32 $0x1, v58;
	v53 =	vor.u32 $0x1, v56;
	s15 =	sadd.s32 $0x480, s15;
	v33 =	vld [tilespmem:s12+$0x0]  }
0x22f: {  	v42 =	vor.u32 $0x2, v55;
	v49 =	vor.u32 $0x1, v59;
	v48 =	vor.u32 $0x1, v60;
	v61 =	vld [tilespmem:s12+$0x10];
	[tilespmem:s15+$0x230] =	vst v35  }
0x230: {  	s30 =	sadd.s32 $0x400, s30;
	v44 =	vor.u32 $0x2, v57;
	v41 =	vor.u32 $0x2, v58;
	v45 =	vor.u32 $0x2, v56;
	[tilespmem:s15+$0xFFFFFED0] =	vst v27;
	v62 =	vld.idx.msk [tilespmem:v46+s2+$0x0], $0xffff  }
0x231: {  	v39 =	vor.u32 $0x2, v54;
	v43 =	vor.u32 $0x2, v59;
	v40 =	vor.u32 $0x2, v60;
	[tilespmem:s15+$0xFFFFFF60] =	vst v34;
	v63 =	vld [tilespmem:s30+$0x180]  }
0x232: {  	v38 =	vor.u32 $0x3, v55;
	v37 =	vor.u32 $0x3, v56;
	v35 =	vor.u32 $0x3, v57;
	[tilespmem:s15+$0xFFFFFFF0] =	vst v36;
	v1 =	vld [tilespmem:s12+$0x20]  }
0x233: {  	v34 =	vor.u32 $0x3, v59;
	v36 =	vor.u32 $0x3, v58;
	v2 =	vld [tilespmem:s12+$0xFFFFFFC0];
	[tilespmem:s15+$0x80] =	vst v33;
	v33 =	vor.u32 $0x3, v60  }
0x234: {  	v24 =	vmul.f32 v29, v24;
	v25 =	vmul.f32 v30, v25;
	v27 =	vor.u32 $0x3, v54;
	v55 =	vld.idx.msk [tilespmem:v55+s2+$0x0], $0xffff;
	[tilespmem:s15+$0x110] =	vst v61  }
0x235: {  	v26 =	vmul.f32 v31, v26;
	v28 =	vmul.f32 v32, v28;
	v29 =	vld.idx.msk [tilespmem:v56+s2+$0x0], $0xffff  }
0x236: {  	v30 =	vld.idx.msk [tilespmem:v57+s2+$0x0], $0xffff;
	v31 =	vmul.f32 v63, v62;
	[tilespmem:s16+$0xFFFFFEC0] =	vst v24  }
0x237: {  	v24 =	vld.idx.msk [tilespmem:v58+s2+$0x0], $0xffff;
	[tilespmem:s15+$0x1A0] =	vst v1  }
0x238: {  	v1 =	vld.idx.msk [tilespmem:v59+s2+$0x0], $0xffff;
	[tilespmem:s15+$0x1B0] =	vst v31  }
0x239: {  	[tilespmem:s15+$0xFFFFFE40] =	vst v2;
	v2 =	vld [tilespmem:s30+$0x190]  }
0x23a: {  	v31 =	vld.idx.msk [tilespmem:v60+s2+$0x0], $0xffff;
	[tilespmem:s16+$0xFFFFFF50] =	vst v25  }
0x23b: {  	v25 =	vld.idx.msk [tilespmem:v54+s2+$0x0], $0xffff;
	[tilespmem:s16+$0xFFFFFFE0] =	vst v26  }
0x23c: {  	v32 =	vor.u32 $0x1, v46;
	v26 =	vld [tilespmem:s30+$0xFFFFFE00];
	[tilespmem:s16+$0x70] =	vst v28  }
0x23d: {  	v28 =	vld [tilespmem:s30+$0xFFFFFE80]  }
0x23e: {  	v54 =	vld [tilespmem:s30+$0xFFFFFF00];
	v2 =	vmul.f32 v2, v62  }
0x23f: {  	v56 =	vld [tilespmem:s30+$0xFFFFFF80]  }
0x240: {  	v57 =	vld [tilespmem:s30+$0x0];
	[tilespmem:s15+$0x1C0] =	vst v2  }
0x241: {  	v2 =	vmul.f32 v26, v25;
	v26 =	vld.idx.msk [tilespmem:v32+s2+$0x0], $0xffff  }
0x242: {  	v28 =	vmul.f32 v28, v55;
	v32 =	vld [tilespmem:s30+$0x1A0]  }
0x243: {  	[tilespmem:s15+$0xFFFFFDC0] =	vst v2;
	v2 =	vmul.f32 v54, v29;
	v54 =	vld [tilespmem:s30+$0x80]  }
0x244: {  	[tilespmem:s15+$0xFFFFFE50] =	vst v28;
	v28 =	vmul.f32 v56, v30;
	v56 =	vld [tilespmem:s30+$0x100]  }
0x245: {  	v58 =	vld [tilespmem:s30+$0xFFFFFE90];
	[tilespmem:s15+$0xFFFFFEE0] =	vst v2;
	v2 =	vmul.f32 v57, v24  }
0x246: {  	v57 =	vld [tilespmem:s30+$0xFFFFFF10];
	[tilespmem:s15+$0xFFFFFF70] =	vst v28  }
0x247: {  	v28 =	vld [tilespmem:s30+$0xFFFFFF90];
	[tilespmem:s15+$0x0] =	vst v2;
	v2 =	vmul.f32 v32, v26  }
0x248: {  	v32 =	vld [tilespmem:s30+$0x10];
	v54 =	vmul.f32 v54, v1  }
0x249: {  	v59 =	vld [tilespmem:s30+$0xFFFFFE10];
	v56 =	vmul.f32 v56, v31;
	[tilespmem:s15+$0x1D0] =	vst v2  }
0x24a: {  	v2 =	vmul.f32 v58, v55;
	[tilespmem:s15+$0x90] =	vst v54;
	v54 =	vld [tilespmem:s30+$0x1B0]  }
0x24b: {  	v29 =	vmul.f32 v57, v29;
	v55 =	vld [tilespmem:s30+$0x90];
	[tilespmem:s15+$0x120] =	vst v56  }
0x24c: {  	[tilespmem:s15+$0xFFFFFE60] =	vst v2;
	v2 =	vmul.f32 v28, v30;
	v28 =	vld [tilespmem:s30+$0x110]  }
0x24d: {  	v30 =	vld.idx.msk [tilespmem:v52+s2+$0x0], $0xffff;
	[tilespmem:s15+$0xFFFFFEF0] =	vst v29;
	v24 =	vmul.f32 v32, v24;
	v29 =	vor.u32 $0x2, v46  }
0x24e: {  	v25 =	vmul.f32 v59, v25;
	v32 =	vld.idx.msk [tilespmem:v53+s2+$0x0], $0xffff;
	[tilespmem:s15+$0xFFFFFF80] =	vst v2  }
0x24f: {  	v2 =	vld.idx.msk [tilespmem:v51+s2+$0x0], $0xffff;
	[tilespmem:s15+$0x10] =	vst v24;
	v24 =	vmul.f32 v54, v26  }
0x250: {  	[tilespmem:s15+$0xFFFFFDD0] =	vst v25;
	v25 =	vld.idx.msk [tilespmem:v50+s2+$0x0], $0xffff;
	v1 =	vmul.f32 v55, v1  }
0x251: {  	v26 =	vld.idx.msk [tilespmem:v47+s2+$0x0], $0xffff;
	v28 =	vmul.f32 v28, v31;
	[tilespmem:s15+$0x1E0] =	vst v24  }
0x252: {  	[tilespmem:s15+$0xA0] =	vst v1;
	v1 =	vld.idx.msk [tilespmem:v29+s2+$0x0], $0xffff  }
0x253: {  	[tilespmem:s15+$0x130] =	vst v28;
	v24 =	vld [tilespmem:s30+$0x1C0]  }
0x254: {  	v28 =	vld.idx.msk [tilespmem:v49+s2+$0x0], $0xffff  }
0x255: {  	v29 =	vld.idx.msk [tilespmem:v48+s2+$0x0], $0xffff  }
0x256: {  	v31 =	vld [tilespmem:s30+$0xFFFFFEA0]  }
0x257: {  	v47 =	vld [tilespmem:s30+$0xFFFFFF20]  }
0x258: {  	v48 =	vld [tilespmem:s30+$0xFFFFFFA0];
	v24 =	vmul.f32 v24, v1  }
0x259: {  	v49 =	vld [tilespmem:s30+$0x20]  }
0x25a: {  	v50 =	vld [tilespmem:s30+$0xA0];
	[tilespmem:s15+$0x1F0] =	vst v24  }
0x25b: {  	v24 =	vmul.f32 v31, v30;
	v31 =	vld [tilespmem:s30+$0x1D0]  }
0x25c: {  	v47 =	vmul.f32 v47, v32;
	v51 =	vld [tilespmem:s30+$0x120]  }
0x25d: {  	v52 =	vld [tilespmem:s30+$0xFFFFFE20];
	[tilespmem:s15+$0xFFFFFE70] =	vst v24;
	v24 =	vmul.f32 v48, v2  }
0x25e: {  	v46 =	vor.u32 $0x3, v46;
	v48 =	vld [tilespmem:s30+$0xFFFFFEB0];
	[tilespmem:s15+$0xFFFFFF00] =	vst v47;
	v47 =	vmul.f32 v49, v25  }
0x25f: {  	v49 =	vld [tilespmem:s30+$0xFFFFFF30];
	[tilespmem:s15+$0xFFFFFF90] =	vst v24;
	v24 =	vmul.f32 v50, v28  }
0x260: {  	v50 =	vld [tilespmem:s30+$0xFFFFFFB0];
	[tilespmem:s15+$0x20] =	vst v47;
	v1 =	vmul.f32 v31, v1  }
0x261: {  	v31 =	vld [tilespmem:s30+$0x30];
	[tilespmem:s15+$0xB0] =	vst v24;
	v24 =	vmul.f32 v51, v29  }
0x262: {  	v47 =	vmul.f32 v52, v26;
	v51 =	vld [tilespmem:s30+$0xB0];
	[tilespmem:s15+$0x200] =	vst v1  }
0x263: {  	v1 =	vmul.f32 v48, v30;
	[tilespmem:s15+$0x140] =	vst v24;
	v24 =	vld.idx.msk [tilespmem:v46+s2+$0x0], $0xffff  }
0x264: {  	[tilespmem:s15+$0xFFFFFDE0] =	vst v47;
	v30 =	vmul.f32 v49, v32;
	v32 =	vld [tilespmem:s30+$0x1E0]  }
0x265: {  	[tilespmem:s15+$0xFFFFFE80] =	vst v1;
	v1 =	vmul.f32 v50, v2;
	v2 =	vld [tilespmem:s30+$0x130]  }
0x266: {  	v46 =	vld [tilespmem:s30+$0xFFFFFE30];
	[tilespmem:s15+$0xFFFFFF10] =	vst v30;
	v25 =	vmul.f32 v31, v25  }
0x267: {  	v30 =	vld.idx.msk [tilespmem:v42+s2+$0x0], $0xffff;
	[tilespmem:s15+$0xFFFFFFA0] =	vst v1;
	v1 =	vmul.f32 v51, v28  }
0x268: {  	v28 =	vld.idx.msk [tilespmem:v45+s2+$0x0], $0xffff;
	[tilespmem:s15+$0x30] =	vst v25  }
0x269: {  	v25 =	vld.idx.msk [tilespmem:v44+s2+$0x0], $0xffff;
	[tilespmem:s15+$0xC0] =	vst v1;
	v1 =	vmul.f32 v32, v24  }
0x26a: {  	v31 =	vld.idx.msk [tilespmem:v41+s2+$0x0], $0xffff;
	v2 =	vmul.f32 v2, v29  }
0x26b: {  	v26 =	vmul.f32 v46, v26;
	v29 =	vld.idx.msk [tilespmem:v43+s2+$0x0], $0xffff;
	[tilespmem:s15+$0x210] =	vst v1  }
0x26c: {  	[tilespmem:s15+$0x150] =	vst v2;
	v1 =	vld [tilespmem:s30+$0x1F0]  }
0x26d: {  	[tilespmem:s15+$0xFFFFFDF0] =	vst v26;
	v2 =	vld.idx.msk [tilespmem:v40+s2+$0x0], $0xffff  }
0x26e: {  	v32 =	vld.idx.msk [tilespmem:v39+s2+$0x0], $0xffff  }
0x26f: {  	v26 =	vld [tilespmem:s30+$0xFFFFFEC0]  }
0x270: {  	v39 =	vld [tilespmem:s30+$0xFFFFFF40]  }
0x271: {  	v40 =	vld [tilespmem:s30+$0xFFFFFFC0];
	v1 =	vmul.f32 v1, v24  }
0x272: {  	v24 =	vld [tilespmem:s30+$0x40]  }
0x273: {  	v41 =	vld [tilespmem:s30+$0xC0];
	[tilespmem:s15+$0x220] =	vst v1  }
0x274: {  	v1 =	vmul.f32 v26, v30;
	v26 =	vld [tilespmem:s30+$0x140]  }
0x275: {  	v42 =	vld [tilespmem:s30+$0xFFFFFE40];
	v39 =	vmul.f32 v39, v28  }
0x276: {  	[tilespmem:s15+$0xFFFFFE90] =	vst v1;
	v1 =	vmul.f32 v40, v25;
	v40 =	vld [tilespmem:s21+$0xF0]  }
0x277: {  	v43 =	vld [tilespmem:s30+$0xFFFFFED0];
	[tilespmem:s15+$0xFFFFFF20] =	vst v39;
	v24 =	vmul.f32 v24, v31  }
0x278: {  	v39 =	vld [tilespmem:s30+$0xFFFFFF50];
	[tilespmem:s15+$0xFFFFFFB0] =	vst v1;
	v1 =	vmul.f32 v41, v29  }
0x279: {  	v41 =	vld [tilespmem:s30+$0xFFFFFFD0];
	[tilespmem:s15+$0x40] =	vst v24;
	v24 =	vmul.f32 v26, v2  }
0x27a: {  	v26 =	vmul.f32 v42, v32;
	v42 =	vld [tilespmem:s30+$0x50];
	[tilespmem:s15+$0xD0] =	vst v1  }
0x27b: {  	v1 =	vld [tilespmem:s30+$0xD0];
	[tilespmem:s15+$0x160] =	vst v24;
	v23 =	vmul.f32 v40, v23  }
0x27c: {  	[tilespmem:s15+$0xFFFFFE00] =	vst v26;
	v24 =	vmul.f32 v43, v30;
	v30 =	vld [tilespmem:s30+$0x150]  }
0x27d: {  	v40 =	vld [tilespmem:s30+$0xFFFFFE50];
	v26 =	vmul.f32 v39, v28;
	[tilespmem:s16+$0x100] =	vst v23  }
0x27e: {  	[tilespmem:s15+$0xFFFFFEA0] =	vst v24;
	v23 =	vmul.f32 v41, v25;
	v39 =	vld [tilespmem:s21+$0x170]  }
0x27f: {  	v24 =	vld.idx.msk [tilespmem:v38+s2+$0x0], $0xffff;
	[tilespmem:s15+$0xFFFFFF30] =	vst v26;
	v28 =	vmul.f32 v42, v31  }
0x280: {  	v25 =	vld.idx.msk [tilespmem:v37+s2+$0x0], $0xffff;
	[tilespmem:s15+$0xFFFFFFC0] =	vst v23;
	v1 =	vmul.f32 v1, v29  }
0x281: {  	v26 =	vld.idx.msk [tilespmem:v35+s2+$0x0], $0xffff;
	[tilespmem:s15+$0x50] =	vst v28;
	v2 =	vmul.f32 v30, v2  }
0x282: {  	v29 =	vmul.f32 v40, v32;
	v28 =	vld.idx.msk [tilespmem:v36+s2+$0x0], $0xffff;
	[tilespmem:s15+$0xE0] =	vst v1  }
0x283: {  	v23 =	vld.idx.msk [tilespmem:v34+s2+$0x0], $0xffff;
	[tilespmem:s15+$0x170] =	vst v2;
	v1 =	vmul.f32 v39, v22  }
0x284: {  	[tilespmem:s15+$0xFFFFFE10] =	vst v29;
	v22 =	vld.idx.msk [tilespmem:v33+s2+$0x0], $0xffff  }
0x285: {  	v27 =	vld.idx.msk [tilespmem:v27+s2+$0x0], $0xffff;
	[tilespmem:s16+$0x190] =	vst v1  }
0x286: {  	v1 =	vld [tilespmem:s30+$0xFFFFFEE0]  }
0x287: {  	v2 =	vld [tilespmem:s30+$0xFFFFFF60]  }
0x288: {  	v29 =	vld [tilespmem:s30+$0xFFFFFFE0]  }
0x289: {  	v30 =	vld [tilespmem:s30+$0x60]  }
0x28a: {  	v31 =	vld [tilespmem:s30+$0xE0]  }
0x28b: {  	v1 =	vmul.f32 v1, v24;
	v32 =	vld [tilespmem:s30+$0x160]  }
0x28c: {  	v34 =	vld [tilespmem:s30+$0xFFFFFE60];
	v2 =	vmul.f32 v2, v25  }
.Ltmp0:
0x28d: {  	[tilespmem:s15+$0xFFFFFEB0] =	vst v1;
	v1 =	vmul.f32 v29, v26;
	v33 =	vld [tilespmem:s21+$0xFFFFFE70];
	s21 =	smov.u32 s30;
	(pc) =	sbr.rel @p0 .LBB2_3-.Ltmp0, $4  }
0x28e: {  	v29 =	vld [tilespmem:s30+$0xFFFFFEF0];
	[tilespmem:s15+$0xFFFFFF40] =	vst v2;
	v2 =	vmul.f32 v30, v28  }
0x28f: {  	v30 =	vld [tilespmem:s30+$0xFFFFFF70];
	[tilespmem:s15+$0xFFFFFFD0] =	vst v1;
	v1 =	vmul.f32 v31, v23  }
0x290: {  	v31 =	vld [tilespmem:s30+$0xFFFFFFF0];
	[tilespmem:s15+$0x60] =	vst v2;
	v41 =	vmul.f32 v32, v22  }
0x291: {  	s1 =	sshll.u32 s13, $0x4;
	s13 =	sadd.s32 $0x8, s13;
	s12 =	sadd.s32 $0x80, s12;
	v34 =	vmul.f32 v34, v27;
	v32 =	vld [tilespmem:s30+$0x70];
	[tilespmem:s15+$0xF0] =	vst v1  }
0x292: {  	v1 =	vld [tilespmem:s12+$0x30]  }
0x293: {  	v2 =	vld [tilespmem:s12+$0xFFFFFFD0]  }
0x294: {  	s3 =	sadd.s32 $0x70, s1;
	v37 =	vld [tilespmem:s12+$0xFFFFFFE0]  }
0x295: {  	v44 =	vld [tilespmem:s12+$0xFFFFFFF0];
	v43 =	vmov s3  }
0x296: {  	s4 =	sadd.s32 $0x10, s1;
	v45 =	vld [tilespmem:s12+$0x0]  }
0x297: {  	s13 =	sadd.s32 $0x480, s15;
	s28 =	sadd.s32 $0x20, s1;
	v46 =	vld [tilespmem:s12+$0x10];
	v42 =	vmov s4  }
0x298: {  	s29 =	sadd.s32 $0x30, s1;
	v48 =	vld [tilespmem:s12+$0x20];
	v38 =	vmov s28;
	[tilespmem:s13+$0x230] =	vst v1  }
0x299: {  	v39 =	vmov s29;
	[tilespmem:s13+$0xFFFFFED0] =	vst v2;
	v2 =	vld [tilespmem:s12+$0xFFFFFFC0]  }
0x29a: {  	s30 =	sadd.s32 $0x400, s30;
	v1 =	vld.idx.msk [tilespmem:v43+s2+$0x0], $0xffff  }
0x29b: {  	v47 =	vld [tilespmem:s30+$0x180]  }
0x29c: {  	[tilespmem:s13+$0xFFFFFF60] =	vst v37;
	v49 =	vld.idx.msk [tilespmem:v42+s2+$0x0], $0xffff  }
0x29d: {  	[tilespmem:s13+$0xFFFFFFF0] =	vst v44;
	v44 =	vld.idx.msk [tilespmem:v38+s2+$0x0], $0xffff  }
0x29e: {  	s28 =	sadd.s32 $0x50, s1;
	[tilespmem:s13+$0x80] =	vst v45;
	v45 =	vld.idx.msk [tilespmem:v39+s2+$0x0], $0xffff  }
0x29f: {  	s4 =	sadd.s32 $0x40, s1;
	v35 =	vmov s28;
	v53 =	vld [tilespmem:s30+$0xFFFFFE80]  }
0x2a0: {  	v36 =	vmov s4;
	v54 =	vld [tilespmem:s30+$0xFFFFFF00]  }
0x2a1: {  	v61 =	vld [tilespmem:s30+$0xFFFFFF80]  }
0x2a2: {  	v37 =	vmov s1;
	[tilespmem:s13+$0x110] =	vst v46;
	v55 =	vld [tilespmem:s30+$0x0]  }
0x2a3: {  	v56 =	vld [tilespmem:s30+$0x80];
	v47 =	vmul.f32 v47, v1  }
0x2a4: {  	s29 =	sadd.s32 $0x60, s1;
	v50 =	vld.idx.msk [tilespmem:v35+s2+$0x0], $0xffff  }
0x2a5: {  	v40 =	vmov s29;
	v46 =	vld.idx.msk [tilespmem:v36+s2+$0x0], $0xffff;
	[tilespmem:s13+$0x1B0] =	vst v47  }
0x2a6: {  	[tilespmem:s13+$0xFFFFFE40] =	vst v2;
	v47 =	vld [tilespmem:s30+$0x190]  }
0x2a7: {  	[tilespmem:s13+$0x1A0] =	vst v48;
	v48 =	vld.idx.msk [tilespmem:v37+s2+$0x0], $0xffff  }
0x2a8: {  	v51 =	vld [tilespmem:s30+$0xFFFFFE00];
	v62 =	vmul.f32 v53, v49  }
0x2a9: {  	v52 =	vor.u32 $0x1, v43;
	v56 =	vmul.f32 v56, v50  }
0x2aa: {  	v2 =	vld.idx.msk [tilespmem:v40+s2+$0x0], $0xffff;
	v54 =	vmul.f32 v54, v44;
	[tilespmem:s13+$0xFFFFFE50] =	vst v62  }
0x2ab: {  	v57 =	vld [tilespmem:s30+$0xFFFFFE90];
	[tilespmem:s13+$0x90] =	vst v56;
	v1 =	vmul.f32 v47, v1  }
0x2ac: {  	v60 =	vmul.f32 v55, v46;
	[tilespmem:s13+$0xFFFFFEE0] =	vst v54;
	v55 =	vld [tilespmem:s30+$0x90]  }
0x2ad: {  	v51 =	vmul.f32 v51, v48;
	v47 =	vmul.f32 v61, v45;
	v61 =	vld [tilespmem:s30+$0xFFFFFF10];
	[tilespmem:s13+$0x1C0] =	vst v1  }
0x2ae: {  	v62 =	vor.u32 $0x1, v42;
	v1 =	vld.idx.msk [tilespmem:v52+s2+$0x0], $0xffff  }
0x2af: {  	[tilespmem:s13+$0xFFFFFDC0] =	vst v51;
	v63 =	vld [tilespmem:s30+$0x1A0]  }
0x2b0: {  	v58 =	vor.u32 $0x1, v38;
	v59 =	vld [tilespmem:s30+$0xFFFFFE10];
	v49 =	vmul.f32 v57, v49  }
0x2b1: {  	[tilespmem:s13+$0xFFFFFF70] =	vst v47;
	v52 =	vld [tilespmem:s30+$0x100]  }
0x2b2: {  	[tilespmem:s13+$0xFFFFFE60] =	vst v49;
	v47 =	vld [tilespmem:s30+$0xFFFFFF90];
	v44 =	vmul.f32 v61, v44  }
0x2b3: {  	[tilespmem:s13+$0x0] =	vst v60;
	v49 =	vld.idx.msk [tilespmem:v62+s2+$0x0], $0xffff  }
0x2b4: {  	[tilespmem:s13+$0xFFFFFEF0] =	vst v44;
	v53 =	vmul.f32 v63, v1;
	v63 =	vld [tilespmem:s30+$0x10]  }
0x2b5: {  	v51 =	vld.idx.msk [tilespmem:v58+s2+$0x0], $0xffff  }
0x2b6: {  	v50 =	vmul.f32 v55, v50;
	v58 =	vld [tilespmem:s30+$0xFFFFFEA0];
	[tilespmem:s13+$0x1D0] =	vst v53;
	v53 =	vor.u32 $0x1, v39  }
0x2b7: {  	v57 =	vor.u32 $0x1, v36;
	v48 =	vmul.f32 v59, v48;
	v52 =	vmul.f32 v52, v2;
	v59 =	vld [tilespmem:s30+$0xFFFFFF20]  }
0x2b8: {  	[tilespmem:s13+$0xA0] =	vst v50;
	v45 =	vmul.f32 v47, v45  }
0x2b9: {  	[tilespmem:s13+$0x120] =	vst v52;
	v56 =	vld [tilespmem:s30+$0x1B0];
	v61 =	vmul.f32 v63, v46  }
0x2ba: {  	[tilespmem:s13+$0xFFFFFF80] =	vst v45;
	v60 =	vld [tilespmem:s30+$0x110]  }
0x2bb: {  	v45 =	vmul.f32 v58, v49;
	v53 =	vld.idx.msk [tilespmem:v53+s2+$0x0], $0xffff;
	[tilespmem:s13+$0x10] =	vst v61  }
0x2bc: {  	v62 =	vor.u32 $0x2, v43;
	[tilespmem:s13+$0xFFFFFDD0] =	vst v48;
	v47 =	vmul.f32 v59, v51;
	v48 =	vld.idx.msk [tilespmem:v57+s2+$0x0], $0xffff  }
0x2bd: {  	[tilespmem:s13+$0xFFFFFE70] =	vst v45;
	v61 =	vld [tilespmem:s30+$0x20]  }
0x2be: {  	[tilespmem:s13+$0xFFFFFF00] =	vst v47;
	v1 =	vmul.f32 v56, v1;
	v50 =	vld [tilespmem:s30+$0xFFFFFEB0]  }
0x2bf: {  	v63 =	vor.u32 $0x1, v35;
	v54 =	vld [tilespmem:s30+$0xFFFFFF30]  }
0x2c0: {  	v56 =	vor.u32 $0x1, v40;
	[tilespmem:s13+$0x1E0] =	vst v1;
	v1 =	vmul.f32 v60, v2;
	v60 =	vld [tilespmem:s30+$0xFFFFFFA0]  }
0x2c1: {  	v2 =	vld.idx.msk [tilespmem:v62+s2+$0x0], $0xffff  }
0x2c2: {  	v52 =	vor.u32 $0x1, v37;
	v57 =	vld [tilespmem:s30+$0x1C0]  }
0x2c3: {  	v62 =	vld [tilespmem:s30+$0xA0]  }
0x2c4: {  	[tilespmem:s13+$0x130] =	vst v1;
	v1 =	vld.idx.msk [tilespmem:v63+s2+$0x0], $0xffff  }
0x2c5: {  	v44 =	vld.idx.msk [tilespmem:v56+s2+$0x0], $0xffff  }
0x2c6: {  	v45 =	vor.u32 $0x2, v42;
	v63 =	vld [tilespmem:s30+$0x120];
	v58 =	vmul.f32 v60, v53  }
0x2c7: {  	v52 =	vld.idx.msk [tilespmem:v52+s2+$0x0], $0xffff;
	v46 =	vmul.f32 v57, v2  }
0x2c8: {  	v49 =	vmul.f32 v50, v49;
	v57 =	vld [tilespmem:s30+$0xFFFFFE20];
	[tilespmem:s13+$0xFFFFFF90] =	vst v58  }
0x2c9: {  	v59 =	vmul.f32 v61, v48;
	v51 =	vmul.f32 v54, v51;
	[tilespmem:s13+$0x1F0] =	vst v46;
	v61 =	vld [tilespmem:s30+$0xFFFFFFB0]  }
0x2ca: {  	[tilespmem:s13+$0xFFFFFE80] =	vst v49;
	v60 =	vmul.f32 v62, v1;
	v46 =	vld [tilespmem:s30+$0x1D0]  }
0x2cb: {  	[tilespmem:s13+$0xFFFFFF10] =	vst v51;
	v45 =	vld.idx.msk [tilespmem:v45+s2+$0x0], $0xffff;
	v62 =	vmul.f32 v63, v44  }
0x2cc: {  	v24 =	vmul.f32 v29, v24;
	v29 =	vld [tilespmem:s30+$0xFFFFFF40];
	v58 =	vor.u32 $0x2, v39;
	[tilespmem:s13+$0xB0] =	vst v60  }
0x2cd: {  	v63 =	vld [tilespmem:s30+$0xB0];
	[tilespmem:s13+$0x140] =	vst v62;
	v57 =	vmul.f32 v57, v52  }
0x2ce: {  	v43 =	vor.u32 $0x3, v43;
	[tilespmem:s13+$0x20] =	vst v59;
	v54 =	vld [tilespmem:s30+$0x130];
	v60 =	vmul.f32 v61, v53  }
0x2cf: {  	v21 =	vmul.f32 v33, v21;
	[tilespmem:s13+$0xFFFFFDE0] =	vst v57;
	v2 =	vmul.f32 v46, v2;
	v46 =	vld [tilespmem:s30+$0x30]  }
0x2d0: {  	v57 =	vor.u32 $0x2, v35;
	v61 =	vld [tilespmem:s30+$0xFFFFFE30];
	[tilespmem:s13+$0xFFFFFFA0] =	vst v60  }
0x2d1: {  	[tilespmem:s16+$0xFFFFFE30] =	vst v21;
	v55 =	vld.idx.msk [tilespmem:v58+s2+$0x0], $0xffff  }
0x2d2: {  	v21 =	vmul.f32 v30, v25;
	v62 =	vor.u32 $0x2, v40;
	v1 =	vmul.f32 v63, v1;
	[tilespmem:s13+$0x200] =	vst v2;
	v25 =	vld [tilespmem:s30+$0xFFFFFFC0]  }
0x2d3: {  	v43 =	vld.idx.msk [tilespmem:v43+s2+$0x0], $0xffff  }
0x2d4: {  	v2 =	vor.u32 $0x2, v38;
	v44 =	vmul.f32 v54, v44;
	v47 =	vld [tilespmem:s30+$0x1E0];
	[tilespmem:s13+$0xC0] =	vst v1  }
0x2d5: {  	[tilespmem:s15+$0xFFFFFF50] =	vst v21;
	v50 =	vor.u32 $0x2, v36;
	v58 =	vld.idx.msk [tilespmem:v57+s2+$0x0], $0xffff  }
0x2d6: {  	v63 =	vor.u32 $0x2, v37;
	[tilespmem:s13+$0x150] =	vst v44;
	v21 =	vld [tilespmem:s30+$0xC0]  }
0x2d7: {  	[tilespmem:s15+$0x180] =	vst v41;
	v46 =	vmul.f32 v46, v48;
	v60 =	vld.idx.msk [tilespmem:v62+s2+$0x0], $0xffff  }
0x2d8: {  	[tilespmem:s15+$0xFFFFFE20] =	vst v34;
	v56 =	vmul.f32 v61, v52;
	v62 =	vld [tilespmem:s30+$0xFFFFFEC0]  }
0x2d9: {  	v2 =	vld.idx.msk [tilespmem:v2+s2+$0x0], $0xffff;
	[tilespmem:s13+$0x30] =	vst v46  }
0x2da: {  	v26 =	vmul.f32 v31, v26;
	[tilespmem:s13+$0xFFFFFDF0] =	vst v56;
	v1 =	vld.idx.msk [tilespmem:v50+s2+$0x0], $0xffff  }
0x2db: {  	[tilespmem:s15+$0xFFFFFEC0] =	vst v24;
	v28 =	vmul.f32 v32, v28;
	v61 =	vld.idx.msk [tilespmem:v63+s2+$0x0], $0xffff  }
0x2dc: {  	[tilespmem:s15+$0xFFFFFFE0] =	vst v26;
	v47 =	vmul.f32 v47, v43;
	v24 =	vld [tilespmem:s30+$0x40]  }
0x2dd: {  	[tilespmem:s15+$0x70] =	vst v28;
	v28 =	vld [tilespmem:s30+$0xFFFFFE40];
	v26 =	vmul.f32 v62, v45  }
0x2de: {  	v30 =	vld [tilespmem:s30+$0x140];
	v25 =	vmul.f32 v25, v55;
	[tilespmem:s13+$0x210] =	vst v47  }
0x2df: {  	v59 =	vld [tilespmem:s30+$0x1F0];
	v29 =	vmul.f32 v29, v2;
	[tilespmem:s13+$0xFFFFFE90] =	vst v26  }
0x2e0: {  	[tilespmem:s13+$0xFFFFFFB0] =	vst v25;
	v21 =	vmul.f32 v21, v58;
	v31 =	vld [tilespmem:s30+$0xFFFFFED0]  }
0x2e1: {  	v26 =	vld [tilespmem:s21+$0xF0];
	v24 =	vmul.f32 v24, v1;
	[tilespmem:s13+$0xFFFFFF20] =	vst v29  }
0x2e2: {  	[tilespmem:s13+$0xD0] =	vst v21;
	v28 =	vmul.f32 v28, v61;
	v29 =	vld [tilespmem:s30+$0xFFFFFF50]  }
0x2e3: {  	v25 =	vld [tilespmem:s30+$0xFFFFFFD0];
	[tilespmem:s13+$0x40] =	vst v24;
	v24 =	vmul.f32 v30, v60  }
0x2e4: {  	v30 =	vor.u32 $0x3, v42;
	[tilespmem:s13+$0xFFFFFE00] =	vst v28;
	v63 =	vld [tilespmem:s30+$0x50];
	v21 =	vmul.f32 v59, v43  }
0x2e5: {  	v41 =	vld [tilespmem:s30+$0xD0];
	[tilespmem:s13+$0x160] =	vst v24;
	v24 =	vor.u32 $0x3, v38;
	v28 =	vmul.f32 v31, v45  }
0x2e6: {  	v42 =	vor.u32 $0x3, v39;
	v31 =	vld [tilespmem:s30+$0x150];
	[tilespmem:s13+$0x220] =	vst v21;
	v21 =	vmul.f32 v26, v23  }
0x2e7: {  	v23 =	vld [tilespmem:s30+$0xFFFFFE50];
	v26 =	vor.u32 $0x3, v36;
	v2 =	vmul.f32 v29, v2;
	[tilespmem:s13+$0xFFFFFEA0] =	vst v28  }
0x2e8: {  	v28 =	vld [tilespmem:s21+$0x170];
	[tilespmem:s15+$0x100] =	vst v21;
	v21 =	vmul.f32 v25, v55  }
0x2e9: {  	v29 =	vor.u32 $0x3, v35;
	v25 =	vld.idx.msk [tilespmem:v30+s2+$0x0], $0xffff;
	v1 =	vmul.f32 v63, v1;
	[tilespmem:s13+$0xFFFFFF30] =	vst v2  }
0x2ea: {  	[tilespmem:s13+$0xFFFFFFC0] =	vst v21;
	v24 =	vld.idx.msk [tilespmem:v24+s2+$0x0], $0xffff  }
0x2eb: {  	v21 =	vmul.f32 v41, v58;
	v43 =	vld.idx.msk [tilespmem:v42+s2+$0x0], $0xffff;
	[tilespmem:s13+$0x50] =	vst v1  }
0x2ec: {  	v30 =	vor.u32 $0x3, v40;
	v26 =	vld.idx.msk [tilespmem:v26+s2+$0x0], $0xffff  }
0x2ed: {  	v1 =	vmul.f32 v31, v60;
	v23 =	vmul.f32 v23, v61;
	[tilespmem:s13+$0xE0] =	vst v21;
	v31 =	vld [tilespmem:s30+$0x60]  }
0x2ee: {  	v21 =	vld.idx.msk [tilespmem:v29+s2+$0x0], $0xffff  }
0x2ef: {  	[tilespmem:s13+$0xFFFFFE10] =	vst v23;
	v23 =	vld [tilespmem:s30+$0xFFFFFEE0]  }
0x2f0: {  	v2 =	vor.u32 $0x3, v37;
	[tilespmem:s13+$0x170] =	vst v1;
	v29 =	vld [tilespmem:s30+$0xFFFFFF60]  }
0x2f1: {  	v1 =	vld.idx.msk [tilespmem:v30+s2+$0x0], $0xffff  }
0x2f2: {  	v30 =	vld [tilespmem:s30+$0xFFFFFFE0]  }
0x2f3: {  	v22 =	vmul.f32 v28, v22;
	v28 =	vld [tilespmem:s30+$0xE0]  }
0x2f4: {  	v44 =	vld [tilespmem:s30+$0x160]  }
0x2f5: {  	v2 =	vld.idx.msk [tilespmem:v2+s2+$0x0], $0xffff;
	v23 =	vmul.f32 v23, v25  }
0x2f6: {  	[tilespmem:s15+$0x190] =	vst v22;
	v22 =	vld [tilespmem:s30+$0xFFFFFE60];
	v29 =	vmul.f32 v29, v24  }
0x2f7: {  	[tilespmem:s13+$0xFFFFFEB0] =	vst v23;
	v23 =	vmul.f32 v30, v43;
	v30 =	vld [tilespmem:s21+$0xFFFFFE70]  }
0x2f8: {  	[tilespmem:s13+$0xFFFFFF40] =	vst v29;
	v29 =	vmul.f32 v31, v26;
	v34 =	vld [tilespmem:s30+$0xFFFFFEF0]  }
0x2f9: {  	v31 =	vld [tilespmem:s30+$0xFFFFFF70];
	[tilespmem:s13+$0xFFFFFFD0] =	vst v23;
	v23 =	vmul.f32 v28, v21  }
0x2fa: {  	[tilespmem:s13+$0x60] =	vst v29;
	v29 =	vmul.f32 v44, v1;
	v28 =	vld [tilespmem:s30+$0xFFFFFFF0]  }
0x2fb: {  	v22 =	vmul.f32 v22, v2;
	v45 =	vld [tilespmem:s30+$0x70];
	[tilespmem:s13+$0xF0] =	vst v23  }
0x2fc: {  	[tilespmem:s13+$0x180] =	vst v29;
	v23 =	vmul.f32 v30, v27;
	v27 =	vld [tilespmem:s30+$0xF0]  }
0x2fd: {  	[tilespmem:s13+$0xFFFFFE20] =	vst v22;
	v22 =	vmul.f32 v34, v25;
	v25 =	vld [tilespmem:s30+$0x170]  }
0x2fe: {  	[tilespmem:s15+$0xFFFFFE30] =	vst v23;
	v23 =	vmul.f32 v31, v24;
	v24 =	vld [tilespmem:s30+$0xFFFFFE70]  }
0x2ff: {  	v28 =	vmul.f32 v28, v43;
	[tilespmem:s13+$0xFFFFFEC0] =	vst v22  }
0x300: {  	v22 =	vmul.f32 v45, v26;
	[tilespmem:s13+$0xFFFFFF50] =	vst v23  }
0x301: {  	[tilespmem:s13+$0xFFFFFFE0] =	vst v28;
	v21 =	vmul.f32 v27, v21  }
0x302: {  	[tilespmem:s13+$0x70] =	vst v22;
	v1 =	vmul.f32 v25, v1  }
0x303: {  	[tilespmem:s13+$0x100] =	vst v21;
	v2 =	vmul.f32 v24, v2  }
0x304: {  	[tilespmem:s13+$0x190] =	vst v1  }
0x305: {  	s12 =	simm.s32 $0x1CDC0;
	s4 =	rddreg [dreg:$0x2];
	[tilespmem:s13+$0xFFFFFE30] =	vst v2  }
0x306: {  	[spmem:s4] =	stream.indirect.scatter.add.f32 [tilespmem:s12], [sflag:$0x7], $0x90, s19, s20, $0xb8;
	[tilespmem:$0x1FAC0] =	vst v63  }
0x307: {  	_ =	swait.ge [sflag:s17], $0x2D00  }
0x308: {  	[sflag:s17] =	ssyncset.done $0x0  }
0x309: {  	s13 =	simm.s32 $0x4;
	[sflag:s17] =	ssyncadd.s32 $0xFFFFD300  }
0x30a: {  	_ =	swait.ge [sflag:s13], $0x2800  }
0x30b: {  	[sflag:s13] =	ssyncset.done $0x0  }
0x30c: {  	[sflag:s13] =	ssyncadd.s32 $0xFFFFD800  }
0x30d: {  	_ =	swait.ge [sflag:s11], $0x500  }
0x30e: {  	[sflag:s11] =	ssyncset.done $0x0  }
0x30f: {  	[sflag:s11] =	ssyncadd.s32 $0xFFFFFB00  }
0x310: {  	_ =	swait.ge [sflag:s14], $0x500  }
0x311: {  	s15 =	rddreg [dreg:$0x9]  }
0x312: {  	s1 =	sadd.s32 s9, s15  }
0x313: {  	[sflag:s14] =	ssyncset.done $0x0;
	s1 =	sshrl.u32 s1, $0x3  }
0x314: {  	s16 =	simm.s32 $0x0;
	[sflag:s14] =	ssyncadd.s32 $0xFFFFFB00;
	s1 =	sadd.s32 s7, s1  }
0x315: {  	[tilespmem:s18], [sflag:$0x7] =	stream.linear.gather [hbm4b:s1+s16], $0x50, $0x38;
	[tilespmem:$0x1FAC0] =	vst v63  }
0x316: {  	_ =	swait.ge [sflag:s17], $0x50  }
0x317: {  	[sflag:s17] =	ssyncset.done $0x0  }
0x318: {  	s1 =	sadd.s32 $0x9C40, s1;
	[sflag:s17] =	ssyncadd.s32 $0xFFFFFFB0  }
0x319: {  	[tilespmem:s19], [sflag:$0x7] =	stream.linear.gather [hbm4b:s1+s16], $0x50, $0x38;
	[tilespmem:$0x1FAC0] =	vst v63  }
0x31a: {  	_ =	swait.ge [sflag:s17], $0x50  }
0x31b: {  	[sflag:s17] =	ssyncset.done $0x0  }
0x31c: {  	s21 =	simm.s32 $0x164C0;
	[sflag:s17] =	ssyncadd.s32 $0xFFFFFFB0  }
0x31d: {  	[tilespmem:s21], [sflag:$0x1] =	stream.indirect.gather [hbm4b:s8+s20], $0x80, s18, s20, $0xb8;
	[tilespmem:$0x1FAC0] =	vst v63  }
0x31e: {  	_ = 	snop  }
0x31f: {  	[tilespmem:s22], [sflag:$0x2] =	stream.indirect.gather [hbm4b:s5+s20], $0x10, s18, s20, $0xb8;
	[tilespmem:$0x1FAC0] =	vst v63  }
0x320: {  	_ = 	snop  }
0x321: {  	[tilespmem:s23], [sflag:$0x3] =	stream.indirect.gather [hbm4b:s6+s20], $0x10, s19, s20, $0xb8;
	[tilespmem:$0x1FAC0] =	vst v63  }
0x322: {  	v1 =	vld.idx.msk [tilespmem:v0+s31+$0x0], $0xffff  }
0x323: {  	v2 =	vld.idx.msk [tilespmem:v0+s0+$0x0], $0xffff;
	_ =	sdelay $0x4  }
0x324: {  	v1 =	vadd.f32 v2, v1;
	_ =	sdelay $0x1  }
0x325: {  	v2 =	vmul.f32 $2.000000030e-01, v1  }
0x326: {  	vm0 =	vge.f32 v1, $0.0e+00  }
0x327: {  	v1 =	vsel vm0, v1, v2  }
0x328: {  	v1 =	vmul.f32 $1.442695020e+00, v1;
	_ =	sdelay $0x1  }
0x329: {  	(erf) = vpow2.f32 v1;
	_ =	sdelay $0x2  }
0x32a: {  	v21 =	vld [tilespmem:$0x1FFF0];
	_ =	sdelay $0x5  }
0x32b: {  	v1 =	vpop (erf)  }
0x32c: {  	[tilespmem:v0+s2+$0x0] =	vst.idx.msk $0xffff, v1  }
0x32d: {  	v1 =	vld.idx.msk [tilespmem:v21+s31+$0x0], $0xffff  }
0x32e: {  	v2 =	vld.idx.msk [tilespmem:v21+s0+$0x0], $0xffff;
	_ =	sdelay $0x4  }
0x32f: {  	v1 =	vadd.f32 v2, v1;
	_ =	sdelay $0x1  }
0x330: {  	v2 =	vmul.f32 $2.000000030e-01, v1  }
0x331: {  	vm9 =	vge.f32 v1, $0.0e+00  }
0x332: {  	v1 =	vsel vm9, v1, v2  }
0x333: {  	v1 =	vmul.f32 $1.442695020e+00, v1;
	_ =	sdelay $0x1  }
0x334: {  	(erf) = vpow2.f32 v1;
	_ =	sdelay $0x8  }
0x335: {  	v1 =	vpop (erf)  }
0x336: {  	[tilespmem:v21+s2+$0x0] =	vst.idx.msk $0xffff, v1  }
0x337: {  	v1 =	vld.idx.msk [tilespmem:v3+s31+$0x0], $0xffff  }
0x338: {  	v2 =	vld.idx.msk [tilespmem:v3+s0+$0x0], $0xffff;
	_ =	sdelay $0x4  }
0x339: {  	v1 =	vadd.f32 v2, v1;
	_ =	sdelay $0x1  }
0x33a: {  	v2 =	vmul.f32 $2.000000030e-01, v1  }
0x33b: {  	vm10 =	vge.f32 v1, $0.0e+00  }
0x33c: {  	v1 =	vsel vm10, v1, v2  }
0x33d: {  	v1 =	vmul.f32 $1.442695020e+00, v1;
	_ =	sdelay $0x1  }
0x33e: {  	(erf) = vpow2.f32 v1;
	_ =	sdelay $0x8  }
0x33f: {  	v1 =	vpop (erf)  }
0x340: {  	[tilespmem:v3+s2+$0x0] =	vst.idx.msk $0xffff, v1  }
0x341: {  	v1 =	vld.idx.msk [tilespmem:v4+s31+$0x0], $0xffff  }
0x342: {  	v2 =	vld.idx.msk [tilespmem:v4+s0+$0x0], $0xffff;
	_ =	sdelay $0x4  }
0x343: {  	v1 =	vadd.f32 v2, v1;
	_ =	sdelay $0x1  }
0x344: {  	v2 =	vmul.f32 $2.000000030e-01, v1  }
0x345: {  	vm11 =	vge.f32 v1, $0.0e+00  }
0x346: {  	v1 =	vsel vm11, v1, v2  }
0x347: {  	v1 =	vmul.f32 $1.442695020e+00, v1;
	_ =	sdelay $0x1  }
0x348: {  	(erf) = vpow2.f32 v1;
	_ =	sdelay $0x8  }
0x349: {  	v1 =	vpop (erf)  }
0x34a: {  	[tilespmem:v4+s2+$0x0] =	vst.idx.msk $0xffff, v1  }
0x34b: {  	v1 =	vld.idx.msk [tilespmem:v5+s31+$0x0], $0xffff  }
0x34c: {  	v2 =	vld.idx.msk [tilespmem:v5+s0+$0x0], $0xffff;
	_ =	sdelay $0x4  }
0x34d: {  	v1 =	vadd.f32 v2, v1;
	_ =	sdelay $0x1  }
0x34e: {  	v2 =	vmul.f32 $2.000000030e-01, v1  }
0x34f: {  	vm12 =	vge.f32 v1, $0.0e+00  }
0x350: {  	v1 =	vsel vm12, v1, v2  }
0x351: {  	v1 =	vmul.f32 $1.442695020e+00, v1;
	_ =	sdelay $0x1  }
0x352: {  	(erf) = vpow2.f32 v1;
	_ =	sdelay $0x8  }
0x353: {  	v1 =	vpop (erf)  }
0x354: {  	[tilespmem:v5+s2+$0x0] =	vst.idx.msk $0xffff, v1  }
0x355: {  	v1 =	vld.idx.msk [tilespmem:v6+s31+$0x0], $0xffff  }
0x356: {  	v2 =	vld.idx.msk [tilespmem:v6+s0+$0x0], $0xffff;
	_ =	sdelay $0x4  }
0x357: {  	v1 =	vadd.f32 v2, v1;
	_ =	sdelay $0x1  }
0x358: {  	v2 =	vmul.f32 $2.000000030e-01, v1  }
0x359: {  	vm13 =	vge.f32 v1, $0.0e+00  }
0x35a: {  	v1 =	vsel vm13, v1, v2  }
0x35b: {  	v1 =	vmul.f32 $1.442695020e+00, v1;
	_ =	sdelay $0x1  }
0x35c: {  	(erf) = vpow2.f32 v1;
	_ =	sdelay $0x8  }
0x35d: {  	v1 =	vpop (erf)  }
0x35e: {  	[tilespmem:v6+s2+$0x0] =	vst.idx.msk $0xffff, v1  }
0x35f: {  	v1 =	vld.idx.msk [tilespmem:v7+s31+$0x0], $0xffff  }
0x360: {  	v2 =	vld.idx.msk [tilespmem:v7+s0+$0x0], $0xffff;
	_ =	sdelay $0x4  }
0x361: {  	v1 =	vadd.f32 v2, v1;
	_ =	sdelay $0x1  }
0x362: {  	v2 =	vmul.f32 $2.000000030e-01, v1  }
0x363: {  	vm14 =	vge.f32 v1, $0.0e+00  }
0x364: {  	v1 =	vsel vm14, v1, v2  }
0x365: {  	v1 =	vmul.f32 $1.442695020e+00, v1;
	_ =	sdelay $0x1  }
0x366: {  	(erf) = vpow2.f32 v1;
	_ =	sdelay $0x8  }
0x367: {  	v1 =	vpop (erf)  }
0x368: {  	[tilespmem:v7+s2+$0x0] =	vst.idx.msk $0xffff, v1  }
0x369: {  	v1 =	vld.idx.msk [tilespmem:v8+s31+$0x0], $0xffff  }
0x36a: {  	v2 =	vld.idx.msk [tilespmem:v8+s0+$0x0], $0xffff;
	_ =	sdelay $0x4  }
0x36b: {  	v1 =	vadd.f32 v2, v1;
	_ =	sdelay $0x1  }
0x36c: {  	v2 =	vmul.f32 $2.000000030e-01, v1  }
0x36d: {  	vm15 =	vge.f32 v1, $0.0e+00  }
0x36e: {  	v1 =	vsel vm15, v1, v2  }
0x36f: {  	v1 =	vmul.f32 $1.442695020e+00, v1;
	_ =	sdelay $0x1  }
0x370: {  	(erf) = vpow2.f32 v1;
	_ =	sdelay $0x8  }
0x371: {  	v1 =	vpop (erf)  }
0x372: {  	[tilespmem:v8+s2+$0x0] =	vst.idx.msk $0xffff, v1  }
0x373: {  	v1 =	vld.idx.msk [tilespmem:v9+s31+$0x0], $0xffff  }
0x374: {  	v2 =	vld.idx.msk [tilespmem:v9+s0+$0x0], $0xffff;
	_ =	sdelay $0x4  }
0x375: {  	v1 =	vadd.f32 v2, v1;
	_ =	sdelay $0x1  }
0x376: {  	v2 =	vmul.f32 $2.000000030e-01, v1  }
0x377: {  	vm4 =	vge.f32 v1, $0.0e+00  }
0x378: {  	v1 =	vsel vm4, v1, v2  }
0x379: {  	v1 =	vmul.f32 $1.442695020e+00, v1;
	_ =	sdelay $0x1  }
0x37a: {  	(erf) = vpow2.f32 v1;
	_ =	sdelay $0x8  }
0x37b: {  	v1 =	vpop (erf)  }
0x37c: {  	[tilespmem:v9+s2+$0x0] =	vst.idx.msk $0xffff, v1  }
0x37d: {  	v1 =	vld.idx.msk [tilespmem:v10+s31+$0x0], $0xffff  }
0x37e: {  	v2 =	vld.idx.msk [tilespmem:v10+s0+$0x0], $0xffff;
	_ =	sdelay $0x4  }
0x37f: {  	v1 =	vadd.f32 v2, v1;
	_ =	sdelay $0x1  }
0x380: {  	v2 =	vmul.f32 $2.000000030e-01, v1  }
0x381: {  	vm5 =	vge.f32 v1, $0.0e+00  }
0x382: {  	v1 =	vsel vm5, v1, v2  }
0x383: {  	v1 =	vmul.f32 $1.442695020e+00, v1;
	_ =	sdelay $0x1  }
0x384: {  	(erf) = vpow2.f32 v1;
	_ =	sdelay $0x8  }
0x385: {  	v1 =	vpop (erf)  }
0x386: {  	[tilespmem:v10+s2+$0x0] =	vst.idx.msk $0xffff, v1  }
0x387: {  	v1 =	vld.idx.msk [tilespmem:v11+s31+$0x0], $0xffff  }
0x388: {  	v2 =	vld.idx.msk [tilespmem:v11+s0+$0x0], $0xffff;
	_ =	sdelay $0x4  }
0x389: {  	v1 =	vadd.f32 v2, v1;
	_ =	sdelay $0x1  }
0x38a: {  	v2 =	vmul.f32 $2.000000030e-01, v1  }
0x38b: {  	vm6 =	vge.f32 v1, $0.0e+00  }
0x38c: {  	v1 =	vsel vm6, v1, v2  }
0x38d: {  	v1 =	vmul.f32 $1.442695020e+00, v1;
	_ =	sdelay $0x1  }
0x38e: {  	(erf) = vpow2.f32 v1;
	_ =	sdelay $0x8  }
0x38f: {  	v1 =	vpop (erf)  }
0x390: {  	[tilespmem:v11+s2+$0x0] =	vst.idx.msk $0xffff, v1  }
0x391: {  	v1 =	vld.idx.msk [tilespmem:v12+s31+$0x0], $0xffff  }
0x392: {  	v2 =	vld.idx.msk [tilespmem:v12+s0+$0x0], $0xffff;
	_ =	sdelay $0x4  }
0x393: {  	v1 =	vadd.f32 v2, v1;
	_ =	sdelay $0x1  }
0x394: {  	v2 =	vmul.f32 $2.000000030e-01, v1  }
0x395: {  	vm7 =	vge.f32 v1, $0.0e+00  }
0x396: {  	v1 =	vsel vm7, v1, v2  }
0x397: {  	v1 =	vmul.f32 $1.442695020e+00, v1;
	_ =	sdelay $0x1  }
0x398: {  	(erf) = vpow2.f32 v1;
	_ =	sdelay $0x8  }
0x399: {  	v1 =	vpop (erf)  }
0x39a: {  	[tilespmem:v12+s2+$0x0] =	vst.idx.msk $0xffff, v1  }
0x39b: {  	v1 =	vld.idx.msk [tilespmem:v13+s31+$0x0], $0xffff  }
0x39c: {  	v2 =	vld.idx.msk [tilespmem:v13+s0+$0x0], $0xffff;
	_ =	sdelay $0x4  }
0x39d: {  	v1 =	vadd.f32 v2, v1;
	_ =	sdelay $0x1  }
0x39e: {  	v2 =	vmul.f32 $2.000000030e-01, v1  }
0x39f: {  	vm8 =	vge.f32 v1, $0.0e+00  }
0x3a0: {  	v1 =	vsel vm8, v1, v2  }
0x3a1: {  	v1 =	vmul.f32 $1.442695020e+00, v1;
	_ =	sdelay $0x1  }
0x3a2: {  	(erf) = vpow2.f32 v1;
	_ =	sdelay $0x8  }
0x3a3: {  	v1 =	vpop (erf)  }
0x3a4: {  	[tilespmem:v13+s2+$0x0] =	vst.idx.msk $0xffff, v1  }
0x3a5: {  	v1 =	vld.idx.msk [tilespmem:v14+s31+$0x0], $0xffff  }
0x3a6: {  	v2 =	vld.idx.msk [tilespmem:v14+s0+$0x0], $0xffff;
	_ =	sdelay $0x4  }
0x3a7: {  	v1 =	vadd.f32 v2, v1;
	_ =	sdelay $0x1  }
0x3a8: {  	v2 =	vmul.f32 $2.000000030e-01, v1  }
0x3a9: {  	vm9 =	vge.f32 v1, $0.0e+00  }
0x3aa: {  	v1 =	vsel vm9, v1, v2  }
0x3ab: {  	v1 =	vmul.f32 $1.442695020e+00, v1;
	_ =	sdelay $0x1  }
0x3ac: {  	(erf) = vpow2.f32 v1;
	_ =	sdelay $0x8  }
0x3ad: {  	v1 =	vpop (erf)  }
0x3ae: {  	[tilespmem:v14+s2+$0x0] =	vst.idx.msk $0xffff, v1  }
0x3af: {  	v1 =	vld.idx.msk [tilespmem:v15+s31+$0x0], $0xffff  }
0x3b0: {  	v2 =	vld.idx.msk [tilespmem:v15+s0+$0x0], $0xffff;
	_ =	sdelay $0x4  }
0x3b1: {  	v1 =	vadd.f32 v2, v1;
	_ =	sdelay $0x1  }
0x3b2: {  	v2 =	vmul.f32 $2.000000030e-01, v1  }
0x3b3: {  	vm10 =	vge.f32 v1, $0.0e+00  }
0x3b4: {  	v1 =	vsel vm10, v1, v2  }
0x3b5: {  	v1 =	vmul.f32 $1.442695020e+00, v1;
	_ =	sdelay $0x1  }
0x3b6: {  	(erf) = vpow2.f32 v1;
	_ =	sdelay $0x8  }
0x3b7: {  	v1 =	vpop (erf)  }
0x3b8: {  	[tilespmem:v15+s2+$0x0] =	vst.idx.msk $0xffff, v1  }
0x3b9: {  	v1 =	vld.idx.msk [tilespmem:v16+s31+$0x0], $0xffff  }
0x3ba: {  	v2 =	vld.idx.msk [tilespmem:v16+s0+$0x0], $0xffff;
	_ =	sdelay $0x4  }
0x3bb: {  	v1 =	vadd.f32 v2, v1;
	_ =	sdelay $0x1  }
0x3bc: {  	v2 =	vmul.f32 $2.000000030e-01, v1  }
0x3bd: {  	vm11 =	vge.f32 v1, $0.0e+00  }
0x3be: {  	v1 =	vsel vm11, v1, v2  }
0x3bf: {  	v1 =	vmul.f32 $1.442695020e+00, v1;
	_ =	sdelay $0x1  }
0x3c0: {  	(erf) = vpow2.f32 v1;
	_ =	sdelay $0x8  }
0x3c1: {  	v1 =	vpop (erf)  }
0x3c2: {  	[tilespmem:v16+s2+$0x0] =	vst.idx.msk $0xffff, v1  }
0x3c3: {  	v1 =	vld.idx.msk [tilespmem:v17+s31+$0x0], $0xffff  }
0x3c4: {  	v2 =	vld.idx.msk [tilespmem:v17+s0+$0x0], $0xffff;
	_ =	sdelay $0x4  }
0x3c5: {  	v1 =	vadd.f32 v2, v1;
	_ =	sdelay $0x1  }
0x3c6: {  	v2 =	vmul.f32 $2.000000030e-01, v1  }
0x3c7: {  	vm12 =	vge.f32 v1, $0.0e+00  }
0x3c8: {  	v1 =	vsel vm12, v1, v2  }
0x3c9: {  	v1 =	vmul.f32 $1.442695020e+00, v1;
	_ =	sdelay $0x1  }
0x3ca: {  	(erf) = vpow2.f32 v1;
	_ =	sdelay $0x8  }
0x3cb: {  	v1 =	vpop (erf)  }
0x3cc: {  	[tilespmem:v17+s2+$0x0] =	vst.idx.msk $0xffff, v1  }
0x3cd: {  	v1 =	vld.idx.msk [tilespmem:v18+s31+$0x0], $0xffff  }
0x3ce: {  	v2 =	vld.idx.msk [tilespmem:v18+s0+$0x0], $0xffff;
	_ =	sdelay $0x4  }
0x3cf: {  	v1 =	vadd.f32 v2, v1;
	_ =	sdelay $0x1  }
0x3d0: {  	v2 =	vmul.f32 $2.000000030e-01, v1  }
0x3d1: {  	vm13 =	vge.f32 v1, $0.0e+00  }
0x3d2: {  	v1 =	vsel vm13, v1, v2  }
0x3d3: {  	v1 =	vmul.f32 $1.442695020e+00, v1;
	_ =	sdelay $0x1  }
0x3d4: {  	(erf) = vpow2.f32 v1;
	_ =	sdelay $0x8  }
0x3d5: {  	v1 =	vpop (erf)  }
0x3d6: {  	[tilespmem:v18+s2+$0x0] =	vst.idx.msk $0xffff, v1  }
0x3d7: {  	v1 =	vld.idx.msk [tilespmem:v19+s31+$0x0], $0xffff  }
0x3d8: {  	v2 =	vld.idx.msk [tilespmem:v19+s0+$0x0], $0xffff;
	_ =	sdelay $0x4  }
0x3d9: {  	v1 =	vadd.f32 v2, v1;
	_ =	sdelay $0x1  }
0x3da: {  	v2 =	vmul.f32 $2.000000030e-01, v1  }
0x3db: {  	vm14 =	vge.f32 v1, $0.0e+00  }
0x3dc: {  	v1 =	vsel vm14, v1, v2  }
0x3dd: {  	v1 =	vmul.f32 $1.442695020e+00, v1;
	_ =	sdelay $0x1  }
0x3de: {  	(erf) = vpow2.f32 v1;
	_ =	sdelay $0x8  }
0x3df: {  	v1 =	vpop (erf)  }
0x3e0: {  	[tilespmem:v19+s2+$0x0] =	vst.idx.msk $0xffff, v1  }
0x3e1: {  	v1 =	vld.idx.msk [tilespmem:v20+s31+$0x0], $0xffff  }
0x3e2: {  	v2 =	vld.idx.msk [tilespmem:v20+s0+$0x0], $0xffff;
	_ =	sdelay $0x4  }
0x3e3: {  	v1 =	vadd.f32 v2, v1;
	_ =	sdelay $0x1  }
0x3e4: {  	v2 =	vmul.f32 $2.000000030e-01, v1  }
0x3e5: {  	vm15 =	vge.f32 v1, $0.0e+00  }
0x3e6: {  	v1 =	vsel vm15, v1, v2  }
0x3e7: {  	v1 =	vmul.f32 $1.442695020e+00, v1;
	_ =	sdelay $0x1  }
0x3e8: {  	(erf) = vpow2.f32 v1;
	_ =	sdelay $0x8  }
0x3e9: {  	v1 =	vpop (erf)  }
0x3ea: {  	s28 =	simm.s32 $0x1C900;
	[tilespmem:v20+s2+$0x0] =	vst.idx.msk $0xffff, v1  }
0x3eb: {  	v1 =	vld [tilespmem:s28+$0x30]  }
0x3ec: {  	v2 =	vld [tilespmem:s28+$0xFFFFFFD0]  }
0x3ed: {  	s29 =	simm.s32 $0x70;
	v21 =	vld [tilespmem:s28+$0xFFFFFFE0]  }
0x3ee: {  	v22 =	vmov s29;
	v29 =	vld [tilespmem:s28+$0xFFFFFFF0]  }
0x3ef: {  	s4 =	simm.s32 $0x10;
	v30 =	vld [tilespmem:s28+$0x0]  }
0x3f0: {  	s30 =	smov.u32 s8;
	v25 =	vmov s4;
	s9 =	simm.s32 $0x1D000;
	s8 =	simm.s32 $0x20;
	v31 =	vld [tilespmem:s28+$0x10]  }
0x3f1: {  	s4 =	simm.s32 $0x30;
	v28 =	vmov s8;
	v47 =	vld [tilespmem:s28+$0x20];
	[tilespmem:s9+$0x230] =	vst v1  }
0x3f2: {  	s12 =	simm.s32 $0x40;
	v26 =	vmov s4;
	[tilespmem:s9+$0xFFFFFED0] =	vst v2;
	v2 =	vld [tilespmem:s28+$0xFFFFFFC0]  }
0x3f3: {  	v24 =	vmov s12;
	s13 =	simm.s32 $0x50;
	s21 =	simm.s32 $0x18EC0;
	v1 =	vld.idx.msk [tilespmem:v22+s2+$0x0], $0xffff  }
0x3f4: {  	v23 =	vmov s13;
	v46 =	vld [tilespmem:s21+$0x180]  }
0x3f5: {  	[tilespmem:s9+$0xFFFFFF60] =	vst v21;
	v34 =	vld.idx.msk [tilespmem:v25+s2+$0x0], $0xffff  }
0x3f6: {  	[tilespmem:s9+$0xFFFFFFF0] =	vst v29;
	v29 =	vld.idx.msk [tilespmem:v28+s2+$0x0], $0xffff  }
0x3f7: {  	[tilespmem:s9+$0x80] =	vst v30;
	v30 =	vld.idx.msk [tilespmem:v26+s2+$0x0], $0xffff  }
0x3f8: {  	[tilespmem:s9+$0x110] =	vst v31;
	v31 =	vld.idx.msk [tilespmem:v24+s2+$0x0], $0xffff  }
0x3f9: {  	v35 =	vld.idx.msk [tilespmem:v23+s2+$0x0], $0xffff  }
0x3fa: {  	s15 =	simm.s32 $0x60;
	v50 =	vld [tilespmem:s21+$0xFFFFFE80]  }
0x3fb: {  	v27 =	vmov s15;
	s16 =	simm.s32 $0x0;
	v51 =	vld [tilespmem:s21+$0xFFFFFF00];
	v32 =	vmul.f32 v46, v1  }
0x3fc: {  	v21 =	vmov s16;
	v52 =	vld [tilespmem:s21+$0xFFFFFF80]  }
0x3fd: {  	v53 =	vld [tilespmem:s21+$0x0];
	[tilespmem:s9+$0x1B0] =	vst v32  }
0x3fe: {  	[tilespmem:s9+$0x1A0] =	vst v47;
	v32 =	vld [tilespmem:s21+$0x190]  }
0x3ff: {  	v57 =	vld [tilespmem:s21+$0x100]  }
0x400: {  	[tilespmem:s9+$0xFFFFFE40] =	vst v2;
	v2 =	vld.idx.msk [tilespmem:v27+s2+$0x0], $0xffff  }
0x401: {  	v49 =	vor.u32 $0x1, v22;
	v33 =	vld.idx.msk [tilespmem:v21+s2+$0x0], $0xffff;
	v54 =	vmul.f32 v50, v34  }
0x402: {  	v48 =	vld [tilespmem:s21+$0xFFFFFE00];
	v39 =	vmul.f32 v51, v29  }
0x403: {  	v56 =	vld [tilespmem:s21+$0x80];
	[tilespmem:s9+$0xFFFFFE50] =	vst v54;
	v1 =	vmul.f32 v32, v1  }
0x404: {  	[tilespmem:s9+$0xFFFFFEE0] =	vst v39;
	v58 =	vld [tilespmem:s21+$0xFFFFFE90]  }
0x405: {  	v59 =	vmul.f32 v53, v31;
	v60 =	vld [tilespmem:s21+$0xFFFFFF10];
	[tilespmem:s9+$0x1C0] =	vst v1  }
0x406: {  	v37 =	vmul.f32 v57, v2;
	v1 =	vld.idx.msk [tilespmem:v49+s2+$0x0], $0xffff  }
0x407: {  	[tilespmem:s9+$0x0] =	vst v59;
	v36 =	vmul.f32 v48, v33;
	v55 =	vld [tilespmem:s21+$0x1A0]  }
0x408: {  	v61 =	vor.u32 $0x1, v25;
	v41 =	vmul.f32 v56, v35;
	v62 =	vld [tilespmem:s21+$0x10];
	[tilespmem:s9+$0x120] =	vst v37  }
0x409: {  	[tilespmem:s9+$0xFFFFFDC0] =	vst v36;
	v54 =	vld [tilespmem:s21+$0x110];
	v32 =	vmul.f32 v52, v30  }
0x40a: {  	[tilespmem:s9+$0x90] =	vst v41;
	v48 =	vld [tilespmem:s21+$0xFFFFFE10];
	v34 =	vmul.f32 v58, v34  }
0x40b: {  	v51 =	vor.u32 $0x1, v24;
	v29 =	vmul.f32 v60, v29;
	v52 =	vld [tilespmem:s21+$0x90];
	[tilespmem:s9+$0xFFFFFF70] =	vst v32  }
0x40c: {  	[tilespmem:s9+$0xFFFFFE60] =	vst v34;
	v32 =	vld [tilespmem:s21+$0xFFFFFF90];
	v38 =	vmul.f32 v55, v1  }
0x40d: {  	v63 =	vor.u32 $0x1, v28;
	[tilespmem:s9+$0xFFFFFEF0] =	vst v29;
	v29 =	vmul.f32 v62, v31;
	v34 =	vld.idx.msk [tilespmem:v61+s2+$0x0], $0xffff  }
0x40e: {  	v53 =	vor.u32 $0x1, v21;
	v57 =	vld [tilespmem:s21+$0xFFFFFF20];
	[tilespmem:s9+$0x1D0] =	vst v38  }
0x40f: {  	[tilespmem:s9+$0x10] =	vst v29;
	v50 =	vld [tilespmem:s21+$0x1B0]  }
0x410: {  	v33 =	vmul.f32 v48, v33;
	v56 =	vld.idx.msk [tilespmem:v51+s2+$0x0], $0xffff  }
0x411: {  	v49 =	vor.u32 $0x1, v26;
	v35 =	vmul.f32 v52, v35;
	v59 =	vld [tilespmem:s21+$0x20]  }
0x412: {  	v31 =	vor.u32 $0x2, v22;
	[tilespmem:s9+$0xFFFFFDD0] =	vst v33;
	v30 =	vmul.f32 v32, v30;
	v55 =	vld.idx.msk [tilespmem:v63+s2+$0x0], $0xffff  }
0x413: {  	[tilespmem:s9+$0xA0] =	vst v35;
	v37 =	vld.idx.msk [tilespmem:v53+s2+$0x0], $0xffff  }
0x414: {  	v60 =	vld [tilespmem:s21+$0xA0];
	[tilespmem:s9+$0xFFFFFF80] =	vst v30;
	v30 =	vor.u32 $0x1, v23;
	v1 =	vmul.f32 v50, v1  }
0x415: {  	v62 =	vld [tilespmem:s21+$0xFFFFFE20]  }
0x416: {  	v38 =	vld.idx.msk [tilespmem:v49+s2+$0x0], $0xffff;
	[tilespmem:s9+$0x1E0] =	vst v1  }
0x417: {  	v1 =	vmul.f32 v54, v2;
	v2 =	vld.idx.msk [tilespmem:v31+s2+$0x0], $0xffff  }
0x418: {  	v32 =	vmul.f32 v57, v55;
	v31 =	vld [tilespmem:s21+$0x1C0]  }
0x419: {  	v29 =	vor.u32 $0x1, v27;
	[tilespmem:s9+$0x130] =	vst v1;
	v1 =	vld.idx.msk [tilespmem:v30+s2+$0x0], $0xffff  }
0x41a: {  	v42 =	vmul.f32 v62, v37;
	[tilespmem:s9+$0xFFFFFF00] =	vst v32;
	v30 =	vld [tilespmem:s21+$0xFFFFFEA0]  }
0x41b: {  	v45 =	vld [tilespmem:s21+$0xFFFFFF30]  }
0x41c: {  	v58 =	vld [tilespmem:s21+$0xFFFFFFA0];
	[tilespmem:s9+$0xFFFFFDE0] =	vst v42  }
0x41d: {  	v54 =	vld [tilespmem:s21+$0xFFFFFE30];
	v31 =	vmul.f32 v31, v2  }
0x41e: {  	v29 =	vld.idx.msk [tilespmem:v29+s2+$0x0], $0xffff  }
0x41f: {  	v61 =	vld [tilespmem:s21+$0x120];
	v30 =	vmul.f32 v30, v34;
	[tilespmem:s9+$0x1F0] =	vst v31  }
0x420: {  	v36 =	vmul.f32 v45, v55;
	v31 =	vld [tilespmem:s21+$0x1D0]  }
0x421: {  	[tilespmem:s9+$0xFFFFFE70] =	vst v30;
	v30 =	vmul.f32 v58, v38  }
0x422: {  	v44 =	vmul.f32 v59, v56;
	[tilespmem:s9+$0xFFFFFF10] =	vst v36;
	v63 =	vld [tilespmem:s21+$0xFFFFFEB0]  }
0x423: {  	v58 =	vld [tilespmem:s21+$0xFFFFFF40];
	[tilespmem:s9+$0xFFFFFF90] =	vst v30;
	v30 =	vmul.f32 v60, v1  }
0x424: {  	v22 =	vor.u32 $0x3, v22;
	[tilespmem:s9+$0x20] =	vst v44;
	v37 =	vmul.f32 v54, v37;
	v46 =	vld [tilespmem:s21+$0xFFFFFFB0]  }
0x425: {  	[tilespmem:s9+$0xB0] =	vst v30;
	v30 =	vmul.f32 v61, v29;
	v2 =	vmul.f32 v31, v2;
	v31 =	vld [tilespmem:s21+$0x30]  }
0x426: {  	v57 =	vor.u32 $0x2, v21;
	[tilespmem:s9+$0xFFFFFDF0] =	vst v37;
	v48 =	vld [tilespmem:s21+$0xB0]  }
0x427: {  	[tilespmem:s9+$0x140] =	vst v30;
	v34 =	vmul.f32 v63, v34;
	v63 =	vld [tilespmem:s21+$0xFFFFFE40]  }
0x428: {  	v47 =	vor.u32 $0x2, v25;
	[tilespmem:s9+$0x200] =	vst v2;
	v49 =	vld [tilespmem:s21+$0x130]  }
0x429: {  	v30 =	vor.u32 $0x2, v26;
	v22 =	vld.idx.msk [tilespmem:v22+s2+$0x0], $0xffff  }
0x42a: {  	v51 =	vld [tilespmem:s21+$0x1E0]  }
0x42b: {  	s1 =	simm.s32 $0x1C980;
	v2 =	vor.u32 $0x2, v28;
	[tilespmem:s9+$0xFFFFFE80] =	vst v34;
	v53 =	vmul.f32 v46, v38;
	v34 =	vld.idx.msk [tilespmem:v57+s2+$0x0], $0xffff  }
0x42c: {  	v57 =	vld [tilespmem:s1+$0x0]  }
0x42d: {  	v50 =	vor.u32 $0x2, v24;
	v32 =	vld.idx.msk [tilespmem:v47+s2+$0x0], $0xffff;
	[tilespmem:s9+$0xFFFFFFA0] =	vst v53  }
0x42e: {  	v52 =	vor.u32 $0x2, v23;
	v30 =	vld.idx.msk [tilespmem:v30+s2+$0x0], $0xffff  }
0x42f: {  	v31 =	vmul.f32 v31, v56;
	v59 =	vld [tilespmem:s21+$0xFFFFFFC0]  }
0x430: {  	v1 =	vmul.f32 v48, v1;
	v2 =	vld.idx.msk [tilespmem:v2+s2+$0x0], $0xffff  }
0x431: {  	v55 =	vor.u32 $0x2, v27;
	[tilespmem:s9+$0x30] =	vst v31;
	v31 =	vld [tilespmem:s21+$0xFFFFFEC0]  }
0x432: {  	[tilespmem:s9+$0xC0] =	vst v1;
	v1 =	vld.idx.msk [tilespmem:v50+s2+$0x0], $0xffff  }
0x433: {  	v29 =	vmul.f32 v49, v29;
	v56 =	vld.idx.msk [tilespmem:v52+s2+$0x0], $0xffff  }
0x434: {  	v60 =	vld [tilespmem:s21+$0x40]  }
0x435: {  	v61 =	vld [tilespmem:s21+$0xC0];
	[tilespmem:s9+$0x150] =	vst v29  }
0x436: {  	v49 =	vmul.f32 v51, v22;
	v29 =	vld.idx.msk [tilespmem:v55+s2+$0x0], $0xffff  }
0x437: {  	v62 =	vld [tilespmem:s21+$0x140]  }
0x438: {  	[tilespmem:s9+$0x210] =	vst v49;
	v55 =	vld [tilespmem:s1+$0xFFFFFFE0]  }
0x439: {  	s4 =	simm.s32 $0xA0;
	v52 =	vor.u32 $0x3, v24;
	v24 =	vld [tilespmem:s21+$0x1F0];
	v31 =	vmul.f32 v31, v32  }
0x43a: {  	v42 =	vmov s4;
	v35 =	vmul.f32 v58, v2;
	v58 =	vld [tilespmem:s1+$0x10]  }
0x43b: {  	v45 =	vmul.f32 v60, v1;
	v60 =	vld [tilespmem:s1+$0x20];
	[tilespmem:s9+$0xFFFFFE90] =	vst v31  }
0x43c: {  	[tilespmem:s9+$0xFFFFFF20] =	vst v35;
	v44 =	vld [tilespmem:s21+$0xFFFFFED0]  }
0x43d: {  	s15 =	simm.s32 $0x1D480;
	v31 =	vmul.f32 v59, v30;
	v46 =	vld [tilespmem:s21+$0xFFFFFF50];
	[tilespmem:s9+$0x40] =	vst v45  }
0x43e: {  	v48 =	vmul.f32 v62, v29;
	[tilespmem:s15+$0xFFFFFF60] =	vst v55;
	v50 =	vld [tilespmem:s21+$0x50]  }
0x43f: {  	[tilespmem:s9+$0xFFFFFFB0] =	vst v31;
	v31 =	vmul.f32 v61, v56;
	v45 =	vld.idx.msk [tilespmem:v42+s2+$0x0], $0xffff  }
0x440: {  	v25 =	vor.u32 $0x3, v25;
	v47 =	vld [tilespmem:s21+$0xFFFFFFD0];
	[tilespmem:s9+$0x160] =	vst v48  }
0x441: {  	v28 =	vor.u32 $0x3, v28;
	[tilespmem:s9+$0xD0] =	vst v31;
	v31 =	vmul.f32 v63, v34;
	v35 =	vld [tilespmem:s21+$0x150]  }
0x442: {  	s16 =	simm.s32 $0x192C0;
	v51 =	vld [tilespmem:s21+$0xD0];
	v32 =	vmul.f32 v44, v32  }
0x443: {  	v26 =	vor.u32 $0x3, v26;
	v63 =	vld [tilespmem:s16+$0xFFFFFF00];
	[tilespmem:s9+$0xFFFFFE00] =	vst v31;
	v2 =	vmul.f32 v46, v2  }
0x444: {  	v53 =	vld [tilespmem:s21+$0xFFFFFE50];
	v1 =	vmul.f32 v50, v1;
	[tilespmem:s9+$0xFFFFFEA0] =	vst v32  }
0x445: {  	v27 =	vor.u32 $0x3, v27;
	v30 =	vmul.f32 v47, v30;
	[tilespmem:s9+$0xFFFFFF30] =	vst v2;
	v31 =	vld.idx.msk [tilespmem:v25+s2+$0x0], $0xffff  }
0x446: {  	v28 =	vld.idx.msk [tilespmem:v28+s2+$0x0], $0xffff;
	[tilespmem:s9+$0x50] =	vst v1;
	v1 =	vmul.f32 v35, v29  }
0x447: {  	v23 =	vor.u32 $0x3, v23;
	[tilespmem:s9+$0xFFFFFFC0] =	vst v30;
	v2 =	vmul.f32 v51, v56;
	v33 =	vld.idx.msk [tilespmem:v52+s2+$0x0], $0xffff  }
0x448: {  	v32 =	vld.idx.msk [tilespmem:v26+s2+$0x0], $0xffff;
	[tilespmem:s9+$0x170] =	vst v1  }
0x449: {  	v1 =	vor.u32 $0x3, v21;
	[tilespmem:s9+$0xE0] =	vst v2;
	v2 =	vld [tilespmem:s21+$0xFFFFFEE0]  }
0x44a: {  	v30 =	vld.idx.msk [tilespmem:v27+s2+$0x0], $0xffff  }
0x44b: {  	s12 =	simm.s32 $0xC0;
	v21 =	vmul.f32 v53, v34;
	v27 =	vld [tilespmem:s21+$0xFFFFFFE0]  }
0x44c: {  	v39 =	vmov s12;
	v29 =	vld.idx.msk [tilespmem:v23+s2+$0x0], $0xffff  }
0x44d: {  	v23 =	vld [tilespmem:s21+$0xFFFFFF60];
	[tilespmem:s9+$0xFFFFFE10] =	vst v21  }
0x44e: {  	[tilespmem:s15+$0x80] =	vst v57;
	v21 =	vld.idx.msk [tilespmem:v1+s2+$0x0], $0xffff;
	v1 =	vmul.f32 v2, v31  }
0x44f: {  	[tilespmem:s15+$0x1A0] =	vst v60;
	v54 =	vld [tilespmem:s21+$0x60]  }
0x450: {  	v60 =	vld [tilespmem:s16+$0x0];
	[tilespmem:s9+$0xFFFFFEB0] =	vst v1;
	v1 =	vmul.f32 v27, v32  }
0x451: {  	[tilespmem:s15+$0x110] =	vst v58;
	v47 =	vld.idx.msk [tilespmem:v39+s2+$0x0], $0xffff  }
0x452: {  	s28 =	simm.s32 $0xF0;
	v2 =	vmul.f32 v23, v28;
	[tilespmem:s9+$0xFFFFFFD0] =	vst v1;
	v1 =	vld [tilespmem:s1+$0x30]  }
0x453: {  	v44 =	vmov s28;
	v55 =	vmul.f32 v63, v45;
	v63 =	vld [tilespmem:s16+$0x80]  }
0x454: {  	v56 =	vld [tilespmem:s1+$0xFFFFFFF0];
	[tilespmem:s9+$0xFFFFFF40] =	vst v2;
	v2 =	vmul.f32 v54, v33  }
0x455: {  	s8 =	simm.s32 $0xB0;
	v25 =	vld [tilespmem:s21+$0x160]  }
0x456: {  	v43 =	vmov s8;
	v53 =	vld [tilespmem:s16+$0x100];
	[tilespmem:s9+$0x60] =	vst v2  }
0x457: {  	v2 =	vld [tilespmem:s1+$0xFFFFFFD0];
	[tilespmem:s15+$0x230] =	vst v1  }
0x458: {  	v1 =	vld.idx.msk [tilespmem:v44+s2+$0x0], $0xffff  }
0x459: {  	v59 =	vld [tilespmem:s16+$0x180]  }
0x45a: {  	s29 =	simm.s32 $0x90;
	v26 =	vld [tilespmem:s21+$0xE0];
	[tilespmem:s15+$0xFFFFFFF0] =	vst v56  }
0x45b: {  	v41 =	vmov s29;
	v46 =	vld.idx.msk [tilespmem:v43+s2+$0x0], $0xffff  }
0x45c: {  	s29 =	simm.s32 $0x80;
	[tilespmem:s15+$0xFFFFFED0] =	vst v2;
	v2 =	vld [tilespmem:s1+$0xFFFFFFC0]  }
0x45d: {  	v38 =	vmov s29;
	v23 =	vld [tilespmem:s21+$0xFFFFFE60]  }
0x45e: {  	v37 =	vld [tilespmem:s21+$0xFFFFFEF0];
	v48 =	vmul.f32 v59, v1  }
0x45f: {  	s13 =	simm.s32 $0xD0;
	v35 =	vld [tilespmem:s21+$0xFFFFFF70]  }
0x460: {  	s28 =	simm.s32 $0xE0;
	v27 =	vmov s13;
	v50 =	vld.idx.msk [tilespmem:v41+s2+$0x0], $0xffff;
	[tilespmem:s15+$0x1B0] =	vst v48  }
0x461: {  	v40 =	vmov s28;
	[tilespmem:s15+$0xFFFFFE40] =	vst v2;
	v48 =	vld [tilespmem:s16+$0x190]  }
0x462: {  	v49 =	vld.idx.msk [tilespmem:v38+s2+$0x0], $0xffff  }
0x463: {  	v52 =	vld [tilespmem:s16+$0xFFFFFE00]  }
0x464: {  	v61 =	vor.u32 $0x1, v44;
	v62 =	vld [tilespmem:s16+$0xFFFFFE80]  }
0x465: {  	v51 =	vld.idx.msk [tilespmem:v27+s2+$0x0], $0xffff  }
0x466: {  	v2 =	vld.idx.msk [tilespmem:v40+s2+$0x0], $0xffff;
	v1 =	vmul.f32 v48, v1  }
0x467: {  	v48 =	vld [tilespmem:s16+$0xFFFFFF80]  }
0x468: {  	v36 =	vld [tilespmem:s21+$0xFFFFFFF0];
	v52 =	vmul.f32 v52, v49;
	[tilespmem:s15+$0x1C0] =	vst v1  }
0x469: {  	[tilespmem:s15+$0xFFFFFEE0] =	vst v55;
	v1 =	vld.idx.msk [tilespmem:v61+s2+$0x0], $0xffff;
	v61 =	vmul.f32 v62, v50  }
0x46a: {  	v57 =	vmul.f32 v63, v51;
	[tilespmem:s15+$0xFFFFFDC0] =	vst v52;
	v62 =	vld [tilespmem:s16+$0x1A0]  }
0x46b: {  	v53 =	vmul.f32 v53, v2;
	[tilespmem:s15+$0xFFFFFE50] =	vst v61;
	v61 =	vld [tilespmem:s16+$0xFFFFFF10]  }
0x46c: {  	[tilespmem:s15+$0x90] =	vst v57;
	v63 =	vld [tilespmem:s16+$0xFFFFFE10];
	v48 =	vmul.f32 v48, v46  }
0x46d: {  	v60 =	vmul.f32 v60, v47;
	[tilespmem:s15+$0x120] =	vst v53;
	v58 =	vld [tilespmem:s16+$0xFFFFFE90]  }
0x46e: {  	v59 =	vor.u32 $0x1, v42;
	v53 =	vld [tilespmem:s16+$0x90];
	[tilespmem:s15+$0xFFFFFF70] =	vst v48  }
0x46f: {  	[tilespmem:s15+$0x0] =	vst v60;
	v60 =	vor.u32 $0x1, v38;
	v48 =	vld [tilespmem:s16+$0xFFFFFF90];
	v54 =	vmul.f32 v62, v1  }
0x470: {  	v62 =	vld [tilespmem:s16+$0x10];
	v45 =	vmul.f32 v61, v45  }
0x471: {  	v55 =	vor.u32 $0x1, v41;
	v49 =	vmul.f32 v63, v49;
	[tilespmem:s15+$0x1D0] =	vst v54;
	v61 =	vld [tilespmem:s16+$0x110]  }
0x472: {  	v50 =	vmul.f32 v58, v50;
	v57 =	vld [tilespmem:s16+$0x1B0];
	[tilespmem:s15+$0xFFFFFEF0] =	vst v45  }
0x473: {  	[tilespmem:s15+$0xFFFFFDD0] =	vst v49;
	v58 =	vor.u32 $0x1, v43;
	v54 =	vld.idx.msk [tilespmem:v59+s2+$0x0], $0xffff  }
0x474: {  	v56 =	vor.u32 $0x1, v39;
	[tilespmem:s15+$0xFFFFFE60] =	vst v50;
	v46 =	vmul.f32 v48, v46;
	v50 =	vld.idx.msk [tilespmem:v60+s2+$0x0], $0xffff  }
0x475: {  	v47 =	vmul.f32 v62, v47;
	v60 =	vld [tilespmem:s16+$0xFFFFFF20]  }
0x476: {  	v62 =	vor.u32 $0x2, v44;
	v45 =	vld.idx.msk [tilespmem:v55+s2+$0x0], $0xffff;
	[tilespmem:s15+$0xFFFFFF80] =	vst v46  }
0x477: {  	[tilespmem:s15+$0x10] =	vst v47;
	v47 =	vld [tilespmem:s16+$0xFFFFFEA0]  }
0x478: {  	v55 =	vld.idx.msk [tilespmem:v58+s2+$0x0], $0xffff;
	v1 =	vmul.f32 v57, v1  }
0x479: {  	v63 =	vor.u32 $0x1, v27;
	v49 =	vld.idx.msk [tilespmem:v56+s2+$0x0], $0xffff  }
0x47a: {  	[tilespmem:s15+$0x1E0] =	vst v1;
	v1 =	vmul.f32 v61, v2;
	v61 =	vld [tilespmem:s16+$0xFFFFFFA0]  }
0x47b: {  	v51 =	vmul.f32 v53, v51;
	v58 =	vor.u32 $0x1, v40;
	v2 =	vld.idx.msk [tilespmem:v62+s2+$0x0], $0xffff  }
0x47c: {  	v59 =	vld [tilespmem:s16+$0x1C0]  }
0x47d: {  	[tilespmem:s15+$0xA0] =	vst v51;
	v62 =	vld [tilespmem:s16+$0x20]  }
0x47e: {  	[tilespmem:s15+$0x130] =	vst v1;
	v1 =	vld.idx.msk [tilespmem:v63+s2+$0x0], $0xffff  }
0x47f: {  	v63 =	vld [tilespmem:s16+$0xA0]  }
0x480: {  	v47 =	vmul.f32 v47, v45;
	v46 =	vld.idx.msk [tilespmem:v58+s2+$0x0], $0xffff  }
0x481: {  	v51 =	vmul.f32 v60, v54;
	v57 =	vld [tilespmem:s16+$0x120]  }
0x482: {  	v58 =	vld [tilespmem:s16+$0xFFFFFE20];
	[tilespmem:s15+$0xFFFFFE70] =	vst v47;
	v60 =	vmul.f32 v61, v55  }
0x483: {  	[tilespmem:s15+$0xFFFFFF00] =	vst v51;
	v52 =	vld [tilespmem:s16+$0xFFFFFEB0];
	v48 =	vmul.f32 v59, v2  }
0x484: {  	v53 =	vld [tilespmem:s16+$0xFFFFFF30];
	v61 =	vmul.f32 v62, v49;
	[tilespmem:s15+$0xFFFFFF90] =	vst v60  }
0x485: {  	v62 =	vmul.f32 v63, v1;
	[tilespmem:s15+$0x1F0] =	vst v48;
	v63 =	vld [tilespmem:s16+$0xFFFFFFB0]  }
0x486: {  	v34 =	vld [tilespmem:s21+$0x70];
	v47 =	vor.u32 $0x2, v41;
	[tilespmem:s15+$0x20] =	vst v61;
	v60 =	vmul.f32 v57, v46  }
0x487: {  	v58 =	vmul.f32 v58, v50;
	v48 =	vld [tilespmem:s16+$0x1D0];
	[tilespmem:s15+$0xB0] =	vst v62  }
0x488: {  	v61 =	vld [tilespmem:s16+$0xB0];
	v45 =	vmul.f32 v52, v45;
	v52 =	vor.u32 $0x2, v43;
	[tilespmem:s15+$0x140] =	vst v60  }
0x489: {  	v53 =	vmul.f32 v53, v54;
	[tilespmem:s15+$0xFFFFFDE0] =	vst v58;
	v54 =	vld [tilespmem:s16+$0x130]  }
0x48a: {  	v44 =	vor.u32 $0x3, v44;
	[tilespmem:s15+$0xFFFFFE80] =	vst v45;
	v55 =	vmul.f32 v63, v55;
	v63 =	vld [tilespmem:s16+$0xFFFFFE30]  }
0x48b: {  	v47 =	vld.idx.msk [tilespmem:v47+s2+$0x0], $0xffff  }
0x48c: {  	v62 =	vor.u32 $0x2, v27;
	v2 =	vmul.f32 v48, v2;
	v48 =	vld [tilespmem:s16+$0x30];
	[tilespmem:s15+$0xFFFFFFA0] =	vst v55  }
0x48d: {  	v52 =	vld.idx.msk [tilespmem:v52+s2+$0x0], $0xffff  }
0x48e: {  	v1 =	vmul.f32 v61, v1;
	[tilespmem:s15+$0x200] =	vst v2;
	v57 =	vld [tilespmem:s16+$0xFFFFFFC0]  }
0x48f: {  	v60 =	vor.u32 $0x2, v40;
	v44 =	vld.idx.msk [tilespmem:v44+s2+$0x0], $0xffff  }
0x490: {  	v51 =	vld [tilespmem:s16+$0x1E0];
	[tilespmem:s15+$0xC0] =	vst v1  }
0x491: {  	v46 =	vmul.f32 v54, v46;
	v45 =	vld.idx.msk [tilespmem:v62+s2+$0x0], $0xffff  }
0x492: {  	[tilespmem:s15+$0xFFFFFF10] =	vst v53;
	v2 =	vor.u32 $0x2, v42;
	v62 =	vld [tilespmem:s16+$0xFFFFFEC0]  }
0x493: {  	v26 =	vmul.f32 v26, v29;
	v58 =	vor.u32 $0x2, v39;
	v50 =	vmul.f32 v63, v50;
	[tilespmem:s15+$0x150] =	vst v46;
	v63 =	vld [tilespmem:s16+$0xFFFFFF40]  }
0x494: {  	v48 =	vmul.f32 v48, v49;
	v49 =	vld.idx.msk [tilespmem:v60+s2+$0x0], $0xffff  }
0x495: {  	[tilespmem:s9+$0xF0] =	vst v26;
	v61 =	vor.u32 $0x2, v38;
	v59 =	vld [tilespmem:s16+$0x140]  }
0x496: {  	v60 =	vld [tilespmem:s21+$0xF0]  }
0x497: {  	v2 =	vld.idx.msk [tilespmem:v2+s2+$0x0], $0xffff;
	[tilespmem:s15+$0x30] =	vst v48  }
0x498: {  	v22 =	vmul.f32 v24, v22;
	v1 =	vld.idx.msk [tilespmem:v58+s2+$0x0], $0xffff  }
0x499: {  	v25 =	vmul.f32 v25, v30;
	[tilespmem:s15+$0xFFFFFDF0] =	vst v50;
	v24 =	vld [tilespmem:s16+$0x40]  }
0x49a: {  	[tilespmem:s9+$0x220] =	vst v22;
	v48 =	vld.idx.msk [tilespmem:v61+s2+$0x0], $0xffff;
	v51 =	vmul.f32 v51, v44  }
0x49b: {  	[tilespmem:s9+$0x180] =	vst v25;
	v26 =	vld [tilespmem:s16+$0xFFFFFE40];
	v22 =	vmul.f32 v62, v47  }
0x49c: {  	v58 =	vld [tilespmem:s16+$0xC0];
	[tilespmem:s15+$0x210] =	vst v51;
	v51 =	vmul.f32 v63, v2  }
0x49d: {  	v46 =	vld [tilespmem:s16+$0x1F0];
	[tilespmem:s15+$0xFFFFFE90] =	vst v22;
	v22 =	vmul.f32 v57, v52  }
0x49e: {  	v61 =	vld [tilespmem:s16+$0xFFFFFED0];
	v24 =	vmul.f32 v24, v1;
	[tilespmem:s15+$0xFFFFFF20] =	vst v51  }
0x49f: {  	v31 =	vmul.f32 v37, v31;
	[tilespmem:s15+$0xFFFFFFB0] =	vst v22;
	v22 =	vld [tilespmem:s16+$0xFFFFFF50]  }
0x4a0: {  	v50 =	vmul.f32 v59, v49;
	[tilespmem:s15+$0x40] =	vst v24;
	v24 =	vld [tilespmem:s16+$0xFFFFFFD0]  }
0x4a1: {  	[tilespmem:s9+$0xFFFFFEC0] =	vst v31;
	v41 =	vor.u32 $0x3, v41;
	v54 =	vmul.f32 v58, v45;
	v62 =	vld [tilespmem:s16+$0x50]  }
0x4a2: {  	v57 =	vld [tilespmem:s21+$0x170];
	v26 =	vmul.f32 v26, v48;
	[tilespmem:s15+$0x160] =	vst v50  }
0x4a3: {  	v42 =	vor.u32 $0x3, v42;
	v55 =	vld [tilespmem:s16+$0x150];
	[tilespmem:s15+$0xD0] =	vst v54;
	v51 =	vmul.f32 v61, v47  }
0x4a4: {  	[tilespmem:s15+$0xFFFFFE00] =	vst v26;
	v26 =	vor.u32 $0x3, v43;
	v63 =	vld [tilespmem:s16+$0xD0];
	v2 =	vmul.f32 v22, v2  }
0x4a5: {  	[tilespmem:s15+$0xFFFFFEA0] =	vst v51;
	v22 =	vld [tilespmem:s16+$0xFFFFFE50];
	v25 =	vmul.f32 v24, v52  }
0x4a6: {  	v39 =	vor.u32 $0x3, v39;
	v24 =	vld.idx.msk [tilespmem:v41+s2+$0x0], $0xffff;
	v1 =	vmul.f32 v62, v1;
	[tilespmem:s15+$0xFFFFFF30] =	vst v2  }
0x4a7: {  	v31 =	vld [tilespmem:s16+$0xFFFFFEE0];
	[tilespmem:s15+$0xFFFFFFC0] =	vst v25  }
0x4a8: {  	v2 =	vor.u32 $0x3, v40;
	v25 =	vld.idx.msk [tilespmem:v42+s2+$0x0], $0xffff;
	[tilespmem:s15+$0x50] =	vst v1;
	v1 =	vmul.f32 v55, v49  }
0x4a9: {  	v56 =	vor.u32 $0x3, v27;
	v27 =	vmul.f32 v63, v45;
	v26 =	vld.idx.msk [tilespmem:v26+s2+$0x0], $0xffff  }
0x4aa: {  	v59 =	vld [tilespmem:s16+$0xFFFFFFE0];
	[tilespmem:s15+$0x170] =	vst v1;
	v1 =	vmul.f32 v23, v21  }
0x4ab: {  	[tilespmem:s15+$0xE0] =	vst v27;
	v27 =	vld.idx.msk [tilespmem:v39+s2+$0x0], $0xffff;
	v22 =	vmul.f32 v22, v48  }
0x4ac: {  	v29 =	vmul.f32 v60, v29;
	v60 =	vld [tilespmem:s16+$0x60];
	[tilespmem:s9+$0xFFFFFE20] =	vst v1;
	v1 =	vmul.f32 v35, v28  }
0x4ad: {  	v38 =	vor.u32 $0x3, v38;
	[tilespmem:s15+$0xFFFFFE10] =	vst v22;
	v22 =	vld.idx.msk [tilespmem:v2+s2+$0x0], $0xffff;
	v2 =	vmul.f32 v36, v32  }
0x4ae: {  	[tilespmem:s9+$0xFFFFFF50] =	vst v1;
	v1 =	vld [tilespmem:s16+$0xFFFFFF60]  }
0x4af: {  	v61 =	vld [tilespmem:s16+$0xE0];
	[tilespmem:s9+$0xFFFFFFE0] =	vst v2;
	v2 =	vmul.f32 v46, v44  }
0x4b0: {  	[tilespmem:s9+$0x100] =	vst v29;
	v23 =	vld.idx.msk [tilespmem:v56+s2+$0x0], $0xffff;
	v29 =	vmul.f32 v31, v24  }
0x4b1: {  	v62 =	vld [tilespmem:s16+$0x160];
	[tilespmem:s15+$0x220] =	vst v2;
	v2 =	vmul.f32 v57, v30  }
0x4b2: {  	[tilespmem:s15+$0xFFFFFEB0] =	vst v29;
	v28 =	vld.idx.msk [tilespmem:v38+s2+$0x0], $0xffff;
	v30 =	vmul.f32 v59, v26  }
0x4b3: {  	[tilespmem:s9+$0x190] =	vst v2;
	v2 =	vld [tilespmem:s16+$0xFFFFFE60];
	v1 =	vmul.f32 v1, v25  }
0x4b4: {  	v58 =	vmul.f32 v34, v33;
	v33 =	vld [tilespmem:s21+$0xFFFFFE70];
	[tilespmem:s15+$0xFFFFFFD0] =	vst v30  }
0x4b5: {  	v29 =	vld [tilespmem:s16+$0xFFFFFEF0];
	[tilespmem:s15+$0xFFFFFF40] =	vst v1;
	v1 =	vmul.f32 v60, v27  }
0x4b6: {  	[tilespmem:s9+$0x70] =	vst v58;
	v63 =	vmul.f32 v61, v23;
	v31 =	vld [tilespmem:s16+$0xFFFFFFF0]  }
0x4b7: {  	s12 =	simm.s32 $0x1CA00;
	v35 =	vmul.f32 v62, v22;
	v30 =	vld [tilespmem:s16+$0xFFFFFF70];
	[tilespmem:s15+$0x60] =	vst v1  }
0x4b8: {  	s13 =	simm.s32 $0x18;
	s1 =	simm.s32 $0x100;
	s21 =	simm.s32 $0x192C0;
	[tilespmem:s15+$0xF0] =	vst v63;
	v34 =	vmul.f32 v2, v28;
	v32 =	vld [tilespmem:s16+$0x70]  }
.LBB2_5:
0x4b9: {  	p0 =	slt.u32 s13, $0x48;
	v1 =	vmov s1;
	s3 =	sadd.s32 $0x10, s1;
	v2 =	vld [tilespmem:s12+$0x30];
	s4 =	sadd.s32 $0x70, s1;
	[tilespmem:s15+$0x180] =	vst v35;
	v33 =	vmul.f32 v33, v21;
	v21 =	vmov v28  }
0x4ba: {  	s28 =	sadd.s32 $0x30, s1;
	s29 =	sadd.s32 $0x40, s1;
	v47 =	vor.u32 $0x1, v1;
	v28 =	vld [tilespmem:s12+$0xFFFFFFD0];
	v54 =	vmov s3;
	s3 =	sadd.s32 $0x20, s1;
	v46 =	vmov s4;
	[tilespmem:s15+$0xFFFFFE20] =	vst v34  }
0x4bb: {  	v56 =	vmov s28;
	v57 =	vmov s29;
	v34 =	vld [tilespmem:s12+$0xFFFFFFE0];
	v55 =	vmov s3;
	s3 =	sadd.s32 $0x50, s1;
	s1 =	sadd.s32 $0x60, s1  }
0x4bc: {  	v52 =	vor.u32 $0x1, v54;
	v35 =	vld [tilespmem:s12+$0xFFFFFFF0];
	v58 =	vmov s3;
	v59 =	vmov s1;
	[tilespmem:s9+$0xFFFFFE30] =	vst v33;
	s9 =	smov.u32 s15  }
0x4bd: {  	v51 =	vor.u32 $0x1, v56;
	v50 =	vor.u32 $0x1, v57;
	v53 =	vor.u32 $0x1, v55;
	s15 =	sadd.s32 $0x480, s15;
	v33 =	vld [tilespmem:s12+$0x0]  }
0x4be: {  	v42 =	vor.u32 $0x2, v54;
	v49 =	vor.u32 $0x1, v58;
	v48 =	vor.u32 $0x1, v59;
	v60 =	vld [tilespmem:s12+$0x10];
	[tilespmem:s15+$0x230] =	vst v2  }
0x4bf: {  	s16 =	sadd.s32 $0x400, s16;
	v44 =	vor.u32 $0x2, v56;
	v41 =	vor.u32 $0x2, v57;
	v45 =	vor.u32 $0x2, v55;
	[tilespmem:s15+$0xFFFFFED0] =	vst v28;
	v2 =	vld.idx.msk [tilespmem:v46+s2+$0x0], $0xffff  }
0x4c0: {  	v39 =	vor.u32 $0x2, v1;
	v43 =	vor.u32 $0x2, v58;
	v40 =	vor.u32 $0x2, v59;
	[tilespmem:s15+$0xFFFFFF60] =	vst v34;
	v61 =	vld [tilespmem:s16+$0x180]  }
0x4c1: {  	v38 =	vor.u32 $0x3, v54;
	v37 =	vor.u32 $0x3, v55;
	[tilespmem:s15+$0xFFFFFFF0] =	vst v35;
	v35 =	vor.u32 $0x3, v56;
	v62 =	vld [tilespmem:s12+$0x20]  }
0x4c2: {  	v36 =	vor.u32 $0x3, v57;
	v34 =	vor.u32 $0x3, v58;
	v63 =	vld [tilespmem:s12+$0xFFFFFFC0];
	[tilespmem:s15+$0x80] =	vst v33;
	v33 =	vor.u32 $0x3, v59  }
0x4c3: {  	v24 =	vmul.f32 v29, v24;
	v25 =	vmul.f32 v30, v25;
	v28 =	vor.u32 $0x3, v1;
	v54 =	vld.idx.msk [tilespmem:v54+s2+$0x0], $0xffff;
	[tilespmem:s15+$0x110] =	vst v60  }
0x4c4: {  	v26 =	vmul.f32 v31, v26;
	v27 =	vmul.f32 v32, v27;
	v29 =	vld.idx.msk [tilespmem:v55+s2+$0x0], $0xffff  }
0x4c5: {  	v30 =	vld.idx.msk [tilespmem:v56+s2+$0x0], $0xffff;
	v31 =	vmul.f32 v61, v2;
	[tilespmem:s9+$0xFFFFFEC0] =	vst v24  }
0x4c6: {  	v24 =	vld.idx.msk [tilespmem:v57+s2+$0x0], $0xffff;
	[tilespmem:s15+$0x1A0] =	vst v62  }
0x4c7: {  	v32 =	vld.idx.msk [tilespmem:v58+s2+$0x0], $0xffff;
	[tilespmem:s15+$0x1B0] =	vst v31  }
0x4c8: {  	[tilespmem:s15+$0xFFFFFE40] =	vst v63;
	v31 =	vld [tilespmem:s16+$0x190]  }
0x4c9: {  	v55 =	vld.idx.msk [tilespmem:v59+s2+$0x0], $0xffff;
	[tilespmem:s9+$0xFFFFFF50] =	vst v25  }
0x4ca: {  	v1 =	vld.idx.msk [tilespmem:v1+s2+$0x0], $0xffff;
	[tilespmem:s9+$0xFFFFFFE0] =	vst v26  }
0x4cb: {  	v26 =	vor.u32 $0x1, v46;
	v25 =	vld [tilespmem:s16+$0xFFFFFE00];
	[tilespmem:s9+$0x70] =	vst v27  }
0x4cc: {  	v27 =	vld [tilespmem:s16+$0xFFFFFE80]  }
0x4cd: {  	v56 =	vld [tilespmem:s16+$0xFFFFFF00];
	v2 =	vmul.f32 v31, v2  }
0x4ce: {  	v31 =	vld [tilespmem:s16+$0xFFFFFF80]  }
0x4cf: {  	v57 =	vld [tilespmem:s16+$0x0];
	[tilespmem:s15+$0x1C0] =	vst v2  }
0x4d0: {  	v2 =	vmul.f32 v25, v1;
	v25 =	vld.idx.msk [tilespmem:v26+s2+$0x0], $0xffff  }
0x4d1: {  	v26 =	vmul.f32 v27, v54;
	v27 =	vld [tilespmem:s16+$0x1A0]  }
0x4d2: {  	[tilespmem:s15+$0xFFFFFDC0] =	vst v2;
	v2 =	vmul.f32 v56, v29;
	v56 =	vld [tilespmem:s16+$0x80]  }
0x4d3: {  	[tilespmem:s15+$0xFFFFFE50] =	vst v26;
	v26 =	vmul.f32 v31, v30;
	v31 =	vld [tilespmem:s16+$0x100]  }
0x4d4: {  	v58 =	vld [tilespmem:s16+$0xFFFFFE90];
	[tilespmem:s15+$0xFFFFFEE0] =	vst v2;
	v2 =	vmul.f32 v57, v24  }
0x4d5: {  	v57 =	vld [tilespmem:s16+$0xFFFFFF10];
	[tilespmem:s15+$0xFFFFFF70] =	vst v26  }
0x4d6: {  	v26 =	vld [tilespmem:s16+$0xFFFFFF90];
	[tilespmem:s15+$0x0] =	vst v2;
	v2 =	vmul.f32 v27, v25  }
0x4d7: {  	v27 =	vld [tilespmem:s16+$0x10];
	v56 =	vmul.f32 v56, v32  }
0x4d8: {  	v59 =	vld [tilespmem:s16+$0xFFFFFE10];
	v31 =	vmul.f32 v31, v55;
	[tilespmem:s15+$0x1D0] =	vst v2  }
0x4d9: {  	v2 =	vmul.f32 v58, v54;
	[tilespmem:s15+$0x90] =	vst v56;
	v54 =	vld [tilespmem:s16+$0x1B0]  }
0x4da: {  	v29 =	vmul.f32 v57, v29;
	v56 =	vld [tilespmem:s16+$0x90];
	[tilespmem:s15+$0x120] =	vst v31  }
0x4db: {  	[tilespmem:s15+$0xFFFFFE60] =	vst v2;
	v2 =	vmul.f32 v26, v30;
	v26 =	vld [tilespmem:s16+$0x110]  }
0x4dc: {  	v30 =	vld.idx.msk [tilespmem:v52+s2+$0x0], $0xffff;
	[tilespmem:s15+$0xFFFFFEF0] =	vst v29;
	v24 =	vmul.f32 v27, v24;
	v27 =	vor.u32 $0x2, v46  }
0x4dd: {  	v1 =	vmul.f32 v59, v1;
	v29 =	vld.idx.msk [tilespmem:v53+s2+$0x0], $0xffff;
	[tilespmem:s15+$0xFFFFFF80] =	vst v2  }
0x4de: {  	v2 =	vld.idx.msk [tilespmem:v51+s2+$0x0], $0xffff;
	[tilespmem:s15+$0x10] =	vst v24;
	v24 =	vmul.f32 v54, v25  }
0x4df: {  	[tilespmem:s15+$0xFFFFFDD0] =	vst v1;
	v1 =	vld.idx.msk [tilespmem:v50+s2+$0x0], $0xffff;
	v25 =	vmul.f32 v56, v32  }
0x4e0: {  	v31 =	vld.idx.msk [tilespmem:v47+s2+$0x0], $0xffff;
	v26 =	vmul.f32 v26, v55;
	[tilespmem:s15+$0x1E0] =	vst v24  }
0x4e1: {  	[tilespmem:s15+$0xA0] =	vst v25;
	v24 =	vld.idx.msk [tilespmem:v27+s2+$0x0], $0xffff  }
0x4e2: {  	[tilespmem:s15+$0x130] =	vst v26;
	v25 =	vld [tilespmem:s16+$0x1C0]  }
0x4e3: {  	v26 =	vld.idx.msk [tilespmem:v49+s2+$0x0], $0xffff  }
0x4e4: {  	v27 =	vld.idx.msk [tilespmem:v48+s2+$0x0], $0xffff  }
0x4e5: {  	v32 =	vld [tilespmem:s16+$0xFFFFFEA0]  }
0x4e6: {  	v47 =	vld [tilespmem:s16+$0xFFFFFF20]  }
0x4e7: {  	v48 =	vld [tilespmem:s16+$0xFFFFFFA0];
	v25 =	vmul.f32 v25, v24  }
0x4e8: {  	v49 =	vld [tilespmem:s16+$0x20]  }
0x4e9: {  	v50 =	vld [tilespmem:s16+$0xA0];
	[tilespmem:s15+$0x1F0] =	vst v25  }
0x4ea: {  	v25 =	vmul.f32 v32, v30;
	v32 =	vld [tilespmem:s16+$0x1D0]  }
0x4eb: {  	v47 =	vmul.f32 v47, v29;
	v51 =	vld [tilespmem:s16+$0x120]  }
0x4ec: {  	v52 =	vld [tilespmem:s16+$0xFFFFFE20];
	[tilespmem:s15+$0xFFFFFE70] =	vst v25;
	v25 =	vmul.f32 v48, v2  }
0x4ed: {  	v46 =	vor.u32 $0x3, v46;
	v48 =	vld [tilespmem:s16+$0xFFFFFEB0];
	[tilespmem:s15+$0xFFFFFF00] =	vst v47;
	v47 =	vmul.f32 v49, v1  }
0x4ee: {  	v49 =	vld [tilespmem:s16+$0xFFFFFF30];
	[tilespmem:s15+$0xFFFFFF90] =	vst v25;
	v25 =	vmul.f32 v50, v26  }
0x4ef: {  	v50 =	vld [tilespmem:s16+$0xFFFFFFB0];
	[tilespmem:s15+$0x20] =	vst v47;
	v24 =	vmul.f32 v32, v24  }
0x4f0: {  	v32 =	vld [tilespmem:s16+$0x30];
	[tilespmem:s15+$0xB0] =	vst v25;
	v25 =	vmul.f32 v51, v27  }
0x4f1: {  	v47 =	vmul.f32 v52, v31;
	v51 =	vld [tilespmem:s16+$0xB0];
	[tilespmem:s15+$0x200] =	vst v24  }
0x4f2: {  	v24 =	vmul.f32 v48, v30;
	[tilespmem:s15+$0x140] =	vst v25;
	v25 =	vld.idx.msk [tilespmem:v46+s2+$0x0], $0xffff  }
0x4f3: {  	[tilespmem:s15+$0xFFFFFDE0] =	vst v47;
	v29 =	vmul.f32 v49, v29;
	v30 =	vld [tilespmem:s16+$0x1E0]  }
0x4f4: {  	[tilespmem:s15+$0xFFFFFE80] =	vst v24;
	v2 =	vmul.f32 v50, v2;
	v24 =	vld [tilespmem:s16+$0x130]  }
0x4f5: {  	v46 =	vld [tilespmem:s16+$0xFFFFFE30];
	[tilespmem:s15+$0xFFFFFF10] =	vst v29;
	v1 =	vmul.f32 v32, v1  }
0x4f6: {  	v29 =	vld.idx.msk [tilespmem:v42+s2+$0x0], $0xffff;
	[tilespmem:s15+$0xFFFFFFA0] =	vst v2;
	v2 =	vmul.f32 v51, v26  }
0x4f7: {  	v26 =	vld.idx.msk [tilespmem:v45+s2+$0x0], $0xffff;
	[tilespmem:s15+$0x30] =	vst v1  }
0x4f8: {  	v1 =	vld.idx.msk [tilespmem:v44+s2+$0x0], $0xffff;
	[tilespmem:s15+$0xC0] =	vst v2;
	v2 =	vmul.f32 v30, v25  }
0x4f9: {  	v30 =	vld.idx.msk [tilespmem:v41+s2+$0x0], $0xffff;
	v24 =	vmul.f32 v24, v27  }
0x4fa: {  	v27 =	vmul.f32 v46, v31;
	v31 =	vld.idx.msk [tilespmem:v43+s2+$0x0], $0xffff;
	[tilespmem:s15+$0x210] =	vst v2  }
0x4fb: {  	[tilespmem:s15+$0x150] =	vst v24;
	v2 =	vld [tilespmem:s16+$0x1F0]  }
0x4fc: {  	[tilespmem:s15+$0xFFFFFDF0] =	vst v27;
	v27 =	vld.idx.msk [tilespmem:v40+s2+$0x0], $0xffff  }
0x4fd: {  	v32 =	vld.idx.msk [tilespmem:v39+s2+$0x0], $0xffff  }
0x4fe: {  	v24 =	vld [tilespmem:s16+$0xFFFFFEC0]  }
0x4ff: {  	v39 =	vld [tilespmem:s16+$0xFFFFFF40]  }
0x500: {  	v40 =	vld [tilespmem:s16+$0xFFFFFFC0];
	v2 =	vmul.f32 v2, v25  }
0x501: {  	v25 =	vld [tilespmem:s16+$0x40]  }
0x502: {  	v41 =	vld [tilespmem:s16+$0xC0];
	[tilespmem:s15+$0x220] =	vst v2  }
0x503: {  	v2 =	vmul.f32 v24, v29;
	v24 =	vld [tilespmem:s16+$0x140]  }
0x504: {  	v42 =	vld [tilespmem:s16+$0xFFFFFE40];
	v39 =	vmul.f32 v39, v26  }
0x505: {  	[tilespmem:s15+$0xFFFFFE90] =	vst v2;
	v2 =	vmul.f32 v40, v1;
	v40 =	vld [tilespmem:s21+$0xF0]  }
0x506: {  	v43 =	vld [tilespmem:s16+$0xFFFFFED0];
	[tilespmem:s15+$0xFFFFFF20] =	vst v39;
	v25 =	vmul.f32 v25, v30  }
0x507: {  	v39 =	vld [tilespmem:s16+$0xFFFFFF50];
	[tilespmem:s15+$0xFFFFFFB0] =	vst v2;
	v2 =	vmul.f32 v41, v31  }
0x508: {  	v41 =	vld [tilespmem:s16+$0xFFFFFFD0];
	[tilespmem:s15+$0x40] =	vst v25;
	v24 =	vmul.f32 v24, v27  }
0x509: {  	v25 =	vmul.f32 v42, v32;
	v42 =	vld [tilespmem:s16+$0x50];
	[tilespmem:s15+$0xD0] =	vst v2  }
0x50a: {  	v2 =	vld [tilespmem:s16+$0xD0];
	[tilespmem:s15+$0x160] =	vst v24;
	v23 =	vmul.f32 v40, v23  }
0x50b: {  	[tilespmem:s15+$0xFFFFFE00] =	vst v25;
	v24 =	vmul.f32 v43, v29;
	v29 =	vld [tilespmem:s16+$0x150]  }
0x50c: {  	v40 =	vld [tilespmem:s16+$0xFFFFFE50];
	v25 =	vmul.f32 v39, v26;
	[tilespmem:s9+$0x100] =	vst v23  }
0x50d: {  	[tilespmem:s15+$0xFFFFFEA0] =	vst v24;
	v1 =	vmul.f32 v41, v1;
	v39 =	vld [tilespmem:s21+$0x170]  }
0x50e: {  	v24 =	vld.idx.msk [tilespmem:v38+s2+$0x0], $0xffff;
	[tilespmem:s15+$0xFFFFFF30] =	vst v25;
	v23 =	vmul.f32 v42, v30  }
0x50f: {  	v25 =	vld.idx.msk [tilespmem:v37+s2+$0x0], $0xffff;
	[tilespmem:s15+$0xFFFFFFC0] =	vst v1;
	v1 =	vmul.f32 v2, v31  }
0x510: {  	v26 =	vld.idx.msk [tilespmem:v35+s2+$0x0], $0xffff;
	[tilespmem:s15+$0x50] =	vst v23;
	v2 =	vmul.f32 v29, v27  }
0x511: {  	v29 =	vmul.f32 v40, v32;
	v27 =	vld.idx.msk [tilespmem:v36+s2+$0x0], $0xffff;
	[tilespmem:s15+$0xE0] =	vst v1  }
0x512: {  	v23 =	vld.idx.msk [tilespmem:v34+s2+$0x0], $0xffff;
	[tilespmem:s15+$0x170] =	vst v2;
	v1 =	vmul.f32 v39, v22  }
0x513: {  	[tilespmem:s15+$0xFFFFFE10] =	vst v29;
	v22 =	vld.idx.msk [tilespmem:v33+s2+$0x0], $0xffff  }
0x514: {  	v28 =	vld.idx.msk [tilespmem:v28+s2+$0x0], $0xffff;
	[tilespmem:s9+$0x190] =	vst v1  }
0x515: {  	v1 =	vld [tilespmem:s16+$0xFFFFFEE0]  }
0x516: {  	v2 =	vld [tilespmem:s16+$0xFFFFFF60]  }
0x517: {  	v29 =	vld [tilespmem:s16+$0xFFFFFFE0]  }
0x518: {  	v30 =	vld [tilespmem:s16+$0x60]  }
0x519: {  	v31 =	vld [tilespmem:s16+$0xE0]  }
0x51a: {  	v1 =	vmul.f32 v1, v24;
	v32 =	vld [tilespmem:s16+$0x160]  }
0x51b: {  	v34 =	vld [tilespmem:s16+$0xFFFFFE60];
	v2 =	vmul.f32 v2, v25  }
.Ltmp1:
0x51c: {  	[tilespmem:s15+$0xFFFFFEB0] =	vst v1;
	v1 =	vmul.f32 v29, v26;
	v33 =	vld [tilespmem:s21+$0xFFFFFE70];
	s21 =	smov.u32 s16;
	(pc) =	sbr.rel @p0 .LBB2_5-.Ltmp1, $4  }
0x51d: {  	v29 =	vld [tilespmem:s16+$0xFFFFFEF0];
	[tilespmem:s15+$0xFFFFFF40] =	vst v2;
	v2 =	vmul.f32 v30, v27  }
0x51e: {  	v30 =	vld [tilespmem:s16+$0xFFFFFF70];
	[tilespmem:s15+$0xFFFFFFD0] =	vst v1;
	v1 =	vmul.f32 v31, v23  }
0x51f: {  	v31 =	vld [tilespmem:s16+$0xFFFFFFF0];
	[tilespmem:s15+$0x60] =	vst v2;
	v35 =	vmul.f32 v32, v22  }
0x520: {  	s1 =	sshll.u32 s13, $0x4;
	s13 =	sadd.s32 $0x8, s13;
	s12 =	sadd.s32 $0x80, s12;
	v34 =	vmul.f32 v34, v28;
	v32 =	vld [tilespmem:s16+$0x70];
	[tilespmem:s15+$0xF0] =	vst v1  }
0x521: {  	v1 =	vld [tilespmem:s12+$0x30]  }
0x522: {  	v2 =	vld [tilespmem:s12+$0xFFFFFFD0]  }
0x523: {  	s3 =	sadd.s32 $0x70, s1;
	v38 =	vld [tilespmem:s12+$0xFFFFFFE0]  }
0x524: {  	v44 =	vld [tilespmem:s12+$0xFFFFFFF0];
	v43 =	vmov s3  }
0x525: {  	s4 =	sadd.s32 $0x10, s1;
	v45 =	vld [tilespmem:s12+$0x0]  }
0x526: {  	s13 =	sadd.s32 $0x480, s15;
	s8 =	sadd.s32 $0x20, s1;
	v46 =	vld [tilespmem:s12+$0x10];
	v39 =	vmov s4  }
0x527: {  	s28 =	sadd.s32 $0x40, s1;
	v48 =	vld [tilespmem:s12+$0x20];
	v40 =	vmov s8;
	[tilespmem:s13+$0x230] =	vst v1  }
0x528: {  	v36 =	vmov s28;
	[tilespmem:s13+$0xFFFFFED0] =	vst v2;
	v2 =	vld [tilespmem:s12+$0xFFFFFFC0]  }
0x529: {  	s16 =	sadd.s32 $0x400, s16;
	v1 =	vld.idx.msk [tilespmem:v43+s2+$0x0], $0xffff  }
0x52a: {  	[tilespmem:s13+$0xFFFFFF60] =	vst v38;
	v47 =	vld [tilespmem:s16+$0x180]  }
0x52b: {  	[tilespmem:s13+$0xFFFFFFF0] =	vst v44;
	v49 =	vld.idx.msk [tilespmem:v39+s2+$0x0], $0xffff  }
0x52c: {  	s4 =	sadd.s32 $0x30, s1;
	[tilespmem:s13+$0x80] =	vst v45;
	v44 =	vld.idx.msk [tilespmem:v40+s2+$0x0], $0xffff  }
0x52d: {  	v42 =	vmov s4;
	[tilespmem:s13+$0x110] =	vst v46;
	v46 =	vld.idx.msk [tilespmem:v36+s2+$0x0], $0xffff  }
0x52e: {  	v53 =	vld [tilespmem:s16+$0xFFFFFE80]  }
0x52f: {  	v38 =	vmov s1;
	v54 =	vld [tilespmem:s16+$0xFFFFFF00]  }
0x530: {  	v61 =	vld [tilespmem:s16+$0xFFFFFF80];
	v47 =	vmul.f32 v47, v1  }
0x531: {  	s8 =	sadd.s32 $0x50, s1;
	v55 =	vld [tilespmem:s16+$0x0]  }
0x532: {  	v37 =	vmov s8;
	v45 =	vld.idx.msk [tilespmem:v42+s2+$0x0], $0xffff;
	[tilespmem:s13+$0x1B0] =	vst v47  }
0x533: {  	s12 =	sadd.s32 $0x60, s1;
	[tilespmem:s13+$0xFFFFFE40] =	vst v2;
	v47 =	vld [tilespmem:s16+$0x190]  }
0x534: {  	[tilespmem:s13+$0x1A0] =	vst v48;
	v41 =	vmov s12;
	v48 =	vld.idx.msk [tilespmem:v38+s2+$0x0], $0xffff  }
0x535: {  	v51 =	vld [tilespmem:s16+$0xFFFFFE00];
	v62 =	vmul.f32 v53, v49  }
0x536: {  	v52 =	vor.u32 $0x1, v43;
	v56 =	vld [tilespmem:s16+$0x80]  }
0x537: {  	v50 =	vld.idx.msk [tilespmem:v37+s2+$0x0], $0xffff;
	v54 =	vmul.f32 v54, v44;
	[tilespmem:s13+$0xFFFFFE50] =	vst v62  }
0x538: {  	v57 =	vld [tilespmem:s16+$0xFFFFFE90];
	v1 =	vmul.f32 v47, v1  }
0x539: {  	v2 =	vld.idx.msk [tilespmem:v41+s2+$0x0], $0xffff;
	[tilespmem:s13+$0xFFFFFEE0] =	vst v54  }
0x53a: {  	v51 =	vmul.f32 v51, v48;
	v47 =	vmul.f32 v61, v45;
	v61 =	vld [tilespmem:s16+$0xFFFFFF10];
	[tilespmem:s13+$0x1C0] =	vst v1  }
0x53b: {  	v62 =	vor.u32 $0x1, v39;
	v1 =	vld.idx.msk [tilespmem:v52+s2+$0x0], $0xffff  }
0x53c: {  	[tilespmem:s13+$0xFFFFFDC0] =	vst v51;
	v63 =	vld [tilespmem:s16+$0x1A0]  }
0x53d: {  	v58 =	vor.u32 $0x1, v40;
	v59 =	vld [tilespmem:s16+$0xFFFFFE10];
	v49 =	vmul.f32 v57, v49  }
0x53e: {  	v60 =	vmul.f32 v55, v46;
	[tilespmem:s13+$0xFFFFFF70] =	vst v47;
	v52 =	vld [tilespmem:s16+$0x100]  }
0x53f: {  	[tilespmem:s13+$0xFFFFFE60] =	vst v49;
	v47 =	vld [tilespmem:s16+$0xFFFFFF90];
	v44 =	vmul.f32 v61, v44  }
0x540: {  	v56 =	vmul.f32 v56, v50;
	[tilespmem:s13+$0x0] =	vst v60;
	v49 =	vld.idx.msk [tilespmem:v62+s2+$0x0], $0xffff  }
0x541: {  	[tilespmem:s13+$0xFFFFFEF0] =	vst v44;
	v53 =	vmul.f32 v63, v1;
	v63 =	vld [tilespmem:s16+$0x10]  }
0x542: {  	[tilespmem:s13+$0x90] =	vst v56;
	v51 =	vld.idx.msk [tilespmem:v58+s2+$0x0], $0xffff  }
0x543: {  	v58 =	vld [tilespmem:s16+$0xFFFFFEA0];
	[tilespmem:s13+$0x1D0] =	vst v53;
	v53 =	vor.u32 $0x1, v42  }
0x544: {  	v55 =	vld [tilespmem:s16+$0x90];
	v57 =	vor.u32 $0x1, v36;
	v52 =	vmul.f32 v52, v2  }
0x545: {  	v45 =	vmul.f32 v47, v45;
	v56 =	vld [tilespmem:s16+$0x1B0]  }
0x546: {  	v48 =	vmul.f32 v59, v48;
	v59 =	vld [tilespmem:s16+$0xFFFFFF20];
	[tilespmem:s13+$0x120] =	vst v52;
	v61 =	vmul.f32 v63, v46  }
0x547: {  	[tilespmem:s13+$0xFFFFFF80] =	vst v45;
	v60 =	vld [tilespmem:s16+$0x110]  }
0x548: {  	v62 =	vor.u32 $0x2, v43;
	v45 =	vmul.f32 v58, v49;
	v53 =	vld.idx.msk [tilespmem:v53+s2+$0x0], $0xffff;
	[tilespmem:s13+$0x10] =	vst v61  }
0x549: {  	v50 =	vmul.f32 v55, v50;
	[tilespmem:s13+$0xFFFFFDD0] =	vst v48;
	v48 =	vld.idx.msk [tilespmem:v57+s2+$0x0], $0xffff  }
0x54a: {  	[tilespmem:s13+$0xFFFFFE70] =	vst v45;
	v1 =	vmul.f32 v56, v1;
	v61 =	vld [tilespmem:s16+$0x20]  }
0x54b: {  	[tilespmem:s13+$0xA0] =	vst v50;
	v63 =	vor.u32 $0x1, v37;
	v50 =	vld [tilespmem:s16+$0xFFFFFEB0]  }
0x54c: {  	v56 =	vor.u32 $0x1, v41;
	[tilespmem:s13+$0x1E0] =	vst v1;
	v1 =	vmul.f32 v60, v2;
	v60 =	vld [tilespmem:s16+$0xFFFFFFA0]  }
0x54d: {  	v2 =	vld.idx.msk [tilespmem:v62+s2+$0x0], $0xffff  }
0x54e: {  	v52 =	vor.u32 $0x1, v38;
	v57 =	vld [tilespmem:s16+$0x1C0]  }
0x54f: {  	v62 =	vld [tilespmem:s16+$0xA0]  }
0x550: {  	[tilespmem:s13+$0x130] =	vst v1;
	v1 =	vld.idx.msk [tilespmem:v63+s2+$0x0], $0xffff  }
0x551: {  	v44 =	vld.idx.msk [tilespmem:v56+s2+$0x0], $0xffff  }
0x552: {  	v47 =	vmul.f32 v59, v51;
	v63 =	vld [tilespmem:s16+$0x120]  }
0x553: {  	v52 =	vld.idx.msk [tilespmem:v52+s2+$0x0], $0xffff;
	v45 =	vor.u32 $0x2, v39;
	v58 =	vmul.f32 v60, v53  }
0x554: {  	[tilespmem:s13+$0xFFFFFF00] =	vst v47;
	v46 =	vmul.f32 v57, v2;
	v57 =	vld [tilespmem:s16+$0xFFFFFE20]  }
0x555: {  	v49 =	vmul.f32 v50, v49;
	v60 =	vld [tilespmem:s16+$0xFFFFFF30];
	[tilespmem:s13+$0xFFFFFF90] =	vst v58  }
0x556: {  	v59 =	vmul.f32 v61, v48;
	v61 =	vmul.f32 v62, v1;
	[tilespmem:s13+$0x1F0] =	vst v46;
	v62 =	vld [tilespmem:s16+$0xFFFFFFB0]  }
0x557: {  	[tilespmem:s13+$0xFFFFFE80] =	vst v49;
	v63 =	vmul.f32 v63, v44;
	v46 =	vld [tilespmem:s16+$0x1D0]  }
0x558: {  	v45 =	vld.idx.msk [tilespmem:v45+s2+$0x0], $0xffff;
	[tilespmem:s13+$0xB0] =	vst v61  }
0x559: {  	v56 =	vld [tilespmem:s16+$0xB0];
	[tilespmem:s13+$0x140] =	vst v63;
	v57 =	vmul.f32 v57, v52  }
0x55a: {  	v43 =	vor.u32 $0x3, v43;
	[tilespmem:s13+$0x20] =	vst v59;
	v54 =	vld [tilespmem:s16+$0x130]  }
0x55b: {  	[tilespmem:s13+$0xFFFFFDE0] =	vst v57;
	v61 =	vmul.f32 v62, v53;
	v57 =	vld [tilespmem:s16+$0xFFFFFEC0]  }
0x55c: {  	v51 =	vmul.f32 v60, v51;
	v60 =	vor.u32 $0x2, v37;
	v2 =	vmul.f32 v46, v2;
	v46 =	vld [tilespmem:s16+$0x30]  }
0x55d: {  	v62 =	vld [tilespmem:s16+$0xFFFFFE30];
	[tilespmem:s13+$0xFFFFFFA0] =	vst v61  }
0x55e: {  	v1 =	vmul.f32 v56, v1;
	[tilespmem:s13+$0x200] =	vst v2;
	v59 =	vld [tilespmem:s16+$0xFFFFFFC0]  }
0x55f: {  	v43 =	vld.idx.msk [tilespmem:v43+s2+$0x0], $0xffff  }
0x560: {  	v2 =	vor.u32 $0x2, v40;
	v44 =	vmul.f32 v54, v44;
	v47 =	vld [tilespmem:s16+$0x1E0];
	[tilespmem:s13+$0xC0] =	vst v1  }
0x561: {  	v58 =	vor.u32 $0x2, v42;
	[tilespmem:s13+$0xFFFFFF10] =	vst v51;
	v51 =	vld.idx.msk [tilespmem:v60+s2+$0x0], $0xffff  }
0x562: {  	[tilespmem:s13+$0x150] =	vst v44;
	v61 =	vld [tilespmem:s16+$0xC0]  }
0x563: {  	v56 =	vmul.f32 v62, v52;
	v62 =	vld [tilespmem:s16+$0x140]  }
0x564: {  	v50 =	vor.u32 $0x2, v36;
	v46 =	vmul.f32 v46, v48;
	v52 =	vld [tilespmem:s21+$0xF0]  }
0x565: {  	v49 =	vmul.f32 v57, v45;
	v2 =	vld.idx.msk [tilespmem:v2+s2+$0x0], $0xffff  }
0x566: {  	v55 =	vor.u32 $0x2, v38;
	[tilespmem:s13+$0x30] =	vst v46;
	v46 =	vld.idx.msk [tilespmem:v58+s2+$0x0], $0xffff  }
0x567: {  	v63 =	vor.u32 $0x2, v41;
	[tilespmem:s13+$0xFFFFFE90] =	vst v49;
	v58 =	vld [tilespmem:s16+$0xFFFFFF40]  }
0x568: {  	[tilespmem:s13+$0xFFFFFDF0] =	vst v56;
	v56 =	vld [tilespmem:s16+$0xFFFFFED0]  }
0x569: {  	v1 =	vld.idx.msk [tilespmem:v50+s2+$0x0], $0xffff  }
0x56a: {  	v47 =	vmul.f32 v47, v43;
	v60 =	vld [tilespmem:s16+$0x40]  }
0x56b: {  	[tilespmem:s15+$0x180] =	vst v35;
	v48 =	vld.idx.msk [tilespmem:v55+s2+$0x0], $0xffff  }
0x56c: {  	v39 =	vor.u32 $0x3, v39;
	[tilespmem:s13+$0x210] =	vst v47;
	v47 =	vld.idx.msk [tilespmem:v63+s2+$0x0], $0xffff;
	v50 =	vmul.f32 v58, v2  }
0x56d: {  	[tilespmem:s15+$0xFFFFFE20] =	vst v34;
	v35 =	vld [tilespmem:s16+$0xFFFFFE40];
	v63 =	vmul.f32 v59, v46  }
0x56e: {  	v44 =	vld [tilespmem:s16+$0x1F0];
	v57 =	vmul.f32 v56, v45;
	[tilespmem:s13+$0xFFFFFF20] =	vst v50  }
0x56f: {  	v59 =	vmul.f32 v60, v1;
	[tilespmem:s13+$0xFFFFFFB0] =	vst v63;
	v53 =	vld [tilespmem:s16+$0xFFFFFF50]  }
0x570: {  	v60 =	vmul.f32 v61, v51;
	[tilespmem:s13+$0xFFFFFEA0] =	vst v57;
	v61 =	vld [tilespmem:s16+$0xFFFFFFD0]  }
0x571: {  	[tilespmem:s13+$0x40] =	vst v59;
	v62 =	vmul.f32 v62, v47;
	v39 =	vld.idx.msk [tilespmem:v39+s2+$0x0], $0xffff  }
0x572: {  	v40 =	vor.u32 $0x3, v40;
	v35 =	vmul.f32 v35, v48;
	[tilespmem:s13+$0xD0] =	vst v60;
	v63 =	vld [tilespmem:s16+$0x50]  }
0x573: {  	v21 =	vmul.f32 v33, v21;
	v42 =	vor.u32 $0x3, v42;
	v49 =	vld [tilespmem:s16+$0xD0];
	[tilespmem:s13+$0x160] =	vst v62  }
0x574: {  	[tilespmem:s13+$0xFFFFFE00] =	vst v35;
	v58 =	vld [tilespmem:s16+$0x150];
	v2 =	vmul.f32 v53, v2  }
0x575: {  	[tilespmem:s9+$0xFFFFFE30] =	vst v21;
	v60 =	vld [tilespmem:s16+$0xFFFFFE50];
	v61 =	vmul.f32 v61, v46  }
0x576: {  	v21 =	vmul.f32 v30, v25;
	v59 =	vor.u32 $0x3, v36;
	v62 =	vld [tilespmem:s21+$0x170];
	[tilespmem:s13+$0xFFFFFF30] =	vst v2  }
0x577: {  	v37 =	vor.u32 $0x3, v37;
	v1 =	vmul.f32 v63, v1;
	v2 =	vor.u32 $0x3, v38;
	[tilespmem:s13+$0xFFFFFFC0] =	vst v61;
	v38 =	vld.idx.msk [tilespmem:v40+s2+$0x0], $0xffff  }
0x578: {  	[tilespmem:s15+$0xFFFFFF50] =	vst v21;
	v63 =	vmul.f32 v49, v51;
	v40 =	vld.idx.msk [tilespmem:v42+s2+$0x0], $0xffff  }
0x579: {  	[tilespmem:s13+$0x50] =	vst v1;
	v1 =	vmul.f32 v58, v47;
	v21 =	vld [tilespmem:s16+$0xFFFFFF60]  }
0x57a: {  	[tilespmem:s13+$0xE0] =	vst v63;
	v55 =	vld [tilespmem:s16+$0xFFFFFFE0]  }
0x57b: {  	v34 =	vld.idx.msk [tilespmem:v59+s2+$0x0], $0xffff;
	[tilespmem:s13+$0x170] =	vst v1;
	v1 =	vmul.f32 v29, v24  }
0x57c: {  	v41 =	vor.u32 $0x3, v41;
	v23 =	vmul.f32 v52, v23;
	v49 =	vld.idx.msk [tilespmem:v37+s2+$0x0], $0xffff  }
0x57d: {  	v36 =	vmul.f32 v60, v48;
	[tilespmem:s15+$0xFFFFFEC0] =	vst v1;
	v1 =	vld [tilespmem:s16+$0xFFFFFEE0]  }
0x57e: {  	[tilespmem:s15+$0x100] =	vst v23;
	v22 =	vmul.f32 v62, v22;
	v56 =	vld [tilespmem:s16+$0x60]  }
0x57f: {  	v54 =	vmul.f32 v44, v43;
	[tilespmem:s13+$0xFFFFFE10] =	vst v36;
	v57 =	vld [tilespmem:s16+$0xE0]  }
0x580: {  	v53 =	vmul.f32 v32, v27;
	[tilespmem:s15+$0x190] =	vst v22;
	v22 =	vld [tilespmem:s16+$0xFFFFFE60]  }
0x581: {  	[tilespmem:s13+$0x220] =	vst v54;
	v51 =	vmul.f32 v31, v26;
	v50 =	vld.idx.msk [tilespmem:v41+s2+$0x0], $0xffff  }
0x582: {  	[tilespmem:s15+$0x70] =	vst v53;
	v23 =	vld [tilespmem:s16+$0x160];
	v1 =	vmul.f32 v1, v39  }
0x583: {  	[tilespmem:s15+$0xFFFFFFE0] =	vst v51;
	v2 =	vld.idx.msk [tilespmem:v2+s2+$0x0], $0xffff;
	v21 =	vmul.f32 v21, v38  }
0x584: {  	v58 =	vld [tilespmem:s21+$0xFFFFFE70];
	[tilespmem:s13+$0xFFFFFEB0] =	vst v1;
	v1 =	vmul.f32 v55, v40  }
0x585: {  	[tilespmem:s13+$0xFFFFFF40] =	vst v21;
	v21 =	vmul.f32 v56, v34;
	v59 =	vld [tilespmem:s16+$0xFFFFFEF0]  }
0x586: {  	v60 =	vld [tilespmem:s16+$0xFFFFFF70];
	[tilespmem:s13+$0xFFFFFFD0] =	vst v1;
	v1 =	vmul.f32 v57, v49  }
0x587: {  	[tilespmem:s13+$0x60] =	vst v21;
	v21 =	vmul.f32 v23, v50;
	v61 =	vld [tilespmem:s16+$0xFFFFFFF0]  }
0x588: {  	v22 =	vmul.f32 v22, v2;
	v23 =	vld [tilespmem:s16+$0x70];
	[tilespmem:s13+$0xF0] =	vst v1  }
0x589: {  	[tilespmem:s13+$0x180] =	vst v21;
	v1 =	vmul.f32 v58, v28;
	v21 =	vld [tilespmem:s16+$0xF0]  }
0x58a: {  	[tilespmem:s13+$0xFFFFFE20] =	vst v22;
	v62 =	vld [tilespmem:s16+$0x170];
	v22 =	vmul.f32 v59, v39  }
0x58b: {  	v63 =	vld [tilespmem:s16+$0xFFFFFE70];
	[tilespmem:s15+$0xFFFFFE30] =	vst v1;
	v1 =	vmul.f32 v60, v38  }
0x58c: {  	v25 =	vmul.f32 v61, v40;
	[tilespmem:s13+$0xFFFFFEC0] =	vst v22  }
0x58d: {  	v22 =	vmul.f32 v23, v34;
	[tilespmem:s13+$0xFFFFFF50] =	vst v1  }
0x58e: {  	[tilespmem:s13+$0xFFFFFFE0] =	vst v25;
	v1 =	vmul.f32 v21, v49  }
0x58f: {  	[tilespmem:s13+$0x70] =	vst v22;
	v21 =	vmul.f32 v62, v50  }
0x590: {  	s10 =	sadd.s32 $0x1, s10;
	[tilespmem:s13+$0x100] =	vst v1;
	v1 =	vmul.f32 v63, v2  }
0x591: {  	s29 =	simm.s32 $0x16470;
	p0 =	sne.s32 s10, $0x3E;
	[tilespmem:s13+$0x190] =	vst v21  }
.Ltmp2:
0x592: {  	s28 =	simm.s32 $0x1CDC0;
	s21 =	rddreg [dreg:$0x2];
	[tilespmem:s13+$0xFFFFFE30] =	vst v1;
	(pc) =	sbr.rel @p0 .LBB2_2-.Ltmp2, $4  }
0x593: {  	[spmem:s21] =	stream.indirect.scatter.add.f32 [tilespmem:s28], [sflag:$0x7], $0x90, s29, s20, $0xb8;
	[tilespmem:$0x1FAC0] =	vst v63  }
0x594: {  	_ =	swait.ge [sflag:s17], $0x2D00  }
0x595: {  	[sflag:s17] =	ssyncset.done $0x0  }
0x596: {  	[sflag:s17] =	ssyncadd.s32 $0xFFFFD300  }
0x597: {  	_ =	swait.ge [sflag:s24], $0x2800  }
0x598: {  	[sflag:s24] =	ssyncset.done $0x0  }
0x599: {  	[sflag:s24] =	ssyncadd.s32 $0xFFFFD800  }
0x59a: {  	_ =	swait.ge [sflag:s25], $0x500  }
0x59b: {  	[sflag:s25] =	ssyncset.done $0x0  }
0x59c: {  	[sflag:s25] =	ssyncadd.s32 $0xFFFFFB00  }
0x59d: {  	_ =	swait.ge [sflag:s26], $0x500  }
0x59e: {  	[sflag:s26] =	ssyncset.done $0x0  }
0x59f: {  	[sflag:s26] =	ssyncadd.s32 $0xFFFFFB00  }
0x5a0: {  	v1 =	vld.idx.msk [tilespmem:v0+s22+$0x0], $0xffff  }
0x5a1: {  	v2 =	vld.idx.msk [tilespmem:v0+s23+$0x0], $0xffff;
	_ =	sdelay $0x4  }
0x5a2: {  	v1 =	vadd.f32 v2, v1;
	_ =	sdelay $0x1  }
0x5a3: {  	v2 =	vmul.f32 $2.000000030e-01, v1  }
0x5a4: {  	vm0 =	vge.f32 v1, $0.0e+00  }
0x5a5: {  	v1 =	vsel vm0, v1, v2  }
0x5a6: {  	v1 =	vmul.f32 $1.442695020e+00, v1;
	_ =	sdelay $0x1  }
0x5a7: {  	(erf) = vpow2.f32 v1;
	_ =	sdelay $0x2  }
0x5a8: {  	v21 =	vld [tilespmem:$0x1FFF0];
	_ =	sdelay $0x5  }
0x5a9: {  	v1 =	vpop (erf)  }
0x5aa: {  	[tilespmem:v0+s2+$0x0] =	vst.idx.msk $0xffff, v1  }
0x5ab: {  	v1 =	vld.idx.msk [tilespmem:v21+s22+$0x0], $0xffff  }
0x5ac: {  	v2 =	vld.idx.msk [tilespmem:v21+s23+$0x0], $0xffff;
	_ =	sdelay $0x4  }
0x5ad: {  	v1 =	vadd.f32 v2, v1;
	_ =	sdelay $0x1  }
0x5ae: {  	v2 =	vmul.f32 $2.000000030e-01, v1  }
0x5af: {  	vm9 =	vge.f32 v1, $0.0e+00  }
0x5b0: {  	v1 =	vsel vm9, v1, v2  }
0x5b1: {  	v1 =	vmul.f32 $1.442695020e+00, v1;
	_ =	sdelay $0x1  }
0x5b2: {  	(erf) = vpow2.f32 v1;
	_ =	sdelay $0x8  }
0x5b3: {  	v1 =	vpop (erf)  }
0x5b4: {  	[tilespmem:v21+s2+$0x0] =	vst.idx.msk $0xffff, v1  }
0x5b5: {  	v1 =	vld.idx.msk [tilespmem:v3+s22+$0x0], $0xffff  }
0x5b6: {  	v2 =	vld.idx.msk [tilespmem:v3+s23+$0x0], $0xffff;
	_ =	sdelay $0x4  }
0x5b7: {  	v1 =	vadd.f32 v2, v1;
	_ =	sdelay $0x1  }
0x5b8: {  	v2 =	vmul.f32 $2.000000030e-01, v1  }
0x5b9: {  	vm10 =	vge.f32 v1, $0.0e+00  }
0x5ba: {  	v1 =	vsel vm10, v1, v2  }
0x5bb: {  	v1 =	vmul.f32 $1.442695020e+00, v1;
	_ =	sdelay $0x1  }
0x5bc: {  	(erf) = vpow2.f32 v1;
	_ =	sdelay $0x8  }
0x5bd: {  	v1 =	vpop (erf)  }
0x5be: {  	[tilespmem:v3+s2+$0x0] =	vst.idx.msk $0xffff, v1  }
0x5bf: {  	v1 =	vld.idx.msk [tilespmem:v4+s22+$0x0], $0xffff  }
0x5c0: {  	v2 =	vld.idx.msk [tilespmem:v4+s23+$0x0], $0xffff;
	_ =	sdelay $0x4  }
0x5c1: {  	v1 =	vadd.f32 v2, v1;
	_ =	sdelay $0x1  }
0x5c2: {  	v2 =	vmul.f32 $2.000000030e-01, v1  }
0x5c3: {  	vm11 =	vge.f32 v1, $0.0e+00  }
0x5c4: {  	v1 =	vsel vm11, v1, v2  }
0x5c5: {  	v1 =	vmul.f32 $1.442695020e+00, v1;
	_ =	sdelay $0x1  }
0x5c6: {  	(erf) = vpow2.f32 v1;
	_ =	sdelay $0x8  }
0x5c7: {  	v1 =	vpop (erf)  }
0x5c8: {  	[tilespmem:v4+s2+$0x0] =	vst.idx.msk $0xffff, v1  }
0x5c9: {  	v1 =	vld.idx.msk [tilespmem:v5+s22+$0x0], $0xffff  }
0x5ca: {  	v2 =	vld.idx.msk [tilespmem:v5+s23+$0x0], $0xffff;
	_ =	sdelay $0x4  }
0x5cb: {  	v1 =	vadd.f32 v2, v1;
	_ =	sdelay $0x1  }
0x5cc: {  	v2 =	vmul.f32 $2.000000030e-01, v1  }
0x5cd: {  	vm12 =	vge.f32 v1, $0.0e+00  }
0x5ce: {  	v1 =	vsel vm12, v1, v2  }
0x5cf: {  	v1 =	vmul.f32 $1.442695020e+00, v1;
	_ =	sdelay $0x1  }
0x5d0: {  	(erf) = vpow2.f32 v1;
	_ =	sdelay $0x8  }
0x5d1: {  	v1 =	vpop (erf)  }
0x5d2: {  	[tilespmem:v5+s2+$0x0] =	vst.idx.msk $0xffff, v1  }
0x5d3: {  	v1 =	vld.idx.msk [tilespmem:v6+s22+$0x0], $0xffff  }
0x5d4: {  	v2 =	vld.idx.msk [tilespmem:v6+s23+$0x0], $0xffff;
	_ =	sdelay $0x4  }
0x5d5: {  	v1 =	vadd.f32 v2, v1;
	_ =	sdelay $0x1  }
0x5d6: {  	v2 =	vmul.f32 $2.000000030e-01, v1  }
0x5d7: {  	vm13 =	vge.f32 v1, $0.0e+00  }
0x5d8: {  	v1 =	vsel vm13, v1, v2  }
0x5d9: {  	v1 =	vmul.f32 $1.442695020e+00, v1;
	_ =	sdelay $0x1  }
0x5da: {  	(erf) = vpow2.f32 v1;
	_ =	sdelay $0x8  }
0x5db: {  	v1 =	vpop (erf)  }
0x5dc: {  	[tilespmem:v6+s2+$0x0] =	vst.idx.msk $0xffff, v1  }
0x5dd: {  	v1 =	vld.idx.msk [tilespmem:v7+s22+$0x0], $0xffff  }
0x5de: {  	v2 =	vld.idx.msk [tilespmem:v7+s23+$0x0], $0xffff;
	_ =	sdelay $0x4  }
0x5df: {  	v1 =	vadd.f32 v2, v1;
	_ =	sdelay $0x1  }
0x5e0: {  	v2 =	vmul.f32 $2.000000030e-01, v1  }
0x5e1: {  	vm14 =	vge.f32 v1, $0.0e+00  }
0x5e2: {  	v1 =	vsel vm14, v1, v2  }
0x5e3: {  	v1 =	vmul.f32 $1.442695020e+00, v1;
	_ =	sdelay $0x1  }
0x5e4: {  	(erf) = vpow2.f32 v1;
	_ =	sdelay $0x8  }
0x5e5: {  	v1 =	vpop (erf)  }
0x5e6: {  	[tilespmem:v7+s2+$0x0] =	vst.idx.msk $0xffff, v1  }
0x5e7: {  	v1 =	vld.idx.msk [tilespmem:v8+s22+$0x0], $0xffff  }
0x5e8: {  	v2 =	vld.idx.msk [tilespmem:v8+s23+$0x0], $0xffff;
	_ =	sdelay $0x4  }
0x5e9: {  	v1 =	vadd.f32 v2, v1;
	_ =	sdelay $0x1  }
0x5ea: {  	v2 =	vmul.f32 $2.000000030e-01, v1  }
0x5eb: {  	vm15 =	vge.f32 v1, $0.0e+00  }
0x5ec: {  	v1 =	vsel vm15, v1, v2  }
0x5ed: {  	v1 =	vmul.f32 $1.442695020e+00, v1;
	_ =	sdelay $0x1  }
0x5ee: {  	(erf) = vpow2.f32 v1;
	_ =	sdelay $0x8  }
0x5ef: {  	v1 =	vpop (erf)  }
0x5f0: {  	[tilespmem:v8+s2+$0x0] =	vst.idx.msk $0xffff, v1  }
0x5f1: {  	v1 =	vld.idx.msk [tilespmem:v9+s22+$0x0], $0xffff  }
0x5f2: {  	v2 =	vld.idx.msk [tilespmem:v9+s23+$0x0], $0xffff;
	_ =	sdelay $0x4  }
0x5f3: {  	v1 =	vadd.f32 v2, v1;
	_ =	sdelay $0x1  }
0x5f4: {  	v2 =	vmul.f32 $2.000000030e-01, v1  }
0x5f5: {  	vm4 =	vge.f32 v1, $0.0e+00  }
0x5f6: {  	v1 =	vsel vm4, v1, v2  }
0x5f7: {  	v1 =	vmul.f32 $1.442695020e+00, v1;
	_ =	sdelay $0x1  }
0x5f8: {  	(erf) = vpow2.f32 v1;
	_ =	sdelay $0x8  }
0x5f9: {  	v1 =	vpop (erf)  }
0x5fa: {  	[tilespmem:v9+s2+$0x0] =	vst.idx.msk $0xffff, v1  }
0x5fb: {  	v1 =	vld.idx.msk [tilespmem:v10+s22+$0x0], $0xffff  }
0x5fc: {  	v2 =	vld.idx.msk [tilespmem:v10+s23+$0x0], $0xffff;
	_ =	sdelay $0x4  }
0x5fd: {  	v1 =	vadd.f32 v2, v1;
	_ =	sdelay $0x1  }
0x5fe: {  	v2 =	vmul.f32 $2.000000030e-01, v1  }
0x5ff: {  	vm5 =	vge.f32 v1, $0.0e+00  }
0x600: {  	v1 =	vsel vm5, v1, v2  }
0x601: {  	v1 =	vmul.f32 $1.442695020e+00, v1;
	_ =	sdelay $0x1  }
0x602: {  	(erf) = vpow2.f32 v1;
	_ =	sdelay $0x8  }
0x603: {  	v1 =	vpop (erf)  }
0x604: {  	[tilespmem:v10+s2+$0x0] =	vst.idx.msk $0xffff, v1  }
0x605: {  	v1 =	vld.idx.msk [tilespmem:v11+s22+$0x0], $0xffff  }
0x606: {  	v2 =	vld.idx.msk [tilespmem:v11+s23+$0x0], $0xffff;
	_ =	sdelay $0x4  }
0x607: {  	v1 =	vadd.f32 v2, v1;
	_ =	sdelay $0x1  }
0x608: {  	v2 =	vmul.f32 $2.000000030e-01, v1  }
0x609: {  	vm6 =	vge.f32 v1, $0.0e+00  }
0x60a: {  	v1 =	vsel vm6, v1, v2  }
0x60b: {  	v1 =	vmul.f32 $1.442695020e+00, v1;
	_ =	sdelay $0x1  }
0x60c: {  	(erf) = vpow2.f32 v1;
	_ =	sdelay $0x8  }
0x60d: {  	v1 =	vpop (erf)  }
0x60e: {  	[tilespmem:v11+s2+$0x0] =	vst.idx.msk $0xffff, v1  }
0x60f: {  	v1 =	vld.idx.msk [tilespmem:v12+s22+$0x0], $0xffff  }
0x610: {  	v2 =	vld.idx.msk [tilespmem:v12+s23+$0x0], $0xffff;
	_ =	sdelay $0x4  }
0x611: {  	v1 =	vadd.f32 v2, v1;
	_ =	sdelay $0x1  }
0x612: {  	v2 =	vmul.f32 $2.000000030e-01, v1  }
0x613: {  	vm7 =	vge.f32 v1, $0.0e+00  }
0x614: {  	v1 =	vsel vm7, v1, v2  }
0x615: {  	v1 =	vmul.f32 $1.442695020e+00, v1;
	_ =	sdelay $0x1  }
0x616: {  	(erf) = vpow2.f32 v1;
	_ =	sdelay $0x8  }
0x617: {  	v1 =	vpop (erf)  }
0x618: {  	[tilespmem:v12+s2+$0x0] =	vst.idx.msk $0xffff, v1  }
0x619: {  	v1 =	vld.idx.msk [tilespmem:v13+s22+$0x0], $0xffff  }
0x61a: {  	v2 =	vld.idx.msk [tilespmem:v13+s23+$0x0], $0xffff;
	_ =	sdelay $0x4  }
0x61b: {  	v1 =	vadd.f32 v2, v1;
	_ =	sdelay $0x1  }
0x61c: {  	v2 =	vmul.f32 $2.000000030e-01, v1  }
0x61d: {  	vm8 =	vge.f32 v1, $0.0e+00  }
0x61e: {  	v1 =	vsel vm8, v1, v2  }
0x61f: {  	v1 =	vmul.f32 $1.442695020e+00, v1;
	_ =	sdelay $0x1  }
0x620: {  	(erf) = vpow2.f32 v1;
	_ =	sdelay $0x8  }
0x621: {  	v1 =	vpop (erf)  }
0x622: {  	[tilespmem:v13+s2+$0x0] =	vst.idx.msk $0xffff, v1  }
0x623: {  	v1 =	vld.idx.msk [tilespmem:v14+s22+$0x0], $0xffff  }
0x624: {  	v2 =	vld.idx.msk [tilespmem:v14+s23+$0x0], $0xffff;
	_ =	sdelay $0x4  }
0x625: {  	v1 =	vadd.f32 v2, v1;
	_ =	sdelay $0x1  }
0x626: {  	v2 =	vmul.f32 $2.000000030e-01, v1  }
0x627: {  	vm9 =	vge.f32 v1, $0.0e+00  }
0x628: {  	v1 =	vsel vm9, v1, v2  }
0x629: {  	v1 =	vmul.f32 $1.442695020e+00, v1;
	_ =	sdelay $0x1  }
0x62a: {  	(erf) = vpow2.f32 v1;
	_ =	sdelay $0x8  }
0x62b: {  	v1 =	vpop (erf)  }
0x62c: {  	[tilespmem:v14+s2+$0x0] =	vst.idx.msk $0xffff, v1  }
0x62d: {  	v1 =	vld.idx.msk [tilespmem:v15+s22+$0x0], $0xffff  }
0x62e: {  	v2 =	vld.idx.msk [tilespmem:v15+s23+$0x0], $0xffff;
	_ =	sdelay $0x4  }
0x62f: {  	v1 =	vadd.f32 v2, v1;
	_ =	sdelay $0x1  }
0x630: {  	v2 =	vmul.f32 $2.000000030e-01, v1  }
0x631: {  	vm10 =	vge.f32 v1, $0.0e+00  }
0x632: {  	v1 =	vsel vm10, v1, v2  }
0x633: {  	v1 =	vmul.f32 $1.442695020e+00, v1;
	_ =	sdelay $0x1  }
0x634: {  	(erf) = vpow2.f32 v1;
	_ =	sdelay $0x8  }
0x635: {  	v1 =	vpop (erf)  }
0x636: {  	[tilespmem:v15+s2+$0x0] =	vst.idx.msk $0xffff, v1  }
0x637: {  	v1 =	vld.idx.msk [tilespmem:v16+s22+$0x0], $0xffff  }
0x638: {  	v2 =	vld.idx.msk [tilespmem:v16+s23+$0x0], $0xffff;
	_ =	sdelay $0x4  }
0x639: {  	v1 =	vadd.f32 v2, v1;
	_ =	sdelay $0x1  }
0x63a: {  	v2 =	vmul.f32 $2.000000030e-01, v1  }
0x63b: {  	vm11 =	vge.f32 v1, $0.0e+00  }
0x63c: {  	v1 =	vsel vm11, v1, v2  }
0x63d: {  	v1 =	vmul.f32 $1.442695020e+00, v1;
	_ =	sdelay $0x1  }
0x63e: {  	(erf) = vpow2.f32 v1;
	_ =	sdelay $0x8  }
0x63f: {  	v1 =	vpop (erf)  }
0x640: {  	[tilespmem:v16+s2+$0x0] =	vst.idx.msk $0xffff, v1  }
0x641: {  	v1 =	vld.idx.msk [tilespmem:v17+s22+$0x0], $0xffff  }
0x642: {  	v2 =	vld.idx.msk [tilespmem:v17+s23+$0x0], $0xffff;
	_ =	sdelay $0x4  }
0x643: {  	v1 =	vadd.f32 v2, v1;
	_ =	sdelay $0x1  }
0x644: {  	v2 =	vmul.f32 $2.000000030e-01, v1  }
0x645: {  	vm12 =	vge.f32 v1, $0.0e+00  }
0x646: {  	v1 =	vsel vm12, v1, v2  }
0x647: {  	v1 =	vmul.f32 $1.442695020e+00, v1;
	_ =	sdelay $0x1  }
0x648: {  	(erf) = vpow2.f32 v1;
	_ =	sdelay $0x8  }
0x649: {  	v1 =	vpop (erf)  }
0x64a: {  	[tilespmem:v17+s2+$0x0] =	vst.idx.msk $0xffff, v1  }
0x64b: {  	v1 =	vld.idx.msk [tilespmem:v18+s22+$0x0], $0xffff  }
0x64c: {  	v2 =	vld.idx.msk [tilespmem:v18+s23+$0x0], $0xffff;
	_ =	sdelay $0x4  }
0x64d: {  	v1 =	vadd.f32 v2, v1;
	_ =	sdelay $0x1  }
0x64e: {  	v2 =	vmul.f32 $2.000000030e-01, v1  }
0x64f: {  	vm13 =	vge.f32 v1, $0.0e+00  }
0x650: {  	v1 =	vsel vm13, v1, v2  }
0x651: {  	v1 =	vmul.f32 $1.442695020e+00, v1;
	_ =	sdelay $0x1  }
0x652: {  	(erf) = vpow2.f32 v1;
	_ =	sdelay $0x8  }
0x653: {  	v1 =	vpop (erf)  }
0x654: {  	[tilespmem:v18+s2+$0x0] =	vst.idx.msk $0xffff, v1  }
0x655: {  	v1 =	vld.idx.msk [tilespmem:v19+s22+$0x0], $0xffff  }
0x656: {  	v2 =	vld.idx.msk [tilespmem:v19+s23+$0x0], $0xffff;
	_ =	sdelay $0x4  }
0x657: {  	v1 =	vadd.f32 v2, v1;
	_ =	sdelay $0x1  }
0x658: {  	v2 =	vmul.f32 $2.000000030e-01, v1  }
0x659: {  	vm14 =	vge.f32 v1, $0.0e+00  }
0x65a: {  	v1 =	vsel vm14, v1, v2  }
0x65b: {  	v1 =	vmul.f32 $1.442695020e+00, v1;
	_ =	sdelay $0x1  }
0x65c: {  	(erf) = vpow2.f32 v1;
	_ =	sdelay $0x8  }
0x65d: {  	v1 =	vpop (erf)  }
0x65e: {  	[tilespmem:v19+s2+$0x0] =	vst.idx.msk $0xffff, v1  }
0x65f: {  	v1 =	vld.idx.msk [tilespmem:v20+s22+$0x0], $0xffff  }
0x660: {  	v2 =	vld.idx.msk [tilespmem:v20+s23+$0x0], $0xffff;
	_ =	sdelay $0x4  }
0x661: {  	v1 =	vadd.f32 v2, v1;
	_ =	sdelay $0x1  }
0x662: {  	v2 =	vmul.f32 $2.000000030e-01, v1  }
0x663: {  	vm15 =	vge.f32 v1, $0.0e+00  }
0x664: {  	v1 =	vsel vm15, v1, v2  }
0x665: {  	v1 =	vmul.f32 $1.442695020e+00, v1;
	_ =	sdelay $0x1  }
0x666: {  	(erf) = vpow2.f32 v1;
	_ =	sdelay $0x8  }
0x667: {  	v1 =	vpop (erf)  }
0x668: {  	s1 =	simm.s32 $0x1C900;
	[tilespmem:v20+s2+$0x0] =	vst.idx.msk $0xffff, v1  }
0x669: {  	v1 =	vld [tilespmem:s1+$0x30]  }
0x66a: {  	v2 =	vld [tilespmem:s1+$0xFFFFFFD0]  }
0x66b: {  	s3 =	simm.s32 $0x70;
	v21 =	vld [tilespmem:s1+$0xFFFFFFE0]  }
0x66c: {  	v22 =	vmov s3;
	v29 =	vld [tilespmem:s1+$0xFFFFFFF0]  }
0x66d: {  	s4 =	simm.s32 $0x10;
	v30 =	vld [tilespmem:s1+$0x0]  }
0x66e: {  	s9 =	simm.s32 $0x1D000;
	s8 =	simm.s32 $0x20;
	v25 =	vmov s4;
	v31 =	vld [tilespmem:s1+$0x10]  }
0x66f: {  	s4 =	simm.s32 $0x30;
	v28 =	vmov s8;
	v33 =	vld [tilespmem:s1+$0x20];
	[tilespmem:s9+$0x230] =	vst v1  }
0x670: {  	s10 =	simm.s32 $0x40;
	v26 =	vmov s4;
	[tilespmem:s9+$0xFFFFFED0] =	vst v2;
	v2 =	vld [tilespmem:s1+$0xFFFFFFC0]  }
0x671: {  	s16 =	simm.s32 $0x166C0;
	s12 =	simm.s32 $0x50;
	v24 =	vmov s10;
	v1 =	vld.idx.msk [tilespmem:v22+s2+$0x0], $0xffff  }
0x672: {  	v23 =	vmov s12;
	v32 =	vld [tilespmem:s16+$0x180]  }
0x673: {  	[tilespmem:s9+$0xFFFFFF60] =	vst v21;
	v34 =	vld.idx.msk [tilespmem:v25+s2+$0x0], $0xffff  }
0x674: {  	[tilespmem:s9+$0xFFFFFFF0] =	vst v29;
	v29 =	vld.idx.msk [tilespmem:v28+s2+$0x0], $0xffff  }
0x675: {  	[tilespmem:s9+$0x80] =	vst v30;
	v30 =	vld.idx.msk [tilespmem:v26+s2+$0x0], $0xffff  }
0x676: {  	[tilespmem:s9+$0x110] =	vst v31;
	v31 =	vld.idx.msk [tilespmem:v24+s2+$0x0], $0xffff  }
0x677: {  	v35 =	vld.idx.msk [tilespmem:v23+s2+$0x0], $0xffff  }
0x678: {  	v38 =	vld [tilespmem:s16+$0xFFFFFE80]  }
0x679: {  	s15 =	simm.s32 $0x0;
	v39 =	vld [tilespmem:s16+$0xFFFFFF00];
	v32 =	vmul.f32 v32, v1  }
0x67a: {  	v21 =	vmov s15;
	v46 =	vld [tilespmem:s16+$0xFFFFFF80]  }
0x67b: {  	s13 =	simm.s32 $0x60;
	v40 =	vld [tilespmem:s16+$0x0];
	[tilespmem:s9+$0x1B0] =	vst v32  }
0x67c: {  	v27 =	vmov s13;
	v32 =	vld [tilespmem:s16+$0x190]  }
0x67d: {  	[tilespmem:s9+$0x1A0] =	vst v33;
	v41 =	vld [tilespmem:s16+$0x80]  }
0x67e: {  	v49 =	vld [tilespmem:s16+$0x100];
	[tilespmem:s9+$0xFFFFFE40] =	vst v2  }
0x67f: {  	v37 =	vor.u32 $0x1, v22;
	v63 =	vld.idx.msk [tilespmem:v21+s2+$0x0], $0xffff;
	v47 =	vmul.f32 v38, v34  }
0x680: {  	v36 =	vld [tilespmem:s16+$0xFFFFFE00];
	v39 =	vmul.f32 v39, v29  }
0x681: {  	v2 =	vld.idx.msk [tilespmem:v27+s2+$0x0], $0xffff;
	[tilespmem:s9+$0xFFFFFE50] =	vst v47;
	v1 =	vmul.f32 v32, v1  }
0x682: {  	[tilespmem:s9+$0xFFFFFEE0] =	vst v39;
	v42 =	vld [tilespmem:s16+$0xFFFFFE90]  }
0x683: {  	v41 =	vmul.f32 v41, v35;
	v51 =	vld [tilespmem:s16+$0xFFFFFF10];
	[tilespmem:s9+$0x1C0] =	vst v1  }
0x684: {  	v50 =	vmul.f32 v40, v31;
	v1 =	vld.idx.msk [tilespmem:v37+s2+$0x0], $0xffff  }
0x685: {  	v52 =	vor.u32 $0x1, v25;
	[tilespmem:s9+$0x90] =	vst v41;
	v36 =	vmul.f32 v36, v63;
	v48 =	vld [tilespmem:s16+$0x1A0]  }
0x686: {  	v43 =	vor.u32 $0x1, v28;
	[tilespmem:s9+$0x0] =	vst v50;
	v57 =	vld [tilespmem:s16+$0x90];
	v32 =	vmul.f32 v46, v30  }
0x687: {  	v53 =	vld [tilespmem:s16+$0x10];
	[tilespmem:s9+$0xFFFFFDC0] =	vst v36;
	v34 =	vmul.f32 v42, v34  }
0x688: {  	v44 =	vld [tilespmem:s16+$0xFFFFFE10];
	v29 =	vmul.f32 v51, v29;
	[tilespmem:s9+$0xFFFFFF70] =	vst v32  }
0x689: {  	[tilespmem:s9+$0xFFFFFE60] =	vst v34;
	v32 =	vld [tilespmem:s16+$0xFFFFFF90]  }
0x68a: {  	[tilespmem:s9+$0xFFFFFEF0] =	vst v29;
	v34 =	vld.idx.msk [tilespmem:v52+s2+$0x0], $0xffff;
	v38 =	vmul.f32 v48, v1  }
0x68b: {  	v35 =	vmul.f32 v57, v35;
	v60 =	vld.idx.msk [tilespmem:v43+s2+$0x0], $0xffff  }
0x68c: {  	v56 =	vor.u32 $0x1, v24;
	v29 =	vmul.f32 v53, v31;
	v61 =	vld [tilespmem:s16+$0xFFFFFF20];
	[tilespmem:s9+$0x1D0] =	vst v38  }
0x68d: {  	v58 =	vor.u32 $0x1, v21;
	[tilespmem:s9+$0xA0] =	vst v35;
	v37 =	vmul.f32 v49, v2;
	v55 =	vld [tilespmem:s16+$0x1B0]  }
0x68e: {  	v45 =	vld [tilespmem:s16+$0xA0];
	[tilespmem:s9+$0x10] =	vst v29  }
0x68f: {  	v54 =	vor.u32 $0x1, v26;
	[tilespmem:s9+$0x120] =	vst v37;
	v33 =	vmul.f32 v44, v63;
	v63 =	vld [tilespmem:s16+$0x20]  }
0x690: {  	v31 =	vor.u32 $0x2, v22;
	v59 =	vld [tilespmem:s16+$0x110];
	v30 =	vmul.f32 v32, v30  }
0x691: {  	[tilespmem:s9+$0xFFFFFDD0] =	vst v33;
	v33 =	vld.idx.msk [tilespmem:v56+s2+$0x0], $0xffff  }
0x692: {  	v37 =	vld.idx.msk [tilespmem:v58+s2+$0x0], $0xffff;
	[tilespmem:s9+$0xFFFFFF80] =	vst v30;
	v30 =	vor.u32 $0x1, v23;
	v1 =	vmul.f32 v55, v1  }
0x693: {  	v47 =	vld [tilespmem:s16+$0xFFFFFE20]  }
0x694: {  	v38 =	vld.idx.msk [tilespmem:v54+s2+$0x0], $0xffff;
	[tilespmem:s9+$0x1E0] =	vst v1  }
0x695: {  	v1 =	vmul.f32 v59, v2;
	v2 =	vld.idx.msk [tilespmem:v31+s2+$0x0], $0xffff  }
0x696: {  	v32 =	vmul.f32 v61, v60;
	v31 =	vld [tilespmem:s16+$0x1C0]  }
0x697: {  	v29 =	vor.u32 $0x1, v27;
	[tilespmem:s9+$0x130] =	vst v1;
	v1 =	vld.idx.msk [tilespmem:v30+s2+$0x0], $0xffff  }
0x698: {  	[tilespmem:s9+$0xFFFFFF00] =	vst v32;
	v42 =	vmul.f32 v47, v37;
	v30 =	vld [tilespmem:s16+$0xFFFFFEA0]  }
0x699: {  	v50 =	vld [tilespmem:s16+$0xFFFFFF30]  }
0x69a: {  	v62 =	vld [tilespmem:s16+$0xFFFFFFA0];
	[tilespmem:s9+$0xFFFFFDE0] =	vst v42  }
0x69b: {  	v59 =	vld [tilespmem:s16+$0xFFFFFE30];
	v31 =	vmul.f32 v31, v2  }
0x69c: {  	v29 =	vld.idx.msk [tilespmem:v29+s2+$0x0], $0xffff  }
0x69d: {  	v46 =	vld [tilespmem:s16+$0x120];
	v30 =	vmul.f32 v30, v34;
	[tilespmem:s9+$0x1F0] =	vst v31  }
0x69e: {  	v36 =	vmul.f32 v50, v60;
	v31 =	vld [tilespmem:s16+$0x1D0]  }
0x69f: {  	[tilespmem:s9+$0xFFFFFE70] =	vst v30;
	v30 =	vmul.f32 v62, v38  }
0x6a0: {  	v49 =	vmul.f32 v63, v33;
	[tilespmem:s9+$0xFFFFFF10] =	vst v36;
	v48 =	vld [tilespmem:s16+$0xFFFFFEB0]  }
0x6a1: {  	v63 =	vld [tilespmem:s16+$0xFFFFFF40];
	[tilespmem:s9+$0xFFFFFF90] =	vst v30;
	v30 =	vmul.f32 v45, v1  }
0x6a2: {  	v22 =	vor.u32 $0x3, v22;
	[tilespmem:s9+$0x20] =	vst v49;
	v37 =	vmul.f32 v59, v37;
	v51 =	vld [tilespmem:s16+$0xFFFFFFB0]  }
0x6a3: {  	[tilespmem:s9+$0xB0] =	vst v30;
	v30 =	vmul.f32 v46, v29;
	v2 =	vmul.f32 v31, v2;
	v31 =	vld [tilespmem:s16+$0x30]  }
0x6a4: {  	[tilespmem:s9+$0xFFFFFDF0] =	vst v37;
	v62 =	vor.u32 $0x2, v21;
	v53 =	vld [tilespmem:s16+$0xB0]  }
0x6a5: {  	v52 =	vor.u32 $0x2, v25;
	[tilespmem:s9+$0x140] =	vst v30;
	v34 =	vmul.f32 v48, v34;
	v48 =	vld [tilespmem:s16+$0xFFFFFE40]  }
0x6a6: {  	v30 =	vor.u32 $0x2, v26;
	[tilespmem:s9+$0x200] =	vst v2;
	v54 =	vld [tilespmem:s16+$0x130]  }
0x6a7: {  	v22 =	vld.idx.msk [tilespmem:v22+s2+$0x0], $0xffff  }
0x6a8: {  	v2 =	vor.u32 $0x2, v28;
	v56 =	vld [tilespmem:s16+$0x1E0];
	v58 =	vmul.f32 v51, v38  }
0x6a9: {  	[tilespmem:s9+$0xFFFFFE80] =	vst v34;
	v34 =	vld.idx.msk [tilespmem:v62+s2+$0x0], $0xffff  }
0x6aa: {  	v55 =	vor.u32 $0x2, v24;
	v32 =	vld.idx.msk [tilespmem:v52+s2+$0x0], $0xffff;
	[tilespmem:s9+$0xFFFFFFA0] =	vst v58  }
0x6ab: {  	v57 =	vor.u32 $0x2, v23;
	v30 =	vld.idx.msk [tilespmem:v30+s2+$0x0], $0xffff  }
0x6ac: {  	v31 =	vmul.f32 v31, v33;
	v44 =	vld [tilespmem:s16+$0xFFFFFFC0]  }
0x6ad: {  	v1 =	vmul.f32 v53, v1;
	v2 =	vld.idx.msk [tilespmem:v2+s2+$0x0], $0xffff  }
0x6ae: {  	v60 =	vor.u32 $0x2, v27;
	[tilespmem:s9+$0x30] =	vst v31;
	v31 =	vld [tilespmem:s16+$0xFFFFFEC0]  }
0x6af: {  	[tilespmem:s9+$0xC0] =	vst v1;
	v1 =	vld.idx.msk [tilespmem:v55+s2+$0x0], $0xffff  }
0x6b0: {  	v29 =	vmul.f32 v54, v29;
	v61 =	vld.idx.msk [tilespmem:v57+s2+$0x0], $0xffff  }
0x6b1: {  	v45 =	vld [tilespmem:s16+$0x40]  }
0x6b2: {  	v46 =	vld [tilespmem:s16+$0xC0];
	[tilespmem:s9+$0x150] =	vst v29  }
0x6b3: {  	v54 =	vmul.f32 v56, v22;
	v29 =	vld.idx.msk [tilespmem:v60+s2+$0x0], $0xffff  }
0x6b4: {  	s1 =	simm.s32 $0x1C980;
	v47 =	vld [tilespmem:s16+$0x140]  }
0x6b5: {  	[tilespmem:s9+$0x210] =	vst v54;
	v60 =	vld [tilespmem:s1+$0xFFFFFFE0];
	v31 =	vmul.f32 v31, v32  }
0x6b6: {  	v57 =	vor.u32 $0x3, v24;
	v24 =	vld [tilespmem:s16+$0x1F0];
	v35 =	vmul.f32 v63, v2  }
0x6b7: {  	v50 =	vmul.f32 v45, v1;
	v45 =	vld [tilespmem:s1+$0xFFFFFFF0];
	[tilespmem:s9+$0xFFFFFE90] =	vst v31  }
0x6b8: {  	[tilespmem:s9+$0xFFFFFF20] =	vst v35;
	v49 =	vld [tilespmem:s16+$0xFFFFFED0]  }
0x6b9: {  	s4 =	simm.s32 $0xA0;
	v51 =	vld [tilespmem:s16+$0xFFFFFF50]  }
0x6ba: {  	s10 =	simm.s32 $0x1D480;
	v42 =	vmov s4;
	v31 =	vmul.f32 v44, v30;
	[tilespmem:s9+$0x40] =	vst v50;
	v53 =	vmul.f32 v47, v29;
	v47 =	vld [tilespmem:s1+$0x10]  }
0x6bb: {  	[tilespmem:s10+$0xFFFFFF60] =	vst v60;
	v55 =	vld [tilespmem:s16+$0x50]  }
0x6bc: {  	[tilespmem:s9+$0xFFFFFFB0] =	vst v31;
	v31 =	vmul.f32 v46, v61;
	v46 =	vld [tilespmem:s1+$0x0]  }
0x6bd: {  	v52 =	vld [tilespmem:s16+$0xFFFFFFD0];
	[tilespmem:s9+$0x160] =	vst v53  }
0x6be: {  	v25 =	vor.u32 $0x3, v25;
	[tilespmem:s9+$0xD0] =	vst v31;
	v35 =	vld [tilespmem:s16+$0x150]  }
0x6bf: {  	v28 =	vor.u32 $0x3, v28;
	v31 =	vmul.f32 v48, v34;
	[tilespmem:s10+$0xFFFFFFF0] =	vst v45;
	v45 =	vld.idx.msk [tilespmem:v42+s2+$0x0], $0xffff  }
0x6c0: {  	v56 =	vld [tilespmem:s16+$0xD0];
	v32 =	vmul.f32 v49, v32  }
0x6c1: {  	v26 =	vor.u32 $0x3, v26;
	[tilespmem:s9+$0xFFFFFE00] =	vst v31;
	v2 =	vmul.f32 v51, v2;
	v49 =	vld [tilespmem:s1+$0x20]  }
0x6c2: {  	v58 =	vld [tilespmem:s16+$0xFFFFFE50];
	v1 =	vmul.f32 v55, v1;
	[tilespmem:s9+$0xFFFFFEA0] =	vst v32  }
0x6c3: {  	v27 =	vor.u32 $0x3, v27;
	v30 =	vmul.f32 v52, v30;
	[tilespmem:s9+$0xFFFFFF30] =	vst v2;
	v31 =	vld.idx.msk [tilespmem:v25+s2+$0x0], $0xffff  }
0x6c4: {  	v28 =	vld.idx.msk [tilespmem:v28+s2+$0x0], $0xffff;
	[tilespmem:s9+$0x50] =	vst v1;
	v1 =	vmul.f32 v35, v29  }
0x6c5: {  	v23 =	vor.u32 $0x3, v23;
	[tilespmem:s9+$0xFFFFFFC0] =	vst v30;
	v2 =	vmul.f32 v56, v61;
	v33 =	vld.idx.msk [tilespmem:v57+s2+$0x0], $0xffff  }
0x6c6: {  	v32 =	vld.idx.msk [tilespmem:v26+s2+$0x0], $0xffff;
	[tilespmem:s9+$0x170] =	vst v1  }
0x6c7: {  	v1 =	vor.u32 $0x3, v21;
	[tilespmem:s9+$0xE0] =	vst v2;
	v2 =	vld [tilespmem:s16+$0xFFFFFEE0]  }
0x6c8: {  	s8 =	simm.s32 $0xB0;
	v30 =	vld.idx.msk [tilespmem:v27+s2+$0x0], $0xffff  }
0x6c9: {  	v43 =	vmov s8;
	v21 =	vmul.f32 v58, v34;
	v27 =	vld [tilespmem:s16+$0xFFFFFFE0]  }
0x6ca: {  	v29 =	vld.idx.msk [tilespmem:v23+s2+$0x0], $0xffff  }
0x6cb: {  	s12 =	simm.s32 $0xC0;
	v23 =	vld [tilespmem:s16+$0xFFFFFF60];
	[tilespmem:s9+$0xFFFFFE10] =	vst v21  }
0x6cc: {  	v39 =	vmov s12;
	v21 =	vld.idx.msk [tilespmem:v1+s2+$0x0], $0xffff;
	v1 =	vmul.f32 v2, v31  }
0x6cd: {  	[tilespmem:s10+$0x80] =	vst v46;
	v59 =	vld [tilespmem:s16+$0x60]  }
0x6ce: {  	s15 =	simm.s32 $0x16AC0;
	v46 =	vld.idx.msk [tilespmem:v43+s2+$0x0], $0xffff;
	[tilespmem:s9+$0xFFFFFEB0] =	vst v1;
	v1 =	vmul.f32 v27, v32  }
0x6cf: {  	v55 =	vld [tilespmem:s15+$0xFFFFFF00]  }
0x6d0: {  	s21 =	simm.s32 $0xF0;
	v2 =	vmul.f32 v23, v28;
	[tilespmem:s9+$0xFFFFFFD0] =	vst v1;
	v1 =	vld [tilespmem:s1+$0x30]  }
0x6d1: {  	v44 =	vmov s21;
	[tilespmem:s10+$0x110] =	vst v47;
	v47 =	vld.idx.msk [tilespmem:v39+s2+$0x0], $0xffff  }
0x6d2: {  	v61 =	vld [tilespmem:s15+$0xFFFFFF80];
	[tilespmem:s9+$0xFFFFFF40] =	vst v2;
	v2 =	vmul.f32 v59, v33  }
0x6d3: {  	v56 =	vld [tilespmem:s15+$0x0]  }
0x6d4: {  	v57 =	vld [tilespmem:s15+$0x80];
	[tilespmem:s9+$0x60] =	vst v2  }
0x6d5: {  	s28 =	simm.s32 $0x90;
	v2 =	vld [tilespmem:s1+$0xFFFFFFD0];
	[tilespmem:s10+$0x230] =	vst v1  }
0x6d6: {  	v41 =	vmov s28;
	v1 =	vld.idx.msk [tilespmem:v44+s2+$0x0], $0xffff  }
0x6d7: {  	v48 =	vld [tilespmem:s15+$0x180]  }
0x6d8: {  	v25 =	vld [tilespmem:s16+$0x160]  }
0x6d9: {  	v26 =	vld [tilespmem:s16+$0xE0]  }
0x6da: {  	s13 =	simm.s32 $0xD0;
	[tilespmem:s10+$0xFFFFFED0] =	vst v2;
	v2 =	vld [tilespmem:s1+$0xFFFFFFC0]  }
0x6db: {  	s28 =	simm.s32 $0x80;
	v27 =	vmov s13;
	v50 =	vld.idx.msk [tilespmem:v41+s2+$0x0], $0xffff  }
0x6dc: {  	v38 =	vmov s28;
	v54 =	vld [tilespmem:s15+$0xFFFFFE80];
	v48 =	vmul.f32 v48, v1  }
0x6dd: {  	s21 =	simm.s32 $0xE0;
	v23 =	vld [tilespmem:s16+$0xFFFFFE60]  }
0x6de: {  	v40 =	vmov s21;
	v37 =	vld [tilespmem:s16+$0xFFFFFEF0];
	[tilespmem:s10+$0x1B0] =	vst v48  }
0x6df: {  	v48 =	vld [tilespmem:s15+$0x190]  }
0x6e0: {  	v51 =	vld.idx.msk [tilespmem:v27+s2+$0x0], $0xffff;
	[tilespmem:s10+$0xFFFFFE40] =	vst v2  }
0x6e1: {  	[tilespmem:s10+$0x1A0] =	vst v49;
	v49 =	vld.idx.msk [tilespmem:v38+s2+$0x0], $0xffff;
	v62 =	vmul.f32 v54, v50  }
0x6e2: {  	v53 =	vor.u32 $0x1, v44;
	v60 =	vmul.f32 v56, v47;
	v52 =	vld [tilespmem:s15+$0xFFFFFE00]  }
0x6e3: {  	v55 =	vmul.f32 v55, v45;
	v2 =	vld.idx.msk [tilespmem:v40+s2+$0x0], $0xffff;
	[tilespmem:s10+$0xFFFFFE50] =	vst v62  }
0x6e4: {  	[tilespmem:s10+$0x0] =	vst v60;
	v58 =	vld [tilespmem:s15+$0xFFFFFE90];
	v1 =	vmul.f32 v48, v1  }
0x6e5: {  	[tilespmem:s10+$0xFFFFFEE0] =	vst v55;
	v62 =	vld [tilespmem:s15+$0x10]  }
0x6e6: {  	v48 =	vmul.f32 v61, v46;
	v61 =	vld [tilespmem:s15+$0xFFFFFF10];
	[tilespmem:s10+$0x1C0] =	vst v1  }
0x6e7: {  	v52 =	vmul.f32 v52, v49;
	v1 =	vld.idx.msk [tilespmem:v53+s2+$0x0], $0xffff  }
0x6e8: {  	v55 =	vor.u32 $0x1, v41;
	v63 =	vld [tilespmem:s15+$0x1A0]  }
0x6e9: {  	[tilespmem:s10+$0xFFFFFDC0] =	vst v52;
	v50 =	vmul.f32 v58, v50;
	v53 =	vld [tilespmem:s15+$0x100]  }
0x6ea: {  	v35 =	vld [tilespmem:s16+$0xFFFFFF70];
	v47 =	vmul.f32 v62, v47;
	[tilespmem:s10+$0xFFFFFF70] =	vst v48  }
0x6eb: {  	v48 =	vld [tilespmem:s15+$0xFFFFFF90];
	[tilespmem:s10+$0xFFFFFE60] =	vst v50;
	v45 =	vmul.f32 v61, v45  }
0x6ec: {  	v59 =	vor.u32 $0x1, v42;
	[tilespmem:s10+$0x10] =	vst v47;
	v47 =	vld [tilespmem:s15+$0xFFFFFEA0]  }
0x6ed: {  	v57 =	vmul.f32 v57, v51;
	[tilespmem:s10+$0xFFFFFEF0] =	vst v45;
	v45 =	vld.idx.msk [tilespmem:v55+s2+$0x0], $0xffff  }
0x6ee: {  	v54 =	vmul.f32 v63, v1;
	v63 =	vld [tilespmem:s15+$0xFFFFFE10];
	v53 =	vmul.f32 v53, v2  }
0x6ef: {  	v36 =	vld [tilespmem:s16+$0xFFFFFFF0];
	[tilespmem:s10+$0x90] =	vst v57;
	v58 =	vor.u32 $0x1, v43  }
0x6f0: {  	v56 =	vor.u32 $0x1, v39;
	[tilespmem:s10+$0x120] =	vst v53;
	v53 =	vld [tilespmem:s15+$0x90]  }
0x6f1: {  	v46 =	vmul.f32 v48, v46;
	[tilespmem:s10+$0x1D0] =	vst v54;
	v54 =	vld.idx.msk [tilespmem:v59+s2+$0x0], $0xffff  }
0x6f2: {  	v60 =	vor.u32 $0x1, v38;
	v57 =	vld [tilespmem:s15+$0x1B0];
	v47 =	vmul.f32 v47, v45  }
0x6f3: {  	[tilespmem:s10+$0xFFFFFF80] =	vst v46;
	v61 =	vld [tilespmem:s15+$0x110];
	v49 =	vmul.f32 v63, v49  }
0x6f4: {  	v55 =	vld.idx.msk [tilespmem:v58+s2+$0x0], $0xffff;
	[tilespmem:s10+$0xFFFFFE70] =	vst v47  }
0x6f5: {  	v62 =	vor.u32 $0x2, v44;
	[tilespmem:s10+$0xFFFFFDD0] =	vst v49;
	v49 =	vld.idx.msk [tilespmem:v56+s2+$0x0], $0xffff  }
0x6f6: {  	v52 =	vld [tilespmem:s15+$0xFFFFFEB0]  }
0x6f7: {  	v1 =	vmul.f32 v57, v1;
	v50 =	vld.idx.msk [tilespmem:v60+s2+$0x0], $0xffff  }
0x6f8: {  	v63 =	vor.u32 $0x1, v27;
	v60 =	vld [tilespmem:s15+$0xFFFFFF20]  }
0x6f9: {  	[tilespmem:s10+$0x1E0] =	vst v1;
	v1 =	vmul.f32 v61, v2;
	v61 =	vld [tilespmem:s15+$0xFFFFFFA0]  }
0x6fa: {  	v58 =	vor.u32 $0x1, v40;
	v51 =	vmul.f32 v53, v51;
	v2 =	vld.idx.msk [tilespmem:v62+s2+$0x0], $0xffff  }
0x6fb: {  	v59 =	vld [tilespmem:s15+$0x1C0]  }
0x6fc: {  	[tilespmem:s10+$0xA0] =	vst v51;
	v62 =	vld [tilespmem:s15+$0x20]  }
0x6fd: {  	[tilespmem:s10+$0x130] =	vst v1;
	v1 =	vld.idx.msk [tilespmem:v63+s2+$0x0], $0xffff  }
0x6fe: {  	v63 =	vld [tilespmem:s15+$0xA0]  }
0x6ff: {  	v46 =	vld.idx.msk [tilespmem:v58+s2+$0x0], $0xffff;
	v51 =	vmul.f32 v60, v54  }
0x700: {  	v57 =	vld [tilespmem:s15+$0x120];
	v60 =	vmul.f32 v61, v55  }
0x701: {  	v47 =	vor.u32 $0x2, v41;
	v45 =	vmul.f32 v52, v45;
	v58 =	vld [tilespmem:s15+$0xFFFFFE20];
	[tilespmem:s10+$0xFFFFFF00] =	vst v51  }
0x702: {  	v48 =	vmul.f32 v59, v2;
	v53 =	vld [tilespmem:s15+$0xFFFFFF30];
	[tilespmem:s10+$0xFFFFFF90] =	vst v60  }
0x703: {  	[tilespmem:s10+$0xFFFFFE80] =	vst v45;
	v61 =	vmul.f32 v62, v49;
	v62 =	vmul.f32 v63, v1;
	v63 =	vld [tilespmem:s15+$0xFFFFFFB0]  }
0x704: {  	v34 =	vld [tilespmem:s16+$0x70];
	[tilespmem:s10+$0x1F0] =	vst v48  }
0x705: {  	[tilespmem:s10+$0x20] =	vst v61;
	v60 =	vmul.f32 v57, v46;
	v48 =	vld [tilespmem:s15+$0x1D0]  }
0x706: {  	v52 =	vor.u32 $0x2, v43;
	v47 =	vld.idx.msk [tilespmem:v47+s2+$0x0], $0xffff;
	v58 =	vmul.f32 v58, v50;
	[tilespmem:s10+$0xB0] =	vst v62  }
0x707: {  	v61 =	vld [tilespmem:s15+$0xB0];
	[tilespmem:s10+$0x140] =	vst v60  }
0x708: {  	v44 =	vor.u32 $0x3, v44;
	[tilespmem:s10+$0xFFFFFDE0] =	vst v58;
	v53 =	vmul.f32 v53, v54;
	v54 =	vld [tilespmem:s15+$0x130];
	v55 =	vmul.f32 v63, v55  }
0x709: {  	v63 =	vld [tilespmem:s15+$0xFFFFFE30]  }
0x70a: {  	v62 =	vor.u32 $0x2, v27;
	v2 =	vmul.f32 v48, v2;
	v48 =	vld [tilespmem:s15+$0x30];
	[tilespmem:s10+$0xFFFFFFA0] =	vst v55  }
0x70b: {  	v52 =	vld.idx.msk [tilespmem:v52+s2+$0x0], $0xffff  }
0x70c: {  	v1 =	vmul.f32 v61, v1;
	[tilespmem:s10+$0x200] =	vst v2;
	v57 =	vld [tilespmem:s15+$0xFFFFFFC0]  }
0x70d: {  	v60 =	vor.u32 $0x2, v40;
	v44 =	vld.idx.msk [tilespmem:v44+s2+$0x0], $0xffff  }
0x70e: {  	v51 =	vld [tilespmem:s15+$0x1E0];
	[tilespmem:s10+$0xC0] =	vst v1  }
0x70f: {  	v46 =	vmul.f32 v54, v46;
	v45 =	vld.idx.msk [tilespmem:v62+s2+$0x0], $0xffff  }
0x710: {  	[tilespmem:s10+$0xFFFFFF10] =	vst v53;
	v2 =	vor.u32 $0x2, v42;
	v62 =	vld [tilespmem:s15+$0xFFFFFEC0]  }
0x711: {  	v26 =	vmul.f32 v26, v29;
	v58 =	vor.u32 $0x2, v39;
	v50 =	vmul.f32 v63, v50;
	[tilespmem:s10+$0x150] =	vst v46;
	v63 =	vld [tilespmem:s15+$0xFFFFFF40]  }
0x712: {  	v48 =	vmul.f32 v48, v49;
	v49 =	vld.idx.msk [tilespmem:v60+s2+$0x0], $0xffff  }
0x713: {  	[tilespmem:s9+$0xF0] =	vst v26;
	v61 =	vor.u32 $0x2, v38;
	v59 =	vld [tilespmem:s15+$0x140]  }
0x714: {  	v60 =	vld [tilespmem:s16+$0xF0]  }
0x715: {  	v2 =	vld.idx.msk [tilespmem:v2+s2+$0x0], $0xffff;
	[tilespmem:s10+$0x30] =	vst v48  }
0x716: {  	v22 =	vmul.f32 v24, v22;
	v1 =	vld.idx.msk [tilespmem:v58+s2+$0x0], $0xffff  }
0x717: {  	v25 =	vmul.f32 v25, v30;
	[tilespmem:s10+$0xFFFFFDF0] =	vst v50;
	v24 =	vld [tilespmem:s15+$0x40]  }
0x718: {  	[tilespmem:s9+$0x220] =	vst v22;
	v48 =	vld.idx.msk [tilespmem:v61+s2+$0x0], $0xffff;
	v51 =	vmul.f32 v51, v44  }
0x719: {  	[tilespmem:s9+$0x180] =	vst v25;
	v26 =	vld [tilespmem:s15+$0xFFFFFE40];
	v22 =	vmul.f32 v62, v47  }
0x71a: {  	v58 =	vld [tilespmem:s15+$0xC0];
	[tilespmem:s10+$0x210] =	vst v51;
	v51 =	vmul.f32 v63, v2  }
0x71b: {  	v46 =	vld [tilespmem:s15+$0x1F0];
	[tilespmem:s10+$0xFFFFFE90] =	vst v22;
	v22 =	vmul.f32 v57, v52  }
0x71c: {  	v61 =	vld [tilespmem:s15+$0xFFFFFED0];
	v24 =	vmul.f32 v24, v1;
	[tilespmem:s10+$0xFFFFFF20] =	vst v51  }
0x71d: {  	v31 =	vmul.f32 v37, v31;
	[tilespmem:s10+$0xFFFFFFB0] =	vst v22;
	v22 =	vld [tilespmem:s15+$0xFFFFFF50]  }
0x71e: {  	v50 =	vmul.f32 v59, v49;
	[tilespmem:s10+$0x40] =	vst v24;
	v24 =	vld [tilespmem:s15+$0xFFFFFFD0]  }
0x71f: {  	[tilespmem:s9+$0xFFFFFEC0] =	vst v31;
	v41 =	vor.u32 $0x3, v41;
	v54 =	vmul.f32 v58, v45;
	v62 =	vld [tilespmem:s15+$0x50]  }
0x720: {  	v57 =	vld [tilespmem:s16+$0x170];
	v26 =	vmul.f32 v26, v48;
	[tilespmem:s10+$0x160] =	vst v50  }
0x721: {  	v42 =	vor.u32 $0x3, v42;
	v55 =	vld [tilespmem:s15+$0x150];
	[tilespmem:s10+$0xD0] =	vst v54;
	v51 =	vmul.f32 v61, v47  }
0x722: {  	[tilespmem:s10+$0xFFFFFE00] =	vst v26;
	v26 =	vor.u32 $0x3, v43;
	v63 =	vld [tilespmem:s15+$0xD0];
	v2 =	vmul.f32 v22, v2  }
0x723: {  	[tilespmem:s10+$0xFFFFFEA0] =	vst v51;
	v22 =	vld [tilespmem:s15+$0xFFFFFE50];
	v25 =	vmul.f32 v24, v52  }
0x724: {  	v39 =	vor.u32 $0x3, v39;
	v24 =	vld.idx.msk [tilespmem:v41+s2+$0x0], $0xffff;
	v1 =	vmul.f32 v62, v1;
	[tilespmem:s10+$0xFFFFFF30] =	vst v2  }
0x725: {  	v31 =	vld [tilespmem:s15+$0xFFFFFEE0];
	[tilespmem:s10+$0xFFFFFFC0] =	vst v25  }
0x726: {  	v2 =	vor.u32 $0x3, v40;
	v25 =	vld.idx.msk [tilespmem:v42+s2+$0x0], $0xffff;
	[tilespmem:s10+$0x50] =	vst v1;
	v1 =	vmul.f32 v55, v49  }
0x727: {  	v56 =	vor.u32 $0x3, v27;
	v27 =	vmul.f32 v63, v45;
	v26 =	vld.idx.msk [tilespmem:v26+s2+$0x0], $0xffff  }
0x728: {  	v59 =	vld [tilespmem:s15+$0xFFFFFFE0];
	[tilespmem:s10+$0x170] =	vst v1;
	v1 =	vmul.f32 v23, v21  }
0x729: {  	[tilespmem:s10+$0xE0] =	vst v27;
	v27 =	vld.idx.msk [tilespmem:v39+s2+$0x0], $0xffff;
	v22 =	vmul.f32 v22, v48  }
0x72a: {  	v29 =	vmul.f32 v60, v29;
	v60 =	vld [tilespmem:s15+$0x60];
	[tilespmem:s9+$0xFFFFFE20] =	vst v1;
	v1 =	vmul.f32 v35, v28  }
0x72b: {  	v38 =	vor.u32 $0x3, v38;
	[tilespmem:s10+$0xFFFFFE10] =	vst v22;
	v22 =	vld.idx.msk [tilespmem:v2+s2+$0x0], $0xffff;
	v2 =	vmul.f32 v36, v32  }
0x72c: {  	[tilespmem:s9+$0xFFFFFF50] =	vst v1;
	v1 =	vld [tilespmem:s15+$0xFFFFFF60]  }
0x72d: {  	v61 =	vld [tilespmem:s15+$0xE0];
	[tilespmem:s9+$0xFFFFFFE0] =	vst v2;
	v2 =	vmul.f32 v46, v44  }
0x72e: {  	[tilespmem:s9+$0x100] =	vst v29;
	v23 =	vld.idx.msk [tilespmem:v56+s2+$0x0], $0xffff;
	v29 =	vmul.f32 v31, v24  }
0x72f: {  	v62 =	vld [tilespmem:s15+$0x160];
	[tilespmem:s10+$0x220] =	vst v2;
	v2 =	vmul.f32 v57, v30  }
0x730: {  	[tilespmem:s10+$0xFFFFFEB0] =	vst v29;
	v28 =	vld.idx.msk [tilespmem:v38+s2+$0x0], $0xffff;
	v30 =	vmul.f32 v59, v26  }
0x731: {  	[tilespmem:s9+$0x190] =	vst v2;
	v2 =	vld [tilespmem:s15+$0xFFFFFE60];
	v1 =	vmul.f32 v1, v25  }
0x732: {  	v58 =	vmul.f32 v34, v33;
	v33 =	vld [tilespmem:s16+$0xFFFFFE70];
	[tilespmem:s10+$0xFFFFFFD0] =	vst v30  }
0x733: {  	v29 =	vld [tilespmem:s15+$0xFFFFFEF0];
	[tilespmem:s10+$0xFFFFFF40] =	vst v1;
	v1 =	vmul.f32 v60, v27  }
0x734: {  	[tilespmem:s9+$0x70] =	vst v58;
	v63 =	vmul.f32 v61, v23;
	v31 =	vld [tilespmem:s15+$0xFFFFFFF0]  }
0x735: {  	s12 =	simm.s32 $0x1CA00;
	v35 =	vmul.f32 v62, v22;
	v30 =	vld [tilespmem:s15+$0xFFFFFF70];
	[tilespmem:s10+$0x60] =	vst v1  }
0x736: {  	s13 =	simm.s32 $0x18;
	s1 =	simm.s32 $0x100;
	s16 =	simm.s32 $0x16AC0;
	[tilespmem:s10+$0xF0] =	vst v63;
	v34 =	vmul.f32 v2, v28;
	v32 =	vld [tilespmem:s15+$0x70]  }
.LBB2_8:
0x737: {  	p0 =	slt.u32 s13, $0x48;
	v1 =	vmov s1;
	s3 =	sadd.s32 $0x10, s1;
	v2 =	vld [tilespmem:s12+$0x30];
	s4 =	sadd.s32 $0x70, s1;
	[tilespmem:s10+$0x180] =	vst v35;
	v33 =	vmul.f32 v33, v21;
	v21 =	vmov v28  }
0x738: {  	s21 =	sadd.s32 $0x30, s1;
	s28 =	sadd.s32 $0x40, s1;
	v47 =	vor.u32 $0x1, v1;
	v28 =	vld [tilespmem:s12+$0xFFFFFFD0];
	v54 =	vmov s3;
	s3 =	sadd.s32 $0x20, s1;
	v46 =	vmov s4;
	[tilespmem:s10+$0xFFFFFE20] =	vst v34  }
0x739: {  	v56 =	vmov s21;
	v57 =	vmov s28;
	v34 =	vld [tilespmem:s12+$0xFFFFFFE0];
	v55 =	vmov s3;
	s3 =	sadd.s32 $0x50, s1;
	s1 =	sadd.s32 $0x60, s1  }
0x73a: {  	v52 =	vor.u32 $0x1, v54;
	v35 =	vld [tilespmem:s12+$0xFFFFFFF0];
	v58 =	vmov s3;
	v59 =	vmov s1;
	[tilespmem:s9+$0xFFFFFE30] =	vst v33;
	s9 =	smov.u32 s10  }
0x73b: {  	v51 =	vor.u32 $0x1, v56;
	v50 =	vor.u32 $0x1, v57;
	v53 =	vor.u32 $0x1, v55;
	s10 =	sadd.s32 $0x480, s10;
	v33 =	vld [tilespmem:s12+$0x0]  }
0x73c: {  	v42 =	vor.u32 $0x2, v54;
	v49 =	vor.u32 $0x1, v58;
	v48 =	vor.u32 $0x1, v59;
	v60 =	vld [tilespmem:s12+$0x10];
	[tilespmem:s10+$0x230] =	vst v2  }
0x73d: {  	s15 =	sadd.s32 $0x400, s15;
	v44 =	vor.u32 $0x2, v56;
	v41 =	vor.u32 $0x2, v57;
	v45 =	vor.u32 $0x2, v55;
	[tilespmem:s10+$0xFFFFFED0] =	vst v28;
	v2 =	vld.idx.msk [tilespmem:v46+s2+$0x0], $0xffff  }
0x73e: {  	v39 =	vor.u32 $0x2, v1;
	v43 =	vor.u32 $0x2, v58;
	v40 =	vor.u32 $0x2, v59;
	[tilespmem:s10+$0xFFFFFF60] =	vst v34;
	v61 =	vld [tilespmem:s15+$0x180]  }
0x73f: {  	v38 =	vor.u32 $0x3, v54;
	v37 =	vor.u32 $0x3, v55;
	[tilespmem:s10+$0xFFFFFFF0] =	vst v35;
	v35 =	vor.u32 $0x3, v56;
	v62 =	vld [tilespmem:s12+$0x20]  }
0x740: {  	v36 =	vor.u32 $0x3, v57;
	v34 =	vor.u32 $0x3, v58;
	v63 =	vld [tilespmem:s12+$0xFFFFFFC0];
	[tilespmem:s10+$0x80] =	vst v33;
	v33 =	vor.u32 $0x3, v59  }
0x741: {  	v24 =	vmul.f32 v29, v24;
	v25 =	vmul.f32 v30, v25;
	v28 =	vor.u32 $0x3, v1;
	v54 =	vld.idx.msk [tilespmem:v54+s2+$0x0], $0xffff;
	[tilespmem:s10+$0x110] =	vst v60  }
0x742: {  	v26 =	vmul.f32 v31, v26;
	v27 =	vmul.f32 v32, v27;
	v29 =	vld.idx.msk [tilespmem:v55+s2+$0x0], $0xffff  }
0x743: {  	v30 =	vld.idx.msk [tilespmem:v56+s2+$0x0], $0xffff;
	v31 =	vmul.f32 v61, v2;
	[tilespmem:s9+$0xFFFFFEC0] =	vst v24  }
0x744: {  	v24 =	vld.idx.msk [tilespmem:v57+s2+$0x0], $0xffff;
	[tilespmem:s10+$0x1A0] =	vst v62  }
0x745: {  	v32 =	vld.idx.msk [tilespmem:v58+s2+$0x0], $0xffff;
	[tilespmem:s10+$0x1B0] =	vst v31  }
0x746: {  	[tilespmem:s10+$0xFFFFFE40] =	vst v63;
	v31 =	vld [tilespmem:s15+$0x190]  }
0x747: {  	v55 =	vld.idx.msk [tilespmem:v59+s2+$0x0], $0xffff;
	[tilespmem:s9+$0xFFFFFF50] =	vst v25  }
0x748: {  	v1 =	vld.idx.msk [tilespmem:v1+s2+$0x0], $0xffff;
	[tilespmem:s9+$0xFFFFFFE0] =	vst v26  }
0x749: {  	v26 =	vor.u32 $0x1, v46;
	v25 =	vld [tilespmem:s15+$0xFFFFFE00];
	[tilespmem:s9+$0x70] =	vst v27  }
0x74a: {  	v27 =	vld [tilespmem:s15+$0xFFFFFE80]  }
0x74b: {  	v56 =	vld [tilespmem:s15+$0xFFFFFF00];
	v2 =	vmul.f32 v31, v2  }
0x74c: {  	v31 =	vld [tilespmem:s15+$0xFFFFFF80]  }
0x74d: {  	v57 =	vld [tilespmem:s15+$0x0];
	[tilespmem:s10+$0x1C0] =	vst v2  }
0x74e: {  	v2 =	vmul.f32 v25, v1;
	v25 =	vld.idx.msk [tilespmem:v26+s2+$0x0], $0xffff  }
0x74f: {  	v26 =	vmul.f32 v27, v54;
	v27 =	vld [tilespmem:s15+$0x1A0]  }
0x750: {  	[tilespmem:s10+$0xFFFFFDC0] =	vst v2;
	v2 =	vmul.f32 v56, v29;
	v56 =	vld [tilespmem:s15+$0x80]  }
0x751: {  	[tilespmem:s10+$0xFFFFFE50] =	vst v26;
	v26 =	vmul.f32 v31, v30;
	v31 =	vld [tilespmem:s15+$0x100]  }
0x752: {  	v58 =	vld [tilespmem:s15+$0xFFFFFE90];
	[tilespmem:s10+$0xFFFFFEE0] =	vst v2;
	v2 =	vmul.f32 v57, v24  }
0x753: {  	v57 =	vld [tilespmem:s15+$0xFFFFFF10];
	[tilespmem:s10+$0xFFFFFF70] =	vst v26  }
0x754: {  	v26 =	vld [tilespmem:s15+$0xFFFFFF90];
	[tilespmem:s10+$0x0] =	vst v2;
	v2 =	vmul.f32 v27, v25  }
0x755: {  	v27 =	vld [tilespmem:s15+$0x10];
	v56 =	vmul.f32 v56, v32  }
0x756: {  	v59 =	vld [tilespmem:s15+$0xFFFFFE10];
	v31 =	vmul.f32 v31, v55;
	[tilespmem:s10+$0x1D0] =	vst v2  }
0x757: {  	v2 =	vmul.f32 v58, v54;
	[tilespmem:s10+$0x90] =	vst v56;
	v54 =	vld [tilespmem:s15+$0x1B0]  }
0x758: {  	v29 =	vmul.f32 v57, v29;
	v56 =	vld [tilespmem:s15+$0x90];
	[tilespmem:s10+$0x120] =	vst v31  }
0x759: {  	[tilespmem:s10+$0xFFFFFE60] =	vst v2;
	v2 =	vmul.f32 v26, v30;
	v26 =	vld [tilespmem:s15+$0x110]  }
0x75a: {  	v30 =	vld.idx.msk [tilespmem:v52+s2+$0x0], $0xffff;
	[tilespmem:s10+$0xFFFFFEF0] =	vst v29;
	v24 =	vmul.f32 v27, v24;
	v27 =	vor.u32 $0x2, v46  }
0x75b: {  	v1 =	vmul.f32 v59, v1;
	v29 =	vld.idx.msk [tilespmem:v53+s2+$0x0], $0xffff;
	[tilespmem:s10+$0xFFFFFF80] =	vst v2  }
0x75c: {  	v2 =	vld.idx.msk [tilespmem:v51+s2+$0x0], $0xffff;
	[tilespmem:s10+$0x10] =	vst v24;
	v24 =	vmul.f32 v54, v25  }
0x75d: {  	[tilespmem:s10+$0xFFFFFDD0] =	vst v1;
	v1 =	vld.idx.msk [tilespmem:v50+s2+$0x0], $0xffff;
	v25 =	vmul.f32 v56, v32  }
0x75e: {  	v31 =	vld.idx.msk [tilespmem:v47+s2+$0x0], $0xffff;
	v26 =	vmul.f32 v26, v55;
	[tilespmem:s10+$0x1E0] =	vst v24  }
0x75f: {  	[tilespmem:s10+$0xA0] =	vst v25;
	v24 =	vld.idx.msk [tilespmem:v27+s2+$0x0], $0xffff  }
0x760: {  	[tilespmem:s10+$0x130] =	vst v26;
	v25 =	vld [tilespmem:s15+$0x1C0]  }
0x761: {  	v26 =	vld.idx.msk [tilespmem:v49+s2+$0x0], $0xffff  }
0x762: {  	v27 =	vld.idx.msk [tilespmem:v48+s2+$0x0], $0xffff  }
0x763: {  	v32 =	vld [tilespmem:s15+$0xFFFFFEA0]  }
0x764: {  	v47 =	vld [tilespmem:s15+$0xFFFFFF20]  }
0x765: {  	v48 =	vld [tilespmem:s15+$0xFFFFFFA0];
	v25 =	vmul.f32 v25, v24  }
0x766: {  	v49 =	vld [tilespmem:s15+$0x20]  }
0x767: {  	v50 =	vld [tilespmem:s15+$0xA0];
	[tilespmem:s10+$0x1F0] =	vst v25  }
0x768: {  	v25 =	vmul.f32 v32, v30;
	v32 =	vld [tilespmem:s15+$0x1D0]  }
0x769: {  	v47 =	vmul.f32 v47, v29;
	v51 =	vld [tilespmem:s15+$0x120]  }
0x76a: {  	v52 =	vld [tilespmem:s15+$0xFFFFFE20];
	[tilespmem:s10+$0xFFFFFE70] =	vst v25;
	v25 =	vmul.f32 v48, v2  }
0x76b: {  	v46 =	vor.u32 $0x3, v46;
	v48 =	vld [tilespmem:s15+$0xFFFFFEB0];
	[tilespmem:s10+$0xFFFFFF00] =	vst v47;
	v47 =	vmul.f32 v49, v1  }
0x76c: {  	v49 =	vld [tilespmem:s15+$0xFFFFFF30];
	[tilespmem:s10+$0xFFFFFF90] =	vst v25;
	v25 =	vmul.f32 v50, v26  }
0x76d: {  	v50 =	vld [tilespmem:s15+$0xFFFFFFB0];
	[tilespmem:s10+$0x20] =	vst v47;
	v24 =	vmul.f32 v32, v24  }
0x76e: {  	v32 =	vld [tilespmem:s15+$0x30];
	[tilespmem:s10+$0xB0] =	vst v25;
	v25 =	vmul.f32 v51, v27  }
0x76f: {  	v47 =	vmul.f32 v52, v31;
	v51 =	vld [tilespmem:s15+$0xB0];
	[tilespmem:s10+$0x200] =	vst v24  }
0x770: {  	v24 =	vmul.f32 v48, v30;
	[tilespmem:s10+$0x140] =	vst v25;
	v25 =	vld.idx.msk [tilespmem:v46+s2+$0x0], $0xffff  }
0x771: {  	[tilespmem:s10+$0xFFFFFDE0] =	vst v47;
	v29 =	vmul.f32 v49, v29;
	v30 =	vld [tilespmem:s15+$0x1E0]  }
0x772: {  	[tilespmem:s10+$0xFFFFFE80] =	vst v24;
	v2 =	vmul.f32 v50, v2;
	v24 =	vld [tilespmem:s15+$0x130]  }
0x773: {  	v46 =	vld [tilespmem:s15+$0xFFFFFE30];
	[tilespmem:s10+$0xFFFFFF10] =	vst v29;
	v1 =	vmul.f32 v32, v1  }
0x774: {  	v29 =	vld.idx.msk [tilespmem:v42+s2+$0x0], $0xffff;
	[tilespmem:s10+$0xFFFFFFA0] =	vst v2;
	v2 =	vmul.f32 v51, v26  }
0x775: {  	v26 =	vld.idx.msk [tilespmem:v45+s2+$0x0], $0xffff;
	[tilespmem:s10+$0x30] =	vst v1  }
0x776: {  	v1 =	vld.idx.msk [tilespmem:v44+s2+$0x0], $0xffff;
	[tilespmem:s10+$0xC0] =	vst v2;
	v2 =	vmul.f32 v30, v25  }
0x777: {  	v30 =	vld.idx.msk [tilespmem:v41+s2+$0x0], $0xffff;
	v24 =	vmul.f32 v24, v27  }
0x778: {  	v27 =	vmul.f32 v46, v31;
	v31 =	vld.idx.msk [tilespmem:v43+s2+$0x0], $0xffff;
	[tilespmem:s10+$0x210] =	vst v2  }
0x779: {  	[tilespmem:s10+$0x150] =	vst v24;
	v2 =	vld [tilespmem:s15+$0x1F0]  }
0x77a: {  	[tilespmem:s10+$0xFFFFFDF0] =	vst v27;
	v27 =	vld.idx.msk [tilespmem:v40+s2+$0x0], $0xffff  }
0x77b: {  	v32 =	vld.idx.msk [tilespmem:v39+s2+$0x0], $0xffff  }
0x77c: {  	v24 =	vld [tilespmem:s15+$0xFFFFFEC0]  }
0x77d: {  	v39 =	vld [tilespmem:s15+$0xFFFFFF40]  }
0x77e: {  	v40 =	vld [tilespmem:s15+$0xFFFFFFC0];
	v2 =	vmul.f32 v2, v25  }
0x77f: {  	v25 =	vld [tilespmem:s15+$0x40]  }
0x780: {  	v41 =	vld [tilespmem:s15+$0xC0];
	[tilespmem:s10+$0x220] =	vst v2  }
0x781: {  	v2 =	vmul.f32 v24, v29;
	v24 =	vld [tilespmem:s15+$0x140]  }
0x782: {  	v42 =	vld [tilespmem:s15+$0xFFFFFE40];
	v39 =	vmul.f32 v39, v26  }
0x783: {  	[tilespmem:s10+$0xFFFFFE90] =	vst v2;
	v2 =	vmul.f32 v40, v1;
	v40 =	vld [tilespmem:s16+$0xF0]  }
0x784: {  	v43 =	vld [tilespmem:s15+$0xFFFFFED0];
	[tilespmem:s10+$0xFFFFFF20] =	vst v39;
	v25 =	vmul.f32 v25, v30  }
0x785: {  	v39 =	vld [tilespmem:s15+$0xFFFFFF50];
	[tilespmem:s10+$0xFFFFFFB0] =	vst v2;
	v2 =	vmul.f32 v41, v31  }
0x786: {  	v41 =	vld [tilespmem:s15+$0xFFFFFFD0];
	[tilespmem:s10+$0x40] =	vst v25;
	v24 =	vmul.f32 v24, v27  }
0x787: {  	v25 =	vmul.f32 v42, v32;
	v42 =	vld [tilespmem:s15+$0x50];
	[tilespmem:s10+$0xD0] =	vst v2  }
0x788: {  	v2 =	vld [tilespmem:s15+$0xD0];
	[tilespmem:s10+$0x160] =	vst v24;
	v23 =	vmul.f32 v40, v23  }
0x789: {  	[tilespmem:s10+$0xFFFFFE00] =	vst v25;
	v24 =	vmul.f32 v43, v29;
	v29 =	vld [tilespmem:s15+$0x150]  }
0x78a: {  	v40 =	vld [tilespmem:s15+$0xFFFFFE50];
	v25 =	vmul.f32 v39, v26;
	[tilespmem:s9+$0x100] =	vst v23  }
0x78b: {  	[tilespmem:s10+$0xFFFFFEA0] =	vst v24;
	v1 =	vmul.f32 v41, v1;
	v39 =	vld [tilespmem:s16+$0x170]  }
0x78c: {  	v24 =	vld.idx.msk [tilespmem:v38+s2+$0x0], $0xffff;
	[tilespmem:s10+$0xFFFFFF30] =	vst v25;
	v23 =	vmul.f32 v42, v30  }
0x78d: {  	v25 =	vld.idx.msk [tilespmem:v37+s2+$0x0], $0xffff;
	[tilespmem:s10+$0xFFFFFFC0] =	vst v1;
	v1 =	vmul.f32 v2, v31  }
0x78e: {  	v26 =	vld.idx.msk [tilespmem:v35+s2+$0x0], $0xffff;
	[tilespmem:s10+$0x50] =	vst v23;
	v2 =	vmul.f32 v29, v27  }
0x78f: {  	v29 =	vmul.f32 v40, v32;
	v27 =	vld.idx.msk [tilespmem:v36+s2+$0x0], $0xffff;
	[tilespmem:s10+$0xE0] =	vst v1  }
0x790: {  	v23 =	vld.idx.msk [tilespmem:v34+s2+$0x0], $0xffff;
	[tilespmem:s10+$0x170] =	vst v2;
	v1 =	vmul.f32 v39, v22  }
0x791: {  	[tilespmem:s10+$0xFFFFFE10] =	vst v29;
	v22 =	vld.idx.msk [tilespmem:v33+s2+$0x0], $0xffff  }
0x792: {  	v28 =	vld.idx.msk [tilespmem:v28+s2+$0x0], $0xffff;
	[tilespmem:s9+$0x190] =	vst v1  }
0x793: {  	v1 =	vld [tilespmem:s15+$0xFFFFFEE0]  }
0x794: {  	v2 =	vld [tilespmem:s15+$0xFFFFFF60]  }
0x795: {  	v29 =	vld [tilespmem:s15+$0xFFFFFFE0]  }
0x796: {  	v30 =	vld [tilespmem:s15+$0x60]  }
0x797: {  	v31 =	vld [tilespmem:s15+$0xE0]  }
0x798: {  	v1 =	vmul.f32 v1, v24;
	v32 =	vld [tilespmem:s15+$0x160]  }
0x799: {  	v34 =	vld [tilespmem:s15+$0xFFFFFE60];
	v2 =	vmul.f32 v2, v25  }
.Ltmp3:
0x79a: {  	[tilespmem:s10+$0xFFFFFEB0] =	vst v1;
	v1 =	vmul.f32 v29, v26;
	v33 =	vld [tilespmem:s16+$0xFFFFFE70];
	s16 =	smov.u32 s15;
	(pc) =	sbr.rel @p0 .LBB2_8-.Ltmp3, $4  }
0x79b: {  	v29 =	vld [tilespmem:s15+$0xFFFFFEF0];
	[tilespmem:s10+$0xFFFFFF40] =	vst v2;
	v2 =	vmul.f32 v30, v27  }
0x79c: {  	v30 =	vld [tilespmem:s15+$0xFFFFFF70];
	[tilespmem:s10+$0xFFFFFFD0] =	vst v1;
	v1 =	vmul.f32 v31, v23  }
0x79d: {  	v31 =	vld [tilespmem:s15+$0xFFFFFFF0];
	[tilespmem:s10+$0x60] =	vst v2;
	v35 =	vmul.f32 v32, v22  }
0x79e: {  	s1 =	sshll.u32 s13, $0x4;
	s13 =	sadd.s32 $0x8, s13;
	s12 =	sadd.s32 $0x80, s12;
	v34 =	vmul.f32 v34, v28;
	v32 =	vld [tilespmem:s15+$0x70];
	[tilespmem:s10+$0xF0] =	vst v1  }
0x79f: {  	v1 =	vld [tilespmem:s12+$0x30]  }
0x7a0: {  	v2 =	vld [tilespmem:s12+$0xFFFFFFD0]  }
0x7a1: {  	s3 =	sadd.s32 $0x70, s1;
	v38 =	vld [tilespmem:s12+$0xFFFFFFE0]  }
0x7a2: {  	v44 =	vld [tilespmem:s12+$0xFFFFFFF0];
	v43 =	vmov s3  }
0x7a3: {  	s8 =	sadd.s32 $0x10, s1;
	v45 =	vld [tilespmem:s12+$0x0]  }
0x7a4: {  	s13 =	sadd.s32 $0x480, s10;
	s21 =	sadd.s32 $0x20, s1;
	v46 =	vld [tilespmem:s12+$0x10];
	v39 =	vmov s8  }
0x7a5: {  	s4 =	sadd.s32 $0x30, s1;
	v48 =	vld [tilespmem:s12+$0x20];
	v40 =	vmov s21;
	[tilespmem:s13+$0x230] =	vst v1  }
0x7a6: {  	s28 =	sadd.s32 $0x40, s1;
	v42 =	vmov s4;
	[tilespmem:s13+$0xFFFFFED0] =	vst v2;
	v2 =	vld [tilespmem:s12+$0xFFFFFFC0]  }
0x7a7: {  	s15 =	sadd.s32 $0x400, s15;
	v36 =	vmov s28;
	v1 =	vld.idx.msk [tilespmem:v43+s2+$0x0], $0xffff  }
0x7a8: {  	v47 =	vld [tilespmem:s15+$0x180]  }
0x7a9: {  	[tilespmem:s13+$0xFFFFFF60] =	vst v38;
	v49 =	vld.idx.msk [tilespmem:v39+s2+$0x0], $0xffff  }
0x7aa: {  	[tilespmem:s13+$0xFFFFFFF0] =	vst v44;
	v44 =	vld.idx.msk [tilespmem:v40+s2+$0x0], $0xffff  }
0x7ab: {  	[tilespmem:s13+$0x80] =	vst v45;
	v45 =	vld.idx.msk [tilespmem:v42+s2+$0x0], $0xffff  }
0x7ac: {  	[tilespmem:s13+$0x110] =	vst v46;
	v46 =	vld.idx.msk [tilespmem:v36+s2+$0x0], $0xffff  }
0x7ad: {  	v38 =	vmov s1;
	v53 =	vld [tilespmem:s15+$0xFFFFFE80]  }
0x7ae: {  	v54 =	vld [tilespmem:s15+$0xFFFFFF00];
	v47 =	vmul.f32 v47, v1  }
0x7af: {  	s8 =	sadd.s32 $0x50, s1;
	v61 =	vld [tilespmem:s15+$0xFFFFFF80]  }
0x7b0: {  	v37 =	vmov s8;
	v55 =	vld [tilespmem:s15+$0x0];
	[tilespmem:s13+$0x1B0] =	vst v47  }
0x7b1: {  	s12 =	sadd.s32 $0x60, s1;
	[tilespmem:s13+$0xFFFFFE40] =	vst v2;
	v47 =	vld [tilespmem:s15+$0x190]  }
0x7b2: {  	[tilespmem:s13+$0x1A0] =	vst v48;
	v41 =	vmov s12;
	v48 =	vld.idx.msk [tilespmem:v38+s2+$0x0], $0xffff  }
0x7b3: {  	v51 =	vld [tilespmem:s15+$0xFFFFFE00];
	v62 =	vmul.f32 v53, v49  }
0x7b4: {  	v52 =	vor.u32 $0x1, v43;
	v56 =	vld [tilespmem:s15+$0x80]  }
0x7b5: {  	v50 =	vld.idx.msk [tilespmem:v37+s2+$0x0], $0xffff;
	v54 =	vmul.f32 v54, v44;
	[tilespmem:s13+$0xFFFFFE50] =	vst v62  }
0x7b6: {  	v57 =	vld [tilespmem:s15+$0xFFFFFE90];
	v1 =	vmul.f32 v47, v1  }
0x7b7: {  	v2 =	vld.idx.msk [tilespmem:v41+s2+$0x0], $0xffff;
	[tilespmem:s13+$0xFFFFFEE0] =	vst v54  }
0x7b8: {  	v51 =	vmul.f32 v51, v48;
	v47 =	vmul.f32 v61, v45;
	v61 =	vld [tilespmem:s15+$0xFFFFFF10];
	[tilespmem:s13+$0x1C0] =	vst v1  }
0x7b9: {  	v62 =	vor.u32 $0x1, v39;
	v1 =	vld.idx.msk [tilespmem:v52+s2+$0x0], $0xffff  }
0x7ba: {  	[tilespmem:s13+$0xFFFFFDC0] =	vst v51;
	v63 =	vld [tilespmem:s15+$0x1A0]  }
0x7bb: {  	v58 =	vor.u32 $0x1, v40;
	v59 =	vld [tilespmem:s15+$0xFFFFFE10];
	v49 =	vmul.f32 v57, v49  }
0x7bc: {  	v60 =	vmul.f32 v55, v46;
	[tilespmem:s13+$0xFFFFFF70] =	vst v47;
	v52 =	vld [tilespmem:s15+$0x100]  }
0x7bd: {  	[tilespmem:s13+$0xFFFFFE60] =	vst v49;
	v47 =	vld [tilespmem:s15+$0xFFFFFF90];
	v44 =	vmul.f32 v61, v44  }
0x7be: {  	v56 =	vmul.f32 v56, v50;
	[tilespmem:s13+$0x0] =	vst v60;
	v49 =	vld.idx.msk [tilespmem:v62+s2+$0x0], $0xffff  }
0x7bf: {  	[tilespmem:s13+$0xFFFFFEF0] =	vst v44;
	v53 =	vmul.f32 v63, v1;
	v63 =	vld [tilespmem:s15+$0x10]  }
0x7c0: {  	[tilespmem:s13+$0x90] =	vst v56;
	v51 =	vld.idx.msk [tilespmem:v58+s2+$0x0], $0xffff  }
0x7c1: {  	v58 =	vld [tilespmem:s15+$0xFFFFFEA0];
	[tilespmem:s13+$0x1D0] =	vst v53;
	v53 =	vor.u32 $0x1, v42  }
0x7c2: {  	v55 =	vld [tilespmem:s15+$0x90];
	v57 =	vor.u32 $0x1, v36;
	v52 =	vmul.f32 v52, v2  }
0x7c3: {  	v45 =	vmul.f32 v47, v45;
	v56 =	vld [tilespmem:s15+$0x1B0]  }
0x7c4: {  	v48 =	vmul.f32 v59, v48;
	v59 =	vld [tilespmem:s15+$0xFFFFFF20];
	[tilespmem:s13+$0x120] =	vst v52;
	v61 =	vmul.f32 v63, v46  }
0x7c5: {  	[tilespmem:s13+$0xFFFFFF80] =	vst v45;
	v60 =	vld [tilespmem:s15+$0x110]  }
0x7c6: {  	v62 =	vor.u32 $0x2, v43;
	v45 =	vmul.f32 v58, v49;
	v53 =	vld.idx.msk [tilespmem:v53+s2+$0x0], $0xffff;
	[tilespmem:s13+$0x10] =	vst v61  }
0x7c7: {  	v50 =	vmul.f32 v55, v50;
	[tilespmem:s13+$0xFFFFFDD0] =	vst v48;
	v48 =	vld.idx.msk [tilespmem:v57+s2+$0x0], $0xffff  }
0x7c8: {  	[tilespmem:s13+$0xFFFFFE70] =	vst v45;
	v1 =	vmul.f32 v56, v1;
	v61 =	vld [tilespmem:s15+$0x20]  }
0x7c9: {  	[tilespmem:s13+$0xA0] =	vst v50;
	v63 =	vor.u32 $0x1, v37;
	v50 =	vld [tilespmem:s15+$0xFFFFFEB0]  }
0x7ca: {  	v56 =	vor.u32 $0x1, v41;
	[tilespmem:s13+$0x1E0] =	vst v1;
	v1 =	vmul.f32 v60, v2;
	v60 =	vld [tilespmem:s15+$0xFFFFFFA0]  }
0x7cb: {  	v2 =	vld.idx.msk [tilespmem:v62+s2+$0x0], $0xffff  }
0x7cc: {  	v52 =	vor.u32 $0x1, v38;
	v57 =	vld [tilespmem:s15+$0x1C0]  }
0x7cd: {  	v62 =	vld [tilespmem:s15+$0xA0]  }
0x7ce: {  	[tilespmem:s13+$0x130] =	vst v1;
	v1 =	vld.idx.msk [tilespmem:v63+s2+$0x0], $0xffff  }
0x7cf: {  	v44 =	vld.idx.msk [tilespmem:v56+s2+$0x0], $0xffff  }
0x7d0: {  	v47 =	vmul.f32 v59, v51;
	v63 =	vld [tilespmem:s15+$0x120]  }
0x7d1: {  	v52 =	vld.idx.msk [tilespmem:v52+s2+$0x0], $0xffff;
	v45 =	vor.u32 $0x2, v39;
	v58 =	vmul.f32 v60, v53  }
0x7d2: {  	[tilespmem:s13+$0xFFFFFF00] =	vst v47;
	v46 =	vmul.f32 v57, v2;
	v57 =	vld [tilespmem:s15+$0xFFFFFE20]  }
0x7d3: {  	v49 =	vmul.f32 v50, v49;
	v60 =	vld [tilespmem:s15+$0xFFFFFF30];
	[tilespmem:s13+$0xFFFFFF90] =	vst v58  }
0x7d4: {  	v59 =	vmul.f32 v61, v48;
	v61 =	vmul.f32 v62, v1;
	[tilespmem:s13+$0x1F0] =	vst v46;
	v62 =	vld [tilespmem:s15+$0xFFFFFFB0]  }
0x7d5: {  	[tilespmem:s13+$0xFFFFFE80] =	vst v49;
	v63 =	vmul.f32 v63, v44;
	v46 =	vld [tilespmem:s15+$0x1D0]  }
0x7d6: {  	v45 =	vld.idx.msk [tilespmem:v45+s2+$0x0], $0xffff;
	[tilespmem:s13+$0xB0] =	vst v61  }
0x7d7: {  	v56 =	vld [tilespmem:s15+$0xB0];
	[tilespmem:s13+$0x140] =	vst v63;
	v57 =	vmul.f32 v57, v52  }
0x7d8: {  	v43 =	vor.u32 $0x3, v43;
	[tilespmem:s13+$0x20] =	vst v59;
	v54 =	vld [tilespmem:s15+$0x130]  }
0x7d9: {  	[tilespmem:s13+$0xFFFFFDE0] =	vst v57;
	v61 =	vmul.f32 v62, v53;
	v57 =	vld [tilespmem:s15+$0xFFFFFEC0]  }
0x7da: {  	v51 =	vmul.f32 v60, v51;
	v60 =	vor.u32 $0x2, v37;
	v2 =	vmul.f32 v46, v2;
	v46 =	vld [tilespmem:s15+$0x30]  }
0x7db: {  	v62 =	vld [tilespmem:s15+$0xFFFFFE30];
	[tilespmem:s13+$0xFFFFFFA0] =	vst v61  }
0x7dc: {  	v1 =	vmul.f32 v56, v1;
	[tilespmem:s13+$0x200] =	vst v2;
	v59 =	vld [tilespmem:s15+$0xFFFFFFC0]  }
0x7dd: {  	v43 =	vld.idx.msk [tilespmem:v43+s2+$0x0], $0xffff  }
0x7de: {  	v2 =	vor.u32 $0x2, v40;
	v44 =	vmul.f32 v54, v44;
	v47 =	vld [tilespmem:s15+$0x1E0];
	[tilespmem:s13+$0xC0] =	vst v1  }
0x7df: {  	v58 =	vor.u32 $0x2, v42;
	[tilespmem:s13+$0xFFFFFF10] =	vst v51;
	v51 =	vld.idx.msk [tilespmem:v60+s2+$0x0], $0xffff  }
0x7e0: {  	[tilespmem:s13+$0x150] =	vst v44;
	v61 =	vld [tilespmem:s15+$0xC0]  }
0x7e1: {  	v56 =	vmul.f32 v62, v52;
	v62 =	vld [tilespmem:s15+$0x140]  }
0x7e2: {  	v50 =	vor.u32 $0x2, v36;
	v46 =	vmul.f32 v46, v48;
	v52 =	vld [tilespmem:s16+$0xF0]  }
0x7e3: {  	v49 =	vmul.f32 v57, v45;
	v2 =	vld.idx.msk [tilespmem:v2+s2+$0x0], $0xffff  }
0x7e4: {  	v55 =	vor.u32 $0x2, v38;
	[tilespmem:s13+$0x30] =	vst v46;
	v46 =	vld.idx.msk [tilespmem:v58+s2+$0x0], $0xffff  }
0x7e5: {  	v63 =	vor.u32 $0x2, v41;
	[tilespmem:s13+$0xFFFFFE90] =	vst v49;
	v58 =	vld [tilespmem:s15+$0xFFFFFF40]  }
0x7e6: {  	[tilespmem:s13+$0xFFFFFDF0] =	vst v56;
	v56 =	vld [tilespmem:s15+$0xFFFFFED0]  }
0x7e7: {  	v1 =	vld.idx.msk [tilespmem:v50+s2+$0x0], $0xffff  }
0x7e8: {  	v47 =	vmul.f32 v47, v43;
	v60 =	vld [tilespmem:s15+$0x40]  }
0x7e9: {  	[tilespmem:s10+$0x180] =	vst v35;
	v48 =	vld.idx.msk [tilespmem:v55+s2+$0x0], $0xffff  }
0x7ea: {  	v39 =	vor.u32 $0x3, v39;
	[tilespmem:s13+$0x210] =	vst v47;
	v47 =	vld.idx.msk [tilespmem:v63+s2+$0x0], $0xffff;
	v50 =	vmul.f32 v58, v2  }
0x7eb: {  	[tilespmem:s10+$0xFFFFFE20] =	vst v34;
	v35 =	vld [tilespmem:s15+$0xFFFFFE40];
	v63 =	vmul.f32 v59, v46  }
0x7ec: {  	v44 =	vld [tilespmem:s15+$0x1F0];
	v57 =	vmul.f32 v56, v45;
	[tilespmem:s13+$0xFFFFFF20] =	vst v50  }
0x7ed: {  	v59 =	vmul.f32 v60, v1;
	[tilespmem:s13+$0xFFFFFFB0] =	vst v63;
	v53 =	vld [tilespmem:s15+$0xFFFFFF50]  }
0x7ee: {  	v60 =	vmul.f32 v61, v51;
	[tilespmem:s13+$0xFFFFFEA0] =	vst v57;
	v61 =	vld [tilespmem:s15+$0xFFFFFFD0]  }
0x7ef: {  	[tilespmem:s13+$0x40] =	vst v59;
	v62 =	vmul.f32 v62, v47;
	v39 =	vld.idx.msk [tilespmem:v39+s2+$0x0], $0xffff  }
0x7f0: {  	v40 =	vor.u32 $0x3, v40;
	v35 =	vmul.f32 v35, v48;
	[tilespmem:s13+$0xD0] =	vst v60;
	v63 =	vld [tilespmem:s15+$0x50]  }
0x7f1: {  	v21 =	vmul.f32 v33, v21;
	v42 =	vor.u32 $0x3, v42;
	v49 =	vld [tilespmem:s15+$0xD0];
	[tilespmem:s13+$0x160] =	vst v62  }
0x7f2: {  	[tilespmem:s13+$0xFFFFFE00] =	vst v35;
	v58 =	vld [tilespmem:s15+$0x150];
	v2 =	vmul.f32 v53, v2  }
0x7f3: {  	[tilespmem:s9+$0xFFFFFE30] =	vst v21;
	v60 =	vld [tilespmem:s15+$0xFFFFFE50];
	v61 =	vmul.f32 v61, v46  }
0x7f4: {  	v21 =	vmul.f32 v30, v25;
	v59 =	vor.u32 $0x3, v36;
	v62 =	vld [tilespmem:s16+$0x170];
	[tilespmem:s13+$0xFFFFFF30] =	vst v2  }
0x7f5: {  	v37 =	vor.u32 $0x3, v37;
	v1 =	vmul.f32 v63, v1;
	v2 =	vor.u32 $0x3, v38;
	[tilespmem:s13+$0xFFFFFFC0] =	vst v61;
	v38 =	vld.idx.msk [tilespmem:v40+s2+$0x0], $0xffff  }
0x7f6: {  	[tilespmem:s10+$0xFFFFFF50] =	vst v21;
	v63 =	vmul.f32 v49, v51;
	v40 =	vld.idx.msk [tilespmem:v42+s2+$0x0], $0xffff  }
0x7f7: {  	[tilespmem:s13+$0x50] =	vst v1;
	v1 =	vmul.f32 v58, v47;
	v21 =	vld [tilespmem:s15+$0xFFFFFF60]  }
0x7f8: {  	[tilespmem:s13+$0xE0] =	vst v63;
	v55 =	vld [tilespmem:s15+$0xFFFFFFE0]  }
0x7f9: {  	v34 =	vld.idx.msk [tilespmem:v59+s2+$0x0], $0xffff;
	[tilespmem:s13+$0x170] =	vst v1;
	v1 =	vmul.f32 v29, v24  }
0x7fa: {  	v41 =	vor.u32 $0x3, v41;
	v23 =	vmul.f32 v52, v23;
	v49 =	vld.idx.msk [tilespmem:v37+s2+$0x0], $0xffff  }
0x7fb: {  	v36 =	vmul.f32 v60, v48;
	[tilespmem:s10+$0xFFFFFEC0] =	vst v1;
	v1 =	vld [tilespmem:s15+$0xFFFFFEE0]  }
0x7fc: {  	[tilespmem:s10+$0x100] =	vst v23;
	v22 =	vmul.f32 v62, v22;
	v56 =	vld [tilespmem:s15+$0x60]  }
0x7fd: {  	v54 =	vmul.f32 v44, v43;
	[tilespmem:s13+$0xFFFFFE10] =	vst v36;
	v57 =	vld [tilespmem:s15+$0xE0]  }
0x7fe: {  	v53 =	vmul.f32 v32, v27;
	[tilespmem:s10+$0x190] =	vst v22;
	v22 =	vld [tilespmem:s15+$0xFFFFFE60]  }
0x7ff: {  	[tilespmem:s13+$0x220] =	vst v54;
	v51 =	vmul.f32 v31, v26;
	v50 =	vld.idx.msk [tilespmem:v41+s2+$0x0], $0xffff  }
0x800: {  	[tilespmem:s10+$0x70] =	vst v53;
	v23 =	vld [tilespmem:s15+$0x160];
	v1 =	vmul.f32 v1, v39  }
0x801: {  	[tilespmem:s10+$0xFFFFFFE0] =	vst v51;
	v2 =	vld.idx.msk [tilespmem:v2+s2+$0x0], $0xffff;
	v21 =	vmul.f32 v21, v38  }
0x802: {  	v58 =	vld [tilespmem:s16+$0xFFFFFE70];
	[tilespmem:s13+$0xFFFFFEB0] =	vst v1;
	v1 =	vmul.f32 v55, v40  }
0x803: {  	[tilespmem:s13+$0xFFFFFF40] =	vst v21;
	v21 =	vmul.f32 v56, v34;
	v59 =	vld [tilespmem:s15+$0xFFFFFEF0]  }
0x804: {  	v60 =	vld [tilespmem:s15+$0xFFFFFF70];
	[tilespmem:s13+$0xFFFFFFD0] =	vst v1;
	v1 =	vmul.f32 v57, v49  }
0x805: {  	[tilespmem:s13+$0x60] =	vst v21;
	v21 =	vmul.f32 v23, v50;
	v61 =	vld [tilespmem:s15+$0xFFFFFFF0]  }
0x806: {  	v22 =	vmul.f32 v22, v2;
	v23 =	vld [tilespmem:s15+$0x70];
	[tilespmem:s13+$0xF0] =	vst v1  }
0x807: {  	[tilespmem:s13+$0x180] =	vst v21;
	v1 =	vmul.f32 v58, v28;
	v21 =	vld [tilespmem:s15+$0xF0]  }
0x808: {  	[tilespmem:s13+$0xFFFFFE20] =	vst v22;
	v62 =	vld [tilespmem:s15+$0x170];
	v22 =	vmul.f32 v59, v39  }
0x809: {  	v63 =	vld [tilespmem:s15+$0xFFFFFE70];
	[tilespmem:s10+$0xFFFFFE30] =	vst v1;
	v1 =	vmul.f32 v60, v38  }
0x80a: {  	v25 =	vmul.f32 v61, v40;
	[tilespmem:s13+$0xFFFFFEC0] =	vst v22  }
0x80b: {  	v22 =	vmul.f32 v23, v34;
	[tilespmem:s13+$0xFFFFFF50] =	vst v1  }
0x80c: {  	[tilespmem:s13+$0xFFFFFFE0] =	vst v25;
	v1 =	vmul.f32 v21, v49  }
0x80d: {  	[tilespmem:s13+$0x70] =	vst v22;
	v21 =	vmul.f32 v62, v50  }
0x80e: {  	[tilespmem:s13+$0x100] =	vst v1;
	v1 =	vmul.f32 v63, v2  }
0x80f: {  	[tilespmem:s13+$0x190] =	vst v21  }
0x810: {  	s16 =	simm.s32 $0x1CDC0;
	s15 =	rddreg [dreg:$0x2];
	[tilespmem:s13+$0xFFFFFE30] =	vst v1  }
0x811: {  	[spmem:s15] =	stream.indirect.scatter.add.f32 [tilespmem:s16], [sflag:$0x7], $0x90, s19, s20, $0xb8;
	[tilespmem:$0x1FAC0] =	vst v63  }
0x812: {  	_ =	swait.ge [sflag:s17], $0x2D00  }
0x813: {  	[sflag:s17] =	ssyncset.done $0x0  }
0x814: {  	[sflag:s17] =	ssyncadd.s32 $0xFFFFD300  }
0x815: {  	[bflag:$0x0] =	sbarrier.arrive $0xFFFF  }
0x816: {  	s3 =	rddreg [dreg:$0x5]  }
0x817: {  	s21 =	rddreg [dreg:$0xa]  }
0x818: {  	s4 =	rddreg [dreg:$0xc]  }
0x819: {  	[hbm:s21], [sflag:s3] =	dma.local [spmem:s4], $0x2C70  }
0x81a: {  	_ =	swait.ge [sflag:s17], $0x2C70  }
0x81b: {  	s8 =	rddreg [dreg:$0xd]  }
0x81c: {  	s28 =	rddreg [dreg:$0xb];
	s8 =	sadd.s32 $0x1, s8  }
0x81d: {  	p0 =	sne.s32 s8, s28  }
.Ltmp4:
0x81e: {  	_ = 	snop;
	(pc) =	sbr.rel @p0 .LBB2_1-.Ltmp4, $3  }
0x81f: {  	_ =	sdelay $0x1  }
0x820: {  	[sflag:s17] =	ssyncset.done $0x0  }
0x821: {  	[sflag:s17] =	ssyncadd.s32 $0xFFFFD390  }
0x822: {  	_ =	sfence.sel $0x180000  }
0x823: {  	[bflag:$0x0] =	sbarrier.arrive $0xFFFF  }
0x824: {  	_ =	strace $0x90000047  }
0x825: {  	s0 =	stileid.u32;
	[bflag:$0x2] =	sbarrier.arrive $0xFFFF  }
0x826: {  	p0 =	sne.s32 s0, $0x0;
	s0 =	rddreg [dreg:$0x3]  }
0x827: {  	s0 =	sadd.s32 @!p0 $0x100000, s0  }
0x828: {  	[sflag:s0] =	ssyncadd.tile.s32 @!p0 $0x1;
	_ =	shalt  }
.Lfunc_end2:
_tile_overlayer_lowered:
.L_overlay_start_2:
0x829: {  	(tag) =	ssettag $0x2  }
0x82a: {  	s0 =	rddreg [dreg:$0x0];
	s2 =	stileid.u32  }
0x82b: {  	s1 =	rddreg [dreg:$0x1];
	p0 =	sne.s32 s2, $0x0  }
0x82c: {  	s3 =	rddreg [dreg:$0x2];
	[bflag:$0x3] =	sbarrier.arrive $0xFFFF;
	s2 =	simm.s32 @!p0 $0x1C07  }
0x82d: {  	[timem:s3], [sflag:s2] =	dma.local @!p0 [hbm:s0], s1  }
0x82e: {  	s0 =	simm.s32 @!p0 $0x7  }
0x82f: {  	_ =	swait.ge @!p0 [sflag:s0], s1  }
0x830: {  	s1 =	ssub.s32 @!p0 $0x0, s1;
	[sflag:s0] =	ssyncset.done @!p0 $0x0  }
0x831: {  	[sflag:s0] =	ssyncadd.s32 @!p0 s1  }
0x832: {  	[bflag:$0x3] =	sbarrier.arrive $0xFFFF  }
0x833: {  	_ =	shalt  }

</sc_bundles>
